<compile_context>
chip_gen: v7x
topology: tpu7x:2x2x1
jax: 0.10.2.dev20260603
libtpu: 0.0.44.dev20260713+nightly
codegen_flags: <defaults>
</compile_context>

<pallas_src>
import jax
import jax.numpy as jnp
from jax import lax
from jax.experimental import pallas as pl
from jax.experimental.pallas import tpu as pltpu
from jax.experimental.pallas import tpu_sc as plsc

N = 32768
F = 256
B = 16
EPS = 1e-5

NW = 32
RPW = N // NW
C = 128
NCHUNK = RPW // C
NV = F // 16
SEGPAD = 48


def _segmax_sc_body(pf_hbm, ids_hbm, seg_hbm, out_hbm,
                    ids_v, seg_v, rows_v, acc_v, sem0, sem1):
    wid = lax.axis_index("s") * 2 + lax.axis_index("c")
    base = wid * RPW

    sems = (sem0, sem1)

    def copy(c, buf):
        return pltpu.make_async_copy(
            pf_hbm.at[pl.ds(base + c * C, C)], rows_v.at[buf], sems[buf])

    copy(0, 0).start()
    copy(1, 1).start()

    pltpu.sync_copy(ids_hbm.at[pl.ds(base, RPW)], ids_v)
    pltpu.sync_copy(seg_hbm, seg_v)

    neg = jnp.full((16,), -jnp.inf, dtype=jnp.float32)

    def init_row(b, _):
        for f in range(NV):
            acc_v[b, pl.ds(f * 16, 16)] = neg
        return 0

    lax.fori_loop(0, B, init_row, 0)

    def process(c, buf):
        r0 = c * C
        gbase = base + r0
        s0 = ids_v[pl.ds(r0, 16)][0]
        s1 = ids_v[pl.ds(r0 + C - 16, 16)][15]

        @pl.when(s0 == s1)
        def _fast():
            def rbody(i, regs):
                r = 2 * i
                return tuple(
                    jnp.maximum(regs[f],
                                jnp.maximum(rows_v[buf, r, pl.ds(f * 16, 16)],
                                            rows_v[buf, r + 1, pl.ds(f * 16, 16)]))
                    for f in range(NV))

            init = tuple(jnp.maximum(rows_v[buf, 0, pl.ds(f * 16, 16)],
                                     rows_v[buf, 1, pl.ds(f * 16, 16)])
                         for f in range(NV))
            regs = plsc.parallel_loop(1, C // 2, unroll=8, carry=init)(rbody)
            for f in range(NV):
                sl = pl.ds(f * 16, 16)
                acc_v[s0, sl] = jnp.maximum(acc_v[s0, sl], regs[f])

        @pl.when(s0 != s1)
        def _slow():
            def seg_fn(b, _):
                s_lo = seg_v[pl.ds(b, 16)][0]
                s_hi = seg_v[pl.ds(b + 1, 16)][0]
                lo = jnp.maximum(s_lo, gbase) - gbase
                hi = jnp.minimum(s_hi, gbase + C) - gbase

                @pl.when(hi > lo)
                def _run():
                    def rbody(r, regs):
                        return tuple(
                            jnp.maximum(regs[f],
                                        rows_v[buf, r, pl.ds(f * 16, 16)])
                            for f in range(NV))

                    init = tuple(rows_v[buf, lo, pl.ds(f * 16, 16)]
                                 for f in range(NV))
                    regs = lax.fori_loop(lo + 1, hi, rbody, init)
                    for f in range(NV):
                        sl = pl.ds(f * 16, 16)
                        acc_v[b, sl] = jnp.maximum(acc_v[b, sl], regs[f])

                return 0

            lax.fori_loop(s0, s1 + 1, seg_fn, 0)

    def pair_body(i, _):
        c = 2 * i
        copy(c, 0).wait()
        process(c, 0)

        @pl.when(c + 2 < NCHUNK)
        def _prefetch0():
            copy(c + 2, 0).start()

        copy(c + 1, 1).wait()
        process(c + 1, 1)

        @pl.when(c + 3 < NCHUNK)
        def _prefetch1():
            copy(c + 3, 1).start()

        return 0

    lax.fori_loop(0, NCHUNK // 2, pair_body, 0)

    pltpu.sync_copy(acc_v, out_hbm.at[wid])


@jax.jit
def _segmax_sc(point_feature, ids, seg_starts):
    mesh = plsc.VectorSubcoreMesh(core_axis_name="c", subcore_axis_name="s")
    return pl.kernel(
        _segmax_sc_body,
        out_type=jax.ShapeDtypeStruct((NW, B, F), jnp.float32),
        mesh=mesh,
        scratch_types=[
            pltpu.VMEM((RPW,), jnp.int32),
            pltpu.VMEM((SEGPAD,), jnp.int32),
            pltpu.VMEM((2, C, F), jnp.float32),
            pltpu.VMEM((B, F), jnp.float32),
            pltpu.SemaphoreType.DMA,
            pltpu.SemaphoreType.DMA,
        ],
    )(point_feature, ids, seg_starts)


def _mlp_body(part_ref, W1_ref, b1_ref, Ws1_ref, bs1_ref, g1_ref, beta1_ref,
              W2_ref, b2_ref, Ws2_ref, bs2_ref, g2_ref, beta2_ref,
              W3_ref, b3_ref, out_ref):
    maxx = jnp.max(part_ref[...], axis=0)

    def matT(x, w_ref):
        return lax.dot_general(x, w_ref[...], (((1,), (1,)), ((), ())),
                               preferred_element_type=jnp.float32)

    def bn(x, g, b):
        mu = jnp.mean(x, axis=0, keepdims=True)
        var = jnp.mean((x - mu) * (x - mu), axis=0, keepdims=True)
        return (x - mu) * lax.rsqrt(var + EPS) * g + b

    shortcut1 = matT(maxx, Ws1_ref) + bs1_ref[...]
    fc1 = jnp.maximum(matT(maxx, W1_ref) + b1_ref[...], 0.0)
    residual = bn(fc1, g1_ref[...], beta1_ref[...]) + shortcut1

    shortcut2 = matT(residual, Ws2_ref) + bs2_ref[...]
    x = bn(jnp.maximum(matT(residual, W2_ref) + b2_ref[...], 0.0),
           g2_ref[...], beta2_ref[...])
    x = x + shortcut2
    out_ref[...] = matT(x, W3_ref) + b3_ref[...]


@jax.jit
def _mlp_tc(partials, W1, b1, Ws1, bs1, g1, beta1,
            W2, b2, Ws2, bs2, g2, beta2, W3, b3):
    args = (partials, W1, b1[None, :], Ws1, bs1[None, :], g1[None, :],
            beta1[None, :], W2, b2[None, :], Ws2, bs2[None, :], g2[None, :],
            beta2[None, :], W3, b3[None, :])
    return pl.pallas_call(
        _mlp_body,
        out_shape=jax.ShapeDtypeStruct((B, 3), jnp.float32),
    )(*args)


def kernel(point_feature, voxel_feature, coords,
           W1, b1, Ws1, bs1, g1, beta1,
           W2, b2, Ws2, bs2, g2, beta2,
           W3, b3):
    ids = coords[:, 0].astype(jnp.int32)
    counts = jnp.sum(
        (ids[:, None] == jnp.arange(B, dtype=jnp.int32)[None, :])
        .astype(jnp.int32), axis=0)
    seg_starts = jnp.concatenate(
        [jnp.zeros((1,), jnp.int32),
         jnp.cumsum(counts).astype(jnp.int32),
         jnp.full((SEGPAD - B - 1,), N, dtype=jnp.int32)])
    partials = _segmax_sc(point_feature, ids, seg_starts)
    return _mlp_tc(partials, W1, b1, Ws1, bs1, g1, beta1,
                   W2, b2, Ws2, bs2, g2, beta2, W3, b3)

# --- scband reference (transcript-rebuilt; emitter-appended) ---
"""Pipeline reference for scband-cylinder-asym-clf-v18-47047071760404 (READ-ONLY COPY).

The authoritative reference and input builder live on the scoring server;
editing this copy changes nothing except your own understanding.
"""

import jax, jax.numpy as jnp
import numpy as np

N = 32768
B = 16
EPS = 1e-5

def setup_inputs(seed: int = 0) -> dict:
    key = jax.random.key(seed)
    ks = jax.random.split(key, 20)
    point_feature = jax.random.normal(ks[0], (N, 256), dtype=jnp.float32)
    voxel_feature = jax.random.normal(ks[1], (N, 16), dtype=jnp.float32)
    # sorted batch ids in column 0; guarantee every id 0..B-1 appears
    ids = jnp.concatenate([jnp.arange(B, dtype=jnp.int64),
                           jax.random.randint(ks[2], (N - B,), 0, B).astype(jnp.int64)])
    coords = jnp.sort(ids)[:, None]
    s = 0.05
    params = {
        'W1': jax.random.normal(ks[3], (128, 256), dtype=jnp.float32) * s,
        'b1': jnp.zeros((128,), dtype=jnp.float32),
        'Ws1': jax.random.normal(ks[4], (128, 256), dtype=jnp.float32) * s,
        'bs1': jnp.zeros((128,), dtype=jnp.float32),
        'g1': jnp.ones((128,), dtype=jnp.float32),
        'beta1': jnp.zeros((128,), dtype=jnp.float32),
        'W2': jax.random.normal(ks[5], (64, 128), dtype=jnp.float32) * s,
        'b2': jnp.zeros((64,), dtype=jnp.float32),
        'Ws2': jax.random.normal(ks[6], (64, 128), dtype=jnp.float32) * s,
        'bs2': jnp.zeros((64,), dtype=jnp.float32),
        'g2': jnp.ones((64,), dtype=jnp.float32),
        'beta2': jnp.zeros((64,), dtype=jnp.float32),
        'W3': jax.random.normal(ks[7], (3, 64), dtype=jnp.float32) * s,
        'b3': jnp.zeros((3,), dtype=jnp.float32),
    }
    out = {'point_feature': point_feature, 'voxel_feature': voxel_feature, 'coords': coords}
    out.update(params)
    return out

def _bn(x, g, b):
    mu = jnp.mean(x, axis=0, keepdims=True)
    var = jnp.var(x, axis=0, keepdims=True)  # biased, matches torch BN train mode
    return (x - mu) / jnp.sqrt(var + EPS) * g + b

def reference(point_feature, voxel_feature, coords,
              W1, b1, Ws1, bs1, g1, beta1,
              W2, b2, Ws2, bs2, g2, beta2,
              W3, b3):
    seg = coords[:, 0]
    # per-batch max pooling over points (the python loop in the original)
    max_x = jax.ops.segment_max(point_feature, seg, num_segments=B)
    shortcut1 = max_x @ Ws1.T + bs1
    fc1 = jax.nn.relu(max_x @ W1.T + b1)
    bn1 = _bn(fc1, g1, beta1)
    residual = bn1 + shortcut1
    shortcut2 = residual @ Ws2.T + bs2
    x = _bn(jax.nn.relu(residual @ W2.T + b2), g2, beta2)
    x = x + shortcut2
    x = x @ W3.T + b3
    return x

if __name__ == "__main__":
    import jax
    _d = setup_inputs()
    print(jax.jit(kernel)(*tuple(_d.values())))

</pallas_src>

<mosaic_0001>
#map = affine_map<(d0, d1) -> (0, 0)>
#map1 = affine_map<(d0, d1) -> (0)>
#map2 = affine_map<(d0, d1) -> (0, 0, 0)>
module attributes {stable_mosaic.version = 14 : i64} {
  func.func @_segmax_sc_body(%arg0: i32, %arg1: i32, %arg2: memref<32768x256xf32, #tpu.memory_space<hbm>>, %arg3: memref<32768xi32, #tpu.memory_space<hbm>>, %arg4: memref<48xi32, #tpu.memory_space<hbm>>, %arg5: memref<32x16x256xf32, #tpu.memory_space<hbm>>, %arg6: memref<1024xi32, #tpu.memory_space<vmem>>, %arg7: memref<48xi32, #tpu.memory_space<vmem>>, %arg8: memref<2x128x256xf32, #tpu.memory_space<vmem>>, %arg9: memref<16x256xf32, #tpu.memory_space<vmem>>, %arg10: memref<!tpu.dma_semaphore, #tpu.memory_space<semaphore_mem>>, %arg11: memref<!tpu.dma_semaphore, #tpu.memory_space<semaphore_mem>>) attributes {dimension_semantics = [#tpu.dimension_semantics<core_parallel>, #tpu.dimension_semantics<subcore_parallel>], iteration_bounds = array<i64: 2, 16>, scalar_prefetch = 0 : i64, scratch_operands = 6 : i64, tpu.core_type = #tpu.core_type<sc_vector_subcore>, window_params = [{transform_indices = #map}, {transform_indices = #map1}, {transform_indices = #map1}, {transform_indices = #map2}]} {
    %mul3A = arith.constant 2 : i32
    %mul3A_0 = arith.muli %arg1, %mul3A : i32
    %add3A = arith.addi %mul3A_0, %arg0 : i32
    %mul3A_1 = arith.constant 1024 : i32
    %mul3A_2 = arith.muli %add3A, %mul3A_1 : i32
    %add3A_3 = arith.constant 0 : i32
    %add3A_4 = arith.addi %mul3A_2, %add3A_3 : i32
    %dma_start3A = arith.constant 0 : i32
    %dma_start3A_5 = arith.constant 0 : i32
    %dma_start3A_6 = arith.constant 0 : i32
    %dma_start3A_7 = tpu.memref_slice %arg8[%dma_start3A, %dma_start3A_5, %dma_start3A_6] : memref<2x128x256xf32, #tpu.memory_space<vmem>> -> memref<1x128x256xf32, #tpu.memory_space<vmem>>
    %dma_start3A_8 = tpu.memref_squeeze %dma_start3A_7 : memref<1x128x256xf32, #tpu.memory_space<vmem>> -> memref<128x256xf32, #tpu.memory_space<vmem>>
    %dma_start3A_9 = arith.constant 0 : i32
    %dma_start3A_10 = tpu.memref_slice %arg2[%add3A_4, %dma_start3A_9] : memref<32768x256xf32, #tpu.memory_space<hbm>> -> memref<128x256xf32, #tpu.memory_space<hbm>>
    %dma_start3A_11 = arith.constant 0 : i32
    %dma_start3A_12 = arith.constant 0 : i32
    %dma_start3A_13 = tpu.memref_slice %arg8[%dma_start3A, %dma_start3A_11, %dma_start3A_12] : memref<2x128x256xf32, #tpu.memory_space<vmem>> -> memref<1x128x256xf32, #tpu.memory_space<vmem>>
    %dma_start3A_14 = tpu.memref_squeeze %dma_start3A_13 : memref<1x128x256xf32, #tpu.memory_space<vmem>> -> memref<128x256xf32, #tpu.memory_space<vmem>>
    %dma_start3A_15 = arith.constant 0 : i32
    %dma_start3A_16 = tpu.memref_slice %arg2[%add3A_4, %dma_start3A_15] : memref<32768x256xf32, #tpu.memory_space<hbm>> -> memref<128x256xf32, #tpu.memory_space<hbm>>
    tpu.enqueue_dma source(%dma_start3A_16 : memref<128x256xf32, #tpu.memory_space<hbm>>) target(%dma_start3A_14 : memref<128x256xf32, #tpu.memory_space<vmem>>) target_semaphore(%arg10 : memref<!tpu.dma_semaphore, #tpu.memory_space<semaphore_mem>>)
    %add3A_17 = arith.constant 128 : i32
    %add3A_18 = arith.addi %mul3A_2, %add3A_17 : i32
    %dma_start3A_19 = arith.constant 1 : i32
    %dma_start3A_20 = arith.constant 0 : i32
    %dma_start3A_21 = arith.constant 0 : i32
    %dma_start3A_22 = tpu.memref_slice %arg8[%dma_start3A_19, %dma_start3A_20, %dma_start3A_21] : memref<2x128x256xf32, #tpu.memory_space<vmem>> -> memref<1x128x256xf32, #tpu.memory_space<vmem>>
    %dma_start3A_23 = tpu.memref_squeeze %dma_start3A_22 : memref<1x128x256xf32, #tpu.memory_space<vmem>> -> memref<128x256xf32, #tpu.memory_space<vmem>>
    %dma_start3A_24 = arith.constant 0 : i32
    %dma_start3A_25 = tpu.memref_slice %arg2[%add3A_18, %dma_start3A_24] : memref<32768x256xf32, #tpu.memory_space<hbm>> -> memref<128x256xf32, #tpu.memory_space<hbm>>
    %dma_start3A_26 = arith.constant 0 : i32
    %dma_start3A_27 = arith.constant 0 : i32
    %dma_start3A_28 = tpu.memref_slice %arg8[%dma_start3A_19, %dma_start3A_26, %dma_start3A_27] : memref<2x128x256xf32, #tpu.memory_space<vmem>> -> memref<1x128x256xf32, #tpu.memory_space<vmem>>
    %dma_start3A_29 = tpu.memref_squeeze %dma_start3A_28 : memref<1x128x256xf32, #tpu.memory_space<vmem>> -> memref<128x256xf32, #tpu.memory_space<vmem>>
    %dma_start3A_30 = arith.constant 0 : i32
    %dma_start3A_31 = tpu.memref_slice %arg2[%add3A_18, %dma_start3A_30] : memref<32768x256xf32, #tpu.memory_space<hbm>> -> memref<128x256xf32, #tpu.memory_space<hbm>>
    tpu.enqueue_dma source(%dma_start3A_31 : memref<128x256xf32, #tpu.memory_space<hbm>>) target(%dma_start3A_29 : memref<128x256xf32, #tpu.memory_space<vmem>>) target_semaphore(%arg11 : memref<!tpu.dma_semaphore, #tpu.memory_space<semaphore_mem>>)
    "tpu.region"() ({
      %run_scoped3A = tpu.sem_alloc : memref<!tpu.dma_semaphore, #tpu.memory_space<semaphore_mem>>
      %dma_start3A_46 = tpu.memref_slice %arg3[%mul3A_2] : memref<32768xi32, #tpu.memory_space<hbm>> -> memref<1024xi32, #tpu.memory_space<hbm>>
      %dma_start3A_47 = tpu.memref_slice %arg3[%mul3A_2] : memref<32768xi32, #tpu.memory_space<hbm>> -> memref<1024xi32, #tpu.memory_space<hbm>>
      tpu.enqueue_dma source(%dma_start3A_47 : memref<1024xi32, #tpu.memory_space<hbm>>) target(%arg6 : memref<1024xi32, #tpu.memory_space<vmem>>) target_semaphore(%run_scoped3A : memref<!tpu.dma_semaphore, #tpu.memory_space<semaphore_mem>>)
      %dma_wait3A = tpu.memref_slice %arg3[%mul3A_2] : memref<32768xi32, #tpu.memory_space<hbm>> -> memref<1024xi32, #tpu.memory_space<hbm>>
      %dma_wait3A_48 = tpu.memref_slice %arg3[%mul3A_2] : memref<32768xi32, #tpu.memory_space<hbm>> -> memref<1024xi32, #tpu.memory_space<hbm>>
      tpu.wait_dma2 semaphore(%run_scoped3A : memref<!tpu.dma_semaphore, #tpu.memory_space<semaphore_mem>>) src(%dma_wait3A_48 : memref<1024xi32, #tpu.memory_space<hbm>>) dst(%arg6 : memref<1024xi32, #tpu.memory_space<vmem>>)
      tpu.yield
    }) : () -> ()
    "tpu.region"() ({
      %run_scoped3A = tpu.sem_alloc : memref<!tpu.dma_semaphore, #tpu.memory_space<semaphore_mem>>
      tpu.enqueue_dma source(%arg4 : memref<48xi32, #tpu.memory_space<hbm>>) target(%arg7 : memref<48xi32, #tpu.memory_space<vmem>>) target_semaphore(%run_scoped3A : memref<!tpu.dma_semaphore, #tpu.memory_space<semaphore_mem>>)
      tpu.wait_dma2 semaphore(%run_scoped3A : memref<!tpu.dma_semaphore, #tpu.memory_space<semaphore_mem>>) src(%arg4 : memref<48xi32, #tpu.memory_space<hbm>>) dst(%arg7 : memref<48xi32, #tpu.memory_space<vmem>>)
      tpu.yield
    }) : () -> ()
    %broadcast_in_dim3A = arith.constant 0xFF800000 : f32
    %broadcast_in_dim3A_32 = vector.broadcast %broadcast_in_dim3A : f32 to vector<16xf32>
    %scan3A = arith.constant 0 : i32
    %scan3A_33 = arith.constant 0 : i32
    %scan3A_34 = arith.constant 16 : i32
    %scan3A_35 = arith.addi %scan3A_33, %scan3A_34 : i32
    %scan3A_36 = arith.constant 1 : i32
    %scan3A_37 = scf.for %scan3A_46 = %scan3A_33 to %scan3A_35 step %scan3A_36 iter_args(%scan3A_47 = %scan3A) -> (i32)  : i32 {
      %swap3A = arith.index_cast %scan3A_46 : i32 to index
      %swap3A_48 = arith.constant 0 : index
      %swap3A_49 = tpu.vector_load %arg9[%swap3A, %swap3A_48] {strides = array<i32>} : memref<16x256xf32, #tpu.memory_space<vmem>>, vector<1x16xf32>,
      %swap3A_50 = vector.shape_cast %swap3A_49 : vector<1x16xf32> to vector<16xf32>
      %swap3A_51 = vector.shape_cast %broadcast_in_dim3A_32 : vector<16xf32> to vector<1x16xf32>
      tpu.vector_store %arg9[%swap3A, %swap3A_48], %swap3A_51 {strides = array<i32>} : memref<16x256xf32, #tpu.memory_space<vmem>>, vector<1x16xf32>,
      %swap3A_52 = arith.index_cast %scan3A_46 : i32 to index
      %swap3A_53 = arith.constant 16 : index
      %swap3A_54 = tpu.vector_load %arg9[%swap3A_52, %swap3A_53] {strides = array<i32>} : memref<16x256xf32, #tpu.memory_space<vmem>>, vector<1x16xf32>,
      %swap3A_55 = vector.shape_cast %swap3A_54 : vector<1x16xf32> to vector<16xf32>
      %swap3A_56 = vector.shape_cast %broadcast_in_dim3A_32 : vector<16xf32> to vector<1x16xf32>
      tpu.vector_store %arg9[%swap3A_52, %swap3A_53], %swap3A_56 {strides = array<i32>} : memref<16x256xf32, #tpu.memory_space<vmem>>, vector<1x16xf32>,
      %swap3A_57 = arith.index_cast %scan3A_46 : i32 to index
      %swap3A_58 = arith.constant 32 : index
      %swap3A_59 = tpu.vector_load %arg9[%swap3A_57, %swap3A_58] {strides = array<i32>} : memref<16x256xf32, #tpu.memory_space<vmem>>, vector<1x16xf32>,
      %swap3A_60 = vector.shape_cast %swap3A_59 : vector<1x16xf32> to vector<16xf32>
      %swap3A_61 = vector.shape_cast %broadcast_in_dim3A_32 : vector<16xf32> to vector<1x16xf32>
      tpu.vector_store %arg9[%swap3A_57, %swap3A_58], %swap3A_61 {strides = array<i32>} : memref<16x256xf32, #tpu.memory_space<vmem>>, vector<1x16xf32>,
      %swap3A_62 = arith.index_cast %scan3A_46 : i32 to index
      %swap3A_63 = arith.constant 48 : index
      %swap3A_64 = tpu.vector_load %arg9[%swap3A_62, %swap3A_63] {strides = array<i32>} : memref<16x256xf32, #tpu.memory_space<vmem>>, vector<1x16xf32>,
      %swap3A_65 = vector.shape_cast %swap3A_64 : vector<1x16xf32> to vector<16xf32>
      %swap3A_66 = vector.shape_cast %broadcast_in_dim3A_32 : vector<16xf32> to vector<1x16xf32>
      tpu.vector_store %arg9[%swap3A_62, %swap3A_63], %swap3A_66 {strides = array<i32>} : memref<16x256xf32, #tpu.memory_space<vmem>>, vector<1x16xf32>,
      %swap3A_67 = arith.index_cast %scan3A_46 : i32 to index
      %swap3A_68 = arith.constant 64 : index
      %swap3A_69 = tpu.vector_load %arg9[%swap3A_67, %swap3A_68] {strides = array<i32>} : memref<16x256xf32, #tpu.memory_space<vmem>>, vector<1x16xf32>,
      %swap3A_70 = vector.shape_cast %swap3A_69 : vector<1x16xf32> to vector<16xf32>
      %swap3A_71 = vector.shape_cast %broadcast_in_dim3A_32 : vector<16xf32> to vector<1x16xf32>
      tpu.vector_store %arg9[%swap3A_67, %swap3A_68], %swap3A_71 {strides = array<i32>} : memref<16x256xf32, #tpu.memory_space<vmem>>, vector<1x16xf32>,
      %swap3A_72 = arith.index_cast %scan3A_46 : i32 to index
      %swap3A_73 = arith.constant 80 : index
      %swap3A_74 = tpu.vector_load %arg9[%swap3A_72, %swap3A_73] {strides = array<i32>} : memref<16x256xf32, #tpu.memory_space<vmem>>, vector<1x16xf32>,
      %swap3A_75 = vector.shape_cast %swap3A_74 : vector<1x16xf32> to vector<16xf32>
      %swap3A_76 = vector.shape_cast %broadcast_in_dim3A_32 : vector<16xf32> to vector<1x16xf32>
      tpu.vector_store %arg9[%swap3A_72, %swap3A_73], %swap3A_76 {strides = array<i32>} : memref<16x256xf32, #tpu.memory_space<vmem>>, vector<1x16xf32>,
      %swap3A_77 = arith.index_cast %scan3A_46 : i32 to index
      %swap3A_78 = arith.constant 96 : index
      %swap3A_79 = tpu.vector_load %arg9[%swap3A_77, %swap3A_78] {strides = array<i32>} : memref<16x256xf32, #tpu.memory_space<vmem>>, vector<1x16xf32>,
      %swap3A_80 = vector.shape_cast %swap3A_79 : vector<1x16xf32> to vector<16xf32>
      %swap3A_81 = vector.shape_cast %broadcast_in_dim3A_32 : vector<16xf32> to vector<1x16xf32>
      tpu.vector_store %arg9[%swap3A_77, %swap3A_78], %swap3A_81 {strides = array<i32>} : memref<16x256xf32, #tpu.memory_space<vmem>>, vector<1x16xf32>,
      %swap3A_82 = arith.index_cast %scan3A_46 : i32 to index
      %swap3A_83 = arith.constant 112 : index
      %swap3A_84 = tpu.vector_load %arg9[%swap3A_82, %swap3A_83] {strides = array<i32>} : memref<16x256xf32, #tpu.memory_space<vmem>>, vector<1x16xf32>,
      %swap3A_85 = vector.shape_cast %swap3A_84 : vector<1x16xf32> to vector<16xf32>
      %swap3A_86 = vector.shape_cast %broadcast_in_dim3A_32 : vector<16xf32> to vector<1x16xf32>
      tpu.vector_store %arg9[%swap3A_82, %swap3A_83], %swap3A_86 {strides = array<i32>} : memref<16x256xf32, #tpu.memory_space<vmem>>, vector<1x16xf32>,
      %swap3A_87 = arith.index_cast %scan3A_46 : i32 to index
      %swap3A_88 = arith.constant 128 : index
      %swap3A_89 = tpu.vector_load %arg9[%swap3A_87, %swap3A_88] {strides = array<i32>} : memref<16x256xf32, #tpu.memory_space<vmem>>, vector<1x16xf32>,
      %swap3A_90 = vector.shape_cast %swap3A_89 : vector<1x16xf32> to vector<16xf32>
      %swap3A_91 = vector.shape_cast %broadcast_in_dim3A_32 : vector<16xf32> to vector<1x16xf32>
      tpu.vector_store %arg9[%swap3A_87, %swap3A_88], %swap3A_91 {strides = array<i32>} : memref<16x256xf32, #tpu.memory_space<vmem>>, vector<1x16xf32>,
      %swap3A_92 = arith.index_cast %scan3A_46 : i32 to index
      %swap3A_93 = arith.constant 144 : index
      %swap3A_94 = tpu.vector_load %arg9[%swap3A_92, %swap3A_93] {strides = array<i32>} : memref<16x256xf32, #tpu.memory_space<vmem>>, vector<1x16xf32>,
      %swap3A_95 = vector.shape_cast %swap3A_94 : vector<1x16xf32> to vector<16xf32>
      %swap3A_96 = vector.shape_cast %broadcast_in_dim3A_32 : vector<16xf32> to vector<1x16xf32>
      tpu.vector_store %arg9[%swap3A_92, %swap3A_93], %swap3A_96 {strides = array<i32>} : memref<16x256xf32, #tpu.memory_space<vmem>>, vector<1x16xf32>,
      %swap3A_97 = arith.index_cast %scan3A_46 : i32 to index
      %swap3A_98 = arith.constant 160 : index
      %swap3A_99 = tpu.vector_load %arg9[%swap3A_97, %swap3A_98] {strides = array<i32>} : memref<16x256xf32, #tpu.memory_space<vmem>>, vector<1x16xf32>,
      %swap3A_100 = vector.shape_cast %swap3A_99 : vector<1x16xf32> to vector<16xf32>
      %swap3A_101 = vector.shape_cast %broadcast_in_dim3A_32 : vector<16xf32> to vector<1x16xf32>
      tpu.vector_store %arg9[%swap3A_97, %swap3A_98], %swap3A_101 {strides = array<i32>} : memref<16x256xf32, #tpu.memory_space<vmem>>, vector<1x16xf32>,
      %swap3A_102 = arith.index_cast %scan3A_46 : i32 to index
      %swap3A_103 = arith.constant 176 : index
      %swap3A_104 = tpu.vector_load %arg9[%swap3A_102, %swap3A_103] {strides = array<i32>} : memref<16x256xf32, #tpu.memory_space<vmem>>, vector<1x16xf32>,
      %swap3A_105 = vector.shape_cast %swap3A_104 : vector<1x16xf32> to vector<16xf32>
      %swap3A_106 = vector.shape_cast %broadcast_in_dim3A_32 : vector<16xf32> to vector<1x16xf32>
      tpu.vector_store %arg9[%swap3A_102, %swap3A_103], %swap3A_106 {strides = array<i32>} : memref<16x256xf32, #tpu.memory_space<vmem>>, vector<1x16xf32>,
      %swap3A_107 = arith.index_cast %scan3A_46 : i32 to index
      %swap3A_108 = arith.constant 192 : index
      %swap3A_109 = tpu.vector_load %arg9[%swap3A_107, %swap3A_108] {strides = array<i32>} : memref<16x256xf32, #tpu.memory_space<vmem>>, vector<1x16xf32>,
      %swap3A_110 = vector.shape_cast %swap3A_109 : vector<1x16xf32> to vector<16xf32>
      %swap3A_111 = vector.shape_cast %broadcast_in_dim3A_32 : vector<16xf32> to vector<1x16xf32>
      tpu.vector_store %arg9[%swap3A_107, %swap3A_108], %swap3A_111 {strides = array<i32>} : memref<16x256xf32, #tpu.memory_space<vmem>>, vector<1x16xf32>,
      %swap3A_112 = arith.index_cast %scan3A_46 : i32 to index
      %swap3A_113 = arith.constant 208 : index
      %swap3A_114 = tpu.vector_load %arg9[%swap3A_112, %swap3A_113] {strides = array<i32>} : memref<16x256xf32, #tpu.memory_space<vmem>>, vector<1x16xf32>,
      %swap3A_115 = vector.shape_cast %swap3A_114 : vector<1x16xf32> to vector<16xf32>
      %swap3A_116 = vector.shape_cast %broadcast_in_dim3A_32 : vector<16xf32> to vector<1x16xf32>
      tpu.vector_store %arg9[%swap3A_112, %swap3A_113], %swap3A_116 {strides = array<i32>} : memref<16x256xf32, #tpu.memory_space<vmem>>, vector<1x16xf32>,
      %swap3A_117 = arith.index_cast %scan3A_46 : i32 to index
      %swap3A_118 = arith.constant 224 : index
      %swap3A_119 = tpu.vector_load %arg9[%swap3A_117, %swap3A_118] {strides = array<i32>} : memref<16x256xf32, #tpu.memory_space<vmem>>, vector<1x16xf32>,
      %swap3A_120 = vector.shape_cast %swap3A_119 : vector<1x16xf32> to vector<16xf32>
      %swap3A_121 = vector.shape_cast %broadcast_in_dim3A_32 : vector<16xf32> to vector<1x16xf32>
      tpu.vector_store %arg9[%swap3A_117, %swap3A_118], %swap3A_121 {strides = array<i32>} : memref<16x256xf32, #tpu.memory_space<vmem>>, vector<1x16xf32>,
      %swap3A_122 = arith.index_cast %scan3A_46 : i32 to index
      %swap3A_123 = arith.constant 240 : index
      %swap3A_124 = tpu.vector_load %arg9[%swap3A_122, %swap3A_123] {strides = array<i32>} : memref<16x256xf32, #tpu.memory_space<vmem>>, vector<1x16xf32>,
      %swap3A_125 = vector.shape_cast %swap3A_124 : vector<1x16xf32> to vector<16xf32>
      %swap3A_126 = vector.shape_cast %broadcast_in_dim3A_32 : vector<16xf32> to vector<1x16xf32>
      tpu.vector_store %arg9[%swap3A_122, %swap3A_123], %swap3A_126 {strides = array<i32>} : memref<16x256xf32, #tpu.memory_space<vmem>>, vector<1x16xf32>,
      %scan3A_127 = arith.constant 0 : i32
      scf.yield %scan3A_127 : i32
    }
    %scan3A_38 = arith.constant 16 : i32
    %scan3A_39 = arith.constant 0 : i32
    %scan3A_40 = arith.constant 0 : i32
    %scan3A_41 = arith.constant 4 : i32
    %scan3A_42 = arith.addi %scan3A_40, %scan3A_41 : i32
    %scan3A_43 = arith.constant 1 : i32
    %scan3A_44 = scf.for %scan3A_46 = %scan3A_40 to %scan3A_42 step %scan3A_43 iter_args(%scan3A_47 = %scan3A_39) -> (i32)  : i32 {
      %mul3A_48 = arith.constant 2 : i32
      %mul3A_49 = arith.muli %mul3A_48, %scan3A_46 : i32
      %mul3A_50 = arith.constant 128 : i32
      %mul3A_51 = arith.muli %mul3A_49, %mul3A_50 : i32
      %add3A_52 = arith.addi %mul3A_2, %mul3A_51 : i32
      %dma_wait3A = arith.constant 0 : i32
      %dma_wait3A_53 = arith.constant 0 : i32
      %dma_wait3A_54 = arith.constant 0 : i32
      %dma_wait3A_55 = tpu.memref_slice %arg8[%dma_wait3A, %dma_wait3A_53, %dma_wait3A_54] : memref<2x128x256xf32, #tpu.memory_space<vmem>> -> memref<1x128x256xf32, #tpu.memory_space<vmem>>
      %dma_wait3A_56 = tpu.memref_squeeze %dma_wait3A_55 : memref<1x128x256xf32, #tpu.memory_space<vmem>> -> memref<128x256xf32, #tpu.memory_space<vmem>>
      %dma_wait3A_57 = arith.constant 0 : i32
      %dma_wait3A_58 = tpu.memref_slice %arg2[%add3A_52, %dma_wait3A_57] : memref<32768x256xf32, #tpu.memory_space<hbm>> -> memref<128x256xf32, #tpu.memory_space<hbm>>
      %dma_wait3A_59 = arith.constant 0 : i32
      %dma_wait3A_60 = arith.constant 0 : i32
      %dma_wait3A_61 = tpu.memref_slice %arg8[%dma_wait3A, %dma_wait3A_59, %dma_wait3A_60] : memref<2x128x256xf32, #tpu.memory_space<vmem>> -> memref<1x128x256xf32, #tpu.memory_space<vmem>>
      %dma_wait3A_62 = tpu.memref_squeeze %dma_wait3A_61 : memref<1x128x256xf32, #tpu.memory_space<vmem>> -> memref<128x256xf32, #tpu.memory_space<vmem>>
      %dma_wait3A_63 = arith.constant 0 : i32
      %dma_wait3A_64 = tpu.memref_slice %arg2[%add3A_52, %dma_wait3A_63] : memref<32768x256xf32, #tpu.memory_space<hbm>> -> memref<128x256xf32, #tpu.memory_space<hbm>>
      tpu.wait_dma2 semaphore(%arg10 : memref<!tpu.dma_semaphore, #tpu.memory_space<semaphore_mem>>) src(%dma_wait3A_64 : memref<128x256xf32, #tpu.memory_space<hbm>>) dst(%dma_wait3A_62 : memref<128x256xf32, #tpu.memory_space<vmem>>)
      %mul3A_65 = arith.constant 128 : i32
      %mul3A_66 = arith.muli %mul3A_49, %mul3A_65 : i32
      %add3A_67 = arith.addi %mul3A_2, %mul3A_66 : i32
      %get3A = arith.index_cast %mul3A_66 : i32 to index
      %get3A_68 = tpu.vector_load %arg6[%get3A] {strides = array<i32>} : memref<1024xi32, #tpu.memory_space<vmem>>, vector<16xi32>,
      %get3A_69 = vector.shape_cast %get3A_68 : vector<16xi32> to vector<16xi32>
      %slice3A = vector.extract_strided_slice %get3A_69 {offsets = [0], sizes = [1], strides = [1]} : vector<16xi32> to vector<1xi32>
      %squeeze3A = vector.extract %slice3A[0] : i32 from vector<1xi32>
      %add3A_70 = arith.constant 128 : i32
      %add3A_71 = arith.addi %mul3A_66, %add3A_70 : i32
      %sub3A = arith.constant 16 : i32
      %sub3A_72 = arith.subi %add3A_71, %sub3A : i32
      %get3A_73 = arith.index_cast %sub3A_72 : i32 to index
      %get3A_74 = tpu.vector_load %arg6[%get3A_73] {strides = array<i32>} : memref<1024xi32, #tpu.memory_space<vmem>>, vector<16xi32>,
      %get3A_75 = vector.shape_cast %get3A_74 : vector<16xi32> to vector<16xi32>
      %slice3A_76 = vector.extract_strided_slice %get3A_75 {offsets = [15], sizes = [1], strides = [1]} : vector<16xi32> to vector<1xi32>
      %squeeze3A_77 = vector.extract %slice3A_76[0] : i32 from vector<1xi32>
      %eq3A = arith.cmpi eq, %squeeze3A, %squeeze3A_77 : i32
      %convert_element_type3A = arith.extui %eq3A : i1 to i32
      %cond3A = arith.constant 0 : i32
      %cond3A_78 = arith.cmpi ne, %convert_element_type3A, %cond3A : i32
      scf.if %cond3A_78 {
        %get3A_141 = arith.constant 0 : i32
        %get3A_142 = arith.constant 0 : i32
        %get3A_143 = arith.index_cast %get3A_141 : i32 to index
        %get3A_144 = arith.index_cast %get3A_142 : i32 to index
        %get3A_145 = arith.constant 0 : index
        %get3A_146 = tpu.vector_load %arg8[%get3A_143, %get3A_144, %get3A_145] {strides = array<i32>} : memref<2x128x256xf32, #tpu.memory_space<vmem>>, vector<1x1x16xf32>,
        %get3A_147 = vector.shape_cast %get3A_146 : vector<1x1x16xf32> to vector<16xf32>
        %get3A_148 = arith.constant 0 : i32
        %get3A_149 = arith.constant 1 : i32
        %get3A_150 = arith.index_cast %get3A_148 : i32 to index
        %get3A_151 = arith.index_cast %get3A_149 : i32 to index
        %get3A_152 = arith.constant 0 : index
        %get3A_153 = tpu.vector_load %arg8[%get3A_150, %get3A_151, %get3A_152] {strides = array<i32>} : memref<2x128x256xf32, #tpu.memory_space<vmem>>, vector<1x1x16xf32>,
        %get3A_154 = vector.shape_cast %get3A_153 : vector<1x1x16xf32> to vector<16xf32>
        %max3A = arith.maximumf %get3A_147, %get3A_154 : vector<16xf32>
        %get3A_155 = arith.constant 0 : i32
        %get3A_156 = arith.constant 0 : i32
        %get3A_157 = arith.index_cast %get3A_155 : i32 to index
        %get3A_158 = arith.index_cast %get3A_156 : i32 to index
        %get3A_159 = arith.constant 16 : index
        %get3A_160 = tpu.vector_load %arg8[%get3A_157, %get3A_158, %get3A_159] {strides = array<i32>} : memref<2x128x256xf32, #tpu.memory_space<vmem>>, vector<1x1x16xf32>,
        %get3A_161 = vector.shape_cast %get3A_160 : vector<1x1x16xf32> to vector<16xf32>
        %get3A_162 = arith.constant 0 : i32
        %get3A_163 = arith.constant 1 : i32
        %get3A_164 = arith.index_cast %get3A_162 : i32 to index
        %get3A_165 = arith.index_cast %get3A_163 : i32 to index
        %get3A_166 = arith.constant 16 : index
        %get3A_167 = tpu.vector_load %arg8[%get3A_164, %get3A_165, %get3A_166] {strides = array<i32>} : memref<2x128x256xf32, #tpu.memory_space<vmem>>, vector<1x1x16xf32>,
        %get3A_168 = vector.shape_cast %get3A_167 : vector<1x1x16xf32> to vector<16xf32>
        %max3A_169 = arith.maximumf %get3A_161, %get3A_168 : vector<16xf32>
        %get3A_170 = arith.constant 0 : i32
        %get3A_171 = arith.constant 0 : i32
        %get3A_172 = arith.index_cast %get3A_170 : i32 to index
        %get3A_173 = arith.index_cast %get3A_171 : i32 to index
        %get3A_174 = arith.constant 32 : index
        %get3A_175 = tpu.vector_load %arg8[%get3A_172, %get3A_173, %get3A_174] {strides = array<i32>} : memref<2x128x256xf32, #tpu.memory_space<vmem>>, vector<1x1x16xf32>,
        %get3A_176 = vector.shape_cast %get3A_175 : vector<1x1x16xf32> to vector<16xf32>
        %get3A_177 = arith.constant 0 : i32
        %get3A_178 = arith.constant 1 : i32
        %get3A_179 = arith.index_cast %get3A_177 : i32 to index
        %get3A_180 = arith.index_cast %get3A_178 : i32 to index
        %get3A_181 = arith.constant 32 : index
        %get3A_182 = tpu.vector_load %arg8[%get3A_179, %get3A_180, %get3A_181] {strides = array<i32>} : memref<2x128x256xf32, #tpu.memory_space<vmem>>, vector<1x1x16xf32>,
        %get3A_183 = vector.shape_cast %get3A_182 : vector<1x1x16xf32> to vector<16xf32>
        %max3A_184 = arith.maximumf %get3A_176, %get3A_183 : vector<16xf32>
        %get3A_185 = arith.constant 0 : i32
        %get3A_186 = arith.constant 0 : i32
        %get3A_187 = arith.index_cast %get3A_185 : i32 to index
        %get3A_188 = arith.index_cast %get3A_186 : i32 to index
        %get3A_189 = arith.constant 48 : index
        %get3A_190 = tpu.vector_load %arg8[%get3A_187, %get3A_188, %get3A_189] {strides = array<i32>} : memref<2x128x256xf32, #tpu.memory_space<vmem>>, vector<1x1x16xf32>,
        %get3A_191 = vector.shape_cast %get3A_190 : vector<1x1x16xf32> to vector<16xf32>
        %get3A_192 = arith.constant 0 : i32
        %get3A_193 = arith.constant 1 : i32
        %get3A_194 = arith.index_cast %get3A_192 : i32 to index
        %get3A_195 = arith.index_cast %get3A_193 : i32 to index
        %get3A_196 = arith.constant 48 : index
        %get3A_197 = tpu.vector_load %arg8[%get3A_194, %get3A_195, %get3A_196] {strides = array<i32>} : memref<2x128x256xf32, #tpu.memory_space<vmem>>, vector<1x1x16xf32>,
        %get3A_198 = vector.shape_cast %get3A_197 : vector<1x1x16xf32> to vector<16xf32>
        %max3A_199 = arith.maximumf %get3A_191, %get3A_198 : vector<16xf32>
        %get3A_200 = arith.constant 0 : i32
        %get3A_201 = arith.constant 0 : i32
        %get3A_202 = arith.index_cast %get3A_200 : i32 to index
        %get3A_203 = arith.index_cast %get3A_201 : i32 to index
        %get3A_204 = arith.constant 64 : index
        %get3A_205 = tpu.vector_load %arg8[%get3A_202, %get3A_203, %get3A_204] {strides = array<i32>} : memref<2x128x256xf32, #tpu.memory_space<vmem>>, vector<1x1x16xf32>,
        %get3A_206 = vector.shape_cast %get3A_205 : vector<1x1x16xf32> to vector<16xf32>
        %get3A_207 = arith.constant 0 : i32
        %get3A_208 = arith.constant 1 : i32
        %get3A_209 = arith.index_cast %get3A_207 : i32 to index
        %get3A_210 = arith.index_cast %get3A_208 : i32 to index
        %get3A_211 = arith.constant 64 : index
        %get3A_212 = tpu.vector_load %arg8[%get3A_209, %get3A_210, %get3A_211] {strides = array<i32>} : memref<2x128x256xf32, #tpu.memory_space<vmem>>, vector<1x1x16xf32>,
        %get3A_213 = vector.shape_cast %get3A_212 : vector<1x1x16xf32> to vector<16xf32>
        %max3A_214 = arith.maximumf %get3A_206, %get3A_213 : vector<16xf32>
        %get3A_215 = arith.constant 0 : i32
        %get3A_216 = arith.constant 0 : i32
        %get3A_217 = arith.index_cast %get3A_215 : i32 to index
        %get3A_218 = arith.index_cast %get3A_216 : i32 to index
        %get3A_219 = arith.constant 80 : index
        %get3A_220 = tpu.vector_load %arg8[%get3A_217, %get3A_218, %get3A_219] {strides = array<i32>} : memref<2x128x256xf32, #tpu.memory_space<vmem>>, vector<1x1x16xf32>,
        %get3A_221 = vector.shape_cast %get3A_220 : vector<1x1x16xf32> to vector<16xf32>
        %get3A_222 = arith.constant 0 : i32
        %get3A_223 = arith.constant 1 : i32
        %get3A_224 = arith.index_cast %get3A_222 : i32 to index
        %get3A_225 = arith.index_cast %get3A_223 : i32 to index
        %get3A_226 = arith.constant 80 : index
        %get3A_227 = tpu.vector_load %arg8[%get3A_224, %get3A_225, %get3A_226] {strides = array<i32>} : memref<2x128x256xf32, #tpu.memory_space<vmem>>, vector<1x1x16xf32>,
        %get3A_228 = vector.shape_cast %get3A_227 : vector<1x1x16xf32> to vector<16xf32>
        %max3A_229 = arith.maximumf %get3A_221, %get3A_228 : vector<16xf32>
        %get3A_230 = arith.constant 0 : i32
        %get3A_231 = arith.constant 0 : i32
        %get3A_232 = arith.index_cast %get3A_230 : i32 to index
        %get3A_233 = arith.index_cast %get3A_231 : i32 to index
        %get3A_234 = arith.constant 96 : index
        %get3A_235 = tpu.vector_load %arg8[%get3A_232, %get3A_233, %get3A_234] {strides = array<i32>} : memref<2x128x256xf32, #tpu.memory_space<vmem>>, vector<1x1x16xf32>,
        %get3A_236 = vector.shape_cast %get3A_235 : vector<1x1x16xf32> to vector<16xf32>
        %get3A_237 = arith.constant 0 : i32
        %get3A_238 = arith.constant 1 : i32
        %get3A_239 = arith.index_cast %get3A_237 : i32 to index
        %get3A_240 = arith.index_cast %get3A_238 : i32 to index
        %get3A_241 = arith.constant 96 : index
        %get3A_242 = tpu.vector_load %arg8[%get3A_239, %get3A_240, %get3A_241] {strides = array<i32>} : memref<2x128x256xf32, #tpu.memory_space<vmem>>, vector<1x1x16xf32>,
        %get3A_243 = vector.shape_cast %get3A_242 : vector<1x1x16xf32> to vector<16xf32>
        %max3A_244 = arith.maximumf %get3A_236, %get3A_243 : vector<16xf32>
        %get3A_245 = arith.constant 0 : i32
        %get3A_246 = arith.constant 0 : i32
        %get3A_247 = arith.index_cast %get3A_245 : i32 to index
        %get3A_248 = arith.index_cast %get3A_246 : i32 to index
        %get3A_249 = arith.constant 112 : index
        %get3A_250 = tpu.vector_load %arg8[%get3A_247, %get3A_248, %get3A_249] {strides = array<i32>} : memref<2x128x256xf32, #tpu.memory_space<vmem>>, vector<1x1x16xf32>,
        %get3A_251 = vector.shape_cast %get3A_250 : vector<1x1x16xf32> to vector<16xf32>
        %get3A_252 = arith.constant 0 : i32
        %get3A_253 = arith.constant 1 : i32
        %get3A_254 = arith.index_cast %get3A_252 : i32 to index
        %get3A_255 = arith.index_cast %get3A_253 : i32 to index
        %get3A_256 = arith.constant 112 : index
        %get3A_257 = tpu.vector_load %arg8[%get3A_254, %get3A_255, %get3A_256] {strides = array<i32>} : memref<2x128x256xf32, #tpu.memory_space<vmem>>, vector<1x1x16xf32>,
        %get3A_258 = vector.shape_cast %get3A_257 : vector<1x1x16xf32> to vector<16xf32>
        %max3A_259 = arith.maximumf %get3A_251, %get3A_258 : vector<16xf32>
        %get3A_260 = arith.constant 0 : i32
        %get3A_261 = arith.constant 0 : i32
        %get3A_262 = arith.index_cast %get3A_260 : i32 to index
        %get3A_263 = arith.index_cast %get3A_261 : i32 to index
        %get3A_264 = arith.constant 128 : index
        %get3A_265 = tpu.vector_load %arg8[%get3A_262, %get3A_263, %get3A_264] {strides = array<i32>} : memref<2x128x256xf32, #tpu.memory_space<vmem>>, vector<1x1x16xf32>,
        %get3A_266 = vector.shape_cast %get3A_265 : vector<1x1x16xf32> to vector<16xf32>
        %get3A_267 = arith.constant 0 : i32
        %get3A_268 = arith.constant 1 : i32
        %get3A_269 = arith.index_cast %get3A_267 : i32 to index
        %get3A_270 = arith.index_cast %get3A_268 : i32 to index
        %get3A_271 = arith.constant 128 : index
        %get3A_272 = tpu.vector_load %arg8[%get3A_269, %get3A_270, %get3A_271] {strides = array<i32>} : memref<2x128x256xf32, #tpu.memory_space<vmem>>, vector<1x1x16xf32>,
        %get3A_273 = vector.shape_cast %get3A_272 : vector<1x1x16xf32> to vector<16xf32>
        %max3A_274 = arith.maximumf %get3A_266, %get3A_273 : vector<16xf32>
        %get3A_275 = arith.constant 0 : i32
        %get3A_276 = arith.constant 0 : i32
        %get3A_277 = arith.index_cast %get3A_275 : i32 to index
        %get3A_278 = arith.index_cast %get3A_276 : i32 to index
        %get3A_279 = arith.constant 144 : index
        %get3A_280 = tpu.vector_load %arg8[%get3A_277, %get3A_278, %get3A_279] {strides = array<i32>} : memref<2x128x256xf32, #tpu.memory_space<vmem>>, vector<1x1x16xf32>,
        %get3A_281 = vector.shape_cast %get3A_280 : vector<1x1x16xf32> to vector<16xf32>
        %get3A_282 = arith.constant 0 : i32
        %get3A_283 = arith.constant 1 : i32
        %get3A_284 = arith.index_cast %get3A_282 : i32 to index
        %get3A_285 = arith.index_cast %get3A_283 : i32 to index
        %get3A_286 = arith.constant 144 : index
        %get3A_287 = tpu.vector_load %arg8[%get3A_284, %get3A_285, %get3A_286] {strides = array<i32>} : memref<2x128x256xf32, #tpu.memory_space<vmem>>, vector<1x1x16xf32>,
        %get3A_288 = vector.shape_cast %get3A_287 : vector<1x1x16xf32> to vector<16xf32>
        %max3A_289 = arith.maximumf %get3A_281, %get3A_288 : vector<16xf32>
        %get3A_290 = arith.constant 0 : i32
        %get3A_291 = arith.constant 0 : i32
        %get3A_292 = arith.index_cast %get3A_290 : i32 to index
        %get3A_293 = arith.index_cast %get3A_291 : i32 to index
        %get3A_294 = arith.constant 160 : index
        %get3A_295 = tpu.vector_load %arg8[%get3A_292, %get3A_293, %get3A_294] {strides = array<i32>} : memref<2x128x256xf32, #tpu.memory_space<vmem>>, vector<1x1x16xf32>,
        %get3A_296 = vector.shape_cast %get3A_295 : vector<1x1x16xf32> to vector<16xf32>
        %get3A_297 = arith.constant 0 : i32
        %get3A_298 = arith.constant 1 : i32
        %get3A_299 = arith.index_cast %get3A_297 : i32 to index
        %get3A_300 = arith.index_cast %get3A_298 : i32 to index
        %get3A_301 = arith.constant 160 : index
        %get3A_302 = tpu.vector_load %arg8[%get3A_299, %get3A_300, %get3A_301] {strides = array<i32>} : memref<2x128x256xf32, #tpu.memory_space<vmem>>, vector<1x1x16xf32>,
        %get3A_303 = vector.shape_cast %get3A_302 : vector<1x1x16xf32> to vector<16xf32>
        %max3A_304 = arith.maximumf %get3A_296, %get3A_303 : vector<16xf32>
        %get3A_305 = arith.constant 0 : i32
        %get3A_306 = arith.constant 0 : i32
        %get3A_307 = arith.index_cast %get3A_305 : i32 to index
        %get3A_308 = arith.index_cast %get3A_306 : i32 to index
        %get3A_309 = arith.constant 176 : index
        %get3A_310 = tpu.vector_load %arg8[%get3A_307, %get3A_308, %get3A_309] {strides = array<i32>} : memref<2x128x256xf32, #tpu.memory_space<vmem>>, vector<1x1x16xf32>,
        %get3A_311 = vector.shape_cast %get3A_310 : vector<1x1x16xf32> to vector<16xf32>
        %get3A_312 = arith.constant 0 : i32
        %get3A_313 = arith.constant 1 : i32
        %get3A_314 = arith.index_cast %get3A_312 : i32 to index
        %get3A_315 = arith.index_cast %get3A_313 : i32 to index
        %get3A_316 = arith.constant 176 : index
        %get3A_317 = tpu.vector_load %arg8[%get3A_314, %get3A_315, %get3A_316] {strides = array<i32>} : memref<2x128x256xf32, #tpu.memory_space<vmem>>, vector<1x1x16xf32>,
        %get3A_318 = vector.shape_cast %get3A_317 : vector<1x1x16xf32> to vector<16xf32>
        %max3A_319 = arith.maximumf %get3A_311, %get3A_318 : vector<16xf32>
        %get3A_320 = arith.constant 0 : i32
        %get3A_321 = arith.constant 0 : i32
        %get3A_322 = arith.index_cast %get3A_320 : i32 to index
        %get3A_323 = arith.index_cast %get3A_321 : i32 to index
        %get3A_324 = arith.constant 192 : index
        %get3A_325 = tpu.vector_load %arg8[%get3A_322, %get3A_323, %get3A_324] {strides = array<i32>} : memref<2x128x256xf32, #tpu.memory_space<vmem>>, vector<1x1x16xf32>,
        %get3A_326 = vector.shape_cast %get3A_325 : vector<1x1x16xf32> to vector<16xf32>
        %get3A_327 = arith.constant 0 : i32
        %get3A_328 = arith.constant 1 : i32
        %get3A_329 = arith.index_cast %get3A_327 : i32 to index
        %get3A_330 = arith.index_cast %get3A_328 : i32 to index
        %get3A_331 = arith.constant 192 : index
        %get3A_332 = tpu.vector_load %arg8[%get3A_329, %get3A_330, %get3A_331] {strides = array<i32>} : memref<2x128x256xf32, #tpu.memory_space<vmem>>, vector<1x1x16xf32>,
        %get3A_333 = vector.shape_cast %get3A_332 : vector<1x1x16xf32> to vector<16xf32>
        %max3A_334 = arith.maximumf %get3A_326, %get3A_333 : vector<16xf32>
        %get3A_335 = arith.constant 0 : i32
        %get3A_336 = arith.constant 0 : i32
        %get3A_337 = arith.index_cast %get3A_335 : i32 to index
        %get3A_338 = arith.index_cast %get3A_336 : i32 to index
        %get3A_339 = arith.constant 208 : index
        %get3A_340 = tpu.vector_load %arg8[%get3A_337, %get3A_338, %get3A_339] {strides = array<i32>} : memref<2x128x256xf32, #tpu.memory_space<vmem>>, vector<1x1x16xf32>,
        %get3A_341 = vector.shape_cast %get3A_340 : vector<1x1x16xf32> to vector<16xf32>
        %get3A_342 = arith.constant 0 : i32
        %get3A_343 = arith.constant 1 : i32
        %get3A_344 = arith.index_cast %get3A_342 : i32 to index
        %get3A_345 = arith.index_cast %get3A_343 : i32 to index
        %get3A_346 = arith.constant 208 : index
        %get3A_347 = tpu.vector_load %arg8[%get3A_344, %get3A_345, %get3A_346] {strides = array<i32>} : memref<2x128x256xf32, #tpu.memory_space<vmem>>, vector<1x1x16xf32>,
        %get3A_348 = vector.shape_cast %get3A_347 : vector<1x1x16xf32> to vector<16xf32>
        %max3A_349 = arith.maximumf %get3A_341, %get3A_348 : vector<16xf32>
        %get3A_350 = arith.constant 0 : i32
        %get3A_351 = arith.constant 0 : i32
        %get3A_352 = arith.index_cast %get3A_350 : i32 to index
        %get3A_353 = arith.index_cast %get3A_351 : i32 to index
        %get3A_354 = arith.constant 224 : index
        %get3A_355 = tpu.vector_load %arg8[%get3A_352, %get3A_353, %get3A_354] {strides = array<i32>} : memref<2x128x256xf32, #tpu.memory_space<vmem>>, vector<1x1x16xf32>,
        %get3A_356 = vector.shape_cast %get3A_355 : vector<1x1x16xf32> to vector<16xf32>
        %get3A_357 = arith.constant 0 : i32
        %get3A_358 = arith.constant 1 : i32
        %get3A_359 = arith.index_cast %get3A_357 : i32 to index
        %get3A_360 = arith.index_cast %get3A_358 : i32 to index
        %get3A_361 = arith.constant 224 : index
        %get3A_362 = tpu.vector_load %arg8[%get3A_359, %get3A_360, %get3A_361] {strides = array<i32>} : memref<2x128x256xf32, #tpu.memory_space<vmem>>, vector<1x1x16xf32>,
        %get3A_363 = vector.shape_cast %get3A_362 : vector<1x1x16xf32> to vector<16xf32>
        %max3A_364 = arith.maximumf %get3A_356, %get3A_363 : vector<16xf32>
        %get3A_365 = arith.constant 0 : i32
        %get3A_366 = arith.constant 0 : i32
        %get3A_367 = arith.index_cast %get3A_365 : i32 to index
        %get3A_368 = arith.index_cast %get3A_366 : i32 to index
        %get3A_369 = arith.constant 240 : index
        %get3A_370 = tpu.vector_load %arg8[%get3A_367, %get3A_368, %get3A_369] {strides = array<i32>} : memref<2x128x256xf32, #tpu.memory_space<vmem>>, vector<1x1x16xf32>,
        %get3A_371 = vector.shape_cast %get3A_370 : vector<1x1x16xf32> to vector<16xf32>
        %get3A_372 = arith.constant 0 : i32
        %get3A_373 = arith.constant 1 : i32
        %get3A_374 = arith.index_cast %get3A_372 : i32 to index
        %get3A_375 = arith.index_cast %get3A_373 : i32 to index
        %get3A_376 = arith.constant 240 : index
        %get3A_377 = tpu.vector_load %arg8[%get3A_374, %get3A_375, %get3A_376] {strides = array<i32>} : memref<2x128x256xf32, #tpu.memory_space<vmem>>, vector<1x1x16xf32>,
        %get3A_378 = vector.shape_cast %get3A_377 : vector<1x1x16xf32> to vector<16xf32>
        %max3A_379 = arith.maximumf %get3A_371, %get3A_378 : vector<16xf32>
        %parallel_loop3A = arith.constant 1 : i32
        %parallel_loop3A_380 = arith.constant 64 : i32
        %parallel_loop3A_381 = arith.constant 1 : i32
        %parallel_loop3A_382:16 = scf.for %parallel_loop3A_542 = %parallel_loop3A to %parallel_loop3A_380 step %parallel_loop3A_381 iter_args(%parallel_loop3A_543 = %max3A, %parallel_loop3A_544 = %max3A_169, %parallel_loop3A_545 = %max3A_184, %parallel_loop3A_546 = %max3A_199, %parallel_loop3A_547 = %max3A_214, %parallel_loop3A_548 = %max3A_229, %parallel_loop3A_549 = %max3A_244, %parallel_loop3A_550 = %max3A_259, %parallel_loop3A_551 = %max3A_274, %parallel_loop3A_552 = %max3A_289, %parallel_loop3A_553 = %max3A_304, %parallel_loop3A_554 = %max3A_319, %parallel_loop3A_555 = %max3A_334, %parallel_loop3A_556 = %max3A_349, %parallel_loop3A_557 = %max3A_364, %parallel_loop3A_558 = %max3A_379) -> (vector<16xf32>, vector<16xf32>, vector<16xf32>, vector<16xf32>, vector<16xf32>, vector<16xf32>, vector<16xf32>, vector<16xf32>, vector<16xf32>, vector<16xf32>, vector<16xf32>, vector<16xf32>, vector<16xf32>, vector<16xf32>, vector<16xf32>, vector<16xf32>)  : i32 {
          %parallel_loop3A_559 = arith.constant 2 : i32
          %parallel_loop3A_560 = arith.muli %parallel_loop3A_559, %parallel_loop3A_542 : i32
          %parallel_loop3A_561 = arith.constant 0 : i32
          %parallel_loop3A_562 = arith.index_cast %parallel_loop3A_561 : i32 to index
          %parallel_loop3A_563 = arith.index_cast %parallel_loop3A_560 : i32 to index
          %parallel_loop3A_564 = arith.constant 0 : index
          %parallel_loop3A_565 = tpu.vector_load %arg8[%parallel_loop3A_562, %parallel_loop3A_563, %parallel_loop3A_564] {strides = array<i32>} : memref<2x128x256xf32, #tpu.memory_space<vmem>>, vector<1x1x16xf32>,
          %parallel_loop3A_566 = vector.shape_cast %parallel_loop3A_565 : vector<1x1x16xf32> to vector<16xf32>
          %parallel_loop3A_567 = arith.constant 1 : i32
          %parallel_loop3A_568 = arith.addi %parallel_loop3A_560, %parallel_loop3A_567 : i32
          %parallel_loop3A_569 = arith.constant 0 : i32
          %parallel_loop3A_570 = arith.index_cast %parallel_loop3A_569 : i32 to index
          %parallel_loop3A_571 = arith.index_cast %parallel_loop3A_568 : i32 to index
          %parallel_loop3A_572 = arith.constant 0 : index
          %parallel_loop3A_573 = tpu.vector_load %arg8[%parallel_loop3A_570, %parallel_loop3A_571, %parallel_loop3A_572] {strides = array<i32>} : memref<2x128x256xf32, #tpu.memory_space<vmem>>, vector<1x1x16xf32>,
          %parallel_loop3A_574 = vector.shape_cast %parallel_loop3A_573 : vector<1x1x16xf32> to vector<16xf32>
          %parallel_loop3A_575 = arith.maximumf %parallel_loop3A_566, %parallel_loop3A_574 : vector<16xf32>
          %parallel_loop3A_576 = arith.maximumf %parallel_loop3A_543, %parallel_loop3A_575 : vector<16xf32>
          %parallel_loop3A_577 = arith.constant 0 : i32
          %parallel_loop3A_578 = arith.index_cast %parallel_loop3A_577 : i32 to index
          %parallel_loop3A_579 = arith.index_cast %parallel_loop3A_560 : i32 to index
          %parallel_loop3A_580 = arith.constant 16 : index
          %parallel_loop3A_581 = tpu.vector_load %arg8[%parallel_loop3A_578, %parallel_loop3A_579, %parallel_loop3A_580] {strides = array<i32>} : memref<2x128x256xf32, #tpu.memory_space<vmem>>, vector<1x1x16xf32>,
          %parallel_loop3A_582 = vector.shape_cast %parallel_loop3A_581 : vector<1x1x16xf32> to vector<16xf32>
          %parallel_loop3A_583 = arith.constant 1 : i32
          %parallel_loop3A_584 = arith.addi %parallel_loop3A_560, %parallel_loop3A_583 : i32
          %parallel_loop3A_585 = arith.constant 0 : i32
          %parallel_loop3A_586 = arith.index_cast %parallel_loop3A_585 : i32 to index
          %parallel_loop3A_587 = arith.index_cast %parallel_loop3A_584 : i32 to index
          %parallel_loop3A_588 = arith.constant 16 : index
          %parallel_loop3A_589 = tpu.vector_load %arg8[%parallel_loop3A_586, %parallel_loop3A_587, %parallel_loop3A_588] {strides = array<i32>} : memref<2x128x256xf32, #tpu.memory_space<vmem>>, vector<1x1x16xf32>,
          %parallel_loop3A_590 = vector.shape_cast %parallel_loop3A_589 : vector<1x1x16xf32> to vector<16xf32>
          %parallel_loop3A_591 = arith.maximumf %parallel_loop3A_582, %parallel_loop3A_590 : vector<16xf32>
          %parallel_loop3A_592 = arith.maximumf %parallel_loop3A_544, %parallel_loop3A_591 : vector<16xf32>
          %parallel_loop3A_593 = arith.constant 0 : i32
          %parallel_loop3A_594 = arith.index_cast %parallel_loop3A_593 : i32 to index
          %parallel_loop3A_595 = arith.index_cast %parallel_loop3A_560 : i32 to index
          %parallel_loop3A_596 = arith.constant 32 : index
          %parallel_loop3A_597 = tpu.vector_load %arg8[%parallel_loop3A_594, %parallel_loop3A_595, %parallel_loop3A_596] {strides = array<i32>} : memref<2x128x256xf32, #tpu.memory_space<vmem>>, vector<1x1x16xf32>,
          %parallel_loop3A_598 = vector.shape_cast %parallel_loop3A_597 : vector<1x1x16xf32> to vector<16xf32>
          %parallel_loop3A_599 = arith.constant 1 : i32
          %parallel_loop3A_600 = arith.addi %parallel_loop3A_560, %parallel_loop3A_599 : i32
          %parallel_loop3A_601 = arith.constant 0 : i32
          %parallel_loop3A_602 = arith.index_cast %parallel_loop3A_601 : i32 to index
          %parallel_loop3A_603 = arith.index_cast %parallel_loop3A_600 : i32 to index
          %parallel_loop3A_604 = arith.constant 32 : index
          %parallel_loop3A_605 = tpu.vector_load %arg8[%parallel_loop3A_602, %parallel_loop3A_603, %parallel_loop3A_604] {strides = array<i32>} : memref<2x128x256xf32, #tpu.memory_space<vmem>>, vector<1x1x16xf32>,
          %parallel_loop3A_606 = vector.shape_cast %parallel_loop3A_605 : vector<1x1x16xf32> to vector<16xf32>
          %parallel_loop3A_607 = arith.maximumf %parallel_loop3A_598, %parallel_loop3A_606 : vector<16xf32>
          %parallel_loop3A_608 = arith.maximumf %parallel_loop3A_545, %parallel_loop3A_607 : vector<16xf32>
          %parallel_loop3A_609 = arith.constant 0 : i32
          %parallel_loop3A_610 = arith.index_cast %parallel_loop3A_609 : i32 to index
          %parallel_loop3A_611 = arith.index_cast %parallel_loop3A_560 : i32 to index
          %parallel_loop3A_612 = arith.constant 48 : index
          %parallel_loop3A_613 = tpu.vector_load %arg8[%parallel_loop3A_610, %parallel_loop3A_611, %parallel_loop3A_612] {strides = array<i32>} : memref<2x128x256xf32, #tpu.memory_space<vmem>>, vector<1x1x16xf32>,
          %parallel_loop3A_614 = vector.shape_cast %parallel_loop3A_613 : vector<1x1x16xf32> to vector<16xf32>
          %parallel_loop3A_615 = arith.constant 1 : i32
          %parallel_loop3A_616 = arith.addi %parallel_loop3A_560, %parallel_loop3A_615 : i32
          %parallel_loop3A_617 = arith.constant 0 : i32
          %parallel_loop3A_618 = arith.index_cast %parallel_loop3A_617 : i32 to index
          %parallel_loop3A_619 = arith.index_cast %parallel_loop3A_616 : i32 to index
          %parallel_loop3A_620 = arith.constant 48 : index
          %parallel_loop3A_621 = tpu.vector_load %arg8[%parallel_loop3A_618, %parallel_loop3A_619, %parallel_loop3A_620] {strides = array<i32>} : memref<2x128x256xf32, #tpu.memory_space<vmem>>, vector<1x1x16xf32>,
          %parallel_loop3A_622 = vector.shape_cast %parallel_loop3A_621 : vector<1x1x16xf32> to vector<16xf32>
          %parallel_loop3A_623 = arith.maximumf %parallel_loop3A_614, %parallel_loop3A_622 : vector<16xf32>
          %parallel_loop3A_624 = arith.maximumf %parallel_loop3A_546, %parallel_loop3A_623 : vector<16xf32>
          %parallel_loop3A_625 = arith.constant 0 : i32
          %parallel_loop3A_626 = arith.index_cast %parallel_loop3A_625 : i32 to index
          %parallel_loop3A_627 = arith.index_cast %parallel_loop3A_560 : i32 to index
          %parallel_loop3A_628 = arith.constant 64 : index
          %parallel_loop3A_629 = tpu.vector_load %arg8[%parallel_loop3A_626, %parallel_loop3A_627, %parallel_loop3A_628] {strides = array<i32>} : memref<2x128x256xf32, #tpu.memory_space<vmem>>, vector<1x1x16xf32>,
          %parallel_loop3A_630 = vector.shape_cast %parallel_loop3A_629 : vector<1x1x16xf32> to vector<16xf32>
          %parallel_loop3A_631 = arith.constant 1 : i32
          %parallel_loop3A_632 = arith.addi %parallel_loop3A_560, %parallel_loop3A_631 : i32
          %parallel_loop3A_633 = arith.constant 0 : i32
          %parallel_loop3A_634 = arith.index_cast %parallel_loop3A_633 : i32 to index
          %parallel_loop3A_635 = arith.index_cast %parallel_loop3A_632 : i32 to index
          %parallel_loop3A_636 = arith.constant 64 : index
          %parallel_loop3A_637 = tpu.vector_load %arg8[%parallel_loop3A_634, %parallel_loop3A_635, %parallel_loop3A_636] {strides = array<i32>} : memref<2x128x256xf32, #tpu.memory_space<vmem>>, vector<1x1x16xf32>,
          %parallel_loop3A_638 = vector.shape_cast %parallel_loop3A_637 : vector<1x1x16xf32> to vector<16xf32>
          %parallel_loop3A_639 = arith.maximumf %parallel_loop3A_630, %parallel_loop3A_638 : vector<16xf32>
          %parallel_loop3A_640 = arith.maximumf %parallel_loop3A_547, %parallel_loop3A_639 : vector<16xf32>
          %parallel_loop3A_641 = arith.constant 0 : i32
          %parallel_loop3A_642 = arith.index_cast %parallel_loop3A_641 : i32 to index
          %parallel_loop3A_643 = arith.index_cast %parallel_loop3A_560 : i32 to index
          %parallel_loop3A_644 = arith.constant 80 : index
          %parallel_loop3A_645 = tpu.vector_load %arg8[%parallel_loop3A_642, %parallel_loop3A_643, %parallel_loop3A_644] {strides = array<i32>} : memref<2x128x256xf32, #tpu.memory_space<vmem>>, vector<1x1x16xf32>,
          %parallel_loop3A_646 = vector.shape_cast %parallel_loop3A_645 : vector<1x1x16xf32> to vector<16xf32>
          %parallel_loop3A_647 = arith.constant 1 : i32
          %parallel_loop3A_648 = arith.addi %parallel_loop3A_560, %parallel_loop3A_647 : i32
          %parallel_loop3A_649 = arith.constant 0 : i32
          %parallel_loop3A_650 = arith.index_cast %parallel_loop3A_649 : i32 to index
          %parallel_loop3A_651 = arith.index_cast %parallel_loop3A_648 : i32 to index
          %parallel_loop3A_652 = arith.constant 80 : index
          %parallel_loop3A_653 = tpu.vector_load %arg8[%parallel_loop3A_650, %parallel_loop3A_651, %parallel_loop3A_652] {strides = array<i32>} : memref<2x128x256xf32, #tpu.memory_space<vmem>>, vector<1x1x16xf32>,
          %parallel_loop3A_654 = vector.shape_cast %parallel_loop3A_653 : vector<1x1x16xf32> to vector<16xf32>
          %parallel_loop3A_655 = arith.maximumf %parallel_loop3A_646, %parallel_loop3A_654 : vector<16xf32>
          %parallel_loop3A_656 = arith.maximumf %parallel_loop3A_548, %parallel_loop3A_655 : vector<16xf32>
          %parallel_loop3A_657 = arith.constant 0 : i32
          %parallel_loop3A_658 = arith.index_cast %parallel_loop3A_657 : i32 to index
          %parallel_loop3A_659 = arith.index_cast %parallel_loop3A_560 : i32 to index
          %parallel_loop3A_660 = arith.constant 96 : index
          %parallel_loop3A_661 = tpu.vector_load %arg8[%parallel_loop3A_658, %parallel_loop3A_659, %parallel_loop3A_660] {strides = array<i32>} : memref<2x128x256xf32, #tpu.memory_space<vmem>>, vector<1x1x16xf32>,
          %parallel_loop3A_662 = vector.shape_cast %parallel_loop3A_661 : vector<1x1x16xf32> to vector<16xf32>
          %parallel_loop3A_663 = arith.constant 1 : i32
          %parallel_loop3A_664 = arith.addi %parallel_loop3A_560, %parallel_loop3A_663 : i32
          %parallel_loop3A_665 = arith.constant 0 : i32
          %parallel_loop3A_666 = arith.index_cast %parallel_loop3A_665 : i32 to index
          %parallel_loop3A_667 = arith.index_cast %parallel_loop3A_664 : i32 to index
          %parallel_loop3A_668 = arith.constant 96 : index
          %parallel_loop3A_669 = tpu.vector_load %arg8[%parallel_loop3A_666, %parallel_loop3A_667, %parallel_loop3A_668] {strides = array<i32>} : memref<2x128x256xf32, #tpu.memory_space<vmem>>, vector<1x1x16xf32>,
          %parallel_loop3A_670 = vector.shape_cast %parallel_loop3A_669 : vector<1x1x16xf32> to vector<16xf32>
          %parallel_loop3A_671 = arith.maximumf %parallel_loop3A_662, %parallel_loop3A_670 : vector<16xf32>
          %parallel_loop3A_672 = arith.maximumf %parallel_loop3A_549, %parallel_loop3A_671 : vector<16xf32>
          %parallel_loop3A_673 = arith.constant 0 : i32
          %parallel_loop3A_674 = arith.index_cast %parallel_loop3A_673 : i32 to index
          %parallel_loop3A_675 = arith.index_cast %parallel_loop3A_560 : i32 to index
          %parallel_loop3A_676 = arith.constant 112 : index
          %parallel_loop3A_677 = tpu.vector_load %arg8[%parallel_loop3A_674, %parallel_loop3A_675, %parallel_loop3A_676] {strides = array<i32>} : memref<2x128x256xf32, #tpu.memory_space<vmem>>, vector<1x1x16xf32>,
          %parallel_loop3A_678 = vector.shape_cast %parallel_loop3A_677 : vector<1x1x16xf32> to vector<16xf32>
          %parallel_loop3A_679 = arith.constant 1 : i32
          %parallel_loop3A_680 = arith.addi %parallel_loop3A_560, %parallel_loop3A_679 : i32
          %parallel_loop3A_681 = arith.constant 0 : i32
          %parallel_loop3A_682 = arith.index_cast %parallel_loop3A_681 : i32 to index
          %parallel_loop3A_683 = arith.index_cast %parallel_loop3A_680 : i32 to index
          %parallel_loop3A_684 = arith.constant 112 : index
          %parallel_loop3A_685 = tpu.vector_load %arg8[%parallel_loop3A_682, %parallel_loop3A_683, %parallel_loop3A_684] {strides = array<i32>} : memref<2x128x256xf32, #tpu.memory_space<vmem>>, vector<1x1x16xf32>,
          %parallel_loop3A_686 = vector.shape_cast %parallel_loop3A_685 : vector<1x1x16xf32> to vector<16xf32>
          %parallel_loop3A_687 = arith.maximumf %parallel_loop3A_678, %parallel_loop3A_686 : vector<16xf32>
          %parallel_loop3A_688 = arith.maximumf %parallel_loop3A_550, %parallel_loop3A_687 : vector<16xf32>
          %parallel_loop3A_689 = arith.constant 0 : i32
          %parallel_loop3A_690 = arith.index_cast %parallel_loop3A_689 : i32 to index
          %parallel_loop3A_691 = arith.index_cast %parallel_loop3A_560 : i32 to index
          %parallel_loop3A_692 = arith.constant 128 : index
          %parallel_loop3A_693 = tpu.vector_load %arg8[%parallel_loop3A_690, %parallel_loop3A_691, %parallel_loop3A_692] {strides = array<i32>} : memref<2x128x256xf32, #tpu.memory_space<vmem>>, vector<1x1x16xf32>,
          %parallel_loop3A_694 = vector.shape_cast %parallel_loop3A_693 : vector<1x1x16xf32> to vector<16xf32>
          %parallel_loop3A_695 = arith.constant 1 : i32
          %parallel_loop3A_696 = arith.addi %parallel_loop3A_560, %parallel_loop3A_695 : i32
          %parallel_loop3A_697 = arith.constant 0 : i32
          %parallel_loop3A_698 = arith.index_cast %parallel_loop3A_697 : i32 to index
          %parallel_loop3A_699 = arith.index_cast %parallel_loop3A_696 : i32 to index
          %parallel_loop3A_700 = arith.constant 128 : index
          %parallel_loop3A_701 = tpu.vector_load %arg8[%parallel_loop3A_698, %parallel_loop3A_699, %parallel_loop3A_700] {strides = array<i32>} : memref<2x128x256xf32, #tpu.memory_space<vmem>>, vector<1x1x16xf32>,
          %parallel_loop3A_702 = vector.shape_cast %parallel_loop3A_701 : vector<1x1x16xf32> to vector<16xf32>
          %parallel_loop3A_703 = arith.maximumf %parallel_loop3A_694, %parallel_loop3A_702 : vector<16xf32>
          %parallel_loop3A_704 = arith.maximumf %parallel_loop3A_551, %parallel_loop3A_703 : vector<16xf32>
          %parallel_loop3A_705 = arith.constant 0 : i32
          %parallel_loop3A_706 = arith.index_cast %parallel_loop3A_705 : i32 to index
          %parallel_loop3A_707 = arith.index_cast %parallel_loop3A_560 : i32 to index
          %parallel_loop3A_708 = arith.constant 144 : index
          %parallel_loop3A_709 = tpu.vector_load %arg8[%parallel_loop3A_706, %parallel_loop3A_707, %parallel_loop3A_708] {strides = array<i32>} : memref<2x128x256xf32, #tpu.memory_space<vmem>>, vector<1x1x16xf32>,
          %parallel_loop3A_710 = vector.shape_cast %parallel_loop3A_709 : vector<1x1x16xf32> to vector<16xf32>
          %parallel_loop3A_711 = arith.constant 1 : i32
          %parallel_loop3A_712 = arith.addi %parallel_loop3A_560, %parallel_loop3A_711 : i32
          %parallel_loop3A_713 = arith.constant 0 : i32
          %parallel_loop3A_714 = arith.index_cast %parallel_loop3A_713 : i32 to index
          %parallel_loop3A_715 = arith.index_cast %parallel_loop3A_712 : i32 to index
          %parallel_loop3A_716 = arith.constant 144 : index
          %parallel_loop3A_717 = tpu.vector_load %arg8[%parallel_loop3A_714, %parallel_loop3A_715, %parallel_loop3A_716] {strides = array<i32>} : memref<2x128x256xf32, #tpu.memory_space<vmem>>, vector<1x1x16xf32>,
          %parallel_loop3A_718 = vector.shape_cast %parallel_loop3A_717 : vector<1x1x16xf32> to vector<16xf32>
          %parallel_loop3A_719 = arith.maximumf %parallel_loop3A_710, %parallel_loop3A_718 : vector<16xf32>
          %parallel_loop3A_720 = arith.maximumf %parallel_loop3A_552, %parallel_loop3A_719 : vector<16xf32>
          %parallel_loop3A_721 = arith.constant 0 : i32
          %parallel_loop3A_722 = arith.index_cast %parallel_loop3A_721 : i32 to index
          %parallel_loop3A_723 = arith.index_cast %parallel_loop3A_560 : i32 to index
          %parallel_loop3A_724 = arith.constant 160 : index
          %parallel_loop3A_725 = tpu.vector_load %arg8[%parallel_loop3A_722, %parallel_loop3A_723, %parallel_loop3A_724] {strides = array<i32>} : memref<2x128x256xf32, #tpu.memory_space<vmem>>, vector<1x1x16xf32>,
          %parallel_loop3A_726 = vector.shape_cast %parallel_loop3A_725 : vector<1x1x16xf32> to vector<16xf32>
          %parallel_loop3A_727 = arith.constant 1 : i32
          %parallel_loop3A_728 = arith.addi %parallel_loop3A_560, %parallel_loop3A_727 : i32
          %parallel_loop3A_729 = arith.constant 0 : i32
          %parallel_loop3A_730 = arith.index_cast %parallel_loop3A_729 : i32 to index
          %parallel_loop3A_731 = arith.index_cast %parallel_loop3A_728 : i32 to index
          %parallel_loop3A_732 = arith.constant 160 : index
          %parallel_loop3A_733 = tpu.vector_load %arg8[%parallel_loop3A_730, %parallel_loop3A_731, %parallel_loop3A_732] {strides = array<i32>} : memref<2x128x256xf32, #tpu.memory_space<vmem>>, vector<1x1x16xf32>,
          %parallel_loop3A_734 = vector.shape_cast %parallel_loop3A_733 : vector<1x1x16xf32> to vector<16xf32>
          %parallel_loop3A_735 = arith.maximumf %parallel_loop3A_726, %parallel_loop3A_734 : vector<16xf32>
          %parallel_loop3A_736 = arith.maximumf %parallel_loop3A_553, %parallel_loop3A_735 : vector<16xf32>
          %parallel_loop3A_737 = arith.constant 0 : i32
          %parallel_loop3A_738 = arith.index_cast %parallel_loop3A_737 : i32 to index
          %parallel_loop3A_739 = arith.index_cast %parallel_loop3A_560 : i32 to index
          %parallel_loop3A_740 = arith.constant 176 : index
          %parallel_loop3A_741 = tpu.vector_load %arg8[%parallel_loop3A_738, %parallel_loop3A_739, %parallel_loop3A_740] {strides = array<i32>} : memref<2x128x256xf32, #tpu.memory_space<vmem>>, vector<1x1x16xf32>,
          %parallel_loop3A_742 = vector.shape_cast %parallel_loop3A_741 : vector<1x1x16xf32> to vector<16xf32>
          %parallel_loop3A_743 = arith.constant 1 : i32
          %parallel_loop3A_744 = arith.addi %parallel_loop3A_560, %parallel_loop3A_743 : i32
          %parallel_loop3A_745 = arith.constant 0 : i32
          %parallel_loop3A_746 = arith.index_cast %parallel_loop3A_745 : i32 to index
          %parallel_loop3A_747 = arith.index_cast %parallel_loop3A_744 : i32 to index
          %parallel_loop3A_748 = arith.constant 176 : index
          %parallel_loop3A_749 = tpu.vector_load %arg8[%parallel_loop3A_746, %parallel_loop3A_747, %parallel_loop3A_748] {strides = array<i32>} : memref<2x128x256xf32, #tpu.memory_space<vmem>>, vector<1x1x16xf32>,
          %parallel_loop3A_750 = vector.shape_cast %parallel_loop3A_749 : vector<1x1x16xf32> to vector<16xf32>
          %parallel_loop3A_751 = arith.maximumf %parallel_loop3A_742, %parallel_loop3A_750 : vector<16xf32>
          %parallel_loop3A_752 = arith.maximumf %parallel_loop3A_554, %parallel_loop3A_751 : vector<16xf32>
          %parallel_loop3A_753 = arith.constant 0 : i32
          %parallel_loop3A_754 = arith.index_cast %parallel_loop3A_753 : i32 to index
          %parallel_loop3A_755 = arith.index_cast %parallel_loop3A_560 : i32 to index
          %parallel_loop3A_756 = arith.constant 192 : index
          %parallel_loop3A_757 = tpu.vector_load %arg8[%parallel_loop3A_754, %parallel_loop3A_755, %parallel_loop3A_756] {strides = array<i32>} : memref<2x128x256xf32, #tpu.memory_space<vmem>>, vector<1x1x16xf32>,
          %parallel_loop3A_758 = vector.shape_cast %parallel_loop3A_757 : vector<1x1x16xf32> to vector<16xf32>
          %parallel_loop3A_759 = arith.constant 1 : i32
          %parallel_loop3A_760 = arith.addi %parallel_loop3A_560, %parallel_loop3A_759 : i32
          %parallel_loop3A_761 = arith.constant 0 : i32
          %parallel_loop3A_762 = arith.index_cast %parallel_loop3A_761 : i32 to index
          %parallel_loop3A_763 = arith.index_cast %parallel_loop3A_760 : i32 to index
          %parallel_loop3A_764 = arith.constant 192 : index
          %parallel_loop3A_765 = tpu.vector_load %arg8[%parallel_loop3A_762, %parallel_loop3A_763, %parallel_loop3A_764] {strides = array<i32>} : memref<2x128x256xf32, #tpu.memory_space<vmem>>, vector<1x1x16xf32>,
          %parallel_loop3A_766 = vector.shape_cast %parallel_loop3A_765 : vector<1x1x16xf32> to vector<16xf32>
          %parallel_loop3A_767 = arith.maximumf %parallel_loop3A_758, %parallel_loop3A_766 : vector<16xf32>
          %parallel_loop3A_768 = arith.maximumf %parallel_loop3A_555, %parallel_loop3A_767 : vector<16xf32>
          %parallel_loop3A_769 = arith.constant 0 : i32
          %parallel_loop3A_770 = arith.index_cast %parallel_loop3A_769 : i32 to index
          %parallel_loop3A_771 = arith.index_cast %parallel_loop3A_560 : i32 to index
          %parallel_loop3A_772 = arith.constant 208 : index
          %parallel_loop3A_773 = tpu.vector_load %arg8[%parallel_loop3A_770, %parallel_loop3A_771, %parallel_loop3A_772] {strides = array<i32>} : memref<2x128x256xf32, #tpu.memory_space<vmem>>, vector<1x1x16xf32>,
          %parallel_loop3A_774 = vector.shape_cast %parallel_loop3A_773 : vector<1x1x16xf32> to vector<16xf32>
          %parallel_loop3A_775 = arith.constant 1 : i32
          %parallel_loop3A_776 = arith.addi %parallel_loop3A_560, %parallel_loop3A_775 : i32
          %parallel_loop3A_777 = arith.constant 0 : i32
          %parallel_loop3A_778 = arith.index_cast %parallel_loop3A_777 : i32 to index
          %parallel_loop3A_779 = arith.index_cast %parallel_loop3A_776 : i32 to index
          %parallel_loop3A_780 = arith.constant 208 : index
          %parallel_loop3A_781 = tpu.vector_load %arg8[%parallel_loop3A_778, %parallel_loop3A_779, %parallel_loop3A_780] {strides = array<i32>} : memref<2x128x256xf32, #tpu.memory_space<vmem>>, vector<1x1x16xf32>,
          %parallel_loop3A_782 = vector.shape_cast %parallel_loop3A_781 : vector<1x1x16xf32> to vector<16xf32>
          %parallel_loop3A_783 = arith.maximumf %parallel_loop3A_774, %parallel_loop3A_782 : vector<16xf32>
          %parallel_loop3A_784 = arith.maximumf %parallel_loop3A_556, %parallel_loop3A_783 : vector<16xf32>
          %parallel_loop3A_785 = arith.constant 0 : i32
          %parallel_loop3A_786 = arith.index_cast %parallel_loop3A_785 : i32 to index
          %parallel_loop3A_787 = arith.index_cast %parallel_loop3A_560 : i32 to index
          %parallel_loop3A_788 = arith.constant 224 : index
          %parallel_loop3A_789 = tpu.vector_load %arg8[%parallel_loop3A_786, %parallel_loop3A_787, %parallel_loop3A_788] {strides = array<i32>} : memref<2x128x256xf32, #tpu.memory_space<vmem>>, vector<1x1x16xf32>,
          %parallel_loop3A_790 = vector.shape_cast %parallel_loop3A_789 : vector<1x1x16xf32> to vector<16xf32>
          %parallel_loop3A_791 = arith.constant 1 : i32
          %parallel_loop3A_792 = arith.addi %parallel_loop3A_560, %parallel_loop3A_791 : i32
          %parallel_loop3A_793 = arith.constant 0 : i32
          %parallel_loop3A_794 = arith.index_cast %parallel_loop3A_793 : i32 to index
          %parallel_loop3A_795 = arith.index_cast %parallel_loop3A_792 : i32 to index
          %parallel_loop3A_796 = arith.constant 224 : index
          %parallel_loop3A_797 = tpu.vector_load %arg8[%parallel_loop3A_794, %parallel_loop3A_795, %parallel_loop3A_796] {strides = array<i32>} : memref<2x128x256xf32, #tpu.memory_space<vmem>>, vector<1x1x16xf32>,
          %parallel_loop3A_798 = vector.shape_cast %parallel_loop3A_797 : vector<1x1x16xf32> to vector<16xf32>
          %parallel_loop3A_799 = arith.maximumf %parallel_loop3A_790, %parallel_loop3A_798 : vector<16xf32>
          %parallel_loop3A_800 = arith.maximumf %parallel_loop3A_557, %parallel_loop3A_799 : vector<16xf32>
          %parallel_loop3A_801 = arith.constant 0 : i32
          %parallel_loop3A_802 = arith.index_cast %parallel_loop3A_801 : i32 to index
          %parallel_loop3A_803 = arith.index_cast %parallel_loop3A_560 : i32 to index
          %parallel_loop3A_804 = arith.constant 240 : index
          %parallel_loop3A_805 = tpu.vector_load %arg8[%parallel_loop3A_802, %parallel_loop3A_803, %parallel_loop3A_804] {strides = array<i32>} : memref<2x128x256xf32, #tpu.memory_space<vmem>>, vector<1x1x16xf32>,
          %parallel_loop3A_806 = vector.shape_cast %parallel_loop3A_805 : vector<1x1x16xf32> to vector<16xf32>
          %parallel_loop3A_807 = arith.constant 1 : i32
          %parallel_loop3A_808 = arith.addi %parallel_loop3A_560, %parallel_loop3A_807 : i32
          %parallel_loop3A_809 = arith.constant 0 : i32
          %parallel_loop3A_810 = arith.index_cast %parallel_loop3A_809 : i32 to index
          %parallel_loop3A_811 = arith.index_cast %parallel_loop3A_808 : i32 to index
          %parallel_loop3A_812 = arith.constant 240 : index
          %parallel_loop3A_813 = tpu.vector_load %arg8[%parallel_loop3A_810, %parallel_loop3A_811, %parallel_loop3A_812] {strides = array<i32>} : memref<2x128x256xf32, #tpu.memory_space<vmem>>, vector<1x1x16xf32>,
          %parallel_loop3A_814 = vector.shape_cast %parallel_loop3A_813 : vector<1x1x16xf32> to vector<16xf32>
          %parallel_loop3A_815 = arith.maximumf %parallel_loop3A_806, %parallel_loop3A_814 : vector<16xf32>
          %parallel_loop3A_816 = arith.maximumf %parallel_loop3A_558, %parallel_loop3A_815 : vector<16xf32>
          scf.yield %parallel_loop3A_576, %parallel_loop3A_592, %parallel_loop3A_608, %parallel_loop3A_624, %parallel_loop3A_640, %parallel_loop3A_656, %parallel_loop3A_672, %parallel_loop3A_688, %parallel_loop3A_704, %parallel_loop3A_720, %parallel_loop3A_736, %parallel_loop3A_752, %parallel_loop3A_768, %parallel_loop3A_784, %parallel_loop3A_800, %parallel_loop3A_816 : vector<16xf32>, vector<16xf32>, vector<16xf32>, vector<16xf32>, vector<16xf32>, vector<16xf32>, vector<16xf32>, vector<16xf32>, vector<16xf32>, vector<16xf32>, vector<16xf32>, vector<16xf32>, vector<16xf32>, vector<16xf32>, vector<16xf32>, vector<16xf32>
        } {sc.loop_unroll_factor = 8 : i64, sc.parallel_access}
        %get3A_383 = arith.index_cast %squeeze3A : i32 to index
        %get3A_384 = arith.constant 0 : index
        %get3A_385 = tpu.vector_load %arg9[%get3A_383, %get3A_384] {strides = array<i32>} : memref<16x256xf32, #tpu.memory_space<vmem>>, vector<1x16xf32>,
        %get3A_386 = vector.shape_cast %get3A_385 : vector<1x16xf32> to vector<16xf32>
        %max3A_387 = arith.maximumf %get3A_386, %parallel_loop3A_382#0 : vector<16xf32>
        %swap3A = arith.index_cast %squeeze3A : i32 to index
        %swap3A_388 = arith.constant 0 : index
        %swap3A_389 = tpu.vector_load %arg9[%swap3A, %swap3A_388] {strides = array<i32>} : memref<16x256xf32, #tpu.memory_space<vmem>>, vector<1x16xf32>,
        %swap3A_390 = vector.shape_cast %swap3A_389 : vector<1x16xf32> to vector<16xf32>
        %swap3A_391 = vector.shape_cast %max3A_387 : vector<16xf32> to vector<1x16xf32>
        tpu.vector_store %arg9[%swap3A, %swap3A_388], %swap3A_391 {strides = array<i32>} : memref<16x256xf32, #tpu.memory_space<vmem>>, vector<1x16xf32>,
        %get3A_392 = arith.index_cast %squeeze3A : i32 to index
        %get3A_393 = arith.constant 16 : index
        %get3A_394 = tpu.vector_load %arg9[%get3A_392, %get3A_393] {strides = array<i32>} : memref<16x256xf32, #tpu.memory_space<vmem>>, vector<1x16xf32>,
        %get3A_395 = vector.shape_cast %get3A_394 : vector<1x16xf32> to vector<16xf32>
        %max3A_396 = arith.maximumf %get3A_395, %parallel_loop3A_382#1 : vector<16xf32>
        %swap3A_397 = arith.index_cast %squeeze3A : i32 to index
        %swap3A_398 = arith.constant 16 : index
        %swap3A_399 = tpu.vector_load %arg9[%swap3A_397, %swap3A_398] {strides = array<i32>} : memref<16x256xf32, #tpu.memory_space<vmem>>, vector<1x16xf32>,
        %swap3A_400 = vector.shape_cast %swap3A_399 : vector<1x16xf32> to vector<16xf32>
        %swap3A_401 = vector.shape_cast %max3A_396 : vector<16xf32> to vector<1x16xf32>
        tpu.vector_store %arg9[%swap3A_397, %swap3A_398], %swap3A_401 {strides = array<i32>} : memref<16x256xf32, #tpu.memory_space<vmem>>, vector<1x16xf32>,
        %get3A_402 = arith.index_cast %squeeze3A : i32 to index
        %get3A_403 = arith.constant 32 : index
        %get3A_404 = tpu.vector_load %arg9[%get3A_402, %get3A_403] {strides = array<i32>} : memref<16x256xf32, #tpu.memory_space<vmem>>, vector<1x16xf32>,
        %get3A_405 = vector.shape_cast %get3A_404 : vector<1x16xf32> to vector<16xf32>
        %max3A_406 = arith.maximumf %get3A_405, %parallel_loop3A_382#2 : vector<16xf32>
        %swap3A_407 = arith.index_cast %squeeze3A : i32 to index
        %swap3A_408 = arith.constant 32 : index
        %swap3A_409 = tpu.vector_load %arg9[%swap3A_407, %swap3A_408] {strides = array<i32>} : memref<16x256xf32, #tpu.memory_space<vmem>>, vector<1x16xf32>,
        %swap3A_410 = vector.shape_cast %swap3A_409 : vector<1x16xf32> to vector<16xf32>
        %swap3A_411 = vector.shape_cast %max3A_406 : vector<16xf32> to vector<1x16xf32>
        tpu.vector_store %arg9[%swap3A_407, %swap3A_408], %swap3A_411 {strides = array<i32>} : memref<16x256xf32, #tpu.memory_space<vmem>>, vector<1x16xf32>,
        %get3A_412 = arith.index_cast %squeeze3A : i32 to index
        %get3A_413 = arith.constant 48 : index
        %get3A_414 = tpu.vector_load %arg9[%get3A_412, %get3A_413] {strides = array<i32>} : memref<16x256xf32, #tpu.memory_space<vmem>>, vector<1x16xf32>,
        %get3A_415 = vector.shape_cast %get3A_414 : vector<1x16xf32> to vector<16xf32>
        %max3A_416 = arith.maximumf %get3A_415, %parallel_loop3A_382#3 : vector<16xf32>
        %swap3A_417 = arith.index_cast %squeeze3A : i32 to index
        %swap3A_418 = arith.constant 48 : index
        %swap3A_419 = tpu.vector_load %arg9[%swap3A_417, %swap3A_418] {strides = array<i32>} : memref<16x256xf32, #tpu.memory_space<vmem>>, vector<1x16xf32>,
        %swap3A_420 = vector.shape_cast %swap3A_419 : vector<1x16xf32> to vector<16xf32>
        %swap3A_421 = vector.shape_cast %max3A_416 : vector<16xf32> to vector<1x16xf32>
        tpu.vector_store %arg9[%swap3A_417, %swap3A_418], %swap3A_421 {strides = array<i32>} : memref<16x256xf32, #tpu.memory_space<vmem>>, vector<1x16xf32>,
        %get3A_422 = arith.index_cast %squeeze3A : i32 to index
        %get3A_423 = arith.constant 64 : index
        %get3A_424 = tpu.vector_load %arg9[%get3A_422, %get3A_423] {strides = array<i32>} : memref<16x256xf32, #tpu.memory_space<vmem>>, vector<1x16xf32>,
        %get3A_425 = vector.shape_cast %get3A_424 : vector<1x16xf32> to vector<16xf32>
        %max3A_426 = arith.maximumf %get3A_425, %parallel_loop3A_382#4 : vector<16xf32>
        %swap3A_427 = arith.index_cast %squeeze3A : i32 to index
        %swap3A_428 = arith.constant 64 : index
        %swap3A_429 = tpu.vector_load %arg9[%swap3A_427, %swap3A_428] {strides = array<i32>} : memref<16x256xf32, #tpu.memory_space<vmem>>, vector<1x16xf32>,
        %swap3A_430 = vector.shape_cast %swap3A_429 : vector<1x16xf32> to vector<16xf32>
        %swap3A_431 = vector.shape_cast %max3A_426 : vector<16xf32> to vector<1x16xf32>
        tpu.vector_store %arg9[%swap3A_427, %swap3A_428], %swap3A_431 {strides = array<i32>} : memref<16x256xf32, #tpu.memory_space<vmem>>, vector<1x16xf32>,
        %get3A_432 = arith.index_cast %squeeze3A : i32 to index
        %get3A_433 = arith.constant 80 : index
        %get3A_434 = tpu.vector_load %arg9[%get3A_432, %get3A_433] {strides = array<i32>} : memref<16x256xf32, #tpu.memory_space<vmem>>, vector<1x16xf32>,
        %get3A_435 = vector.shape_cast %get3A_434 : vector<1x16xf32> to vector<16xf32>
        %max3A_436 = arith.maximumf %get3A_435, %parallel_loop3A_382#5 : vector<16xf32>
        %swap3A_437 = arith.index_cast %squeeze3A : i32 to index
        %swap3A_438 = arith.constant 80 : index
        %swap3A_439 = tpu.vector_load %arg9[%swap3A_437, %swap3A_438] {strides = array<i32>} : memref<16x256xf32, #tpu.memory_space<vmem>>, vector<1x16xf32>,
        %swap3A_440 = vector.shape_cast %swap3A_439 : vector<1x16xf32> to vector<16xf32>
        %swap3A_441 = vector.shape_cast %max3A_436 : vector<16xf32> to vector<1x16xf32>
        tpu.vector_store %arg9[%swap3A_437, %swap3A_438], %swap3A_441 {strides = array<i32>} : memref<16x256xf32, #tpu.memory_space<vmem>>, vector<1x16xf32>,
        %get3A_442 = arith.index_cast %squeeze3A : i32 to index
        %get3A_443 = arith.constant 96 : index
        %get3A_444 = tpu.vector_load %arg9[%get3A_442, %get3A_443] {strides = array<i32>} : memref<16x256xf32, #tpu.memory_space<vmem>>, vector<1x16xf32>,
        %get3A_445 = vector.shape_cast %get3A_444 : vector<1x16xf32> to vector<16xf32>
        %max3A_446 = arith.maximumf %get3A_445, %parallel_loop3A_382#6 : vector<16xf32>
        %swap3A_447 = arith.index_cast %squeeze3A : i32 to index
        %swap3A_448 = arith.constant 96 : index
        %swap3A_449 = tpu.vector_load %arg9[%swap3A_447, %swap3A_448] {strides = array<i32>} : memref<16x256xf32, #tpu.memory_space<vmem>>, vector<1x16xf32>,
        %swap3A_450 = vector.shape_cast %swap3A_449 : vector<1x16xf32> to vector<16xf32>
        %swap3A_451 = vector.shape_cast %max3A_446 : vector<16xf32> to vector<1x16xf32>
        tpu.vector_store %arg9[%swap3A_447, %swap3A_448], %swap3A_451 {strides = array<i32>} : memref<16x256xf32, #tpu.memory_space<vmem>>, vector<1x16xf32>,
        %get3A_452 = arith.index_cast %squeeze3A : i32 to index
        %get3A_453 = arith.constant 112 : index
        %get3A_454 = tpu.vector_load %arg9[%get3A_452, %get3A_453] {strides = array<i32>} : memref<16x256xf32, #tpu.memory_space<vmem>>, vector<1x16xf32>,
        %get3A_455 = vector.shape_cast %get3A_454 : vector<1x16xf32> to vector<16xf32>
        %max3A_456 = arith.maximumf %get3A_455, %parallel_loop3A_382#7 : vector<16xf32>
        %swap3A_457 = arith.index_cast %squeeze3A : i32 to index
        %swap3A_458 = arith.constant 112 : index
        %swap3A_459 = tpu.vector_load %arg9[%swap3A_457, %swap3A_458] {strides = array<i32>} : memref<16x256xf32, #tpu.memory_space<vmem>>, vector<1x16xf32>,
        %swap3A_460 = vector.shape_cast %swap3A_459 : vector<1x16xf32> to vector<16xf32>
        %swap3A_461 = vector.shape_cast %max3A_456 : vector<16xf32> to vector<1x16xf32>
        tpu.vector_store %arg9[%swap3A_457, %swap3A_458], %swap3A_461 {strides = array<i32>} : memref<16x256xf32, #tpu.memory_space<vmem>>, vector<1x16xf32>,
        %get3A_462 = arith.index_cast %squeeze3A : i32 to index
        %get3A_463 = arith.constant 128 : index
        %get3A_464 = tpu.vector_load %arg9[%get3A_462, %get3A_463] {strides = array<i32>} : memref<16x256xf32, #tpu.memory_space<vmem>>, vector<1x16xf32>,
        %get3A_465 = vector.shape_cast %get3A_464 : vector<1x16xf32> to vector<16xf32>
        %max3A_466 = arith.maximumf %get3A_465, %parallel_loop3A_382#8 : vector<16xf32>
        %swap3A_467 = arith.index_cast %squeeze3A : i32 to index
        %swap3A_468 = arith.constant 128 : index
        %swap3A_469 = tpu.vector_load %arg9[%swap3A_467, %swap3A_468] {strides = array<i32>} : memref<16x256xf32, #tpu.memory_space<vmem>>, vector<1x16xf32>,
        %swap3A_470 = vector.shape_cast %swap3A_469 : vector<1x16xf32> to vector<16xf32>
        %swap3A_471 = vector.shape_cast %max3A_466 : vector<16xf32> to vector<1x16xf32>
        tpu.vector_store %arg9[%swap3A_467, %swap3A_468], %swap3A_471 {strides = array<i32>} : memref<16x256xf32, #tpu.memory_space<vmem>>, vector<1x16xf32>,
        %get3A_472 = arith.index_cast %squeeze3A : i32 to index
        %get3A_473 = arith.constant 144 : index
        %get3A_474 = tpu.vector_load %arg9[%get3A_472, %get3A_473] {strides = array<i32>} : memref<16x256xf32, #tpu.memory_space<vmem>>, vector<1x16xf32>,
        %get3A_475 = vector.shape_cast %get3A_474 : vector<1x16xf32> to vector<16xf32>
        %max3A_476 = arith.maximumf %get3A_475, %parallel_loop3A_382#9 : vector<16xf32>
        %swap3A_477 = arith.index_cast %squeeze3A : i32 to index
        %swap3A_478 = arith.constant 144 : index
        %swap3A_479 = tpu.vector_load %arg9[%swap3A_477, %swap3A_478] {strides = array<i32>} : memref<16x256xf32, #tpu.memory_space<vmem>>, vector<1x16xf32>,
        %swap3A_480 = vector.shape_cast %swap3A_479 : vector<1x16xf32> to vector<16xf32>
        %swap3A_481 = vector.shape_cast %max3A_476 : vector<16xf32> to vector<1x16xf32>
        tpu.vector_store %arg9[%swap3A_477, %swap3A_478], %swap3A_481 {strides = array<i32>} : memref<16x256xf32, #tpu.memory_space<vmem>>, vector<1x16xf32>,
        %get3A_482 = arith.index_cast %squeeze3A : i32 to index
        %get3A_483 = arith.constant 160 : index
        %get3A_484 = tpu.vector_load %arg9[%get3A_482, %get3A_483] {strides = array<i32>} : memref<16x256xf32, #tpu.memory_space<vmem>>, vector<1x16xf32>,
        %get3A_485 = vector.shape_cast %get3A_484 : vector<1x16xf32> to vector<16xf32>
        %max3A_486 = arith.maximumf %get3A_485, %parallel_loop3A_382#10 : vector<16xf32>
        %swap3A_487 = arith.index_cast %squeeze3A : i32 to index
        %swap3A_488 = arith.constant 160 : index
        %swap3A_489 = tpu.vector_load %arg9[%swap3A_487, %swap3A_488] {strides = array<i32>} : memref<16x256xf32, #tpu.memory_space<vmem>>, vector<1x16xf32>,
        %swap3A_490 = vector.shape_cast %swap3A_489 : vector<1x16xf32> to vector<16xf32>
        %swap3A_491 = vector.shape_cast %max3A_486 : vector<16xf32> to vector<1x16xf32>
        tpu.vector_store %arg9[%swap3A_487, %swap3A_488], %swap3A_491 {strides = array<i32>} : memref<16x256xf32, #tpu.memory_space<vmem>>, vector<1x16xf32>,
        %get3A_492 = arith.index_cast %squeeze3A : i32 to index
        %get3A_493 = arith.constant 176 : index
        %get3A_494 = tpu.vector_load %arg9[%get3A_492, %get3A_493] {strides = array<i32>} : memref<16x256xf32, #tpu.memory_space<vmem>>, vector<1x16xf32>,
        %get3A_495 = vector.shape_cast %get3A_494 : vector<1x16xf32> to vector<16xf32>
        %max3A_496 = arith.maximumf %get3A_495, %parallel_loop3A_382#11 : vector<16xf32>
        %swap3A_497 = arith.index_cast %squeeze3A : i32 to index
        %swap3A_498 = arith.constant 176 : index
        %swap3A_499 = tpu.vector_load %arg9[%swap3A_497, %swap3A_498] {strides = array<i32>} : memref<16x256xf32, #tpu.memory_space<vmem>>, vector<1x16xf32>,
        %swap3A_500 = vector.shape_cast %swap3A_499 : vector<1x16xf32> to vector<16xf32>
        %swap3A_501 = vector.shape_cast %max3A_496 : vector<16xf32> to vector<1x16xf32>
        tpu.vector_store %arg9[%swap3A_497, %swap3A_498], %swap3A_501 {strides = array<i32>} : memref<16x256xf32, #tpu.memory_space<vmem>>, vector<1x16xf32>,
        %get3A_502 = arith.index_cast %squeeze3A : i32 to index
        %get3A_503 = arith.constant 192 : index
        %get3A_504 = tpu.vector_load %arg9[%get3A_502, %get3A_503] {strides = array<i32>} : memref<16x256xf32, #tpu.memory_space<vmem>>, vector<1x16xf32>,
        %get3A_505 = vector.shape_cast %get3A_504 : vector<1x16xf32> to vector<16xf32>
        %max3A_506 = arith.maximumf %get3A_505, %parallel_loop3A_382#12 : vector<16xf32>
        %swap3A_507 = arith.index_cast %squeeze3A : i32 to index
        %swap3A_508 = arith.constant 192 : index
        %swap3A_509 = tpu.vector_load %arg9[%swap3A_507, %swap3A_508] {strides = array<i32>} : memref<16x256xf32, #tpu.memory_space<vmem>>, vector<1x16xf32>,
        %swap3A_510 = vector.shape_cast %swap3A_509 : vector<1x16xf32> to vector<16xf32>
        %swap3A_511 = vector.shape_cast %max3A_506 : vector<16xf32> to vector<1x16xf32>
        tpu.vector_store %arg9[%swap3A_507, %swap3A_508], %swap3A_511 {strides = array<i32>} : memref<16x256xf32, #tpu.memory_space<vmem>>, vector<1x16xf32>,
        %get3A_512 = arith.index_cast %squeeze3A : i32 to index
        %get3A_513 = arith.constant 208 : index
        %get3A_514 = tpu.vector_load %arg9[%get3A_512, %get3A_513] {strides = array<i32>} : memref<16x256xf32, #tpu.memory_space<vmem>>, vector<1x16xf32>,
        %get3A_515 = vector.shape_cast %get3A_514 : vector<1x16xf32> to vector<16xf32>
        %max3A_516 = arith.maximumf %get3A_515, %parallel_loop3A_382#13 : vector<16xf32>
        %swap3A_517 = arith.index_cast %squeeze3A : i32 to index
        %swap3A_518 = arith.constant 208 : index
        %swap3A_519 = tpu.vector_load %arg9[%swap3A_517, %swap3A_518] {strides = array<i32>} : memref<16x256xf32, #tpu.memory_space<vmem>>, vector<1x16xf32>,
        %swap3A_520 = vector.shape_cast %swap3A_519 : vector<1x16xf32> to vector<16xf32>
        %swap3A_521 = vector.shape_cast %max3A_516 : vector<16xf32> to vector<1x16xf32>
        tpu.vector_store %arg9[%swap3A_517, %swap3A_518], %swap3A_521 {strides = array<i32>} : memref<16x256xf32, #tpu.memory_space<vmem>>, vector<1x16xf32>,
        %get3A_522 = arith.index_cast %squeeze3A : i32 to index
        %get3A_523 = arith.constant 224 : index
        %get3A_524 = tpu.vector_load %arg9[%get3A_522, %get3A_523] {strides = array<i32>} : memref<16x256xf32, #tpu.memory_space<vmem>>, vector<1x16xf32>,
        %get3A_525 = vector.shape_cast %get3A_524 : vector<1x16xf32> to vector<16xf32>
        %max3A_526 = arith.maximumf %get3A_525, %parallel_loop3A_382#14 : vector<16xf32>
        %swap3A_527 = arith.index_cast %squeeze3A : i32 to index
        %swap3A_528 = arith.constant 224 : index
        %swap3A_529 = tpu.vector_load %arg9[%swap3A_527, %swap3A_528] {strides = array<i32>} : memref<16x256xf32, #tpu.memory_space<vmem>>, vector<1x16xf32>,
        %swap3A_530 = vector.shape_cast %swap3A_529 : vector<1x16xf32> to vector<16xf32>
        %swap3A_531 = vector.shape_cast %max3A_526 : vector<16xf32> to vector<1x16xf32>
        tpu.vector_store %arg9[%swap3A_527, %swap3A_528], %swap3A_531 {strides = array<i32>} : memref<16x256xf32, #tpu.memory_space<vmem>>, vector<1x16xf32>,
        %get3A_532 = arith.index_cast %squeeze3A : i32 to index
        %get3A_533 = arith.constant 240 : index
        %get3A_534 = tpu.vector_load %arg9[%get3A_532, %get3A_533] {strides = array<i32>} : memref<16x256xf32, #tpu.memory_space<vmem>>, vector<1x16xf32>,
        %get3A_535 = vector.shape_cast %get3A_534 : vector<1x16xf32> to vector<16xf32>
        %max3A_536 = arith.maximumf %get3A_535, %parallel_loop3A_382#15 : vector<16xf32>
        %swap3A_537 = arith.index_cast %squeeze3A : i32 to index
        %swap3A_538 = arith.constant 240 : index
        %swap3A_539 = tpu.vector_load %arg9[%swap3A_537, %swap3A_538] {strides = array<i32>} : memref<16x256xf32, #tpu.memory_space<vmem>>, vector<1x16xf32>,
        %swap3A_540 = vector.shape_cast %swap3A_539 : vector<1x16xf32> to vector<16xf32>
        %swap3A_541 = vector.shape_cast %max3A_536 : vector<16xf32> to vector<1x16xf32>
        tpu.vector_store %arg9[%swap3A_537, %swap3A_538], %swap3A_541 {strides = array<i32>} : memref<16x256xf32, #tpu.memory_space<vmem>>, vector<1x16xf32>,
      } else {
      }
      %ne3A = arith.cmpi ne, %squeeze3A, %squeeze3A_77 : i32
      %convert_element_type3A_79 = arith.extui %ne3A : i1 to i32
      %cond3A_80 = arith.constant 0 : i32
      %cond3A_81 = arith.cmpi ne, %convert_element_type3A_79, %cond3A_80 : i32
      scf.if %cond3A_81 {
        %add3A_141 = arith.constant 1 : i32
        %add3A_142 = arith.addi %squeeze3A_77, %add3A_141 : i32
        %while3A = arith.constant 0 : i32
        %while3A_143 = arith.subi %add3A_142, %squeeze3A : i32
        %while3A_144 = arith.addi %squeeze3A, %while3A_143 : i32
        %while3A_145 = arith.constant 1 : i32
        %while3A_146 = arith.divsi %while3A_143, %while3A_145 : i32
        %while3A_147 = arith.muli %while3A_146, %while3A_145 : i32
        %while3A_148 = arith.addi %squeeze3A, %while3A_147 : i32
        %while3A_149 = arith.constant 1 : i32
        %while3A_150 = scf.for %while3A_153 = %squeeze3A to %while3A_148 step %while3A_149 iter_args(%while3A_154 = %while3A) -> (i32)  : i32 {
          %get3A_155 = arith.index_cast %while3A_153 : i32 to index
          %get3A_156 = tpu.vector_load %arg7[%get3A_155] {strides = array<i32>} : memref<48xi32, #tpu.memory_space<vmem>>, vector<16xi32>,
          %get3A_157 = vector.shape_cast %get3A_156 : vector<16xi32> to vector<16xi32>
          %slice3A_158 = vector.extract_strided_slice %get3A_157 {offsets = [0], sizes = [1], strides = [1]} : vector<16xi32> to vector<1xi32>
          %squeeze3A_159 = vector.extract %slice3A_158[0] : i32 from vector<1xi32>
          %add3A_160 = arith.constant 1 : i32
          %add3A_161 = arith.addi %while3A_153, %add3A_160 : i32
          %get3A_162 = arith.index_cast %add3A_161 : i32 to index
          %get3A_163 = tpu.vector_load %arg7[%get3A_162] {strides = array<i32>} : memref<48xi32, #tpu.memory_space<vmem>>, vector<16xi32>,
          %get3A_164 = vector.shape_cast %get3A_163 : vector<16xi32> to vector<16xi32>
          %slice3A_165 = vector.extract_strided_slice %get3A_164 {offsets = [0], sizes = [1], strides = [1]} : vector<16xi32> to vector<1xi32>
          %squeeze3A_166 = vector.extract %slice3A_165[0] : i32 from vector<1xi32>
          %max3A = arith.maxsi %squeeze3A_159, %add3A_67 : i32
          %sub3A_167 = arith.subi %max3A, %add3A_67 : i32
          %add3A_168 = arith.constant 128 : i32
          %add3A_169 = arith.addi %add3A_67, %add3A_168 : i32
          %min3A = arith.minsi %squeeze3A_166, %add3A_169 : i32
          %sub3A_170 = arith.subi %min3A, %add3A_67 : i32
          %gt3A = arith.cmpi sgt, %sub3A_170, %sub3A_167 : i32
          %convert_element_type3A_171 = arith.extui %gt3A : i1 to i32
          %cond3A_172 = arith.constant 0 : i32
          %cond3A_173 = arith.cmpi ne, %convert_element_type3A_171, %cond3A_172 : i32
          scf.if %cond3A_173 {
            %get3A_175 = arith.constant 0 : i32
            %get3A_176 = arith.index_cast %get3A_175 : i32 to index
            %get3A_177 = arith.index_cast %sub3A_167 : i32 to index
            %get3A_178 = arith.constant 0 : index
            %get3A_179 = tpu.vector_load %arg8[%get3A_176, %get3A_177, %get3A_178] {strides = array<i32>} : memref<2x128x256xf32, #tpu.memory_space<vmem>>, vector<1x1x16xf32>,
            %get3A_180 = vector.shape_cast %get3A_179 : vector<1x1x16xf32> to vector<16xf32>
            %get3A_181 = arith.constant 0 : i32
            %get3A_182 = arith.index_cast %get3A_181 : i32 to index
            %get3A_183 = arith.index_cast %sub3A_167 : i32 to index
            %get3A_184 = arith.constant 16 : index
            %get3A_185 = tpu.vector_load %arg8[%get3A_182, %get3A_183, %get3A_184] {strides = array<i32>} : memref<2x128x256xf32, #tpu.memory_space<vmem>>, vector<1x1x16xf32>,
            %get3A_186 = vector.shape_cast %get3A_185 : vector<1x1x16xf32> to vector<16xf32>
            %get3A_187 = arith.constant 0 : i32
            %get3A_188 = arith.index_cast %get3A_187 : i32 to index
            %get3A_189 = arith.index_cast %sub3A_167 : i32 to index
            %get3A_190 = arith.constant 32 : index
            %get3A_191 = tpu.vector_load %arg8[%get3A_188, %get3A_189, %get3A_190] {strides = array<i32>} : memref<2x128x256xf32, #tpu.memory_space<vmem>>, vector<1x1x16xf32>,
            %get3A_192 = vector.shape_cast %get3A_191 : vector<1x1x16xf32> to vector<16xf32>
            %get3A_193 = arith.constant 0 : i32
            %get3A_194 = arith.index_cast %get3A_193 : i32 to index
            %get3A_195 = arith.index_cast %sub3A_167 : i32 to index
            %get3A_196 = arith.constant 48 : index
            %get3A_197 = tpu.vector_load %arg8[%get3A_194, %get3A_195, %get3A_196] {strides = array<i32>} : memref<2x128x256xf32, #tpu.memory_space<vmem>>, vector<1x1x16xf32>,
            %get3A_198 = vector.shape_cast %get3A_197 : vector<1x1x16xf32> to vector<16xf32>
            %get3A_199 = arith.constant 0 : i32
            %get3A_200 = arith.index_cast %get3A_199 : i32 to index
            %get3A_201 = arith.index_cast %sub3A_167 : i32 to index
            %get3A_202 = arith.constant 64 : index
            %get3A_203 = tpu.vector_load %arg8[%get3A_200, %get3A_201, %get3A_202] {strides = array<i32>} : memref<2x128x256xf32, #tpu.memory_space<vmem>>, vector<1x1x16xf32>,
            %get3A_204 = vector.shape_cast %get3A_203 : vector<1x1x16xf32> to vector<16xf32>
            %get3A_205 = arith.constant 0 : i32
            %get3A_206 = arith.index_cast %get3A_205 : i32 to index
            %get3A_207 = arith.index_cast %sub3A_167 : i32 to index
            %get3A_208 = arith.constant 80 : index
            %get3A_209 = tpu.vector_load %arg8[%get3A_206, %get3A_207, %get3A_208] {strides = array<i32>} : memref<2x128x256xf32, #tpu.memory_space<vmem>>, vector<1x1x16xf32>,
            %get3A_210 = vector.shape_cast %get3A_209 : vector<1x1x16xf32> to vector<16xf32>
            %get3A_211 = arith.constant 0 : i32
            %get3A_212 = arith.index_cast %get3A_211 : i32 to index
            %get3A_213 = arith.index_cast %sub3A_167 : i32 to index
            %get3A_214 = arith.constant 96 : index
            %get3A_215 = tpu.vector_load %arg8[%get3A_212, %get3A_213, %get3A_214] {strides = array<i32>} : memref<2x128x256xf32, #tpu.memory_space<vmem>>, vector<1x1x16xf32>,
            %get3A_216 = vector.shape_cast %get3A_215 : vector<1x1x16xf32> to vector<16xf32>
            %get3A_217 = arith.constant 0 : i32
            %get3A_218 = arith.index_cast %get3A_217 : i32 to index
            %get3A_219 = arith.index_cast %sub3A_167 : i32 to index
            %get3A_220 = arith.constant 112 : index
            %get3A_221 = tpu.vector_load %arg8[%get3A_218, %get3A_219, %get3A_220] {strides = array<i32>} : memref<2x128x256xf32, #tpu.memory_space<vmem>>, vector<1x1x16xf32>,
            %get3A_222 = vector.shape_cast %get3A_221 : vector<1x1x16xf32> to vector<16xf32>
            %get3A_223 = arith.constant 0 : i32
            %get3A_224 = arith.index_cast %get3A_223 : i32 to index
            %get3A_225 = arith.index_cast %sub3A_167 : i32 to index
            %get3A_226 = arith.constant 128 : index
            %get3A_227 = tpu.vector_load %arg8[%get3A_224, %get3A_225, %get3A_226] {strides = array<i32>} : memref<2x128x256xf32, #tpu.memory_space<vmem>>, vector<1x1x16xf32>,
            %get3A_228 = vector.shape_cast %get3A_227 : vector<1x1x16xf32> to vector<16xf32>
            %get3A_229 = arith.constant 0 : i32
            %get3A_230 = arith.index_cast %get3A_229 : i32 to index
            %get3A_231 = arith.index_cast %sub3A_167 : i32 to index
            %get3A_232 = arith.constant 144 : index
            %get3A_233 = tpu.vector_load %arg8[%get3A_230, %get3A_231, %get3A_232] {strides = array<i32>} : memref<2x128x256xf32, #tpu.memory_space<vmem>>, vector<1x1x16xf32>,
            %get3A_234 = vector.shape_cast %get3A_233 : vector<1x1x16xf32> to vector<16xf32>
            %get3A_235 = arith.constant 0 : i32
            %get3A_236 = arith.index_cast %get3A_235 : i32 to index
            %get3A_237 = arith.index_cast %sub3A_167 : i32 to index
            %get3A_238 = arith.constant 160 : index
            %get3A_239 = tpu.vector_load %arg8[%get3A_236, %get3A_237, %get3A_238] {strides = array<i32>} : memref<2x128x256xf32, #tpu.memory_space<vmem>>, vector<1x1x16xf32>,
            %get3A_240 = vector.shape_cast %get3A_239 : vector<1x1x16xf32> to vector<16xf32>
            %get3A_241 = arith.constant 0 : i32
            %get3A_242 = arith.index_cast %get3A_241 : i32 to index
            %get3A_243 = arith.index_cast %sub3A_167 : i32 to index
            %get3A_244 = arith.constant 176 : index
            %get3A_245 = tpu.vector_load %arg8[%get3A_242, %get3A_243, %get3A_244] {strides = array<i32>} : memref<2x128x256xf32, #tpu.memory_space<vmem>>, vector<1x1x16xf32>,
            %get3A_246 = vector.shape_cast %get3A_245 : vector<1x1x16xf32> to vector<16xf32>
            %get3A_247 = arith.constant 0 : i32
            %get3A_248 = arith.index_cast %get3A_247 : i32 to index
            %get3A_249 = arith.index_cast %sub3A_167 : i32 to index
            %get3A_250 = arith.constant 192 : index
            %get3A_251 = tpu.vector_load %arg8[%get3A_248, %get3A_249, %get3A_250] {strides = array<i32>} : memref<2x128x256xf32, #tpu.memory_space<vmem>>, vector<1x1x16xf32>,
            %get3A_252 = vector.shape_cast %get3A_251 : vector<1x1x16xf32> to vector<16xf32>
            %get3A_253 = arith.constant 0 : i32
            %get3A_254 = arith.index_cast %get3A_253 : i32 to index
            %get3A_255 = arith.index_cast %sub3A_167 : i32 to index
            %get3A_256 = arith.constant 208 : index
            %get3A_257 = tpu.vector_load %arg8[%get3A_254, %get3A_255, %get3A_256] {strides = array<i32>} : memref<2x128x256xf32, #tpu.memory_space<vmem>>, vector<1x1x16xf32>,
            %get3A_258 = vector.shape_cast %get3A_257 : vector<1x1x16xf32> to vector<16xf32>
            %get3A_259 = arith.constant 0 : i32
            %get3A_260 = arith.index_cast %get3A_259 : i32 to index
            %get3A_261 = arith.index_cast %sub3A_167 : i32 to index
            %get3A_262 = arith.constant 224 : index
            %get3A_263 = tpu.vector_load %arg8[%get3A_260, %get3A_261, %get3A_262] {strides = array<i32>} : memref<2x128x256xf32, #tpu.memory_space<vmem>>, vector<1x1x16xf32>,
            %get3A_264 = vector.shape_cast %get3A_263 : vector<1x1x16xf32> to vector<16xf32>
            %get3A_265 = arith.constant 0 : i32
            %get3A_266 = arith.index_cast %get3A_265 : i32 to index
            %get3A_267 = arith.index_cast %sub3A_167 : i32 to index
            %get3A_268 = arith.constant 240 : index
            %get3A_269 = tpu.vector_load %arg8[%get3A_266, %get3A_267, %get3A_268] {strides = array<i32>} : memref<2x128x256xf32, #tpu.memory_space<vmem>>, vector<1x1x16xf32>,
            %get3A_270 = vector.shape_cast %get3A_269 : vector<1x1x16xf32> to vector<16xf32>
            %add3A_271 = arith.constant 1 : i32
            %add3A_272 = arith.addi %sub3A_167, %add3A_271 : i32
            %while3A_273 = arith.subi %sub3A_170, %add3A_272 : i32
            %while3A_274 = arith.addi %add3A_272, %while3A_273 : i32
            %while3A_275 = arith.constant 1 : i32
            %while3A_276 = arith.divsi %while3A_273, %while3A_275 : i32
            %while3A_277 = arith.muli %while3A_276, %while3A_275 : i32
            %while3A_278 = arith.addi %add3A_272, %while3A_277 : i32
            %while3A_279 = arith.constant 1 : i32
            %while3A_280:16 = scf.for %while3A_442 = %add3A_272 to %while3A_278 step %while3A_279 iter_args(%while3A_443 = %get3A_180, %while3A_444 = %get3A_186, %while3A_445 = %get3A_192, %while3A_446 = %get3A_198, %while3A_447 = %get3A_204, %while3A_448 = %get3A_210, %while3A_449 = %get3A_216, %while3A_450 = %get3A_222, %while3A_451 = %get3A_228, %while3A_452 = %get3A_234, %while3A_453 = %get3A_240, %while3A_454 = %get3A_246, %while3A_455 = %get3A_252, %while3A_456 = %get3A_258, %while3A_457 = %get3A_264, %while3A_458 = %get3A_270) -> (vector<16xf32>, vector<16xf32>, vector<16xf32>, vector<16xf32>, vector<16xf32>, vector<16xf32>, vector<16xf32>, vector<16xf32>, vector<16xf32>, vector<16xf32>, vector<16xf32>, vector<16xf32>, vector<16xf32>, vector<16xf32>, vector<16xf32>, vector<16xf32>)  : i32 {
              %get3A_459 = arith.constant 0 : i32
              %get3A_460 = arith.index_cast %get3A_459 : i32 to index
              %get3A_461 = arith.index_cast %while3A_442 : i32 to index
              %get3A_462 = arith.constant 0 : index
              %get3A_463 = tpu.vector_load %arg8[%get3A_460, %get3A_461, %get3A_462] {strides = array<i32>} : memref<2x128x256xf32, #tpu.memory_space<vmem>>, vector<1x1x16xf32>,
              %get3A_464 = vector.shape_cast %get3A_463 : vector<1x1x16xf32> to vector<16xf32>
              %max3A_465 = arith.maximumf %while3A_443, %get3A_464 : vector<16xf32>
              %get3A_466 = arith.constant 0 : i32
              %get3A_467 = arith.index_cast %get3A_466 : i32 to index
              %get3A_468 = arith.index_cast %while3A_442 : i32 to index
              %get3A_469 = arith.constant 16 : index
              %get3A_470 = tpu.vector_load %arg8[%get3A_467, %get3A_468, %get3A_469] {strides = array<i32>} : memref<2x128x256xf32, #tpu.memory_space<vmem>>, vector<1x1x16xf32>,
              %get3A_471 = vector.shape_cast %get3A_470 : vector<1x1x16xf32> to vector<16xf32>
              %max3A_472 = arith.maximumf %while3A_444, %get3A_471 : vector<16xf32>
              %get3A_473 = arith.constant 0 : i32
              %get3A_474 = arith.index_cast %get3A_473 : i32 to index
              %get3A_475 = arith.index_cast %while3A_442 : i32 to index
              %get3A_476 = arith.constant 32 : index
              %get3A_477 = tpu.vector_load %arg8[%get3A_474, %get3A_475, %get3A_476] {strides = array<i32>} : memref<2x128x256xf32, #tpu.memory_space<vmem>>, vector<1x1x16xf32>,
              %get3A_478 = vector.shape_cast %get3A_477 : vector<1x1x16xf32> to vector<16xf32>
              %max3A_479 = arith.maximumf %while3A_445, %get3A_478 : vector<16xf32>
              %get3A_480 = arith.constant 0 : i32
              %get3A_481 = arith.index_cast %get3A_480 : i32 to index
              %get3A_482 = arith.index_cast %while3A_442 : i32 to index
              %get3A_483 = arith.constant 48 : index
              %get3A_484 = tpu.vector_load %arg8[%get3A_481, %get3A_482, %get3A_483] {strides = array<i32>} : memref<2x128x256xf32, #tpu.memory_space<vmem>>, vector<1x1x16xf32>,
              %get3A_485 = vector.shape_cast %get3A_484 : vector<1x1x16xf32> to vector<16xf32>
              %max3A_486 = arith.maximumf %while3A_446, %get3A_485 : vector<16xf32>
              %get3A_487 = arith.constant 0 : i32
              %get3A_488 = arith.index_cast %get3A_487 : i32 to index
              %get3A_489 = arith.index_cast %while3A_442 : i32 to index
              %get3A_490 = arith.constant 64 : index
              %get3A_491 = tpu.vector_load %arg8[%get3A_488, %get3A_489, %get3A_490] {strides = array<i32>} : memref<2x128x256xf32, #tpu.memory_space<vmem>>, vector<1x1x16xf32>,
              %get3A_492 = vector.shape_cast %get3A_491 : vector<1x1x16xf32> to vector<16xf32>
              %max3A_493 = arith.maximumf %while3A_447, %get3A_492 : vector<16xf32>
              %get3A_494 = arith.constant 0 : i32
              %get3A_495 = arith.index_cast %get3A_494 : i32 to index
              %get3A_496 = arith.index_cast %while3A_442 : i32 to index
              %get3A_497 = arith.constant 80 : index
              %get3A_498 = tpu.vector_load %arg8[%get3A_495, %get3A_496, %get3A_497] {strides = array<i32>} : memref<2x128x256xf32, #tpu.memory_space<vmem>>, vector<1x1x16xf32>,
              %get3A_499 = vector.shape_cast %get3A_498 : vector<1x1x16xf32> to vector<16xf32>
              %max3A_500 = arith.maximumf %while3A_448, %get3A_499 : vector<16xf32>
              %get3A_501 = arith.constant 0 : i32
              %get3A_502 = arith.index_cast %get3A_501 : i32 to index
              %get3A_503 = arith.index_cast %while3A_442 : i32 to index
              %get3A_504 = arith.constant 96 : index
              %get3A_505 = tpu.vector_load %arg8[%get3A_502, %get3A_503, %get3A_504] {strides = array<i32>} : memref<2x128x256xf32, #tpu.memory_space<vmem>>, vector<1x1x16xf32>,
              %get3A_506 = vector.shape_cast %get3A_505 : vector<1x1x16xf32> to vector<16xf32>
              %max3A_507 = arith.maximumf %while3A_449, %get3A_506 : vector<16xf32>
              %get3A_508 = arith.constant 0 : i32
              %get3A_509 = arith.index_cast %get3A_508 : i32 to index
              %get3A_510 = arith.index_cast %while3A_442 : i32 to index
              %get3A_511 = arith.constant 112 : index
              %get3A_512 = tpu.vector_load %arg8[%get3A_509, %get3A_510, %get3A_511] {strides = array<i32>} : memref<2x128x256xf32, #tpu.memory_space<vmem>>, vector<1x1x16xf32>,
              %get3A_513 = vector.shape_cast %get3A_512 : vector<1x1x16xf32> to vector<16xf32>
              %max3A_514 = arith.maximumf %while3A_450, %get3A_513 : vector<16xf32>
              %get3A_515 = arith.constant 0 : i32
              %get3A_516 = arith.index_cast %get3A_515 : i32 to index
              %get3A_517 = arith.index_cast %while3A_442 : i32 to index
              %get3A_518 = arith.constant 128 : index
              %get3A_519 = tpu.vector_load %arg8[%get3A_516, %get3A_517, %get3A_518] {strides = array<i32>} : memref<2x128x256xf32, #tpu.memory_space<vmem>>, vector<1x1x16xf32>,
              %get3A_520 = vector.shape_cast %get3A_519 : vector<1x1x16xf32> to vector<16xf32>
              %max3A_521 = arith.maximumf %while3A_451, %get3A_520 : vector<16xf32>
              %get3A_522 = arith.constant 0 : i32
              %get3A_523 = arith.index_cast %get3A_522 : i32 to index
              %get3A_524 = arith.index_cast %while3A_442 : i32 to index
              %get3A_525 = arith.constant 144 : index
              %get3A_526 = tpu.vector_load %arg8[%get3A_523, %get3A_524, %get3A_525] {strides = array<i32>} : memref<2x128x256xf32, #tpu.memory_space<vmem>>, vector<1x1x16xf32>,
              %get3A_527 = vector.shape_cast %get3A_526 : vector<1x1x16xf32> to vector<16xf32>
              %max3A_528 = arith.maximumf %while3A_452, %get3A_527 : vector<16xf32>
              %get3A_529 = arith.constant 0 : i32
              %get3A_530 = arith.index_cast %get3A_529 : i32 to index
              %get3A_531 = arith.index_cast %while3A_442 : i32 to index
              %get3A_532 = arith.constant 160 : index
              %get3A_533 = tpu.vector_load %arg8[%get3A_530, %get3A_531, %get3A_532] {strides = array<i32>} : memref<2x128x256xf32, #tpu.memory_space<vmem>>, vector<1x1x16xf32>,
              %get3A_534 = vector.shape_cast %get3A_533 : vector<1x1x16xf32> to vector<16xf32>
              %max3A_535 = arith.maximumf %while3A_453, %get3A_534 : vector<16xf32>
              %get3A_536 = arith.constant 0 : i32
              %get3A_537 = arith.index_cast %get3A_536 : i32 to index
              %get3A_538 = arith.index_cast %while3A_442 : i32 to index
              %get3A_539 = arith.constant 176 : index
              %get3A_540 = tpu.vector_load %arg8[%get3A_537, %get3A_538, %get3A_539] {strides = array<i32>} : memref<2x128x256xf32, #tpu.memory_space<vmem>>, vector<1x1x16xf32>,
              %get3A_541 = vector.shape_cast %get3A_540 : vector<1x1x16xf32> to vector<16xf32>
              %max3A_542 = arith.maximumf %while3A_454, %get3A_541 : vector<16xf32>
              %get3A_543 = arith.constant 0 : i32
              %get3A_544 = arith.index_cast %get3A_543 : i32 to index
              %get3A_545 = arith.index_cast %while3A_442 : i32 to index
              %get3A_546 = arith.constant 192 : index
              %get3A_547 = tpu.vector_load %arg8[%get3A_544, %get3A_545, %get3A_546] {strides = array<i32>} : memref<2x128x256xf32, #tpu.memory_space<vmem>>, vector<1x1x16xf32>,
              %get3A_548 = vector.shape_cast %get3A_547 : vector<1x1x16xf32> to vector<16xf32>
              %max3A_549 = arith.maximumf %while3A_455, %get3A_548 : vector<16xf32>
              %get3A_550 = arith.constant 0 : i32
              %get3A_551 = arith.index_cast %get3A_550 : i32 to index
              %get3A_552 = arith.index_cast %while3A_442 : i32 to index
              %get3A_553 = arith.constant 208 : index
              %get3A_554 = tpu.vector_load %arg8[%get3A_551, %get3A_552, %get3A_553] {strides = array<i32>} : memref<2x128x256xf32, #tpu.memory_space<vmem>>, vector<1x1x16xf32>,
              %get3A_555 = vector.shape_cast %get3A_554 : vector<1x1x16xf32> to vector<16xf32>
              %max3A_556 = arith.maximumf %while3A_456, %get3A_555 : vector<16xf32>
              %get3A_557 = arith.constant 0 : i32
              %get3A_558 = arith.index_cast %get3A_557 : i32 to index
              %get3A_559 = arith.index_cast %while3A_442 : i32 to index
              %get3A_560 = arith.constant 224 : index
              %get3A_561 = tpu.vector_load %arg8[%get3A_558, %get3A_559, %get3A_560] {strides = array<i32>} : memref<2x128x256xf32, #tpu.memory_space<vmem>>, vector<1x1x16xf32>,
              %get3A_562 = vector.shape_cast %get3A_561 : vector<1x1x16xf32> to vector<16xf32>
              %max3A_563 = arith.maximumf %while3A_457, %get3A_562 : vector<16xf32>
              %get3A_564 = arith.constant 0 : i32
              %get3A_565 = arith.index_cast %get3A_564 : i32 to index
              %get3A_566 = arith.index_cast %while3A_442 : i32 to index
              %get3A_567 = arith.constant 240 : index
              %get3A_568 = tpu.vector_load %arg8[%get3A_565, %get3A_566, %get3A_567] {strides = array<i32>} : memref<2x128x256xf32, #tpu.memory_space<vmem>>, vector<1x1x16xf32>,
              %get3A_569 = vector.shape_cast %get3A_568 : vector<1x1x16xf32> to vector<16xf32>
              %max3A_570 = arith.maximumf %while3A_458, %get3A_569 : vector<16xf32>
              scf.yield %max3A_465, %max3A_472, %max3A_479, %max3A_486, %max3A_493, %max3A_500, %max3A_507, %max3A_514, %max3A_521, %max3A_528, %max3A_535, %max3A_542, %max3A_549, %max3A_556, %max3A_563, %max3A_570 : vector<16xf32>, vector<16xf32>, vector<16xf32>, vector<16xf32>, vector<16xf32>, vector<16xf32>, vector<16xf32>, vector<16xf32>, vector<16xf32>, vector<16xf32>, vector<16xf32>, vector<16xf32>, vector<16xf32>, vector<16xf32>, vector<16xf32>, vector<16xf32>
            }
            %while3A_281 = arith.constant 1 : i32
            %while3A_282:16 = scf.for %while3A_442 = %while3A_278 to %while3A_274 step %while3A_281 iter_args(%while3A_443 = %while3A_280#0, %while3A_444 = %while3A_280#1, %while3A_445 = %while3A_280#2, %while3A_446 = %while3A_280#3, %while3A_447 = %while3A_280#4, %while3A_448 = %while3A_280#5, %while3A_449 = %while3A_280#6, %while3A_450 = %while3A_280#7, %while3A_451 = %while3A_280#8, %while3A_452 = %while3A_280#9, %while3A_453 = %while3A_280#10, %while3A_454 = %while3A_280#11, %while3A_455 = %while3A_280#12, %while3A_456 = %while3A_280#13, %while3A_457 = %while3A_280#14, %while3A_458 = %while3A_280#15) -> (vector<16xf32>, vector<16xf32>, vector<16xf32>, vector<16xf32>, vector<16xf32>, vector<16xf32>, vector<16xf32>, vector<16xf32>, vector<16xf32>, vector<16xf32>, vector<16xf32>, vector<16xf32>, vector<16xf32>, vector<16xf32>, vector<16xf32>, vector<16xf32>)  : i32 {
              %get3A_459 = arith.constant 0 : i32
              %get3A_460 = arith.index_cast %get3A_459 : i32 to index
              %get3A_461 = arith.index_cast %while3A_442 : i32 to index
              %get3A_462 = arith.constant 0 : index
              %get3A_463 = tpu.vector_load %arg8[%get3A_460, %get3A_461, %get3A_462] {strides = array<i32>} : memref<2x128x256xf32, #tpu.memory_space<vmem>>, vector<1x1x16xf32>,
              %get3A_464 = vector.shape_cast %get3A_463 : vector<1x1x16xf32> to vector<16xf32>
              %max3A_465 = arith.maximumf %while3A_443, %get3A_464 : vector<16xf32>
              %get3A_466 = arith.constant 0 : i32
              %get3A_467 = arith.index_cast %get3A_466 : i32 to index
              %get3A_468 = arith.index_cast %while3A_442 : i32 to index
              %get3A_469 = arith.constant 16 : index
              %get3A_470 = tpu.vector_load %arg8[%get3A_467, %get3A_468, %get3A_469] {strides = array<i32>} : memref<2x128x256xf32, #tpu.memory_space<vmem>>, vector<1x1x16xf32>,
              %get3A_471 = vector.shape_cast %get3A_470 : vector<1x1x16xf32> to vector<16xf32>
              %max3A_472 = arith.maximumf %while3A_444, %get3A_471 : vector<16xf32>
              %get3A_473 = arith.constant 0 : i32
              %get3A_474 = arith.index_cast %get3A_473 : i32 to index
              %get3A_475 = arith.index_cast %while3A_442 : i32 to index
              %get3A_476 = arith.constant 32 : index
              %get3A_477 = tpu.vector_load %arg8[%get3A_474, %get3A_475, %get3A_476] {strides = array<i32>} : memref<2x128x256xf32, #tpu.memory_space<vmem>>, vector<1x1x16xf32>,
              %get3A_478 = vector.shape_cast %get3A_477 : vector<1x1x16xf32> to vector<16xf32>
              %max3A_479 = arith.maximumf %while3A_445, %get3A_478 : vector<16xf32>
              %get3A_480 = arith.constant 0 : i32
              %get3A_481 = arith.index_cast %get3A_480 : i32 to index
              %get3A_482 = arith.index_cast %while3A_442 : i32 to index
              %get3A_483 = arith.constant 48 : index
              %get3A_484 = tpu.vector_load %arg8[%get3A_481, %get3A_482, %get3A_483] {strides = array<i32>} : memref<2x128x256xf32, #tpu.memory_space<vmem>>, vector<1x1x16xf32>,
              %get3A_485 = vector.shape_cast %get3A_484 : vector<1x1x16xf32> to vector<16xf32>
              %max3A_486 = arith.maximumf %while3A_446, %get3A_485 : vector<16xf32>
              %get3A_487 = arith.constant 0 : i32
              %get3A_488 = arith.index_cast %get3A_487 : i32 to index
              %get3A_489 = arith.index_cast %while3A_442 : i32 to index
              %get3A_490 = arith.constant 64 : index
              %get3A_491 = tpu.vector_load %arg8[%get3A_488, %get3A_489, %get3A_490] {strides = array<i32>} : memref<2x128x256xf32, #tpu.memory_space<vmem>>, vector<1x1x16xf32>,
              %get3A_492 = vector.shape_cast %get3A_491 : vector<1x1x16xf32> to vector<16xf32>
              %max3A_493 = arith.maximumf %while3A_447, %get3A_492 : vector<16xf32>
              %get3A_494 = arith.constant 0 : i32
              %get3A_495 = arith.index_cast %get3A_494 : i32 to index
              %get3A_496 = arith.index_cast %while3A_442 : i32 to index
              %get3A_497 = arith.constant 80 : index
              %get3A_498 = tpu.vector_load %arg8[%get3A_495, %get3A_496, %get3A_497] {strides = array<i32>} : memref<2x128x256xf32, #tpu.memory_space<vmem>>, vector<1x1x16xf32>,
              %get3A_499 = vector.shape_cast %get3A_498 : vector<1x1x16xf32> to vector<16xf32>
              %max3A_500 = arith.maximumf %while3A_448, %get3A_499 : vector<16xf32>
              %get3A_501 = arith.constant 0 : i32
              %get3A_502 = arith.index_cast %get3A_501 : i32 to index
              %get3A_503 = arith.index_cast %while3A_442 : i32 to index
              %get3A_504 = arith.constant 96 : index
              %get3A_505 = tpu.vector_load %arg8[%get3A_502, %get3A_503, %get3A_504] {strides = array<i32>} : memref<2x128x256xf32, #tpu.memory_space<vmem>>, vector<1x1x16xf32>,
              %get3A_506 = vector.shape_cast %get3A_505 : vector<1x1x16xf32> to vector<16xf32>
              %max3A_507 = arith.maximumf %while3A_449, %get3A_506 : vector<16xf32>
              %get3A_508 = arith.constant 0 : i32
              %get3A_509 = arith.index_cast %get3A_508 : i32 to index
              %get3A_510 = arith.index_cast %while3A_442 : i32 to index
              %get3A_511 = arith.constant 112 : index
              %get3A_512 = tpu.vector_load %arg8[%get3A_509, %get3A_510, %get3A_511] {strides = array<i32>} : memref<2x128x256xf32, #tpu.memory_space<vmem>>, vector<1x1x16xf32>,
              %get3A_513 = vector.shape_cast %get3A_512 : vector<1x1x16xf32> to vector<16xf32>
              %max3A_514 = arith.maximumf %while3A_450, %get3A_513 : vector<16xf32>
              %get3A_515 = arith.constant 0 : i32
              %get3A_516 = arith.index_cast %get3A_515 : i32 to index
              %get3A_517 = arith.index_cast %while3A_442 : i32 to index
              %get3A_518 = arith.constant 128 : index
              %get3A_519 = tpu.vector_load %arg8[%get3A_516, %get3A_517, %get3A_518] {strides = array<i32>} : memref<2x128x256xf32, #tpu.memory_space<vmem>>, vector<1x1x16xf32>,
              %get3A_520 = vector.shape_cast %get3A_519 : vector<1x1x16xf32> to vector<16xf32>
              %max3A_521 = arith.maximumf %while3A_451, %get3A_520 : vector<16xf32>
              %get3A_522 = arith.constant 0 : i32
              %get3A_523 = arith.index_cast %get3A_522 : i32 to index
              %get3A_524 = arith.index_cast %while3A_442 : i32 to index
              %get3A_525 = arith.constant 144 : index
              %get3A_526 = tpu.vector_load %arg8[%get3A_523, %get3A_524, %get3A_525] {strides = array<i32>} : memref<2x128x256xf32, #tpu.memory_space<vmem>>, vector<1x1x16xf32>,
              %get3A_527 = vector.shape_cast %get3A_526 : vector<1x1x16xf32> to vector<16xf32>
              %max3A_528 = arith.maximumf %while3A_452, %get3A_527 : vector<16xf32>
              %get3A_529 = arith.constant 0 : i32
              %get3A_530 = arith.index_cast %get3A_529 : i32 to index
              %get3A_531 = arith.index_cast %while3A_442 : i32 to index
              %get3A_532 = arith.constant 160 : index
              %get3A_533 = tpu.vector_load %arg8[%get3A_530, %get3A_531, %get3A_532] {strides = array<i32>} : memref<2x128x256xf32, #tpu.memory_space<vmem>>, vector<1x1x16xf32>,
              %get3A_534 = vector.shape_cast %get3A_533 : vector<1x1x16xf32> to vector<16xf32>
              %max3A_535 = arith.maximumf %while3A_453, %get3A_534 : vector<16xf32>
              %get3A_536 = arith.constant 0 : i32
              %get3A_537 = arith.index_cast %get3A_536 : i32 to index
              %get3A_538 = arith.index_cast %while3A_442 : i32 to index
              %get3A_539 = arith.constant 176 : index
              %get3A_540 = tpu.vector_load %arg8[%get3A_537, %get3A_538, %get3A_539] {strides = array<i32>} : memref<2x128x256xf32, #tpu.memory_space<vmem>>, vector<1x1x16xf32>,
              %get3A_541 = vector.shape_cast %get3A_540 : vector<1x1x16xf32> to vector<16xf32>
              %max3A_542 = arith.maximumf %while3A_454, %get3A_541 : vector<16xf32>
              %get3A_543 = arith.constant 0 : i32
              %get3A_544 = arith.index_cast %get3A_543 : i32 to index
              %get3A_545 = arith.index_cast %while3A_442 : i32 to index
              %get3A_546 = arith.constant 192 : index
              %get3A_547 = tpu.vector_load %arg8[%get3A_544, %get3A_545, %get3A_546] {strides = array<i32>} : memref<2x128x256xf32, #tpu.memory_space<vmem>>, vector<1x1x16xf32>,
              %get3A_548 = vector.shape_cast %get3A_547 : vector<1x1x16xf32> to vector<16xf32>
              %max3A_549 = arith.maximumf %while3A_455, %get3A_548 : vector<16xf32>
              %get3A_550 = arith.constant 0 : i32
              %get3A_551 = arith.index_cast %get3A_550 : i32 to index
              %get3A_552 = arith.index_cast %while3A_442 : i32 to index
              %get3A_553 = arith.constant 208 : index
              %get3A_554 = tpu.vector_load %arg8[%get3A_551, %get3A_552, %get3A_553] {strides = array<i32>} : memref<2x128x256xf32, #tpu.memory_space<vmem>>, vector<1x1x16xf32>,
              %get3A_555 = vector.shape_cast %get3A_554 : vector<1x1x16xf32> to vector<16xf32>
              %max3A_556 = arith.maximumf %while3A_456, %get3A_555 : vector<16xf32>
              %get3A_557 = arith.constant 0 : i32
              %get3A_558 = arith.index_cast %get3A_557 : i32 to index
              %get3A_559 = arith.index_cast %while3A_442 : i32 to index
              %get3A_560 = arith.constant 224 : index
              %get3A_561 = tpu.vector_load %arg8[%get3A_558, %get3A_559, %get3A_560] {strides = array<i32>} : memref<2x128x256xf32, #tpu.memory_space<vmem>>, vector<1x1x16xf32>,
              %get3A_562 = vector.shape_cast %get3A_561 : vector<1x1x16xf32> to vector<16xf32>
              %max3A_563 = arith.maximumf %while3A_457, %get3A_562 : vector<16xf32>
              %get3A_564 = arith.constant 0 : i32
              %get3A_565 = arith.index_cast %get3A_564 : i32 to index
              %get3A_566 = arith.index_cast %while3A_442 : i32 to index
              %get3A_567 = arith.constant 240 : index
              %get3A_568 = tpu.vector_load %arg8[%get3A_565, %get3A_566, %get3A_567] {strides = array<i32>} : memref<2x128x256xf32, #tpu.memory_space<vmem>>, vector<1x1x16xf32>,
              %get3A_569 = vector.shape_cast %get3A_568 : vector<1x1x16xf32> to vector<16xf32>
              %max3A_570 = arith.maximumf %while3A_458, %get3A_569 : vector<16xf32>
              scf.yield %max3A_465, %max3A_472, %max3A_479, %max3A_486, %max3A_493, %max3A_500, %max3A_507, %max3A_514, %max3A_521, %max3A_528, %max3A_535, %max3A_542, %max3A_549, %max3A_556, %max3A_563, %max3A_570 : vector<16xf32>, vector<16xf32>, vector<16xf32>, vector<16xf32>, vector<16xf32>, vector<16xf32>, vector<16xf32>, vector<16xf32>, vector<16xf32>, vector<16xf32>, vector<16xf32>, vector<16xf32>, vector<16xf32>, vector<16xf32>, vector<16xf32>, vector<16xf32>
            }
            %get3A_283 = arith.index_cast %while3A_153 : i32 to index
            %get3A_284 = arith.constant 0 : index
            %get3A_285 = tpu.vector_load %arg9[%get3A_283, %get3A_284] {strides = array<i32>} : memref<16x256xf32, #tpu.memory_space<vmem>>, vector<1x16xf32>,
            %get3A_286 = vector.shape_cast %get3A_285 : vector<1x16xf32> to vector<16xf32>
            %max3A_287 = arith.maximumf %get3A_286, %while3A_282#0 : vector<16xf32>
            %swap3A = arith.index_cast %while3A_153 : i32 to index
            %swap3A_288 = arith.constant 0 : index
            %swap3A_289 = tpu.vector_load %arg9[%swap3A, %swap3A_288] {strides = array<i32>} : memref<16x256xf32, #tpu.memory_space<vmem>>, vector<1x16xf32>,
            %swap3A_290 = vector.shape_cast %swap3A_289 : vector<1x16xf32> to vector<16xf32>
            %swap3A_291 = vector.shape_cast %max3A_287 : vector<16xf32> to vector<1x16xf32>
            tpu.vector_store %arg9[%swap3A, %swap3A_288], %swap3A_291 {strides = array<i32>} : memref<16x256xf32, #tpu.memory_space<vmem>>, vector<1x16xf32>,
            %get3A_292 = arith.index_cast %while3A_153 : i32 to index
            %get3A_293 = arith.constant 16 : index
            %get3A_294 = tpu.vector_load %arg9[%get3A_292, %get3A_293] {strides = array<i32>} : memref<16x256xf32, #tpu.memory_space<vmem>>, vector<1x16xf32>,
            %get3A_295 = vector.shape_cast %get3A_294 : vector<1x16xf32> to vector<16xf32>
            %max3A_296 = arith.maximumf %get3A_295, %while3A_282#1 : vector<16xf32>
            %swap3A_297 = arith.index_cast %while3A_153 : i32 to index
            %swap3A_298 = arith.constant 16 : index
            %swap3A_299 = tpu.vector_load %arg9[%swap3A_297, %swap3A_298] {strides = array<i32>} : memref<16x256xf32, #tpu.memory_space<vmem>>, vector<1x16xf32>,
            %swap3A_300 = vector.shape_cast %swap3A_299 : vector<1x16xf32> to vector<16xf32>
            %swap3A_301 = vector.shape_cast %max3A_296 : vector<16xf32> to vector<1x16xf32>
            tpu.vector_store %arg9[%swap3A_297, %swap3A_298], %swap3A_301 {strides = array<i32>} : memref<16x256xf32, #tpu.memory_space<vmem>>, vector<1x16xf32>,
            %get3A_302 = arith.index_cast %while3A_153 : i32 to index
            %get3A_303 = arith.constant 32 : index
            %get3A_304 = tpu.vector_load %arg9[%get3A_302, %get3A_303] {strides = array<i32>} : memref<16x256xf32, #tpu.memory_space<vmem>>, vector<1x16xf32>,
            %get3A_305 = vector.shape_cast %get3A_304 : vector<1x16xf32> to vector<16xf32>
            %max3A_306 = arith.maximumf %get3A_305, %while3A_282#2 : vector<16xf32>
            %swap3A_307 = arith.index_cast %while3A_153 : i32 to index
            %swap3A_308 = arith.constant 32 : index
            %swap3A_309 = tpu.vector_load %arg9[%swap3A_307, %swap3A_308] {strides = array<i32>} : memref<16x256xf32, #tpu.memory_space<vmem>>, vector<1x16xf32>,
            %swap3A_310 = vector.shape_cast %swap3A_309 : vector<1x16xf32> to vector<16xf32>
            %swap3A_311 = vector.shape_cast %max3A_306 : vector<16xf32> to vector<1x16xf32>
            tpu.vector_store %arg9[%swap3A_307, %swap3A_308], %swap3A_311 {strides = array<i32>} : memref<16x256xf32, #tpu.memory_space<vmem>>, vector<1x16xf32>,
            %get3A_312 = arith.index_cast %while3A_153 : i32 to index
            %get3A_313 = arith.constant 48 : index
            %get3A_314 = tpu.vector_load %arg9[%get3A_312, %get3A_313] {strides = array<i32>} : memref<16x256xf32, #tpu.memory_space<vmem>>, vector<1x16xf32>,
            %get3A_315 = vector.shape_cast %get3A_314 : vector<1x16xf32> to vector<16xf32>
            %max3A_316 = arith.maximumf %get3A_315, %while3A_282#3 : vector<16xf32>
            %swap3A_317 = arith.index_cast %while3A_153 : i32 to index
            %swap3A_318 = arith.constant 48 : index
            %swap3A_319 = tpu.vector_load %arg9[%swap3A_317, %swap3A_318] {strides = array<i32>} : memref<16x256xf32, #tpu.memory_space<vmem>>, vector<1x16xf32>,
            %swap3A_320 = vector.shape_cast %swap3A_319 : vector<1x16xf32> to vector<16xf32>
            %swap3A_321 = vector.shape_cast %max3A_316 : vector<16xf32> to vector<1x16xf32>
            tpu.vector_store %arg9[%swap3A_317, %swap3A_318], %swap3A_321 {strides = array<i32>} : memref<16x256xf32, #tpu.memory_space<vmem>>, vector<1x16xf32>,
            %get3A_322 = arith.index_cast %while3A_153 : i32 to index
            %get3A_323 = arith.constant 64 : index
            %get3A_324 = tpu.vector_load %arg9[%get3A_322, %get3A_323] {strides = array<i32>} : memref<16x256xf32, #tpu.memory_space<vmem>>, vector<1x16xf32>,
            %get3A_325 = vector.shape_cast %get3A_324 : vector<1x16xf32> to vector<16xf32>
            %max3A_326 = arith.maximumf %get3A_325, %while3A_282#4 : vector<16xf32>
            %swap3A_327 = arith.index_cast %while3A_153 : i32 to index
            %swap3A_328 = arith.constant 64 : index
            %swap3A_329 = tpu.vector_load %arg9[%swap3A_327, %swap3A_328] {strides = array<i32>} : memref<16x256xf32, #tpu.memory_space<vmem>>, vector<1x16xf32>,
            %swap3A_330 = vector.shape_cast %swap3A_329 : vector<1x16xf32> to vector<16xf32>
            %swap3A_331 = vector.shape_cast %max3A_326 : vector<16xf32> to vector<1x16xf32>
            tpu.vector_store %arg9[%swap3A_327, %swap3A_328], %swap3A_331 {strides = array<i32>} : memref<16x256xf32, #tpu.memory_space<vmem>>, vector<1x16xf32>,
            %get3A_332 = arith.index_cast %while3A_153 : i32 to index
            %get3A_333 = arith.constant 80 : index
            %get3A_334 = tpu.vector_load %arg9[%get3A_332, %get3A_333] {strides = array<i32>} : memref<16x256xf32, #tpu.memory_space<vmem>>, vector<1x16xf32>,
            %get3A_335 = vector.shape_cast %get3A_334 : vector<1x16xf32> to vector<16xf32>
            %max3A_336 = arith.maximumf %get3A_335, %while3A_282#5 : vector<16xf32>
            %swap3A_337 = arith.index_cast %while3A_153 : i32 to index
            %swap3A_338 = arith.constant 80 : index
            %swap3A_339 = tpu.vector_load %arg9[%swap3A_337, %swap3A_338] {strides = array<i32>} : memref<16x256xf32, #tpu.memory_space<vmem>>, vector<1x16xf32>,
            %swap3A_340 = vector.shape_cast %swap3A_339 : vector<1x16xf32> to vector<16xf32>
            %swap3A_341 = vector.shape_cast %max3A_336 : vector<16xf32> to vector<1x16xf32>
            tpu.vector_store %arg9[%swap3A_337, %swap3A_338], %swap3A_341 {strides = array<i32>} : memref<16x256xf32, #tpu.memory_space<vmem>>, vector<1x16xf32>,
            %get3A_342 = arith.index_cast %while3A_153 : i32 to index
            %get3A_343 = arith.constant 96 : index
            %get3A_344 = tpu.vector_load %arg9[%get3A_342, %get3A_343] {strides = array<i32>} : memref<16x256xf32, #tpu.memory_space<vmem>>, vector<1x16xf32>,
            %get3A_345 = vector.shape_cast %get3A_344 : vector<1x16xf32> to vector<16xf32>
            %max3A_346 = arith.maximumf %get3A_345, %while3A_282#6 : vector<16xf32>
            %swap3A_347 = arith.index_cast %while3A_153 : i32 to index
            %swap3A_348 = arith.constant 96 : index
            %swap3A_349 = tpu.vector_load %arg9[%swap3A_347, %swap3A_348] {strides = array<i32>} : memref<16x256xf32, #tpu.memory_space<vmem>>, vector<1x16xf32>,
            %swap3A_350 = vector.shape_cast %swap3A_349 : vector<1x16xf32> to vector<16xf32>
            %swap3A_351 = vector.shape_cast %max3A_346 : vector<16xf32> to vector<1x16xf32>
            tpu.vector_store %arg9[%swap3A_347, %swap3A_348], %swap3A_351 {strides = array<i32>} : memref<16x256xf32, #tpu.memory_space<vmem>>, vector<1x16xf32>,
            %get3A_352 = arith.index_cast %while3A_153 : i32 to index
            %get3A_353 = arith.constant 112 : index
            %get3A_354 = tpu.vector_load %arg9[%get3A_352, %get3A_353] {strides = array<i32>} : memref<16x256xf32, #tpu.memory_space<vmem>>, vector<1x16xf32>,
            %get3A_355 = vector.shape_cast %get3A_354 : vector<1x16xf32> to vector<16xf32>
            %max3A_356 = arith.maximumf %get3A_355, %while3A_282#7 : vector<16xf32>
            %swap3A_357 = arith.index_cast %while3A_153 : i32 to index
            %swap3A_358 = arith.constant 112 : index
            %swap3A_359 = tpu.vector_load %arg9[%swap3A_357, %swap3A_358] {strides = array<i32>} : memref<16x256xf32, #tpu.memory_space<vmem>>, vector<1x16xf32>,
            %swap3A_360 = vector.shape_cast %swap3A_359 : vector<1x16xf32> to vector<16xf32>
            %swap3A_361 = vector.shape_cast %max3A_356 : vector<16xf32> to vector<1x16xf32>
            tpu.vector_store %arg9[%swap3A_357, %swap3A_358], %swap3A_361 {strides = array<i32>} : memref<16x256xf32, #tpu.memory_space<vmem>>, vector<1x16xf32>,
            %get3A_362 = arith.index_cast %while3A_153 : i32 to index
            %get3A_363 = arith.constant 128 : index
            %get3A_364 = tpu.vector_load %arg9[%get3A_362, %get3A_363] {strides = array<i32>} : memref<16x256xf32, #tpu.memory_space<vmem>>, vector<1x16xf32>,
            %get3A_365 = vector.shape_cast %get3A_364 : vector<1x16xf32> to vector<16xf32>
            %max3A_366 = arith.maximumf %get3A_365, %while3A_282#8 : vector<16xf32>
            %swap3A_367 = arith.index_cast %while3A_153 : i32 to index
            %swap3A_368 = arith.constant 128 : index
            %swap3A_369 = tpu.vector_load %arg9[%swap3A_367, %swap3A_368] {strides = array<i32>} : memref<16x256xf32, #tpu.memory_space<vmem>>, vector<1x16xf32>,
            %swap3A_370 = vector.shape_cast %swap3A_369 : vector<1x16xf32> to vector<16xf32>
            %swap3A_371 = vector.shape_cast %max3A_366 : vector<16xf32> to vector<1x16xf32>
            tpu.vector_store %arg9[%swap3A_367, %swap3A_368], %swap3A_371 {strides = array<i32>} : memref<16x256xf32, #tpu.memory_space<vmem>>, vector<1x16xf32>,
            %get3A_372 = arith.index_cast %while3A_153 : i32 to index
            %get3A_373 = arith.constant 144 : index
            %get3A_374 = tpu.vector_load %arg9[%get3A_372, %get3A_373] {strides = array<i32>} : memref<16x256xf32, #tpu.memory_space<vmem>>, vector<1x16xf32>,
            %get3A_375 = vector.shape_cast %get3A_374 : vector<1x16xf32> to vector<16xf32>
            %max3A_376 = arith.maximumf %get3A_375, %while3A_282#9 : vector<16xf32>
            %swap3A_377 = arith.index_cast %while3A_153 : i32 to index
            %swap3A_378 = arith.constant 144 : index
            %swap3A_379 = tpu.vector_load %arg9[%swap3A_377, %swap3A_378] {strides = array<i32>} : memref<16x256xf32, #tpu.memory_space<vmem>>, vector<1x16xf32>,
            %swap3A_380 = vector.shape_cast %swap3A_379 : vector<1x16xf32> to vector<16xf32>
            %swap3A_381 = vector.shape_cast %max3A_376 : vector<16xf32> to vector<1x16xf32>
            tpu.vector_store %arg9[%swap3A_377, %swap3A_378], %swap3A_381 {strides = array<i32>} : memref<16x256xf32, #tpu.memory_space<vmem>>, vector<1x16xf32>,
            %get3A_382 = arith.index_cast %while3A_153 : i32 to index
            %get3A_383 = arith.constant 160 : index
            %get3A_384 = tpu.vector_load %arg9[%get3A_382, %get3A_383] {strides = array<i32>} : memref<16x256xf32, #tpu.memory_space<vmem>>, vector<1x16xf32>,
            %get3A_385 = vector.shape_cast %get3A_384 : vector<1x16xf32> to vector<16xf32>
            %max3A_386 = arith.maximumf %get3A_385, %while3A_282#10 : vector<16xf32>
            %swap3A_387 = arith.index_cast %while3A_153 : i32 to index
            %swap3A_388 = arith.constant 160 : index
            %swap3A_389 = tpu.vector_load %arg9[%swap3A_387, %swap3A_388] {strides = array<i32>} : memref<16x256xf32, #tpu.memory_space<vmem>>, vector<1x16xf32>,
            %swap3A_390 = vector.shape_cast %swap3A_389 : vector<1x16xf32> to vector<16xf32>
            %swap3A_391 = vector.shape_cast %max3A_386 : vector<16xf32> to vector<1x16xf32>
            tpu.vector_store %arg9[%swap3A_387, %swap3A_388], %swap3A_391 {strides = array<i32>} : memref<16x256xf32, #tpu.memory_space<vmem>>, vector<1x16xf32>,
            %get3A_392 = arith.index_cast %while3A_153 : i32 to index
            %get3A_393 = arith.constant 176 : index
            %get3A_394 = tpu.vector_load %arg9[%get3A_392, %get3A_393] {strides = array<i32>} : memref<16x256xf32, #tpu.memory_space<vmem>>, vector<1x16xf32>,
            %get3A_395 = vector.shape_cast %get3A_394 : vector<1x16xf32> to vector<16xf32>
            %max3A_396 = arith.maximumf %get3A_395, %while3A_282#11 : vector<16xf32>
            %swap3A_397 = arith.index_cast %while3A_153 : i32 to index
            %swap3A_398 = arith.constant 176 : index
            %swap3A_399 = tpu.vector_load %arg9[%swap3A_397, %swap3A_398] {strides = array<i32>} : memref<16x256xf32, #tpu.memory_space<vmem>>, vector<1x16xf32>,
            %swap3A_400 = vector.shape_cast %swap3A_399 : vector<1x16xf32> to vector<16xf32>
            %swap3A_401 = vector.shape_cast %max3A_396 : vector<16xf32> to vector<1x16xf32>
            tpu.vector_store %arg9[%swap3A_397, %swap3A_398], %swap3A_401 {strides = array<i32>} : memref<16x256xf32, #tpu.memory_space<vmem>>, vector<1x16xf32>,
            %get3A_402 = arith.index_cast %while3A_153 : i32 to index
            %get3A_403 = arith.constant 192 : index
            %get3A_404 = tpu.vector_load %arg9[%get3A_402, %get3A_403] {strides = array<i32>} : memref<16x256xf32, #tpu.memory_space<vmem>>, vector<1x16xf32>,
            %get3A_405 = vector.shape_cast %get3A_404 : vector<1x16xf32> to vector<16xf32>
            %max3A_406 = arith.maximumf %get3A_405, %while3A_282#12 : vector<16xf32>
            %swap3A_407 = arith.index_cast %while3A_153 : i32 to index
            %swap3A_408 = arith.constant 192 : index
            %swap3A_409 = tpu.vector_load %arg9[%swap3A_407, %swap3A_408] {strides = array<i32>} : memref<16x256xf32, #tpu.memory_space<vmem>>, vector<1x16xf32>,
            %swap3A_410 = vector.shape_cast %swap3A_409 : vector<1x16xf32> to vector<16xf32>
            %swap3A_411 = vector.shape_cast %max3A_406 : vector<16xf32> to vector<1x16xf32>
            tpu.vector_store %arg9[%swap3A_407, %swap3A_408], %swap3A_411 {strides = array<i32>} : memref<16x256xf32, #tpu.memory_space<vmem>>, vector<1x16xf32>,
            %get3A_412 = arith.index_cast %while3A_153 : i32 to index
            %get3A_413 = arith.constant 208 : index
            %get3A_414 = tpu.vector_load %arg9[%get3A_412, %get3A_413] {strides = array<i32>} : memref<16x256xf32, #tpu.memory_space<vmem>>, vector<1x16xf32>,
            %get3A_415 = vector.shape_cast %get3A_414 : vector<1x16xf32> to vector<16xf32>
            %max3A_416 = arith.maximumf %get3A_415, %while3A_282#13 : vector<16xf32>
            %swap3A_417 = arith.index_cast %while3A_153 : i32 to index
            %swap3A_418 = arith.constant 208 : index
            %swap3A_419 = tpu.vector_load %arg9[%swap3A_417, %swap3A_418] {strides = array<i32>} : memref<16x256xf32, #tpu.memory_space<vmem>>, vector<1x16xf32>,
            %swap3A_420 = vector.shape_cast %swap3A_419 : vector<1x16xf32> to vector<16xf32>
            %swap3A_421 = vector.shape_cast %max3A_416 : vector<16xf32> to vector<1x16xf32>
            tpu.vector_store %arg9[%swap3A_417, %swap3A_418], %swap3A_421 {strides = array<i32>} : memref<16x256xf32, #tpu.memory_space<vmem>>, vector<1x16xf32>,
            %get3A_422 = arith.index_cast %while3A_153 : i32 to index
            %get3A_423 = arith.constant 224 : index
            %get3A_424 = tpu.vector_load %arg9[%get3A_422, %get3A_423] {strides = array<i32>} : memref<16x256xf32, #tpu.memory_space<vmem>>, vector<1x16xf32>,
            %get3A_425 = vector.shape_cast %get3A_424 : vector<1x16xf32> to vector<16xf32>
            %max3A_426 = arith.maximumf %get3A_425, %while3A_282#14 : vector<16xf32>
            %swap3A_427 = arith.index_cast %while3A_153 : i32 to index
            %swap3A_428 = arith.constant 224 : index
            %swap3A_429 = tpu.vector_load %arg9[%swap3A_427, %swap3A_428] {strides = array<i32>} : memref<16x256xf32, #tpu.memory_space<vmem>>, vector<1x16xf32>,
            %swap3A_430 = vector.shape_cast %swap3A_429 : vector<1x16xf32> to vector<16xf32>
            %swap3A_431 = vector.shape_cast %max3A_426 : vector<16xf32> to vector<1x16xf32>
            tpu.vector_store %arg9[%swap3A_427, %swap3A_428], %swap3A_431 {strides = array<i32>} : memref<16x256xf32, #tpu.memory_space<vmem>>, vector<1x16xf32>,
            %get3A_432 = arith.index_cast %while3A_153 : i32 to index
            %get3A_433 = arith.constant 240 : index
            %get3A_434 = tpu.vector_load %arg9[%get3A_432, %get3A_433] {strides = array<i32>} : memref<16x256xf32, #tpu.memory_space<vmem>>, vector<1x16xf32>,
            %get3A_435 = vector.shape_cast %get3A_434 : vector<1x16xf32> to vector<16xf32>
            %max3A_436 = arith.maximumf %get3A_435, %while3A_282#15 : vector<16xf32>
            %swap3A_437 = arith.index_cast %while3A_153 : i32 to index
            %swap3A_438 = arith.constant 240 : index
            %swap3A_439 = tpu.vector_load %arg9[%swap3A_437, %swap3A_438] {strides = array<i32>} : memref<16x256xf32, #tpu.memory_space<vmem>>, vector<1x16xf32>,
            %swap3A_440 = vector.shape_cast %swap3A_439 : vector<1x16xf32> to vector<16xf32>
            %swap3A_441 = vector.shape_cast %max3A_436 : vector<16xf32> to vector<1x16xf32>
            tpu.vector_store %arg9[%swap3A_437, %swap3A_438], %swap3A_441 {strides = array<i32>} : memref<16x256xf32, #tpu.memory_space<vmem>>, vector<1x16xf32>,
          } else {
          }
          %while3A_174 = arith.constant 0 : i32
          scf.yield %while3A_174 : i32
        }
        %while3A_151 = arith.constant 1 : i32
        %while3A_152 = scf.for %while3A_153 = %while3A_148 to %while3A_144 step %while3A_151 iter_args(%while3A_154 = %while3A_150) -> (i32)  : i32 {
          %get3A_155 = arith.index_cast %while3A_153 : i32 to index
          %get3A_156 = tpu.vector_load %arg7[%get3A_155] {strides = array<i32>} : memref<48xi32, #tpu.memory_space<vmem>>, vector<16xi32>,
          %get3A_157 = vector.shape_cast %get3A_156 : vector<16xi32> to vector<16xi32>
          %slice3A_158 = vector.extract_strided_slice %get3A_157 {offsets = [0], sizes = [1], strides = [1]} : vector<16xi32> to vector<1xi32>
          %squeeze3A_159 = vector.extract %slice3A_158[0] : i32 from vector<1xi32>
          %add3A_160 = arith.constant 1 : i32
          %add3A_161 = arith.addi %while3A_153, %add3A_160 : i32
          %get3A_162 = arith.index_cast %add3A_161 : i32 to index
          %get3A_163 = tpu.vector_load %arg7[%get3A_162] {strides = array<i32>} : memref<48xi32, #tpu.memory_space<vmem>>, vector<16xi32>,
          %get3A_164 = vector.shape_cast %get3A_163 : vector<16xi32> to vector<16xi32>
          %slice3A_165 = vector.extract_strided_slice %get3A_164 {offsets = [0], sizes = [1], strides = [1]} : vector<16xi32> to vector<1xi32>
          %squeeze3A_166 = vector.extract %slice3A_165[0] : i32 from vector<1xi32>
          %max3A = arith.maxsi %squeeze3A_159, %add3A_67 : i32
          %sub3A_167 = arith.subi %max3A, %add3A_67 : i32
          %add3A_168 = arith.constant 128 : i32
          %add3A_169 = arith.addi %add3A_67, %add3A_168 : i32
          %min3A = arith.minsi %squeeze3A_166, %add3A_169 : i32
          %sub3A_170 = arith.subi %min3A, %add3A_67 : i32
          %gt3A = arith.cmpi sgt, %sub3A_170, %sub3A_167 : i32
          %convert_element_type3A_171 = arith.extui %gt3A : i1 to i32
          %cond3A_172 = arith.constant 0 : i32
          %cond3A_173 = arith.cmpi ne, %convert_element_type3A_171, %cond3A_172 : i32
          scf.if %cond3A_173 {
            %get3A_175 = arith.constant 0 : i32
            %get3A_176 = arith.index_cast %get3A_175 : i32 to index
            %get3A_177 = arith.index_cast %sub3A_167 : i32 to index
            %get3A_178 = arith.constant 0 : index
            %get3A_179 = tpu.vector_load %arg8[%get3A_176, %get3A_177, %get3A_178] {strides = array<i32>} : memref<2x128x256xf32, #tpu.memory_space<vmem>>, vector<1x1x16xf32>,
            %get3A_180 = vector.shape_cast %get3A_179 : vector<1x1x16xf32> to vector<16xf32>
            %get3A_181 = arith.constant 0 : i32
            %get3A_182 = arith.index_cast %get3A_181 : i32 to index
            %get3A_183 = arith.index_cast %sub3A_167 : i32 to index
            %get3A_184 = arith.constant 16 : index
            %get3A_185 = tpu.vector_load %arg8[%get3A_182, %get3A_183, %get3A_184] {strides = array<i32>} : memref<2x128x256xf32, #tpu.memory_space<vmem>>, vector<1x1x16xf32>,
            %get3A_186 = vector.shape_cast %get3A_185 : vector<1x1x16xf32> to vector<16xf32>
            %get3A_187 = arith.constant 0 : i32
            %get3A_188 = arith.index_cast %get3A_187 : i32 to index
            %get3A_189 = arith.index_cast %sub3A_167 : i32 to index
            %get3A_190 = arith.constant 32 : index
            %get3A_191 = tpu.vector_load %arg8[%get3A_188, %get3A_189, %get3A_190] {strides = array<i32>} : memref<2x128x256xf32, #tpu.memory_space<vmem>>, vector<1x1x16xf32>,
            %get3A_192 = vector.shape_cast %get3A_191 : vector<1x1x16xf32> to vector<16xf32>
            %get3A_193 = arith.constant 0 : i32
            %get3A_194 = arith.index_cast %get3A_193 : i32 to index
            %get3A_195 = arith.index_cast %sub3A_167 : i32 to index
            %get3A_196 = arith.constant 48 : index
            %get3A_197 = tpu.vector_load %arg8[%get3A_194, %get3A_195, %get3A_196] {strides = array<i32>} : memref<2x128x256xf32, #tpu.memory_space<vmem>>, vector<1x1x16xf32>,
            %get3A_198 = vector.shape_cast %get3A_197 : vector<1x1x16xf32> to vector<16xf32>
            %get3A_199 = arith.constant 0 : i32
            %get3A_200 = arith.index_cast %get3A_199 : i32 to index
            %get3A_201 = arith.index_cast %sub3A_167 : i32 to index
            %get3A_202 = arith.constant 64 : index
            %get3A_203 = tpu.vector_load %arg8[%get3A_200, %get3A_201, %get3A_202] {strides = array<i32>} : memref<2x128x256xf32, #tpu.memory_space<vmem>>, vector<1x1x16xf32>,
            %get3A_204 = vector.shape_cast %get3A_203 : vector<1x1x16xf32> to vector<16xf32>
            %get3A_205 = arith.constant 0 : i32
            %get3A_206 = arith.index_cast %get3A_205 : i32 to index
            %get3A_207 = arith.index_cast %sub3A_167 : i32 to index
            %get3A_208 = arith.constant 80 : index
            %get3A_209 = tpu.vector_load %arg8[%get3A_206, %get3A_207, %get3A_208] {strides = array<i32>} : memref<2x128x256xf32, #tpu.memory_space<vmem>>, vector<1x1x16xf32>,
            %get3A_210 = vector.shape_cast %get3A_209 : vector<1x1x16xf32> to vector<16xf32>
            %get3A_211 = arith.constant 0 : i32
            %get3A_212 = arith.index_cast %get3A_211 : i32 to index
            %get3A_213 = arith.index_cast %sub3A_167 : i32 to index
            %get3A_214 = arith.constant 96 : index
            %get3A_215 = tpu.vector_load %arg8[%get3A_212, %get3A_213, %get3A_214] {strides = array<i32>} : memref<2x128x256xf32, #tpu.memory_space<vmem>>, vector<1x1x16xf32>,
            %get3A_216 = vector.shape_cast %get3A_215 : vector<1x1x16xf32> to vector<16xf32>
            %get3A_217 = arith.constant 0 : i32
            %get3A_218 = arith.index_cast %get3A_217 : i32 to index
            %get3A_219 = arith.index_cast %sub3A_167 : i32 to index
            %get3A_220 = arith.constant 112 : index
            %get3A_221 = tpu.vector_load %arg8[%get3A_218, %get3A_219, %get3A_220] {strides = array<i32>} : memref<2x128x256xf32, #tpu.memory_space<vmem>>, vector<1x1x16xf32>,
            %get3A_222 = vector.shape_cast %get3A_221 : vector<1x1x16xf32> to vector<16xf32>
            %get3A_223 = arith.constant 0 : i32
            %get3A_224 = arith.index_cast %get3A_223 : i32 to index
            %get3A_225 = arith.index_cast %sub3A_167 : i32 to index
            %get3A_226 = arith.constant 128 : index
            %get3A_227 = tpu.vector_load %arg8[%get3A_224, %get3A_225, %get3A_226] {strides = array<i32>} : memref<2x128x256xf32, #tpu.memory_space<vmem>>, vector<1x1x16xf32>,
            %get3A_228 = vector.shape_cast %get3A_227 : vector<1x1x16xf32> to vector<16xf32>
            %get3A_229 = arith.constant 0 : i32
            %get3A_230 = arith.index_cast %get3A_229 : i32 to index
            %get3A_231 = arith.index_cast %sub3A_167 : i32 to index
            %get3A_232 = arith.constant 144 : index
            %get3A_233 = tpu.vector_load %arg8[%get3A_230, %get3A_231, %get3A_232] {strides = array<i32>} : memref<2x128x256xf32, #tpu.memory_space<vmem>>, vector<1x1x16xf32>,
            %get3A_234 = vector.shape_cast %get3A_233 : vector<1x1x16xf32> to vector<16xf32>
            %get3A_235 = arith.constant 0 : i32
            %get3A_236 = arith.index_cast %get3A_235 : i32 to index
            %get3A_237 = arith.index_cast %sub3A_167 : i32 to index
            %get3A_238 = arith.constant 160 : index
            %get3A_239 = tpu.vector_load %arg8[%get3A_236, %get3A_237, %get3A_238] {strides = array<i32>} : memref<2x128x256xf32, #tpu.memory_space<vmem>>, vector<1x1x16xf32>,
            %get3A_240 = vector.shape_cast %get3A_239 : vector<1x1x16xf32> to vector<16xf32>
            %get3A_241 = arith.constant 0 : i32
            %get3A_242 = arith.index_cast %get3A_241 : i32 to index
            %get3A_243 = arith.index_cast %sub3A_167 : i32 to index
            %get3A_244 = arith.constant 176 : index
            %get3A_245 = tpu.vector_load %arg8[%get3A_242, %get3A_243, %get3A_244] {strides = array<i32>} : memref<2x128x256xf32, #tpu.memory_space<vmem>>, vector<1x1x16xf32>,
            %get3A_246 = vector.shape_cast %get3A_245 : vector<1x1x16xf32> to vector<16xf32>
            %get3A_247 = arith.constant 0 : i32
            %get3A_248 = arith.index_cast %get3A_247 : i32 to index
            %get3A_249 = arith.index_cast %sub3A_167 : i32 to index
            %get3A_250 = arith.constant 192 : index
            %get3A_251 = tpu.vector_load %arg8[%get3A_248, %get3A_249, %get3A_250] {strides = array<i32>} : memref<2x128x256xf32, #tpu.memory_space<vmem>>, vector<1x1x16xf32>,
            %get3A_252 = vector.shape_cast %get3A_251 : vector<1x1x16xf32> to vector<16xf32>
            %get3A_253 = arith.constant 0 : i32
            %get3A_254 = arith.index_cast %get3A_253 : i32 to index
            %get3A_255 = arith.index_cast %sub3A_167 : i32 to index
            %get3A_256 = arith.constant 208 : index
            %get3A_257 = tpu.vector_load %arg8[%get3A_254, %get3A_255, %get3A_256] {strides = array<i32>} : memref<2x128x256xf32, #tpu.memory_space<vmem>>, vector<1x1x16xf32>,
            %get3A_258 = vector.shape_cast %get3A_257 : vector<1x1x16xf32> to vector<16xf32>
            %get3A_259 = arith.constant 0 : i32
            %get3A_260 = arith.index_cast %get3A_259 : i32 to index
            %get3A_261 = arith.index_cast %sub3A_167 : i32 to index
            %get3A_262 = arith.constant 224 : index
            %get3A_263 = tpu.vector_load %arg8[%get3A_260, %get3A_261, %get3A_262] {strides = array<i32>} : memref<2x128x256xf32, #tpu.memory_space<vmem>>, vector<1x1x16xf32>,
            %get3A_264 = vector.shape_cast %get3A_263 : vector<1x1x16xf32> to vector<16xf32>
            %get3A_265 = arith.constant 0 : i32
            %get3A_266 = arith.index_cast %get3A_265 : i32 to index
            %get3A_267 = arith.index_cast %sub3A_167 : i32 to index
            %get3A_268 = arith.constant 240 : index
            %get3A_269 = tpu.vector_load %arg8[%get3A_266, %get3A_267, %get3A_268] {strides = array<i32>} : memref<2x128x256xf32, #tpu.memory_space<vmem>>, vector<1x1x16xf32>,
            %get3A_270 = vector.shape_cast %get3A_269 : vector<1x1x16xf32> to vector<16xf32>
            %add3A_271 = arith.constant 1 : i32
            %add3A_272 = arith.addi %sub3A_167, %add3A_271 : i32
            %while3A_273 = arith.subi %sub3A_170, %add3A_272 : i32
            %while3A_274 = arith.addi %add3A_272, %while3A_273 : i32
            %while3A_275 = arith.constant 1 : i32
            %while3A_276 = arith.divsi %while3A_273, %while3A_275 : i32
            %while3A_277 = arith.muli %while3A_276, %while3A_275 : i32
            %while3A_278 = arith.addi %add3A_272, %while3A_277 : i32
            %while3A_279 = arith.constant 1 : i32
            %while3A_280:16 = scf.for %while3A_442 = %add3A_272 to %while3A_278 step %while3A_279 iter_args(%while3A_443 = %get3A_180, %while3A_444 = %get3A_186, %while3A_445 = %get3A_192, %while3A_446 = %get3A_198, %while3A_447 = %get3A_204, %while3A_448 = %get3A_210, %while3A_449 = %get3A_216, %while3A_450 = %get3A_222, %while3A_451 = %get3A_228, %while3A_452 = %get3A_234, %while3A_453 = %get3A_240, %while3A_454 = %get3A_246, %while3A_455 = %get3A_252, %while3A_456 = %get3A_258, %while3A_457 = %get3A_264, %while3A_458 = %get3A_270) -> (vector<16xf32>, vector<16xf32>, vector<16xf32>, vector<16xf32>, vector<16xf32>, vector<16xf32>, vector<16xf32>, vector<16xf32>, vector<16xf32>, vector<16xf32>, vector<16xf32>, vector<16xf32>, vector<16xf32>, vector<16xf32>, vector<16xf32>, vector<16xf32>)  : i32 {
              %get3A_459 = arith.constant 0 : i32
              %get3A_460 = arith.index_cast %get3A_459 : i32 to index
              %get3A_461 = arith.index_cast %while3A_442 : i32 to index
              %get3A_462 = arith.constant 0 : index
              %get3A_463 = tpu.vector_load %arg8[%get3A_460, %get3A_461, %get3A_462] {strides = array<i32>} : memref<2x128x256xf32, #tpu.memory_space<vmem>>, vector<1x1x16xf32>,
              %get3A_464 = vector.shape_cast %get3A_463 : vector<1x1x16xf32> to vector<16xf32>
              %max3A_465 = arith.maximumf %while3A_443, %get3A_464 : vector<16xf32>
              %get3A_466 = arith.constant 0 : i32
              %get3A_467 = arith.index_cast %get3A_466 : i32 to index
              %get3A_468 = arith.index_cast %while3A_442 : i32 to index
              %get3A_469 = arith.constant 16 : index
              %get3A_470 = tpu.vector_load %arg8[%get3A_467, %get3A_468, %get3A_469] {strides = array<i32>} : memref<2x128x256xf32, #tpu.memory_space<vmem>>, vector<1x1x16xf32>,
              %get3A_471 = vector.shape_cast %get3A_470 : vector<1x1x16xf32> to vector<16xf32>
              %max3A_472 = arith.maximumf %while3A_444, %get3A_471 : vector<16xf32>
              %get3A_473 = arith.constant 0 : i32
              %get3A_474 = arith.index_cast %get3A_473 : i32 to index
              %get3A_475 = arith.index_cast %while3A_442 : i32 to index
              %get3A_476 = arith.constant 32 : index
              %get3A_477 = tpu.vector_load %arg8[%get3A_474, %get3A_475, %get3A_476] {strides = array<i32>} : memref<2x128x256xf32, #tpu.memory_space<vmem>>, vector<1x1x16xf32>,
              %get3A_478 = vector.shape_cast %get3A_477 : vector<1x1x16xf32> to vector<16xf32>
              %max3A_479 = arith.maximumf %while3A_445, %get3A_478 : vector<16xf32>
              %get3A_480 = arith.constant 0 : i32
              %get3A_481 = arith.index_cast %get3A_480 : i32 to index
              %get3A_482 = arith.index_cast %while3A_442 : i32 to index
              %get3A_483 = arith.constant 48 : index
              %get3A_484 = tpu.vector_load %arg8[%get3A_481, %get3A_482, %get3A_483] {strides = array<i32>} : memref<2x128x256xf32, #tpu.memory_space<vmem>>, vector<1x1x16xf32>,
              %get3A_485 = vector.shape_cast %get3A_484 : vector<1x1x16xf32> to vector<16xf32>
              %max3A_486 = arith.maximumf %while3A_446, %get3A_485 : vector<16xf32>
              %get3A_487 = arith.constant 0 : i32
              %get3A_488 = arith.index_cast %get3A_487 : i32 to index
              %get3A_489 = arith.index_cast %while3A_442 : i32 to index
              %get3A_490 = arith.constant 64 : index
              %get3A_491 = tpu.vector_load %arg8[%get3A_488, %get3A_489, %get3A_490] {strides = array<i32>} : memref<2x128x256xf32, #tpu.memory_space<vmem>>, vector<1x1x16xf32>,
              %get3A_492 = vector.shape_cast %get3A_491 : vector<1x1x16xf32> to vector<16xf32>
              %max3A_493 = arith.maximumf %while3A_447, %get3A_492 : vector<16xf32>
              %get3A_494 = arith.constant 0 : i32
              %get3A_495 = arith.index_cast %get3A_494 : i32 to index
              %get3A_496 = arith.index_cast %while3A_442 : i32 to index
              %get3A_497 = arith.constant 80 : index
              %get3A_498 = tpu.vector_load %arg8[%get3A_495, %get3A_496, %get3A_497] {strides = array<i32>} : memref<2x128x256xf32, #tpu.memory_space<vmem>>, vector<1x1x16xf32>,
              %get3A_499 = vector.shape_cast %get3A_498 : vector<1x1x16xf32> to vector<16xf32>
              %max3A_500 = arith.maximumf %while3A_448, %get3A_499 : vector<16xf32>
              %get3A_501 = arith.constant 0 : i32
              %get3A_502 = arith.index_cast %get3A_501 : i32 to index
              %get3A_503 = arith.index_cast %while3A_442 : i32 to index
              %get3A_504 = arith.constant 96 : index
              %get3A_505 = tpu.vector_load %arg8[%get3A_502, %get3A_503, %get3A_504] {strides = array<i32>} : memref<2x128x256xf32, #tpu.memory_space<vmem>>, vector<1x1x16xf32>,
              %get3A_506 = vector.shape_cast %get3A_505 : vector<1x1x16xf32> to vector<16xf32>
              %max3A_507 = arith.maximumf %while3A_449, %get3A_506 : vector<16xf32>
              %get3A_508 = arith.constant 0 : i32
              %get3A_509 = arith.index_cast %get3A_508 : i32 to index
              %get3A_510 = arith.index_cast %while3A_442 : i32 to index
              %get3A_511 = arith.constant 112 : index
              %get3A_512 = tpu.vector_load %arg8[%get3A_509, %get3A_510, %get3A_511] {strides = array<i32>} : memref<2x128x256xf32, #tpu.memory_space<vmem>>, vector<1x1x16xf32>,
              %get3A_513 = vector.shape_cast %get3A_512 : vector<1x1x16xf32> to vector<16xf32>
              %max3A_514 = arith.maximumf %while3A_450, %get3A_513 : vector<16xf32>
              %get3A_515 = arith.constant 0 : i32
              %get3A_516 = arith.index_cast %get3A_515 : i32 to index
              %get3A_517 = arith.index_cast %while3A_442 : i32 to index
              %get3A_518 = arith.constant 128 : index
              %get3A_519 = tpu.vector_load %arg8[%get3A_516, %get3A_517, %get3A_518] {strides = array<i32>} : memref<2x128x256xf32, #tpu.memory_space<vmem>>, vector<1x1x16xf32>,
              %get3A_520 = vector.shape_cast %get3A_519 : vector<1x1x16xf32> to vector<16xf32>
              %max3A_521 = arith.maximumf %while3A_451, %get3A_520 : vector<16xf32>
              %get3A_522 = arith.constant 0 : i32
              %get3A_523 = arith.index_cast %get3A_522 : i32 to index
              %get3A_524 = arith.index_cast %while3A_442 : i32 to index
              %get3A_525 = arith.constant 144 : index
              %get3A_526 = tpu.vector_load %arg8[%get3A_523, %get3A_524, %get3A_525] {strides = array<i32>} : memref<2x128x256xf32, #tpu.memory_space<vmem>>, vector<1x1x16xf32>,
              %get3A_527 = vector.shape_cast %get3A_526 : vector<1x1x16xf32> to vector<16xf32>
              %max3A_528 = arith.maximumf %while3A_452, %get3A_527 : vector<16xf32>
              %get3A_529 = arith.constant 0 : i32
              %get3A_530 = arith.index_cast %get3A_529 : i32 to index
              %get3A_531 = arith.index_cast %while3A_442 : i32 to index
              %get3A_532 = arith.constant 160 : index
              %get3A_533 = tpu.vector_load %arg8[%get3A_530, %get3A_531, %get3A_532] {strides = array<i32>} : memref<2x128x256xf32, #tpu.memory_space<vmem>>, vector<1x1x16xf32>,
              %get3A_534 = vector.shape_cast %get3A_533 : vector<1x1x16xf32> to vector<16xf32>
              %max3A_535 = arith.maximumf %while3A_453, %get3A_534 : vector<16xf32>
              %get3A_536 = arith.constant 0 : i32
              %get3A_537 = arith.index_cast %get3A_536 : i32 to index
              %get3A_538 = arith.index_cast %while3A_442 : i32 to index
              %get3A_539 = arith.constant 176 : index
              %get3A_540 = tpu.vector_load %arg8[%get3A_537, %get3A_538, %get3A_539] {strides = array<i32>} : memref<2x128x256xf32, #tpu.memory_space<vmem>>, vector<1x1x16xf32>,
              %get3A_541 = vector.shape_cast %get3A_540 : vector<1x1x16xf32> to vector<16xf32>
              %max3A_542 = arith.maximumf %while3A_454, %get3A_541 : vector<16xf32>
              %get3A_543 = arith.constant 0 : i32
              %get3A_544 = arith.index_cast %get3A_543 : i32 to index
              %get3A_545 = arith.index_cast %while3A_442 : i32 to index
              %get3A_546 = arith.constant 192 : index
              %get3A_547 = tpu.vector_load %arg8[%get3A_544, %get3A_545, %get3A_546] {strides = array<i32>} : memref<2x128x256xf32, #tpu.memory_space<vmem>>, vector<1x1x16xf32>,
              %get3A_548 = vector.shape_cast %get3A_547 : vector<1x1x16xf32> to vector<16xf32>
              %max3A_549 = arith.maximumf %while3A_455, %get3A_548 : vector<16xf32>
              %get3A_550 = arith.constant 0 : i32
              %get3A_551 = arith.index_cast %get3A_550 : i32 to index
              %get3A_552 = arith.index_cast %while3A_442 : i32 to index
              %get3A_553 = arith.constant 208 : index
              %get3A_554 = tpu.vector_load %arg8[%get3A_551, %get3A_552, %get3A_553] {strides = array<i32>} : memref<2x128x256xf32, #tpu.memory_space<vmem>>, vector<1x1x16xf32>,
              %get3A_555 = vector.shape_cast %get3A_554 : vector<1x1x16xf32> to vector<16xf32>
              %max3A_556 = arith.maximumf %while3A_456, %get3A_555 : vector<16xf32>
              %get3A_557 = arith.constant 0 : i32
              %get3A_558 = arith.index_cast %get3A_557 : i32 to index
              %get3A_559 = arith.index_cast %while3A_442 : i32 to index
              %get3A_560 = arith.constant 224 : index
              %get3A_561 = tpu.vector_load %arg8[%get3A_558, %get3A_559, %get3A_560] {strides = array<i32>} : memref<2x128x256xf32, #tpu.memory_space<vmem>>, vector<1x1x16xf32>,
              %get3A_562 = vector.shape_cast %get3A_561 : vector<1x1x16xf32> to vector<16xf32>
              %max3A_563 = arith.maximumf %while3A_457, %get3A_562 : vector<16xf32>
              %get3A_564 = arith.constant 0 : i32
              %get3A_565 = arith.index_cast %get3A_564 : i32 to index
              %get3A_566 = arith.index_cast %while3A_442 : i32 to index
              %get3A_567 = arith.constant 240 : index
              %get3A_568 = tpu.vector_load %arg8[%get3A_565, %get3A_566, %get3A_567] {strides = array<i32>} : memref<2x128x256xf32, #tpu.memory_space<vmem>>, vector<1x1x16xf32>,
              %get3A_569 = vector.shape_cast %get3A_568 : vector<1x1x16xf32> to vector<16xf32>
              %max3A_570 = arith.maximumf %while3A_458, %get3A_569 : vector<16xf32>
              scf.yield %max3A_465, %max3A_472, %max3A_479, %max3A_486, %max3A_493, %max3A_500, %max3A_507, %max3A_514, %max3A_521, %max3A_528, %max3A_535, %max3A_542, %max3A_549, %max3A_556, %max3A_563, %max3A_570 : vector<16xf32>, vector<16xf32>, vector<16xf32>, vector<16xf32>, vector<16xf32>, vector<16xf32>, vector<16xf32>, vector<16xf32>, vector<16xf32>, vector<16xf32>, vector<16xf32>, vector<16xf32>, vector<16xf32>, vector<16xf32>, vector<16xf32>, vector<16xf32>
            }
            %while3A_281 = arith.constant 1 : i32
            %while3A_282:16 = scf.for %while3A_442 = %while3A_278 to %while3A_274 step %while3A_281 iter_args(%while3A_443 = %while3A_280#0, %while3A_444 = %while3A_280#1, %while3A_445 = %while3A_280#2, %while3A_446 = %while3A_280#3, %while3A_447 = %while3A_280#4, %while3A_448 = %while3A_280#5, %while3A_449 = %while3A_280#6, %while3A_450 = %while3A_280#7, %while3A_451 = %while3A_280#8, %while3A_452 = %while3A_280#9, %while3A_453 = %while3A_280#10, %while3A_454 = %while3A_280#11, %while3A_455 = %while3A_280#12, %while3A_456 = %while3A_280#13, %while3A_457 = %while3A_280#14, %while3A_458 = %while3A_280#15) -> (vector<16xf32>, vector<16xf32>, vector<16xf32>, vector<16xf32>, vector<16xf32>, vector<16xf32>, vector<16xf32>, vector<16xf32>, vector<16xf32>, vector<16xf32>, vector<16xf32>, vector<16xf32>, vector<16xf32>, vector<16xf32>, vector<16xf32>, vector<16xf32>)  : i32 {
              %get3A_459 = arith.constant 0 : i32
              %get3A_460 = arith.index_cast %get3A_459 : i32 to index
              %get3A_461 = arith.index_cast %while3A_442 : i32 to index
              %get3A_462 = arith.constant 0 : index
              %get3A_463 = tpu.vector_load %arg8[%get3A_460, %get3A_461, %get3A_462] {strides = array<i32>} : memref<2x128x256xf32, #tpu.memory_space<vmem>>, vector<1x1x16xf32>,
              %get3A_464 = vector.shape_cast %get3A_463 : vector<1x1x16xf32> to vector<16xf32>
              %max3A_465 = arith.maximumf %while3A_443, %get3A_464 : vector<16xf32>
              %get3A_466 = arith.constant 0 : i32
              %get3A_467 = arith.index_cast %get3A_466 : i32 to index
              %get3A_468 = arith.index_cast %while3A_442 : i32 to index
              %get3A_469 = arith.constant 16 : index
              %get3A_470 = tpu.vector_load %arg8[%get3A_467, %get3A_468, %get3A_469] {strides = array<i32>} : memref<2x128x256xf32, #tpu.memory_space<vmem>>, vector<1x1x16xf32>,
              %get3A_471 = vector.shape_cast %get3A_470 : vector<1x1x16xf32> to vector<16xf32>
              %max3A_472 = arith.maximumf %while3A_444, %get3A_471 : vector<16xf32>
              %get3A_473 = arith.constant 0 : i32
              %get3A_474 = arith.index_cast %get3A_473 : i32 to index
              %get3A_475 = arith.index_cast %while3A_442 : i32 to index
              %get3A_476 = arith.constant 32 : index
              %get3A_477 = tpu.vector_load %arg8[%get3A_474, %get3A_475, %get3A_476] {strides = array<i32>} : memref<2x128x256xf32, #tpu.memory_space<vmem>>, vector<1x1x16xf32>,
              %get3A_478 = vector.shape_cast %get3A_477 : vector<1x1x16xf32> to vector<16xf32>
              %max3A_479 = arith.maximumf %while3A_445, %get3A_478 : vector<16xf32>
              %get3A_480 = arith.constant 0 : i32
              %get3A_481 = arith.index_cast %get3A_480 : i32 to index
              %get3A_482 = arith.index_cast %while3A_442 : i32 to index
              %get3A_483 = arith.constant 48 : index
              %get3A_484 = tpu.vector_load %arg8[%get3A_481, %get3A_482, %get3A_483] {strides = array<i32>} : memref<2x128x256xf32, #tpu.memory_space<vmem>>, vector<1x1x16xf32>,
              %get3A_485 = vector.shape_cast %get3A_484 : vector<1x1x16xf32> to vector<16xf32>
              %max3A_486 = arith.maximumf %while3A_446, %get3A_485 : vector<16xf32>
              %get3A_487 = arith.constant 0 : i32
              %get3A_488 = arith.index_cast %get3A_487 : i32 to index
              %get3A_489 = arith.index_cast %while3A_442 : i32 to index
              %get3A_490 = arith.constant 64 : index
              %get3A_491 = tpu.vector_load %arg8[%get3A_488, %get3A_489, %get3A_490] {strides = array<i32>} : memref<2x128x256xf32, #tpu.memory_space<vmem>>, vector<1x1x16xf32>,
              %get3A_492 = vector.shape_cast %get3A_491 : vector<1x1x16xf32> to vector<16xf32>
              %max3A_493 = arith.maximumf %while3A_447, %get3A_492 : vector<16xf32>
              %get3A_494 = arith.constant 0 : i32
              %get3A_495 = arith.index_cast %get3A_494 : i32 to index
              %get3A_496 = arith.index_cast %while3A_442 : i32 to index
              %get3A_497 = arith.constant 80 : index
              %get3A_498 = tpu.vector_load %arg8[%get3A_495, %get3A_496, %get3A_497] {strides = array<i32>} : memref<2x128x256xf32, #tpu.memory_space<vmem>>, vector<1x1x16xf32>,
              %get3A_499 = vector.shape_cast %get3A_498 : vector<1x1x16xf32> to vector<16xf32>
              %max3A_500 = arith.maximumf %while3A_448, %get3A_499 : vector<16xf32>
              %get3A_501 = arith.constant 0 : i32
              %get3A_502 = arith.index_cast %get3A_501 : i32 to index
              %get3A_503 = arith.index_cast %while3A_442 : i32 to index
              %get3A_504 = arith.constant 96 : index
              %get3A_505 = tpu.vector_load %arg8[%get3A_502, %get3A_503, %get3A_504] {strides = array<i32>} : memref<2x128x256xf32, #tpu.memory_space<vmem>>, vector<1x1x16xf32>,
              %get3A_506 = vector.shape_cast %get3A_505 : vector<1x1x16xf32> to vector<16xf32>
              %max3A_507 = arith.maximumf %while3A_449, %get3A_506 : vector<16xf32>
              %get3A_508 = arith.constant 0 : i32
              %get3A_509 = arith.index_cast %get3A_508 : i32 to index
              %get3A_510 = arith.index_cast %while3A_442 : i32 to index
              %get3A_511 = arith.constant 112 : index
              %get3A_512 = tpu.vector_load %arg8[%get3A_509, %get3A_510, %get3A_511] {strides = array<i32>} : memref<2x128x256xf32, #tpu.memory_space<vmem>>, vector<1x1x16xf32>,
              %get3A_513 = vector.shape_cast %get3A_512 : vector<1x1x16xf32> to vector<16xf32>
              %max3A_514 = arith.maximumf %while3A_450, %get3A_513 : vector<16xf32>
              %get3A_515 = arith.constant 0 : i32
              %get3A_516 = arith.index_cast %get3A_515 : i32 to index
              %get3A_517 = arith.index_cast %while3A_442 : i32 to index
              %get3A_518 = arith.constant 128 : index
              %get3A_519 = tpu.vector_load %arg8[%get3A_516, %get3A_517, %get3A_518] {strides = array<i32>} : memref<2x128x256xf32, #tpu.memory_space<vmem>>, vector<1x1x16xf32>,
              %get3A_520 = vector.shape_cast %get3A_519 : vector<1x1x16xf32> to vector<16xf32>
              %max3A_521 = arith.maximumf %while3A_451, %get3A_520 : vector<16xf32>
              %get3A_522 = arith.constant 0 : i32
              %get3A_523 = arith.index_cast %get3A_522 : i32 to index
              %get3A_524 = arith.index_cast %while3A_442 : i32 to index
              %get3A_525 = arith.constant 144 : index
              %get3A_526 = tpu.vector_load %arg8[%get3A_523, %get3A_524, %get3A_525] {strides = array<i32>} : memref<2x128x256xf32, #tpu.memory_space<vmem>>, vector<1x1x16xf32>,
              %get3A_527 = vector.shape_cast %get3A_526 : vector<1x1x16xf32> to vector<16xf32>
              %max3A_528 = arith.maximumf %while3A_452, %get3A_527 : vector<16xf32>
              %get3A_529 = arith.constant 0 : i32
              %get3A_530 = arith.index_cast %get3A_529 : i32 to index
              %get3A_531 = arith.index_cast %while3A_442 : i32 to index
              %get3A_532 = arith.constant 160 : index
              %get3A_533 = tpu.vector_load %arg8[%get3A_530, %get3A_531, %get3A_532] {strides = array<i32>} : memref<2x128x256xf32, #tpu.memory_space<vmem>>, vector<1x1x16xf32>,
              %get3A_534 = vector.shape_cast %get3A_533 : vector<1x1x16xf32> to vector<16xf32>
              %max3A_535 = arith.maximumf %while3A_453, %get3A_534 : vector<16xf32>
              %get3A_536 = arith.constant 0 : i32
              %get3A_537 = arith.index_cast %get3A_536 : i32 to index
              %get3A_538 = arith.index_cast %while3A_442 : i32 to index
              %get3A_539 = arith.constant 176 : index
              %get3A_540 = tpu.vector_load %arg8[%get3A_537, %get3A_538, %get3A_539] {strides = array<i32>} : memref<2x128x256xf32, #tpu.memory_space<vmem>>, vector<1x1x16xf32>,
              %get3A_541 = vector.shape_cast %get3A_540 : vector<1x1x16xf32> to vector<16xf32>
              %max3A_542 = arith.maximumf %while3A_454, %get3A_541 : vector<16xf32>
              %get3A_543 = arith.constant 0 : i32
              %get3A_544 = arith.index_cast %get3A_543 : i32 to index
              %get3A_545 = arith.index_cast %while3A_442 : i32 to index
              %get3A_546 = arith.constant 192 : index
              %get3A_547 = tpu.vector_load %arg8[%get3A_544, %get3A_545, %get3A_546] {strides = array<i32>} : memref<2x128x256xf32, #tpu.memory_space<vmem>>, vector<1x1x16xf32>,
              %get3A_548 = vector.shape_cast %get3A_547 : vector<1x1x16xf32> to vector<16xf32>
              %max3A_549 = arith.maximumf %while3A_455, %get3A_548 : vector<16xf32>
              %get3A_550 = arith.constant 0 : i32
              %get3A_551 = arith.index_cast %get3A_550 : i32 to index
              %get3A_552 = arith.index_cast %while3A_442 : i32 to index
              %get3A_553 = arith.constant 208 : index
              %get3A_554 = tpu.vector_load %arg8[%get3A_551, %get3A_552, %get3A_553] {strides = array<i32>} : memref<2x128x256xf32, #tpu.memory_space<vmem>>, vector<1x1x16xf32>,
              %get3A_555 = vector.shape_cast %get3A_554 : vector<1x1x16xf32> to vector<16xf32>
              %max3A_556 = arith.maximumf %while3A_456, %get3A_555 : vector<16xf32>
              %get3A_557 = arith.constant 0 : i32
              %get3A_558 = arith.index_cast %get3A_557 : i32 to index
              %get3A_559 = arith.index_cast %while3A_442 : i32 to index
              %get3A_560 = arith.constant 224 : index
              %get3A_561 = tpu.vector_load %arg8[%get3A_558, %get3A_559, %get3A_560] {strides = array<i32>} : memref<2x128x256xf32, #tpu.memory_space<vmem>>, vector<1x1x16xf32>,
              %get3A_562 = vector.shape_cast %get3A_561 : vector<1x1x16xf32> to vector<16xf32>
              %max3A_563 = arith.maximumf %while3A_457, %get3A_562 : vector<16xf32>
              %get3A_564 = arith.constant 0 : i32
              %get3A_565 = arith.index_cast %get3A_564 : i32 to index
              %get3A_566 = arith.index_cast %while3A_442 : i32 to index
              %get3A_567 = arith.constant 240 : index
              %get3A_568 = tpu.vector_load %arg8[%get3A_565, %get3A_566, %get3A_567] {strides = array<i32>} : memref<2x128x256xf32, #tpu.memory_space<vmem>>, vector<1x1x16xf32>,
              %get3A_569 = vector.shape_cast %get3A_568 : vector<1x1x16xf32> to vector<16xf32>
              %max3A_570 = arith.maximumf %while3A_458, %get3A_569 : vector<16xf32>
              scf.yield %max3A_465, %max3A_472, %max3A_479, %max3A_486, %max3A_493, %max3A_500, %max3A_507, %max3A_514, %max3A_521, %max3A_528, %max3A_535, %max3A_542, %max3A_549, %max3A_556, %max3A_563, %max3A_570 : vector<16xf32>, vector<16xf32>, vector<16xf32>, vector<16xf32>, vector<16xf32>, vector<16xf32>, vector<16xf32>, vector<16xf32>, vector<16xf32>, vector<16xf32>, vector<16xf32>, vector<16xf32>, vector<16xf32>, vector<16xf32>, vector<16xf32>, vector<16xf32>
            }
            %get3A_283 = arith.index_cast %while3A_153 : i32 to index
            %get3A_284 = arith.constant 0 : index
            %get3A_285 = tpu.vector_load %arg9[%get3A_283, %get3A_284] {strides = array<i32>} : memref<16x256xf32, #tpu.memory_space<vmem>>, vector<1x16xf32>,
            %get3A_286 = vector.shape_cast %get3A_285 : vector<1x16xf32> to vector<16xf32>
            %max3A_287 = arith.maximumf %get3A_286, %while3A_282#0 : vector<16xf32>
            %swap3A = arith.index_cast %while3A_153 : i32 to index
            %swap3A_288 = arith.constant 0 : index
            %swap3A_289 = tpu.vector_load %arg9[%swap3A, %swap3A_288] {strides = array<i32>} : memref<16x256xf32, #tpu.memory_space<vmem>>, vector<1x16xf32>,
            %swap3A_290 = vector.shape_cast %swap3A_289 : vector<1x16xf32> to vector<16xf32>
            %swap3A_291 = vector.shape_cast %max3A_287 : vector<16xf32> to vector<1x16xf32>
            tpu.vector_store %arg9[%swap3A, %swap3A_288], %swap3A_291 {strides = array<i32>} : memref<16x256xf32, #tpu.memory_space<vmem>>, vector<1x16xf32>,
            %get3A_292 = arith.index_cast %while3A_153 : i32 to index
            %get3A_293 = arith.constant 16 : index
            %get3A_294 = tpu.vector_load %arg9[%get3A_292, %get3A_293] {strides = array<i32>} : memref<16x256xf32, #tpu.memory_space<vmem>>, vector<1x16xf32>,
            %get3A_295 = vector.shape_cast %get3A_294 : vector<1x16xf32> to vector<16xf32>
            %max3A_296 = arith.maximumf %get3A_295, %while3A_282#1 : vector<16xf32>
            %swap3A_297 = arith.index_cast %while3A_153 : i32 to index
            %swap3A_298 = arith.constant 16 : index
            %swap3A_299 = tpu.vector_load %arg9[%swap3A_297, %swap3A_298] {strides = array<i32>} : memref<16x256xf32, #tpu.memory_space<vmem>>, vector<1x16xf32>,
            %swap3A_300 = vector.shape_cast %swap3A_299 : vector<1x16xf32> to vector<16xf32>
            %swap3A_301 = vector.shape_cast %max3A_296 : vector<16xf32> to vector<1x16xf32>
            tpu.vector_store %arg9[%swap3A_297, %swap3A_298], %swap3A_301 {strides = array<i32>} : memref<16x256xf32, #tpu.memory_space<vmem>>, vector<1x16xf32>,
            %get3A_302 = arith.index_cast %while3A_153 : i32 to index
            %get3A_303 = arith.constant 32 : index
            %get3A_304 = tpu.vector_load %arg9[%get3A_302, %get3A_303] {strides = array<i32>} : memref<16x256xf32, #tpu.memory_space<vmem>>, vector<1x16xf32>,
            %get3A_305 = vector.shape_cast %get3A_304 : vector<1x16xf32> to vector<16xf32>
            %max3A_306 = arith.maximumf %get3A_305, %while3A_282#2 : vector<16xf32>
            %swap3A_307 = arith.index_cast %while3A_153 : i32 to index
            %swap3A_308 = arith.constant 32 : index
            %swap3A_309 = tpu.vector_load %arg9[%swap3A_307, %swap3A_308] {strides = array<i32>} : memref<16x256xf32, #tpu.memory_space<vmem>>, vector<1x16xf32>,
            %swap3A_310 = vector.shape_cast %swap3A_309 : vector<1x16xf32> to vector<16xf32>
            %swap3A_311 = vector.shape_cast %max3A_306 : vector<16xf32> to vector<1x16xf32>
            tpu.vector_store %arg9[%swap3A_307, %swap3A_308], %swap3A_311 {strides = array<i32>} : memref<16x256xf32, #tpu.memory_space<vmem>>, vector<1x16xf32>,
            %get3A_312 = arith.index_cast %while3A_153 : i32 to index
            %get3A_313 = arith.constant 48 : index
            %get3A_314 = tpu.vector_load %arg9[%get3A_312, %get3A_313] {strides = array<i32>} : memref<16x256xf32, #tpu.memory_space<vmem>>, vector<1x16xf32>,
            %get3A_315 = vector.shape_cast %get3A_314 : vector<1x16xf32> to vector<16xf32>
            %max3A_316 = arith.maximumf %get3A_315, %while3A_282#3 : vector<16xf32>
            %swap3A_317 = arith.index_cast %while3A_153 : i32 to index
            %swap3A_318 = arith.constant 48 : index
            %swap3A_319 = tpu.vector_load %arg9[%swap3A_317, %swap3A_318] {strides = array<i32>} : memref<16x256xf32, #tpu.memory_space<vmem>>, vector<1x16xf32>,
            %swap3A_320 = vector.shape_cast %swap3A_319 : vector<1x16xf32> to vector<16xf32>
            %swap3A_321 = vector.shape_cast %max3A_316 : vector<16xf32> to vector<1x16xf32>
            tpu.vector_store %arg9[%swap3A_317, %swap3A_318], %swap3A_321 {strides = array<i32>} : memref<16x256xf32, #tpu.memory_space<vmem>>, vector<1x16xf32>,
            %get3A_322 = arith.index_cast %while3A_153 : i32 to index
            %get3A_323 = arith.constant 64 : index
            %get3A_324 = tpu.vector_load %arg9[%get3A_322, %get3A_323] {strides = array<i32>} : memref<16x256xf32, #tpu.memory_space<vmem>>, vector<1x16xf32>,
            %get3A_325 = vector.shape_cast %get3A_324 : vector<1x16xf32> to vector<16xf32>
            %max3A_326 = arith.maximumf %get3A_325, %while3A_282#4 : vector<16xf32>
            %swap3A_327 = arith.index_cast %while3A_153 : i32 to index
            %swap3A_328 = arith.constant 64 : index
            %swap3A_329 = tpu.vector_load %arg9[%swap3A_327, %swap3A_328] {strides = array<i32>} : memref<16x256xf32, #tpu.memory_space<vmem>>, vector<1x16xf32>,
            %swap3A_330 = vector.shape_cast %swap3A_329 : vector<1x16xf32> to vector<16xf32>
            %swap3A_331 = vector.shape_cast %max3A_326 : vector<16xf32> to vector<1x16xf32>
            tpu.vector_store %arg9[%swap3A_327, %swap3A_328], %swap3A_331 {strides = array<i32>} : memref<16x256xf32, #tpu.memory_space<vmem>>, vector<1x16xf32>,
            %get3A_332 = arith.index_cast %while3A_153 : i32 to index
            %get3A_333 = arith.constant 80 : index
            %get3A_334 = tpu.vector_load %arg9[%get3A_332, %get3A_333] {strides = array<i32>} : memref<16x256xf32, #tpu.memory_space<vmem>>, vector<1x16xf32>,
            %get3A_335 = vector.shape_cast %get3A_334 : vector<1x16xf32> to vector<16xf32>
            %max3A_336 = arith.maximumf %get3A_335, %while3A_282#5 : vector<16xf32>
            %swap3A_337 = arith.index_cast %while3A_153 : i32 to index
            %swap3A_338 = arith.constant 80 : index
            %swap3A_339 = tpu.vector_load %arg9[%swap3A_337, %swap3A_338] {strides = array<i32>} : memref<16x256xf32, #tpu.memory_space<vmem>>, vector<1x16xf32>,
            %swap3A_340 = vector.shape_cast %swap3A_339 : vector<1x16xf32> to vector<16xf32>
            %swap3A_341 = vector.shape_cast %max3A_336 : vector<16xf32> to vector<1x16xf32>
            tpu.vector_store %arg9[%swap3A_337, %swap3A_338], %swap3A_341 {strides = array<i32>} : memref<16x256xf32, #tpu.memory_space<vmem>>, vector<1x16xf32>,
            %get3A_342 = arith.index_cast %while3A_153 : i32 to index
            %get3A_343 = arith.constant 96 : index
            %get3A_344 = tpu.vector_load %arg9[%get3A_342, %get3A_343] {strides = array<i32>} : memref<16x256xf32, #tpu.memory_space<vmem>>, vector<1x16xf32>,
            %get3A_345 = vector.shape_cast %get3A_344 : vector<1x16xf32> to vector<16xf32>
            %max3A_346 = arith.maximumf %get3A_345, %while3A_282#6 : vector<16xf32>
            %swap3A_347 = arith.index_cast %while3A_153 : i32 to index
            %swap3A_348 = arith.constant 96 : index
            %swap3A_349 = tpu.vector_load %arg9[%swap3A_347, %swap3A_348] {strides = array<i32>} : memref<16x256xf32, #tpu.memory_space<vmem>>, vector<1x16xf32>,
            %swap3A_350 = vector.shape_cast %swap3A_349 : vector<1x16xf32> to vector<16xf32>
            %swap3A_351 = vector.shape_cast %max3A_346 : vector<16xf32> to vector<1x16xf32>
            tpu.vector_store %arg9[%swap3A_347, %swap3A_348], %swap3A_351 {strides = array<i32>} : memref<16x256xf32, #tpu.memory_space<vmem>>, vector<1x16xf32>,
            %get3A_352 = arith.index_cast %while3A_153 : i32 to index
            %get3A_353 = arith.constant 112 : index
            %get3A_354 = tpu.vector_load %arg9[%get3A_352, %get3A_353] {strides = array<i32>} : memref<16x256xf32, #tpu.memory_space<vmem>>, vector<1x16xf32>,
            %get3A_355 = vector.shape_cast %get3A_354 : vector<1x16xf32> to vector<16xf32>
            %max3A_356 = arith.maximumf %get3A_355, %while3A_282#7 : vector<16xf32>
            %swap3A_357 = arith.index_cast %while3A_153 : i32 to index
            %swap3A_358 = arith.constant 112 : index
            %swap3A_359 = tpu.vector_load %arg9[%swap3A_357, %swap3A_358] {strides = array<i32>} : memref<16x256xf32, #tpu.memory_space<vmem>>, vector<1x16xf32>,
            %swap3A_360 = vector.shape_cast %swap3A_359 : vector<1x16xf32> to vector<16xf32>
            %swap3A_361 = vector.shape_cast %max3A_356 : vector<16xf32> to vector<1x16xf32>
            tpu.vector_store %arg9[%swap3A_357, %swap3A_358], %swap3A_361 {strides = array<i32>} : memref<16x256xf32, #tpu.memory_space<vmem>>, vector<1x16xf32>,
            %get3A_362 = arith.index_cast %while3A_153 : i32 to index
            %get3A_363 = arith.constant 128 : index
            %get3A_364 = tpu.vector_load %arg9[%get3A_362, %get3A_363] {strides = array<i32>} : memref<16x256xf32, #tpu.memory_space<vmem>>, vector<1x16xf32>,
            %get3A_365 = vector.shape_cast %get3A_364 : vector<1x16xf32> to vector<16xf32>
            %max3A_366 = arith.maximumf %get3A_365, %while3A_282#8 : vector<16xf32>
            %swap3A_367 = arith.index_cast %while3A_153 : i32 to index
            %swap3A_368 = arith.constant 128 : index
            %swap3A_369 = tpu.vector_load %arg9[%swap3A_367, %swap3A_368] {strides = array<i32>} : memref<16x256xf32, #tpu.memory_space<vmem>>, vector<1x16xf32>,
            %swap3A_370 = vector.shape_cast %swap3A_369 : vector<1x16xf32> to vector<16xf32>
            %swap3A_371 = vector.shape_cast %max3A_366 : vector<16xf32> to vector<1x16xf32>
            tpu.vector_store %arg9[%swap3A_367, %swap3A_368], %swap3A_371 {strides = array<i32>} : memref<16x256xf32, #tpu.memory_space<vmem>>, vector<1x16xf32>,
            %get3A_372 = arith.index_cast %while3A_153 : i32 to index
            %get3A_373 = arith.constant 144 : index
            %get3A_374 = tpu.vector_load %arg9[%get3A_372, %get3A_373] {strides = array<i32>} : memref<16x256xf32, #tpu.memory_space<vmem>>, vector<1x16xf32>,
            %get3A_375 = vector.shape_cast %get3A_374 : vector<1x16xf32> to vector<16xf32>
            %max3A_376 = arith.maximumf %get3A_375, %while3A_282#9 : vector<16xf32>
            %swap3A_377 = arith.index_cast %while3A_153 : i32 to index
            %swap3A_378 = arith.constant 144 : index
            %swap3A_379 = tpu.vector_load %arg9[%swap3A_377, %swap3A_378] {strides = array<i32>} : memref<16x256xf32, #tpu.memory_space<vmem>>, vector<1x16xf32>,
            %swap3A_380 = vector.shape_cast %swap3A_379 : vector<1x16xf32> to vector<16xf32>
            %swap3A_381 = vector.shape_cast %max3A_376 : vector<16xf32> to vector<1x16xf32>
            tpu.vector_store %arg9[%swap3A_377, %swap3A_378], %swap3A_381 {strides = array<i32>} : memref<16x256xf32, #tpu.memory_space<vmem>>, vector<1x16xf32>,
            %get3A_382 = arith.index_cast %while3A_153 : i32 to index
            %get3A_383 = arith.constant 160 : index
            %get3A_384 = tpu.vector_load %arg9[%get3A_382, %get3A_383] {strides = array<i32>} : memref<16x256xf32, #tpu.memory_space<vmem>>, vector<1x16xf32>,
            %get3A_385 = vector.shape_cast %get3A_384 : vector<1x16xf32> to vector<16xf32>
            %max3A_386 = arith.maximumf %get3A_385, %while3A_282#10 : vector<16xf32>
            %swap3A_387 = arith.index_cast %while3A_153 : i32 to index
            %swap3A_388 = arith.constant 160 : index
            %swap3A_389 = tpu.vector_load %arg9[%swap3A_387, %swap3A_388] {strides = array<i32>} : memref<16x256xf32, #tpu.memory_space<vmem>>, vector<1x16xf32>,
            %swap3A_390 = vector.shape_cast %swap3A_389 : vector<1x16xf32> to vector<16xf32>
            %swap3A_391 = vector.shape_cast %max3A_386 : vector<16xf32> to vector<1x16xf32>
            tpu.vector_store %arg9[%swap3A_387, %swap3A_388], %swap3A_391 {strides = array<i32>} : memref<16x256xf32, #tpu.memory_space<vmem>>, vector<1x16xf32>,
            %get3A_392 = arith.index_cast %while3A_153 : i32 to index
            %get3A_393 = arith.constant 176 : index
            %get3A_394 = tpu.vector_load %arg9[%get3A_392, %get3A_393] {strides = array<i32>} : memref<16x256xf32, #tpu.memory_space<vmem>>, vector<1x16xf32>,
            %get3A_395 = vector.shape_cast %get3A_394 : vector<1x16xf32> to vector<16xf32>
            %max3A_396 = arith.maximumf %get3A_395, %while3A_282#11 : vector<16xf32>
            %swap3A_397 = arith.index_cast %while3A_153 : i32 to index
            %swap3A_398 = arith.constant 176 : index
            %swap3A_399 = tpu.vector_load %arg9[%swap3A_397, %swap3A_398] {strides = array<i32>} : memref<16x256xf32, #tpu.memory_space<vmem>>, vector<1x16xf32>,
            %swap3A_400 = vector.shape_cast %swap3A_399 : vector<1x16xf32> to vector<16xf32>
            %swap3A_401 = vector.shape_cast %max3A_396 : vector<16xf32> to vector<1x16xf32>
            tpu.vector_store %arg9[%swap3A_397, %swap3A_398], %swap3A_401 {strides = array<i32>} : memref<16x256xf32, #tpu.memory_space<vmem>>, vector<1x16xf32>,
            %get3A_402 = arith.index_cast %while3A_153 : i32 to index
            %get3A_403 = arith.constant 192 : index
            %get3A_404 = tpu.vector_load %arg9[%get3A_402, %get3A_403] {strides = array<i32>} : memref<16x256xf32, #tpu.memory_space<vmem>>, vector<1x16xf32>,
            %get3A_405 = vector.shape_cast %get3A_404 : vector<1x16xf32> to vector<16xf32>
            %max3A_406 = arith.maximumf %get3A_405, %while3A_282#12 : vector<16xf32>
            %swap3A_407 = arith.index_cast %while3A_153 : i32 to index
            %swap3A_408 = arith.constant 192 : index
            %swap3A_409 = tpu.vector_load %arg9[%swap3A_407, %swap3A_408] {strides = array<i32>} : memref<16x256xf32, #tpu.memory_space<vmem>>, vector<1x16xf32>,
            %swap3A_410 = vector.shape_cast %swap3A_409 : vector<1x16xf32> to vector<16xf32>
            %swap3A_411 = vector.shape_cast %max3A_406 : vector<16xf32> to vector<1x16xf32>
            tpu.vector_store %arg9[%swap3A_407, %swap3A_408], %swap3A_411 {strides = array<i32>} : memref<16x256xf32, #tpu.memory_space<vmem>>, vector<1x16xf32>,
            %get3A_412 = arith.index_cast %while3A_153 : i32 to index
            %get3A_413 = arith.constant 208 : index
            %get3A_414 = tpu.vector_load %arg9[%get3A_412, %get3A_413] {strides = array<i32>} : memref<16x256xf32, #tpu.memory_space<vmem>>, vector<1x16xf32>,
            %get3A_415 = vector.shape_cast %get3A_414 : vector<1x16xf32> to vector<16xf32>
            %max3A_416 = arith.maximumf %get3A_415, %while3A_282#13 : vector<16xf32>
            %swap3A_417 = arith.index_cast %while3A_153 : i32 to index
            %swap3A_418 = arith.constant 208 : index
            %swap3A_419 = tpu.vector_load %arg9[%swap3A_417, %swap3A_418] {strides = array<i32>} : memref<16x256xf32, #tpu.memory_space<vmem>>, vector<1x16xf32>,
            %swap3A_420 = vector.shape_cast %swap3A_419 : vector<1x16xf32> to vector<16xf32>
            %swap3A_421 = vector.shape_cast %max3A_416 : vector<16xf32> to vector<1x16xf32>
            tpu.vector_store %arg9[%swap3A_417, %swap3A_418], %swap3A_421 {strides = array<i32>} : memref<16x256xf32, #tpu.memory_space<vmem>>, vector<1x16xf32>,
            %get3A_422 = arith.index_cast %while3A_153 : i32 to index
            %get3A_423 = arith.constant 224 : index
            %get3A_424 = tpu.vector_load %arg9[%get3A_422, %get3A_423] {strides = array<i32>} : memref<16x256xf32, #tpu.memory_space<vmem>>, vector<1x16xf32>,
            %get3A_425 = vector.shape_cast %get3A_424 : vector<1x16xf32> to vector<16xf32>
            %max3A_426 = arith.maximumf %get3A_425, %while3A_282#14 : vector<16xf32>
            %swap3A_427 = arith.index_cast %while3A_153 : i32 to index
            %swap3A_428 = arith.constant 224 : index
            %swap3A_429 = tpu.vector_load %arg9[%swap3A_427, %swap3A_428] {strides = array<i32>} : memref<16x256xf32, #tpu.memory_space<vmem>>, vector<1x16xf32>,
            %swap3A_430 = vector.shape_cast %swap3A_429 : vector<1x16xf32> to vector<16xf32>
            %swap3A_431 = vector.shape_cast %max3A_426 : vector<16xf32> to vector<1x16xf32>
            tpu.vector_store %arg9[%swap3A_427, %swap3A_428], %swap3A_431 {strides = array<i32>} : memref<16x256xf32, #tpu.memory_space<vmem>>, vector<1x16xf32>,
            %get3A_432 = arith.index_cast %while3A_153 : i32 to index
            %get3A_433 = arith.constant 240 : index
            %get3A_434 = tpu.vector_load %arg9[%get3A_432, %get3A_433] {strides = array<i32>} : memref<16x256xf32, #tpu.memory_space<vmem>>, vector<1x16xf32>,
            %get3A_435 = vector.shape_cast %get3A_434 : vector<1x16xf32> to vector<16xf32>
            %max3A_436 = arith.maximumf %get3A_435, %while3A_282#15 : vector<16xf32>
            %swap3A_437 = arith.index_cast %while3A_153 : i32 to index
            %swap3A_438 = arith.constant 240 : index
            %swap3A_439 = tpu.vector_load %arg9[%swap3A_437, %swap3A_438] {strides = array<i32>} : memref<16x256xf32, #tpu.memory_space<vmem>>, vector<1x16xf32>,
            %swap3A_440 = vector.shape_cast %swap3A_439 : vector<1x16xf32> to vector<16xf32>
            %swap3A_441 = vector.shape_cast %max3A_436 : vector<16xf32> to vector<1x16xf32>
            tpu.vector_store %arg9[%swap3A_437, %swap3A_438], %swap3A_441 {strides = array<i32>} : memref<16x256xf32, #tpu.memory_space<vmem>>, vector<1x16xf32>,
          } else {
          }
          %while3A_174 = arith.constant 0 : i32
          scf.yield %while3A_174 : i32
        }
      } else {
      }
      %add3A_82 = arith.constant 2 : i32
      %add3A_83 = arith.addi %mul3A_49, %add3A_82 : i32
      %lt3A = arith.constant 8 : i32
      %lt3A_84 = arith.cmpi slt, %add3A_83, %lt3A : i32
      %convert_element_type3A_85 = arith.extui %lt3A_84 : i1 to i32
      %cond3A_86 = arith.constant 0 : i32
      %cond3A_87 = arith.cmpi ne, %convert_element_type3A_85, %cond3A_86 : i32
      scf.if %cond3A_87 {
        %add3A_141 = arith.constant 2 : i32
        %add3A_142 = arith.addi %mul3A_49, %add3A_141 : i32
        %mul3A_143 = arith.constant 128 : i32
        %mul3A_144 = arith.muli %add3A_142, %mul3A_143 : i32
        %add3A_145 = arith.addi %mul3A_2, %mul3A_144 : i32
        %dma_start3A_146 = arith.constant 0 : i32
        %dma_start3A_147 = arith.constant 0 : i32
        %dma_start3A_148 = arith.constant 0 : i32
        %dma_start3A_149 = tpu.memref_slice %arg8[%dma_start3A_146, %dma_start3A_147, %dma_start3A_148] : memref<2x128x256xf32, #tpu.memory_space<vmem>> -> memref<1x128x256xf32, #tpu.memory_space<vmem>>
        %dma_start3A_150 = tpu.memref_squeeze %dma_start3A_149 : memref<1x128x256xf32, #tpu.memory_space<vmem>> -> memref<128x256xf32, #tpu.memory_space<vmem>>
        %dma_start3A_151 = arith.constant 0 : i32
        %dma_start3A_152 = tpu.memref_slice %arg2[%add3A_145, %dma_start3A_151] : memref<32768x256xf32, #tpu.memory_space<hbm>> -> memref<128x256xf32, #tpu.memory_space<hbm>>
        %dma_start3A_153 = arith.constant 0 : i32
        %dma_start3A_154 = arith.constant 0 : i32
        %dma_start3A_155 = tpu.memref_slice %arg8[%dma_start3A_146, %dma_start3A_153, %dma_start3A_154] : memref<2x128x256xf32, #tpu.memory_space<vmem>> -> memref<1x128x256xf32, #tpu.memory_space<vmem>>
        %dma_start3A_156 = tpu.memref_squeeze %dma_start3A_155 : memref<1x128x256xf32, #tpu.memory_space<vmem>> -> memref<128x256xf32, #tpu.memory_space<vmem>>
        %dma_start3A_157 = arith.constant 0 : i32
        %dma_start3A_158 = tpu.memref_slice %arg2[%add3A_145, %dma_start3A_157] : memref<32768x256xf32, #tpu.memory_space<hbm>> -> memref<128x256xf32, #tpu.memory_space<hbm>>
        tpu.enqueue_dma source(%dma_start3A_158 : memref<128x256xf32, #tpu.memory_space<hbm>>) target(%dma_start3A_156 : memref<128x256xf32, #tpu.memory_space<vmem>>) target_semaphore(%arg10 : memref<!tpu.dma_semaphore, #tpu.memory_space<semaphore_mem>>)
      } else {
      }
      %add3A_88 = arith.constant 1 : i32
      %add3A_89 = arith.addi %mul3A_49, %add3A_88 : i32
      %mul3A_90 = arith.constant 128 : i32
      %mul3A_91 = arith.muli %add3A_89, %mul3A_90 : i32
      %add3A_92 = arith.addi %mul3A_2, %mul3A_91 : i32
      %dma_wait3A_93 = arith.constant 1 : i32
      %dma_wait3A_94 = arith.constant 0 : i32
      %dma_wait3A_95 = arith.constant 0 : i32
      %dma_wait3A_96 = tpu.memref_slice %arg8[%dma_wait3A_93, %dma_wait3A_94, %dma_wait3A_95] : memref<2x128x256xf32, #tpu.memory_space<vmem>> -> memref<1x128x256xf32, #tpu.memory_space<vmem>>
      %dma_wait3A_97 = tpu.memref_squeeze %dma_wait3A_96 : memref<1x128x256xf32, #tpu.memory_space<vmem>> -> memref<128x256xf32, #tpu.memory_space<vmem>>
      %dma_wait3A_98 = arith.constant 0 : i32
      %dma_wait3A_99 = tpu.memref_slice %arg2[%add3A_92, %dma_wait3A_98] : memref<32768x256xf32, #tpu.memory_space<hbm>> -> memref<128x256xf32, #tpu.memory_space<hbm>>
      %dma_wait3A_100 = arith.constant 0 : i32
      %dma_wait3A_101 = arith.constant 0 : i32
      %dma_wait3A_102 = tpu.memref_slice %arg8[%dma_wait3A_93, %dma_wait3A_100, %dma_wait3A_101] : memref<2x128x256xf32, #tpu.memory_space<vmem>> -> memref<1x128x256xf32, #tpu.memory_space<vmem>>
      %dma_wait3A_103 = tpu.memref_squeeze %dma_wait3A_102 : memref<1x128x256xf32, #tpu.memory_space<vmem>> -> memref<128x256xf32, #tpu.memory_space<vmem>>
      %dma_wait3A_104 = arith.constant 0 : i32
      %dma_wait3A_105 = tpu.memref_slice %arg2[%add3A_92, %dma_wait3A_104] : memref<32768x256xf32, #tpu.memory_space<hbm>> -> memref<128x256xf32, #tpu.memory_space<hbm>>
      tpu.wait_dma2 semaphore(%arg11 : memref<!tpu.dma_semaphore, #tpu.memory_space<semaphore_mem>>) src(%dma_wait3A_105 : memref<128x256xf32, #tpu.memory_space<hbm>>) dst(%dma_wait3A_103 : memref<128x256xf32, #tpu.memory_space<vmem>>)
      %add3A_106 = arith.constant 1 : i32
      %add3A_107 = arith.addi %mul3A_49, %add3A_106 : i32
      %mul3A_108 = arith.constant 128 : i32
      %mul3A_109 = arith.muli %add3A_107, %mul3A_108 : i32
      %add3A_110 = arith.addi %mul3A_2, %mul3A_109 : i32
      %get3A_111 = arith.index_cast %mul3A_109 : i32 to index
      %get3A_112 = tpu.vector_load %arg6[%get3A_111] {strides = array<i32>} : memref<1024xi32, #tpu.memory_space<vmem>>, vector<16xi32>,
      %get3A_113 = vector.shape_cast %get3A_112 : vector<16xi32> to vector<16xi32>
      %slice3A_114 = vector.extract_strided_slice %get3A_113 {offsets = [0], sizes = [1], strides = [1]} : vector<16xi32> to vector<1xi32>
      %squeeze3A_115 = vector.extract %slice3A_114[0] : i32 from vector<1xi32>
      %add3A_116 = arith.constant 128 : i32
      %add3A_117 = arith.addi %mul3A_109, %add3A_116 : i32
      %sub3A_118 = arith.constant 16 : i32
      %sub3A_119 = arith.subi %add3A_117, %sub3A_118 : i32
      %get3A_120 = arith.index_cast %sub3A_119 : i32 to index
      %get3A_121 = tpu.vector_load %arg6[%get3A_120] {strides = array<i32>} : memref<1024xi32, #tpu.memory_space<vmem>>, vector<16xi32>,
      %get3A_122 = vector.shape_cast %get3A_121 : vector<16xi32> to vector<16xi32>
      %slice3A_123 = vector.extract_strided_slice %get3A_122 {offsets = [15], sizes = [1], strides = [1]} : vector<16xi32> to vector<1xi32>
      %squeeze3A_124 = vector.extract %slice3A_123[0] : i32 from vector<1xi32>
      %eq3A_125 = arith.cmpi eq, %squeeze3A_115, %squeeze3A_124 : i32
      %convert_element_type3A_126 = arith.extui %eq3A_125 : i1 to i32
      %cond3A_127 = arith.constant 0 : i32
      %cond3A_128 = arith.cmpi ne, %convert_element_type3A_126, %cond3A_127 : i32
      scf.if %cond3A_128 {
        %get3A_141 = arith.constant 1 : i32
        %get3A_142 = arith.constant 0 : i32
        %get3A_143 = arith.index_cast %get3A_141 : i32 to index
        %get3A_144 = arith.index_cast %get3A_142 : i32 to index
        %get3A_145 = arith.constant 0 : index
        %get3A_146 = tpu.vector_load %arg8[%get3A_143, %get3A_144, %get3A_145] {strides = array<i32>} : memref<2x128x256xf32, #tpu.memory_space<vmem>>, vector<1x1x16xf32>,
        %get3A_147 = vector.shape_cast %get3A_146 : vector<1x1x16xf32> to vector<16xf32>
        %get3A_148 = arith.constant 1 : i32
        %get3A_149 = arith.constant 1 : i32
        %get3A_150 = arith.index_cast %get3A_148 : i32 to index
        %get3A_151 = arith.index_cast %get3A_149 : i32 to index
        %get3A_152 = arith.constant 0 : index
        %get3A_153 = tpu.vector_load %arg8[%get3A_150, %get3A_151, %get3A_152] {strides = array<i32>} : memref<2x128x256xf32, #tpu.memory_space<vmem>>, vector<1x1x16xf32>,
        %get3A_154 = vector.shape_cast %get3A_153 : vector<1x1x16xf32> to vector<16xf32>
        %max3A = arith.maximumf %get3A_147, %get3A_154 : vector<16xf32>
        %get3A_155 = arith.constant 1 : i32
        %get3A_156 = arith.constant 0 : i32
        %get3A_157 = arith.index_cast %get3A_155 : i32 to index
        %get3A_158 = arith.index_cast %get3A_156 : i32 to index
        %get3A_159 = arith.constant 16 : index
        %get3A_160 = tpu.vector_load %arg8[%get3A_157, %get3A_158, %get3A_159] {strides = array<i32>} : memref<2x128x256xf32, #tpu.memory_space<vmem>>, vector<1x1x16xf32>,
        %get3A_161 = vector.shape_cast %get3A_160 : vector<1x1x16xf32> to vector<16xf32>
        %get3A_162 = arith.constant 1 : i32
        %get3A_163 = arith.constant 1 : i32
        %get3A_164 = arith.index_cast %get3A_162 : i32 to index
        %get3A_165 = arith.index_cast %get3A_163 : i32 to index
        %get3A_166 = arith.constant 16 : index
        %get3A_167 = tpu.vector_load %arg8[%get3A_164, %get3A_165, %get3A_166] {strides = array<i32>} : memref<2x128x256xf32, #tpu.memory_space<vmem>>, vector<1x1x16xf32>,
        %get3A_168 = vector.shape_cast %get3A_167 : vector<1x1x16xf32> to vector<16xf32>
        %max3A_169 = arith.maximumf %get3A_161, %get3A_168 : vector<16xf32>
        %get3A_170 = arith.constant 1 : i32
        %get3A_171 = arith.constant 0 : i32
        %get3A_172 = arith.index_cast %get3A_170 : i32 to index
        %get3A_173 = arith.index_cast %get3A_171 : i32 to index
        %get3A_174 = arith.constant 32 : index
        %get3A_175 = tpu.vector_load %arg8[%get3A_172, %get3A_173, %get3A_174] {strides = array<i32>} : memref<2x128x256xf32, #tpu.memory_space<vmem>>, vector<1x1x16xf32>,
        %get3A_176 = vector.shape_cast %get3A_175 : vector<1x1x16xf32> to vector<16xf32>
        %get3A_177 = arith.constant 1 : i32
        %get3A_178 = arith.constant 1 : i32
        %get3A_179 = arith.index_cast %get3A_177 : i32 to index
        %get3A_180 = arith.index_cast %get3A_178 : i32 to index
        %get3A_181 = arith.constant 32 : index
        %get3A_182 = tpu.vector_load %arg8[%get3A_179, %get3A_180, %get3A_181] {strides = array<i32>} : memref<2x128x256xf32, #tpu.memory_space<vmem>>, vector<1x1x16xf32>,
        %get3A_183 = vector.shape_cast %get3A_182 : vector<1x1x16xf32> to vector<16xf32>
        %max3A_184 = arith.maximumf %get3A_176, %get3A_183 : vector<16xf32>
        %get3A_185 = arith.constant 1 : i32
        %get3A_186 = arith.constant 0 : i32
        %get3A_187 = arith.index_cast %get3A_185 : i32 to index
        %get3A_188 = arith.index_cast %get3A_186 : i32 to index
        %get3A_189 = arith.constant 48 : index
        %get3A_190 = tpu.vector_load %arg8[%get3A_187, %get3A_188, %get3A_189] {strides = array<i32>} : memref<2x128x256xf32, #tpu.memory_space<vmem>>, vector<1x1x16xf32>,
        %get3A_191 = vector.shape_cast %get3A_190 : vector<1x1x16xf32> to vector<16xf32>
        %get3A_192 = arith.constant 1 : i32
        %get3A_193 = arith.constant 1 : i32
        %get3A_194 = arith.index_cast %get3A_192 : i32 to index
        %get3A_195 = arith.index_cast %get3A_193 : i32 to index
        %get3A_196 = arith.constant 48 : index
        %get3A_197 = tpu.vector_load %arg8[%get3A_194, %get3A_195, %get3A_196] {strides = array<i32>} : memref<2x128x256xf32, #tpu.memory_space<vmem>>, vector<1x1x16xf32>,
        %get3A_198 = vector.shape_cast %get3A_197 : vector<1x1x16xf32> to vector<16xf32>
        %max3A_199 = arith.maximumf %get3A_191, %get3A_198 : vector<16xf32>
        %get3A_200 = arith.constant 1 : i32
        %get3A_201 = arith.constant 0 : i32
        %get3A_202 = arith.index_cast %get3A_200 : i32 to index
        %get3A_203 = arith.index_cast %get3A_201 : i32 to index
        %get3A_204 = arith.constant 64 : index
        %get3A_205 = tpu.vector_load %arg8[%get3A_202, %get3A_203, %get3A_204] {strides = array<i32>} : memref<2x128x256xf32, #tpu.memory_space<vmem>>, vector<1x1x16xf32>,
        %get3A_206 = vector.shape_cast %get3A_205 : vector<1x1x16xf32> to vector<16xf32>
        %get3A_207 = arith.constant 1 : i32
        %get3A_208 = arith.constant 1 : i32
        %get3A_209 = arith.index_cast %get3A_207 : i32 to index
        %get3A_210 = arith.index_cast %get3A_208 : i32 to index
        %get3A_211 = arith.constant 64 : index
        %get3A_212 = tpu.vector_load %arg8[%get3A_209, %get3A_210, %get3A_211] {strides = array<i32>} : memref<2x128x256xf32, #tpu.memory_space<vmem>>, vector<1x1x16xf32>,
        %get3A_213 = vector.shape_cast %get3A_212 : vector<1x1x16xf32> to vector<16xf32>
        %max3A_214 = arith.maximumf %get3A_206, %get3A_213 : vector<16xf32>
        %get3A_215 = arith.constant 1 : i32
        %get3A_216 = arith.constant 0 : i32
        %get3A_217 = arith.index_cast %get3A_215 : i32 to index
        %get3A_218 = arith.index_cast %get3A_216 : i32 to index
        %get3A_219 = arith.constant 80 : index
        %get3A_220 = tpu.vector_load %arg8[%get3A_217, %get3A_218, %get3A_219] {strides = array<i32>} : memref<2x128x256xf32, #tpu.memory_space<vmem>>, vector<1x1x16xf32>,
        %get3A_221 = vector.shape_cast %get3A_220 : vector<1x1x16xf32> to vector<16xf32>
        %get3A_222 = arith.constant 1 : i32
        %get3A_223 = arith.constant 1 : i32
        %get3A_224 = arith.index_cast %get3A_222 : i32 to index
        %get3A_225 = arith.index_cast %get3A_223 : i32 to index
        %get3A_226 = arith.constant 80 : index
        %get3A_227 = tpu.vector_load %arg8[%get3A_224, %get3A_225, %get3A_226] {strides = array<i32>} : memref<2x128x256xf32, #tpu.memory_space<vmem>>, vector<1x1x16xf32>,
        %get3A_228 = vector.shape_cast %get3A_227 : vector<1x1x16xf32> to vector<16xf32>
        %max3A_229 = arith.maximumf %get3A_221, %get3A_228 : vector<16xf32>
        %get3A_230 = arith.constant 1 : i32
        %get3A_231 = arith.constant 0 : i32
        %get3A_232 = arith.index_cast %get3A_230 : i32 to index
        %get3A_233 = arith.index_cast %get3A_231 : i32 to index
        %get3A_234 = arith.constant 96 : index
        %get3A_235 = tpu.vector_load %arg8[%get3A_232, %get3A_233, %get3A_234] {strides = array<i32>} : memref<2x128x256xf32, #tpu.memory_space<vmem>>, vector<1x1x16xf32>,
        %get3A_236 = vector.shape_cast %get3A_235 : vector<1x1x16xf32> to vector<16xf32>
        %get3A_237 = arith.constant 1 : i32
        %get3A_238 = arith.constant 1 : i32
        %get3A_239 = arith.index_cast %get3A_237 : i32 to index
        %get3A_240 = arith.index_cast %get3A_238 : i32 to index
        %get3A_241 = arith.constant 96 : index
        %get3A_242 = tpu.vector_load %arg8[%get3A_239, %get3A_240, %get3A_241] {strides = array<i32>} : memref<2x128x256xf32, #tpu.memory_space<vmem>>, vector<1x1x16xf32>,
        %get3A_243 = vector.shape_cast %get3A_242 : vector<1x1x16xf32> to vector<16xf32>
        %max3A_244 = arith.maximumf %get3A_236, %get3A_243 : vector<16xf32>
        %get3A_245 = arith.constant 1 : i32
        %get3A_246 = arith.constant 0 : i32
        %get3A_247 = arith.index_cast %get3A_245 : i32 to index
        %get3A_248 = arith.index_cast %get3A_246 : i32 to index
        %get3A_249 = arith.constant 112 : index
        %get3A_250 = tpu.vector_load %arg8[%get3A_247, %get3A_248, %get3A_249] {strides = array<i32>} : memref<2x128x256xf32, #tpu.memory_space<vmem>>, vector<1x1x16xf32>,
        %get3A_251 = vector.shape_cast %get3A_250 : vector<1x1x16xf32> to vector<16xf32>
        %get3A_252 = arith.constant 1 : i32
        %get3A_253 = arith.constant 1 : i32
        %get3A_254 = arith.index_cast %get3A_252 : i32 to index
        %get3A_255 = arith.index_cast %get3A_253 : i32 to index
        %get3A_256 = arith.constant 112 : index
        %get3A_257 = tpu.vector_load %arg8[%get3A_254, %get3A_255, %get3A_256] {strides = array<i32>} : memref<2x128x256xf32, #tpu.memory_space<vmem>>, vector<1x1x16xf32>,
        %get3A_258 = vector.shape_cast %get3A_257 : vector<1x1x16xf32> to vector<16xf32>
        %max3A_259 = arith.maximumf %get3A_251, %get3A_258 : vector<16xf32>
        %get3A_260 = arith.constant 1 : i32
        %get3A_261 = arith.constant 0 : i32
        %get3A_262 = arith.index_cast %get3A_260 : i32 to index
        %get3A_263 = arith.index_cast %get3A_261 : i32 to index
        %get3A_264 = arith.constant 128 : index
        %get3A_265 = tpu.vector_load %arg8[%get3A_262, %get3A_263, %get3A_264] {strides = array<i32>} : memref<2x128x256xf32, #tpu.memory_space<vmem>>, vector<1x1x16xf32>,
        %get3A_266 = vector.shape_cast %get3A_265 : vector<1x1x16xf32> to vector<16xf32>
        %get3A_267 = arith.constant 1 : i32
        %get3A_268 = arith.constant 1 : i32
        %get3A_269 = arith.index_cast %get3A_267 : i32 to index
        %get3A_270 = arith.index_cast %get3A_268 : i32 to index
        %get3A_271 = arith.constant 128 : index
        %get3A_272 = tpu.vector_load %arg8[%get3A_269, %get3A_270, %get3A_271] {strides = array<i32>} : memref<2x128x256xf32, #tpu.memory_space<vmem>>, vector<1x1x16xf32>,
        %get3A_273 = vector.shape_cast %get3A_272 : vector<1x1x16xf32> to vector<16xf32>
        %max3A_274 = arith.maximumf %get3A_266, %get3A_273 : vector<16xf32>
        %get3A_275 = arith.constant 1 : i32
        %get3A_276 = arith.constant 0 : i32
        %get3A_277 = arith.index_cast %get3A_275 : i32 to index
        %get3A_278 = arith.index_cast %get3A_276 : i32 to index
        %get3A_279 = arith.constant 144 : index
        %get3A_280 = tpu.vector_load %arg8[%get3A_277, %get3A_278, %get3A_279] {strides = array<i32>} : memref<2x128x256xf32, #tpu.memory_space<vmem>>, vector<1x1x16xf32>,
        %get3A_281 = vector.shape_cast %get3A_280 : vector<1x1x16xf32> to vector<16xf32>
        %get3A_282 = arith.constant 1 : i32
        %get3A_283 = arith.constant 1 : i32
        %get3A_284 = arith.index_cast %get3A_282 : i32 to index
        %get3A_285 = arith.index_cast %get3A_283 : i32 to index
        %get3A_286 = arith.constant 144 : index
        %get3A_287 = tpu.vector_load %arg8[%get3A_284, %get3A_285, %get3A_286] {strides = array<i32>} : memref<2x128x256xf32, #tpu.memory_space<vmem>>, vector<1x1x16xf32>,
        %get3A_288 = vector.shape_cast %get3A_287 : vector<1x1x16xf32> to vector<16xf32>
        %max3A_289 = arith.maximumf %get3A_281, %get3A_288 : vector<16xf32>
        %get3A_290 = arith.constant 1 : i32
        %get3A_291 = arith.constant 0 : i32
        %get3A_292 = arith.index_cast %get3A_290 : i32 to index
        %get3A_293 = arith.index_cast %get3A_291 : i32 to index
        %get3A_294 = arith.constant 160 : index
        %get3A_295 = tpu.vector_load %arg8[%get3A_292, %get3A_293, %get3A_294] {strides = array<i32>} : memref<2x128x256xf32, #tpu.memory_space<vmem>>, vector<1x1x16xf32>,
        %get3A_296 = vector.shape_cast %get3A_295 : vector<1x1x16xf32> to vector<16xf32>
        %get3A_297 = arith.constant 1 : i32
        %get3A_298 = arith.constant 1 : i32
        %get3A_299 = arith.index_cast %get3A_297 : i32 to index
        %get3A_300 = arith.index_cast %get3A_298 : i32 to index
        %get3A_301 = arith.constant 160 : index
        %get3A_302 = tpu.vector_load %arg8[%get3A_299, %get3A_300, %get3A_301] {strides = array<i32>} : memref<2x128x256xf32, #tpu.memory_space<vmem>>, vector<1x1x16xf32>,
        %get3A_303 = vector.shape_cast %get3A_302 : vector<1x1x16xf32> to vector<16xf32>
        %max3A_304 = arith.maximumf %get3A_296, %get3A_303 : vector<16xf32>
        %get3A_305 = arith.constant 1 : i32
        %get3A_306 = arith.constant 0 : i32
        %get3A_307 = arith.index_cast %get3A_305 : i32 to index
        %get3A_308 = arith.index_cast %get3A_306 : i32 to index
        %get3A_309 = arith.constant 176 : index
        %get3A_310 = tpu.vector_load %arg8[%get3A_307, %get3A_308, %get3A_309] {strides = array<i32>} : memref<2x128x256xf32, #tpu.memory_space<vmem>>, vector<1x1x16xf32>,
        %get3A_311 = vector.shape_cast %get3A_310 : vector<1x1x16xf32> to vector<16xf32>
        %get3A_312 = arith.constant 1 : i32
        %get3A_313 = arith.constant 1 : i32
        %get3A_314 = arith.index_cast %get3A_312 : i32 to index
        %get3A_315 = arith.index_cast %get3A_313 : i32 to index
        %get3A_316 = arith.constant 176 : index
        %get3A_317 = tpu.vector_load %arg8[%get3A_314, %get3A_315, %get3A_316] {strides = array<i32>} : memref<2x128x256xf32, #tpu.memory_space<vmem>>, vector<1x1x16xf32>,
        %get3A_318 = vector.shape_cast %get3A_317 : vector<1x1x16xf32> to vector<16xf32>
        %max3A_319 = arith.maximumf %get3A_311, %get3A_318 : vector<16xf32>
        %get3A_320 = arith.constant 1 : i32
        %get3A_321 = arith.constant 0 : i32
        %get3A_322 = arith.index_cast %get3A_320 : i32 to index
        %get3A_323 = arith.index_cast %get3A_321 : i32 to index
        %get3A_324 = arith.constant 192 : index
        %get3A_325 = tpu.vector_load %arg8[%get3A_322, %get3A_323, %get3A_324] {strides = array<i32>} : memref<2x128x256xf32, #tpu.memory_space<vmem>>, vector<1x1x16xf32>,
        %get3A_326 = vector.shape_cast %get3A_325 : vector<1x1x16xf32> to vector<16xf32>
        %get3A_327 = arith.constant 1 : i32
        %get3A_328 = arith.constant 1 : i32
        %get3A_329 = arith.index_cast %get3A_327 : i32 to index
        %get3A_330 = arith.index_cast %get3A_328 : i32 to index
        %get3A_331 = arith.constant 192 : index
        %get3A_332 = tpu.vector_load %arg8[%get3A_329, %get3A_330, %get3A_331] {strides = array<i32>} : memref<2x128x256xf32, #tpu.memory_space<vmem>>, vector<1x1x16xf32>,
        %get3A_333 = vector.shape_cast %get3A_332 : vector<1x1x16xf32> to vector<16xf32>
        %max3A_334 = arith.maximumf %get3A_326, %get3A_333 : vector<16xf32>
        %get3A_335 = arith.constant 1 : i32
        %get3A_336 = arith.constant 0 : i32
        %get3A_337 = arith.index_cast %get3A_335 : i32 to index
        %get3A_338 = arith.index_cast %get3A_336 : i32 to index
        %get3A_339 = arith.constant 208 : index
        %get3A_340 = tpu.vector_load %arg8[%get3A_337, %get3A_338, %get3A_339] {strides = array<i32>} : memref<2x128x256xf32, #tpu.memory_space<vmem>>, vector<1x1x16xf32>,
        %get3A_341 = vector.shape_cast %get3A_340 : vector<1x1x16xf32> to vector<16xf32>
        %get3A_342 = arith.constant 1 : i32
        %get3A_343 = arith.constant 1 : i32
        %get3A_344 = arith.index_cast %get3A_342 : i32 to index
        %get3A_345 = arith.index_cast %get3A_343 : i32 to index
        %get3A_346 = arith.constant 208 : index
        %get3A_347 = tpu.vector_load %arg8[%get3A_344, %get3A_345, %get3A_346] {strides = array<i32>} : memref<2x128x256xf32, #tpu.memory_space<vmem>>, vector<1x1x16xf32>,
        %get3A_348 = vector.shape_cast %get3A_347 : vector<1x1x16xf32> to vector<16xf32>
        %max3A_349 = arith.maximumf %get3A_341, %get3A_348 : vector<16xf32>
        %get3A_350 = arith.constant 1 : i32
        %get3A_351 = arith.constant 0 : i32
        %get3A_352 = arith.index_cast %get3A_350 : i32 to index
        %get3A_353 = arith.index_cast %get3A_351 : i32 to index
        %get3A_354 = arith.constant 224 : index
        %get3A_355 = tpu.vector_load %arg8[%get3A_352, %get3A_353, %get3A_354] {strides = array<i32>} : memref<2x128x256xf32, #tpu.memory_space<vmem>>, vector<1x1x16xf32>,
        %get3A_356 = vector.shape_cast %get3A_355 : vector<1x1x16xf32> to vector<16xf32>
        %get3A_357 = arith.constant 1 : i32
        %get3A_358 = arith.constant 1 : i32
        %get3A_359 = arith.index_cast %get3A_357 : i32 to index
        %get3A_360 = arith.index_cast %get3A_358 : i32 to index
        %get3A_361 = arith.constant 224 : index
        %get3A_362 = tpu.vector_load %arg8[%get3A_359, %get3A_360, %get3A_361] {strides = array<i32>} : memref<2x128x256xf32, #tpu.memory_space<vmem>>, vector<1x1x16xf32>,
        %get3A_363 = vector.shape_cast %get3A_362 : vector<1x1x16xf32> to vector<16xf32>
        %max3A_364 = arith.maximumf %get3A_356, %get3A_363 : vector<16xf32>
        %get3A_365 = arith.constant 1 : i32
        %get3A_366 = arith.constant 0 : i32
        %get3A_367 = arith.index_cast %get3A_365 : i32 to index
        %get3A_368 = arith.index_cast %get3A_366 : i32 to index
        %get3A_369 = arith.constant 240 : index
        %get3A_370 = tpu.vector_load %arg8[%get3A_367, %get3A_368, %get3A_369] {strides = array<i32>} : memref<2x128x256xf32, #tpu.memory_space<vmem>>, vector<1x1x16xf32>,
        %get3A_371 = vector.shape_cast %get3A_370 : vector<1x1x16xf32> to vector<16xf32>
        %get3A_372 = arith.constant 1 : i32
        %get3A_373 = arith.constant 1 : i32
        %get3A_374 = arith.index_cast %get3A_372 : i32 to index
        %get3A_375 = arith.index_cast %get3A_373 : i32 to index
        %get3A_376 = arith.constant 240 : index
        %get3A_377 = tpu.vector_load %arg8[%get3A_374, %get3A_375, %get3A_376] {strides = array<i32>} : memref<2x128x256xf32, #tpu.memory_space<vmem>>, vector<1x1x16xf32>,
        %get3A_378 = vector.shape_cast %get3A_377 : vector<1x1x16xf32> to vector<16xf32>
        %max3A_379 = arith.maximumf %get3A_371, %get3A_378 : vector<16xf32>
        %parallel_loop3A = arith.constant 1 : i32
        %parallel_loop3A_380 = arith.constant 64 : i32
        %parallel_loop3A_381 = arith.constant 1 : i32
        %parallel_loop3A_382:16 = scf.for %parallel_loop3A_542 = %parallel_loop3A to %parallel_loop3A_380 step %parallel_loop3A_381 iter_args(%parallel_loop3A_543 = %max3A, %parallel_loop3A_544 = %max3A_169, %parallel_loop3A_545 = %max3A_184, %parallel_loop3A_546 = %max3A_199, %parallel_loop3A_547 = %max3A_214, %parallel_loop3A_548 = %max3A_229, %parallel_loop3A_549 = %max3A_244, %parallel_loop3A_550 = %max3A_259, %parallel_loop3A_551 = %max3A_274, %parallel_loop3A_552 = %max3A_289, %parallel_loop3A_553 = %max3A_304, %parallel_loop3A_554 = %max3A_319, %parallel_loop3A_555 = %max3A_334, %parallel_loop3A_556 = %max3A_349, %parallel_loop3A_557 = %max3A_364, %parallel_loop3A_558 = %max3A_379) -> (vector<16xf32>, vector<16xf32>, vector<16xf32>, vector<16xf32>, vector<16xf32>, vector<16xf32>, vector<16xf32>, vector<16xf32>, vector<16xf32>, vector<16xf32>, vector<16xf32>, vector<16xf32>, vector<16xf32>, vector<16xf32>, vector<16xf32>, vector<16xf32>)  : i32 {
          %parallel_loop3A_559 = arith.constant 2 : i32
          %parallel_loop3A_560 = arith.muli %parallel_loop3A_559, %parallel_loop3A_542 : i32
          %parallel_loop3A_561 = arith.constant 1 : i32
          %parallel_loop3A_562 = arith.index_cast %parallel_loop3A_561 : i32 to index
          %parallel_loop3A_563 = arith.index_cast %parallel_loop3A_560 : i32 to index
          %parallel_loop3A_564 = arith.constant 0 : index
          %parallel_loop3A_565 = tpu.vector_load %arg8[%parallel_loop3A_562, %parallel_loop3A_563, %parallel_loop3A_564] {strides = array<i32>} : memref<2x128x256xf32, #tpu.memory_space<vmem>>, vector<1x1x16xf32>,
          %parallel_loop3A_566 = vector.shape_cast %parallel_loop3A_565 : vector<1x1x16xf32> to vector<16xf32>
          %parallel_loop3A_567 = arith.constant 1 : i32
          %parallel_loop3A_568 = arith.addi %parallel_loop3A_560, %parallel_loop3A_567 : i32
          %parallel_loop3A_569 = arith.constant 1 : i32
          %parallel_loop3A_570 = arith.index_cast %parallel_loop3A_569 : i32 to index
          %parallel_loop3A_571 = arith.index_cast %parallel_loop3A_568 : i32 to index
          %parallel_loop3A_572 = arith.constant 0 : index
          %parallel_loop3A_573 = tpu.vector_load %arg8[%parallel_loop3A_570, %parallel_loop3A_571, %parallel_loop3A_572] {strides = array<i32>} : memref<2x128x256xf32, #tpu.memory_space<vmem>>, vector<1x1x16xf32>,
          %parallel_loop3A_574 = vector.shape_cast %parallel_loop3A_573 : vector<1x1x16xf32> to vector<16xf32>
          %parallel_loop3A_575 = arith.maximumf %parallel_loop3A_566, %parallel_loop3A_574 : vector<16xf32>
          %parallel_loop3A_576 = arith.maximumf %parallel_loop3A_543, %parallel_loop3A_575 : vector<16xf32>
          %parallel_loop3A_577 = arith.constant 1 : i32
          %parallel_loop3A_578 = arith.index_cast %parallel_loop3A_577 : i32 to index
          %parallel_loop3A_579 = arith.index_cast %parallel_loop3A_560 : i32 to index
          %parallel_loop3A_580 = arith.constant 16 : index
          %parallel_loop3A_581 = tpu.vector_load %arg8[%parallel_loop3A_578, %parallel_loop3A_579, %parallel_loop3A_580] {strides = array<i32>} : memref<2x128x256xf32, #tpu.memory_space<vmem>>, vector<1x1x16xf32>,
          %parallel_loop3A_582 = vector.shape_cast %parallel_loop3A_581 : vector<1x1x16xf32> to vector<16xf32>
          %parallel_loop3A_583 = arith.constant 1 : i32
          %parallel_loop3A_584 = arith.addi %parallel_loop3A_560, %parallel_loop3A_583 : i32
          %parallel_loop3A_585 = arith.constant 1 : i32
          %parallel_loop3A_586 = arith.index_cast %parallel_loop3A_585 : i32 to index
          %parallel_loop3A_587 = arith.index_cast %parallel_loop3A_584 : i32 to index
          %parallel_loop3A_588 = arith.constant 16 : index
          %parallel_loop3A_589 = tpu.vector_load %arg8[%parallel_loop3A_586, %parallel_loop3A_587, %parallel_loop3A_588] {strides = array<i32>} : memref<2x128x256xf32, #tpu.memory_space<vmem>>, vector<1x1x16xf32>,
          %parallel_loop3A_590 = vector.shape_cast %parallel_loop3A_589 : vector<1x1x16xf32> to vector<16xf32>
          %parallel_loop3A_591 = arith.maximumf %parallel_loop3A_582, %parallel_loop3A_590 : vector<16xf32>
          %parallel_loop3A_592 = arith.maximumf %parallel_loop3A_544, %parallel_loop3A_591 : vector<16xf32>
          %parallel_loop3A_593 = arith.constant 1 : i32
          %parallel_loop3A_594 = arith.index_cast %parallel_loop3A_593 : i32 to index
          %parallel_loop3A_595 = arith.index_cast %parallel_loop3A_560 : i32 to index
          %parallel_loop3A_596 = arith.constant 32 : index
          %parallel_loop3A_597 = tpu.vector_load %arg8[%parallel_loop3A_594, %parallel_loop3A_595, %parallel_loop3A_596] {strides = array<i32>} : memref<2x128x256xf32, #tpu.memory_space<vmem>>, vector<1x1x16xf32>,
          %parallel_loop3A_598 = vector.shape_cast %parallel_loop3A_597 : vector<1x1x16xf32> to vector<16xf32>
          %parallel_loop3A_599 = arith.constant 1 : i32
          %parallel_loop3A_600 = arith.addi %parallel_loop3A_560, %parallel_loop3A_599 : i32
          %parallel_loop3A_601 = arith.constant 1 : i32
          %parallel_loop3A_602 = arith.index_cast %parallel_loop3A_601 : i32 to index
          %parallel_loop3A_603 = arith.index_cast %parallel_loop3A_600 : i32 to index
          %parallel_loop3A_604 = arith.constant 32 : index
          %parallel_loop3A_605 = tpu.vector_load %arg8[%parallel_loop3A_602, %parallel_loop3A_603, %parallel_loop3A_604] {strides = array<i32>} : memref<2x128x256xf32, #tpu.memory_space<vmem>>, vector<1x1x16xf32>,
          %parallel_loop3A_606 = vector.shape_cast %parallel_loop3A_605 : vector<1x1x16xf32> to vector<16xf32>
          %parallel_loop3A_607 = arith.maximumf %parallel_loop3A_598, %parallel_loop3A_606 : vector<16xf32>
          %parallel_loop3A_608 = arith.maximumf %parallel_loop3A_545, %parallel_loop3A_607 : vector<16xf32>
          %parallel_loop3A_609 = arith.constant 1 : i32
          %parallel_loop3A_610 = arith.index_cast %parallel_loop3A_609 : i32 to index
          %parallel_loop3A_611 = arith.index_cast %parallel_loop3A_560 : i32 to index
          %parallel_loop3A_612 = arith.constant 48 : index
          %parallel_loop3A_613 = tpu.vector_load %arg8[%parallel_loop3A_610, %parallel_loop3A_611, %parallel_loop3A_612] {strides = array<i32>} : memref<2x128x256xf32, #tpu.memory_space<vmem>>, vector<1x1x16xf32>,
          %parallel_loop3A_614 = vector.shape_cast %parallel_loop3A_613 : vector<1x1x16xf32> to vector<16xf32>
          %parallel_loop3A_615 = arith.constant 1 : i32
          %parallel_loop3A_616 = arith.addi %parallel_loop3A_560, %parallel_loop3A_615 : i32
          %parallel_loop3A_617 = arith.constant 1 : i32
          %parallel_loop3A_618 = arith.index_cast %parallel_loop3A_617 : i32 to index
          %parallel_loop3A_619 = arith.index_cast %parallel_loop3A_616 : i32 to index
          %parallel_loop3A_620 = arith.constant 48 : index
          %parallel_loop3A_621 = tpu.vector_load %arg8[%parallel_loop3A_618, %parallel_loop3A_619, %parallel_loop3A_620] {strides = array<i32>} : memref<2x128x256xf32, #tpu.memory_space<vmem>>, vector<1x1x16xf32>,
          %parallel_loop3A_622 = vector.shape_cast %parallel_loop3A_621 : vector<1x1x16xf32> to vector<16xf32>
          %parallel_loop3A_623 = arith.maximumf %parallel_loop3A_614, %parallel_loop3A_622 : vector<16xf32>
          %parallel_loop3A_624 = arith.maximumf %parallel_loop3A_546, %parallel_loop3A_623 : vector<16xf32>
          %parallel_loop3A_625 = arith.constant 1 : i32
          %parallel_loop3A_626 = arith.index_cast %parallel_loop3A_625 : i32 to index
          %parallel_loop3A_627 = arith.index_cast %parallel_loop3A_560 : i32 to index
          %parallel_loop3A_628 = arith.constant 64 : index
          %parallel_loop3A_629 = tpu.vector_load %arg8[%parallel_loop3A_626, %parallel_loop3A_627, %parallel_loop3A_628] {strides = array<i32>} : memref<2x128x256xf32, #tpu.memory_space<vmem>>, vector<1x1x16xf32>,
          %parallel_loop3A_630 = vector.shape_cast %parallel_loop3A_629 : vector<1x1x16xf32> to vector<16xf32>
          %parallel_loop3A_631 = arith.constant 1 : i32
          %parallel_loop3A_632 = arith.addi %parallel_loop3A_560, %parallel_loop3A_631 : i32
          %parallel_loop3A_633 = arith.constant 1 : i32
          %parallel_loop3A_634 = arith.index_cast %parallel_loop3A_633 : i32 to index
          %parallel_loop3A_635 = arith.index_cast %parallel_loop3A_632 : i32 to index
          %parallel_loop3A_636 = arith.constant 64 : index
          %parallel_loop3A_637 = tpu.vector_load %arg8[%parallel_loop3A_634, %parallel_loop3A_635, %parallel_loop3A_636] {strides = array<i32>} : memref<2x128x256xf32, #tpu.memory_space<vmem>>, vector<1x1x16xf32>,
          %parallel_loop3A_638 = vector.shape_cast %parallel_loop3A_637 : vector<1x1x16xf32> to vector<16xf32>
          %parallel_loop3A_639 = arith.maximumf %parallel_loop3A_630, %parallel_loop3A_638 : vector<16xf32>
          %parallel_loop3A_640 = arith.maximumf %parallel_loop3A_547, %parallel_loop3A_639 : vector<16xf32>
          %parallel_loop3A_641 = arith.constant 1 : i32
          %parallel_loop3A_642 = arith.index_cast %parallel_loop3A_641 : i32 to index
          %parallel_loop3A_643 = arith.index_cast %parallel_loop3A_560 : i32 to index
          %parallel_loop3A_644 = arith.constant 80 : index
          %parallel_loop3A_645 = tpu.vector_load %arg8[%parallel_loop3A_642, %parallel_loop3A_643, %parallel_loop3A_644] {strides = array<i32>} : memref<2x128x256xf32, #tpu.memory_space<vmem>>, vector<1x1x16xf32>,
          %parallel_loop3A_646 = vector.shape_cast %parallel_loop3A_645 : vector<1x1x16xf32> to vector<16xf32>
          %parallel_loop3A_647 = arith.constant 1 : i32
          %parallel_loop3A_648 = arith.addi %parallel_loop3A_560, %parallel_loop3A_647 : i32
          %parallel_loop3A_649 = arith.constant 1 : i32
          %parallel_loop3A_650 = arith.index_cast %parallel_loop3A_649 : i32 to index
          %parallel_loop3A_651 = arith.index_cast %parallel_loop3A_648 : i32 to index
          %parallel_loop3A_652 = arith.constant 80 : index
          %parallel_loop3A_653 = tpu.vector_load %arg8[%parallel_loop3A_650, %parallel_loop3A_651, %parallel_loop3A_652] {strides = array<i32>} : memref<2x128x256xf32, #tpu.memory_space<vmem>>, vector<1x1x16xf32>,
          %parallel_loop3A_654 = vector.shape_cast %parallel_loop3A_653 : vector<1x1x16xf32> to vector<16xf32>
          %parallel_loop3A_655 = arith.maximumf %parallel_loop3A_646, %parallel_loop3A_654 : vector<16xf32>
          %parallel_loop3A_656 = arith.maximumf %parallel_loop3A_548, %parallel_loop3A_655 : vector<16xf32>
          %parallel_loop3A_657 = arith.constant 1 : i32
          %parallel_loop3A_658 = arith.index_cast %parallel_loop3A_657 : i32 to index
          %parallel_loop3A_659 = arith.index_cast %parallel_loop3A_560 : i32 to index
          %parallel_loop3A_660 = arith.constant 96 : index
          %parallel_loop3A_661 = tpu.vector_load %arg8[%parallel_loop3A_658, %parallel_loop3A_659, %parallel_loop3A_660] {strides = array<i32>} : memref<2x128x256xf32, #tpu.memory_space<vmem>>, vector<1x1x16xf32>,
          %parallel_loop3A_662 = vector.shape_cast %parallel_loop3A_661 : vector<1x1x16xf32> to vector<16xf32>
          %parallel_loop3A_663 = arith.constant 1 : i32
          %parallel_loop3A_664 = arith.addi %parallel_loop3A_560, %parallel_loop3A_663 : i32
          %parallel_loop3A_665 = arith.constant 1 : i32
          %parallel_loop3A_666 = arith.index_cast %parallel_loop3A_665 : i32 to index
          %parallel_loop3A_667 = arith.index_cast %parallel_loop3A_664 : i32 to index
          %parallel_loop3A_668 = arith.constant 96 : index
          %parallel_loop3A_669 = tpu.vector_load %arg8[%parallel_loop3A_666, %parallel_loop3A_667, %parallel_loop3A_668] {strides = array<i32>} : memref<2x128x256xf32, #tpu.memory_space<vmem>>, vector<1x1x16xf32>,
          %parallel_loop3A_670 = vector.shape_cast %parallel_loop3A_669 : vector<1x1x16xf32> to vector<16xf32>
          %parallel_loop3A_671 = arith.maximumf %parallel_loop3A_662, %parallel_loop3A_670 : vector<16xf32>
          %parallel_loop3A_672 = arith.maximumf %parallel_loop3A_549, %parallel_loop3A_671 : vector<16xf32>
          %parallel_loop3A_673 = arith.constant 1 : i32
          %parallel_loop3A_674 = arith.index_cast %parallel_loop3A_673 : i32 to index
          %parallel_loop3A_675 = arith.index_cast %parallel_loop3A_560 : i32 to index
          %parallel_loop3A_676 = arith.constant 112 : index
          %parallel_loop3A_677 = tpu.vector_load %arg8[%parallel_loop3A_674, %parallel_loop3A_675, %parallel_loop3A_676] {strides = array<i32>} : memref<2x128x256xf32, #tpu.memory_space<vmem>>, vector<1x1x16xf32>,
          %parallel_loop3A_678 = vector.shape_cast %parallel_loop3A_677 : vector<1x1x16xf32> to vector<16xf32>
          %parallel_loop3A_679 = arith.constant 1 : i32
          %parallel_loop3A_680 = arith.addi %parallel_loop3A_560, %parallel_loop3A_679 : i32
          %parallel_loop3A_681 = arith.constant 1 : i32
          %parallel_loop3A_682 = arith.index_cast %parallel_loop3A_681 : i32 to index
          %parallel_loop3A_683 = arith.index_cast %parallel_loop3A_680 : i32 to index
          %parallel_loop3A_684 = arith.constant 112 : index
          %parallel_loop3A_685 = tpu.vector_load %arg8[%parallel_loop3A_682, %parallel_loop3A_683, %parallel_loop3A_684] {strides = array<i32>} : memref<2x128x256xf32, #tpu.memory_space<vmem>>, vector<1x1x16xf32>,
          %parallel_loop3A_686 = vector.shape_cast %parallel_loop3A_685 : vector<1x1x16xf32> to vector<16xf32>
          %parallel_loop3A_687 = arith.maximumf %parallel_loop3A_678, %parallel_loop3A_686 : vector<16xf32>
          %parallel_loop3A_688 = arith.maximumf %parallel_loop3A_550, %parallel_loop3A_687 : vector<16xf32>
          %parallel_loop3A_689 = arith.constant 1 : i32
          %parallel_loop3A_690 = arith.index_cast %parallel_loop3A_689 : i32 to index
          %parallel_loop3A_691 = arith.index_cast %parallel_loop3A_560 : i32 to index
          %parallel_loop3A_692 = arith.constant 128 : index
          %parallel_loop3A_693 = tpu.vector_load %arg8[%parallel_loop3A_690, %parallel_loop3A_691, %parallel_loop3A_692] {strides = array<i32>} : memref<2x128x256xf32, #tpu.memory_space<vmem>>, vector<1x1x16xf32>,
          %parallel_loop3A_694 = vector.shape_cast %parallel_loop3A_693 : vector<1x1x16xf32> to vector<16xf32>
          %parallel_loop3A_695 = arith.constant 1 : i32
          %parallel_loop3A_696 = arith.addi %parallel_loop3A_560, %parallel_loop3A_695 : i32
          %parallel_loop3A_697 = arith.constant 1 : i32
          %parallel_loop3A_698 = arith.index_cast %parallel_loop3A_697 : i32 to index
          %parallel_loop3A_699 = arith.index_cast %parallel_loop3A_696 : i32 to index
          %parallel_loop3A_700 = arith.constant 128 : index
          %parallel_loop3A_701 = tpu.vector_load %arg8[%parallel_loop3A_698, %parallel_loop3A_699, %parallel_loop3A_700] {strides = array<i32>} : memref<2x128x256xf32, #tpu.memory_space<vmem>>, vector<1x1x16xf32>,
          %parallel_loop3A_702 = vector.shape_cast %parallel_loop3A_701 : vector<1x1x16xf32> to vector<16xf32>
          %parallel_loop3A_703 = arith.maximumf %parallel_loop3A_694, %parallel_loop3A_702 : vector<16xf32>
          %parallel_loop3A_704 = arith.maximumf %parallel_loop3A_551, %parallel_loop3A_703 : vector<16xf32>
          %parallel_loop3A_705 = arith.constant 1 : i32
          %parallel_loop3A_706 = arith.index_cast %parallel_loop3A_705 : i32 to index
          %parallel_loop3A_707 = arith.index_cast %parallel_loop3A_560 : i32 to index
          %parallel_loop3A_708 = arith.constant 144 : index
          %parallel_loop3A_709 = tpu.vector_load %arg8[%parallel_loop3A_706, %parallel_loop3A_707, %parallel_loop3A_708] {strides = array<i32>} : memref<2x128x256xf32, #tpu.memory_space<vmem>>, vector<1x1x16xf32>,
          %parallel_loop3A_710 = vector.shape_cast %parallel_loop3A_709 : vector<1x1x16xf32> to vector<16xf32>
          %parallel_loop3A_711 = arith.constant 1 : i32
          %parallel_loop3A_712 = arith.addi %parallel_loop3A_560, %parallel_loop3A_711 : i32
          %parallel_loop3A_713 = arith.constant 1 : i32
          %parallel_loop3A_714 = arith.index_cast %parallel_loop3A_713 : i32 to index
          %parallel_loop3A_715 = arith.index_cast %parallel_loop3A_712 : i32 to index
          %parallel_loop3A_716 = arith.constant 144 : index
          %parallel_loop3A_717 = tpu.vector_load %arg8[%parallel_loop3A_714, %parallel_loop3A_715, %parallel_loop3A_716] {strides = array<i32>} : memref<2x128x256xf32, #tpu.memory_space<vmem>>, vector<1x1x16xf32>,
          %parallel_loop3A_718 = vector.shape_cast %parallel_loop3A_717 : vector<1x1x16xf32> to vector<16xf32>
          %parallel_loop3A_719 = arith.maximumf %parallel_loop3A_710, %parallel_loop3A_718 : vector<16xf32>
          %parallel_loop3A_720 = arith.maximumf %parallel_loop3A_552, %parallel_loop3A_719 : vector<16xf32>
          %parallel_loop3A_721 = arith.constant 1 : i32
          %parallel_loop3A_722 = arith.index_cast %parallel_loop3A_721 : i32 to index
          %parallel_loop3A_723 = arith.index_cast %parallel_loop3A_560 : i32 to index
          %parallel_loop3A_724 = arith.constant 160 : index
          %parallel_loop3A_725 = tpu.vector_load %arg8[%parallel_loop3A_722, %parallel_loop3A_723, %parallel_loop3A_724] {strides = array<i32>} : memref<2x128x256xf32, #tpu.memory_space<vmem>>, vector<1x1x16xf32>,
          %parallel_loop3A_726 = vector.shape_cast %parallel_loop3A_725 : vector<1x1x16xf32> to vector<16xf32>
          %parallel_loop3A_727 = arith.constant 1 : i32
          %parallel_loop3A_728 = arith.addi %parallel_loop3A_560, %parallel_loop3A_727 : i32
          %parallel_loop3A_729 = arith.constant 1 : i32
          %parallel_loop3A_730 = arith.index_cast %parallel_loop3A_729 : i32 to index
          %parallel_loop3A_731 = arith.index_cast %parallel_loop3A_728 : i32 to index
          %parallel_loop3A_732 = arith.constant 160 : index
          %parallel_loop3A_733 = tpu.vector_load %arg8[%parallel_loop3A_730, %parallel_loop3A_731, %parallel_loop3A_732] {strides = array<i32>} : memref<2x128x256xf32, #tpu.memory_space<vmem>>, vector<1x1x16xf32>,
          %parallel_loop3A_734 = vector.shape_cast %parallel_loop3A_733 : vector<1x1x16xf32> to vector<16xf32>
          %parallel_loop3A_735 = arith.maximumf %parallel_loop3A_726, %parallel_loop3A_734 : vector<16xf32>
          %parallel_loop3A_736 = arith.maximumf %parallel_loop3A_553, %parallel_loop3A_735 : vector<16xf32>
          %parallel_loop3A_737 = arith.constant 1 : i32
          %parallel_loop3A_738 = arith.index_cast %parallel_loop3A_737 : i32 to index
          %parallel_loop3A_739 = arith.index_cast %parallel_loop3A_560 : i32 to index
          %parallel_loop3A_740 = arith.constant 176 : index
          %parallel_loop3A_741 = tpu.vector_load %arg8[%parallel_loop3A_738, %parallel_loop3A_739, %parallel_loop3A_740] {strides = array<i32>} : memref<2x128x256xf32, #tpu.memory_space<vmem>>, vector<1x1x16xf32>,
          %parallel_loop3A_742 = vector.shape_cast %parallel_loop3A_741 : vector<1x1x16xf32> to vector<16xf32>
          %parallel_loop3A_743 = arith.constant 1 : i32
          %parallel_loop3A_744 = arith.addi %parallel_loop3A_560, %parallel_loop3A_743 : i32
          %parallel_loop3A_745 = arith.constant 1 : i32
          %parallel_loop3A_746 = arith.index_cast %parallel_loop3A_745 : i32 to index
          %parallel_loop3A_747 = arith.index_cast %parallel_loop3A_744 : i32 to index
          %parallel_loop3A_748 = arith.constant 176 : index
          %parallel_loop3A_749 = tpu.vector_load %arg8[%parallel_loop3A_746, %parallel_loop3A_747, %parallel_loop3A_748] {strides = array<i32>} : memref<2x128x256xf32, #tpu.memory_space<vmem>>, vector<1x1x16xf32>,
          %parallel_loop3A_750 = vector.shape_cast %parallel_loop3A_749 : vector<1x1x16xf32> to vector<16xf32>
          %parallel_loop3A_751 = arith.maximumf %parallel_loop3A_742, %parallel_loop3A_750 : vector<16xf32>
          %parallel_loop3A_752 = arith.maximumf %parallel_loop3A_554, %parallel_loop3A_751 : vector<16xf32>
          %parallel_loop3A_753 = arith.constant 1 : i32
          %parallel_loop3A_754 = arith.index_cast %parallel_loop3A_753 : i32 to index
          %parallel_loop3A_755 = arith.index_cast %parallel_loop3A_560 : i32 to index
          %parallel_loop3A_756 = arith.constant 192 : index
          %parallel_loop3A_757 = tpu.vector_load %arg8[%parallel_loop3A_754, %parallel_loop3A_755, %parallel_loop3A_756] {strides = array<i32>} : memref<2x128x256xf32, #tpu.memory_space<vmem>>, vector<1x1x16xf32>,
          %parallel_loop3A_758 = vector.shape_cast %parallel_loop3A_757 : vector<1x1x16xf32> to vector<16xf32>
          %parallel_loop3A_759 = arith.constant 1 : i32
          %parallel_loop3A_760 = arith.addi %parallel_loop3A_560, %parallel_loop3A_759 : i32
          %parallel_loop3A_761 = arith.constant 1 : i32
          %parallel_loop3A_762 = arith.index_cast %parallel_loop3A_761 : i32 to index
          %parallel_loop3A_763 = arith.index_cast %parallel_loop3A_760 : i32 to index
          %parallel_loop3A_764 = arith.constant 192 : index
          %parallel_loop3A_765 = tpu.vector_load %arg8[%parallel_loop3A_762, %parallel_loop3A_763, %parallel_loop3A_764] {strides = array<i32>} : memref<2x128x256xf32, #tpu.memory_space<vmem>>, vector<1x1x16xf32>,
          %parallel_loop3A_766 = vector.shape_cast %parallel_loop3A_765 : vector<1x1x16xf32> to vector<16xf32>
          %parallel_loop3A_767 = arith.maximumf %parallel_loop3A_758, %parallel_loop3A_766 : vector<16xf32>
          %parallel_loop3A_768 = arith.maximumf %parallel_loop3A_555, %parallel_loop3A_767 : vector<16xf32>
          %parallel_loop3A_769 = arith.constant 1 : i32
          %parallel_loop3A_770 = arith.index_cast %parallel_loop3A_769 : i32 to index
          %parallel_loop3A_771 = arith.index_cast %parallel_loop3A_560 : i32 to index
          %parallel_loop3A_772 = arith.constant 208 : index
          %parallel_loop3A_773 = tpu.vector_load %arg8[%parallel_loop3A_770, %parallel_loop3A_771, %parallel_loop3A_772] {strides = array<i32>} : memref<2x128x256xf32, #tpu.memory_space<vmem>>, vector<1x1x16xf32>,
          %parallel_loop3A_774 = vector.shape_cast %parallel_loop3A_773 : vector<1x1x16xf32> to vector<16xf32>
          %parallel_loop3A_775 = arith.constant 1 : i32
          %parallel_loop3A_776 = arith.addi %parallel_loop3A_560, %parallel_loop3A_775 : i32
          %parallel_loop3A_777 = arith.constant 1 : i32
          %parallel_loop3A_778 = arith.index_cast %parallel_loop3A_777 : i32 to index
          %parallel_loop3A_779 = arith.index_cast %parallel_loop3A_776 : i32 to index
          %parallel_loop3A_780 = arith.constant 208 : index
          %parallel_loop3A_781 = tpu.vector_load %arg8[%parallel_loop3A_778, %parallel_loop3A_779, %parallel_loop3A_780] {strides = array<i32>} : memref<2x128x256xf32, #tpu.memory_space<vmem>>, vector<1x1x16xf32>,
          %parallel_loop3A_782 = vector.shape_cast %parallel_loop3A_781 : vector<1x1x16xf32> to vector<16xf32>
          %parallel_loop3A_783 = arith.maximumf %parallel_loop3A_774, %parallel_loop3A_782 : vector<16xf32>
          %parallel_loop3A_784 = arith.maximumf %parallel_loop3A_556, %parallel_loop3A_783 : vector<16xf32>
          %parallel_loop3A_785 = arith.constant 1 : i32
          %parallel_loop3A_786 = arith.index_cast %parallel_loop3A_785 : i32 to index
          %parallel_loop3A_787 = arith.index_cast %parallel_loop3A_560 : i32 to index
          %parallel_loop3A_788 = arith.constant 224 : index
          %parallel_loop3A_789 = tpu.vector_load %arg8[%parallel_loop3A_786, %parallel_loop3A_787, %parallel_loop3A_788] {strides = array<i32>} : memref<2x128x256xf32, #tpu.memory_space<vmem>>, vector<1x1x16xf32>,
          %parallel_loop3A_790 = vector.shape_cast %parallel_loop3A_789 : vector<1x1x16xf32> to vector<16xf32>
          %parallel_loop3A_791 = arith.constant 1 : i32
          %parallel_loop3A_792 = arith.addi %parallel_loop3A_560, %parallel_loop3A_791 : i32
          %parallel_loop3A_793 = arith.constant 1 : i32
          %parallel_loop3A_794 = arith.index_cast %parallel_loop3A_793 : i32 to index
          %parallel_loop3A_795 = arith.index_cast %parallel_loop3A_792 : i32 to index
          %parallel_loop3A_796 = arith.constant 224 : index
          %parallel_loop3A_797 = tpu.vector_load %arg8[%parallel_loop3A_794, %parallel_loop3A_795, %parallel_loop3A_796] {strides = array<i32>} : memref<2x128x256xf32, #tpu.memory_space<vmem>>, vector<1x1x16xf32>,
          %parallel_loop3A_798 = vector.shape_cast %parallel_loop3A_797 : vector<1x1x16xf32> to vector<16xf32>
          %parallel_loop3A_799 = arith.maximumf %parallel_loop3A_790, %parallel_loop3A_798 : vector<16xf32>
          %parallel_loop3A_800 = arith.maximumf %parallel_loop3A_557, %parallel_loop3A_799 : vector<16xf32>
          %parallel_loop3A_801 = arith.constant 1 : i32
          %parallel_loop3A_802 = arith.index_cast %parallel_loop3A_801 : i32 to index
          %parallel_loop3A_803 = arith.index_cast %parallel_loop3A_560 : i32 to index
          %parallel_loop3A_804 = arith.constant 240 : index
          %parallel_loop3A_805 = tpu.vector_load %arg8[%parallel_loop3A_802, %parallel_loop3A_803, %parallel_loop3A_804] {strides = array<i32>} : memref<2x128x256xf32, #tpu.memory_space<vmem>>, vector<1x1x16xf32>,
          %parallel_loop3A_806 = vector.shape_cast %parallel_loop3A_805 : vector<1x1x16xf32> to vector<16xf32>
          %parallel_loop3A_807 = arith.constant 1 : i32
          %parallel_loop3A_808 = arith.addi %parallel_loop3A_560, %parallel_loop3A_807 : i32
          %parallel_loop3A_809 = arith.constant 1 : i32
          %parallel_loop3A_810 = arith.index_cast %parallel_loop3A_809 : i32 to index
          %parallel_loop3A_811 = arith.index_cast %parallel_loop3A_808 : i32 to index
          %parallel_loop3A_812 = arith.constant 240 : index
          %parallel_loop3A_813 = tpu.vector_load %arg8[%parallel_loop3A_810, %parallel_loop3A_811, %parallel_loop3A_812] {strides = array<i32>} : memref<2x128x256xf32, #tpu.memory_space<vmem>>, vector<1x1x16xf32>,
          %parallel_loop3A_814 = vector.shape_cast %parallel_loop3A_813 : vector<1x1x16xf32> to vector<16xf32>
          %parallel_loop3A_815 = arith.maximumf %parallel_loop3A_806, %parallel_loop3A_814 : vector<16xf32>
          %parallel_loop3A_816 = arith.maximumf %parallel_loop3A_558, %parallel_loop3A_815 : vector<16xf32>
          scf.yield %parallel_loop3A_576, %parallel_loop3A_592, %parallel_loop3A_608, %parallel_loop3A_624, %parallel_loop3A_640, %parallel_loop3A_656, %parallel_loop3A_672, %parallel_loop3A_688, %parallel_loop3A_704, %parallel_loop3A_720, %parallel_loop3A_736, %parallel_loop3A_752, %parallel_loop3A_768, %parallel_loop3A_784, %parallel_loop3A_800, %parallel_loop3A_816 : vector<16xf32>, vector<16xf32>, vector<16xf32>, vector<16xf32>, vector<16xf32>, vector<16xf32>, vector<16xf32>, vector<16xf32>, vector<16xf32>, vector<16xf32>, vector<16xf32>, vector<16xf32>, vector<16xf32>, vector<16xf32>, vector<16xf32>, vector<16xf32>
        } {sc.loop_unroll_factor = 8 : i64, sc.parallel_access}
        %get3A_383 = arith.index_cast %squeeze3A_115 : i32 to index
        %get3A_384 = arith.constant 0 : index
        %get3A_385 = tpu.vector_load %arg9[%get3A_383, %get3A_384] {strides = array<i32>} : memref<16x256xf32, #tpu.memory_space<vmem>>, vector<1x16xf32>,
        %get3A_386 = vector.shape_cast %get3A_385 : vector<1x16xf32> to vector<16xf32>
        %max3A_387 = arith.maximumf %get3A_386, %parallel_loop3A_382#0 : vector<16xf32>
        %swap3A = arith.index_cast %squeeze3A_115 : i32 to index
        %swap3A_388 = arith.constant 0 : index
        %swap3A_389 = tpu.vector_load %arg9[%swap3A, %swap3A_388] {strides = array<i32>} : memref<16x256xf32, #tpu.memory_space<vmem>>, vector<1x16xf32>,
        %swap3A_390 = vector.shape_cast %swap3A_389 : vector<1x16xf32> to vector<16xf32>
        %swap3A_391 = vector.shape_cast %max3A_387 : vector<16xf32> to vector<1x16xf32>
        tpu.vector_store %arg9[%swap3A, %swap3A_388], %swap3A_391 {strides = array<i32>} : memref<16x256xf32, #tpu.memory_space<vmem>>, vector<1x16xf32>,
        %get3A_392 = arith.index_cast %squeeze3A_115 : i32 to index
        %get3A_393 = arith.constant 16 : index
        %get3A_394 = tpu.vector_load %arg9[%get3A_392, %get3A_393] {strides = array<i32>} : memref<16x256xf32, #tpu.memory_space<vmem>>, vector<1x16xf32>,
        %get3A_395 = vector.shape_cast %get3A_394 : vector<1x16xf32> to vector<16xf32>
        %max3A_396 = arith.maximumf %get3A_395, %parallel_loop3A_382#1 : vector<16xf32>
        %swap3A_397 = arith.index_cast %squeeze3A_115 : i32 to index
        %swap3A_398 = arith.constant 16 : index
        %swap3A_399 = tpu.vector_load %arg9[%swap3A_397, %swap3A_398] {strides = array<i32>} : memref<16x256xf32, #tpu.memory_space<vmem>>, vector<1x16xf32>,
        %swap3A_400 = vector.shape_cast %swap3A_399 : vector<1x16xf32> to vector<16xf32>
        %swap3A_401 = vector.shape_cast %max3A_396 : vector<16xf32> to vector<1x16xf32>
        tpu.vector_store %arg9[%swap3A_397, %swap3A_398], %swap3A_401 {strides = array<i32>} : memref<16x256xf32, #tpu.memory_space<vmem>>, vector<1x16xf32>,
        %get3A_402 = arith.index_cast %squeeze3A_115 : i32 to index
        %get3A_403 = arith.constant 32 : index
        %get3A_404 = tpu.vector_load %arg9[%get3A_402, %get3A_403] {strides = array<i32>} : memref<16x256xf32, #tpu.memory_space<vmem>>, vector<1x16xf32>,
        %get3A_405 = vector.shape_cast %get3A_404 : vector<1x16xf32> to vector<16xf32>
        %max3A_406 = arith.maximumf %get3A_405, %parallel_loop3A_382#2 : vector<16xf32>
        %swap3A_407 = arith.index_cast %squeeze3A_115 : i32 to index
        %swap3A_408 = arith.constant 32 : index
        %swap3A_409 = tpu.vector_load %arg9[%swap3A_407, %swap3A_408] {strides = array<i32>} : memref<16x256xf32, #tpu.memory_space<vmem>>, vector<1x16xf32>,
        %swap3A_410 = vector.shape_cast %swap3A_409 : vector<1x16xf32> to vector<16xf32>
        %swap3A_411 = vector.shape_cast %max3A_406 : vector<16xf32> to vector<1x16xf32>
        tpu.vector_store %arg9[%swap3A_407, %swap3A_408], %swap3A_411 {strides = array<i32>} : memref<16x256xf32, #tpu.memory_space<vmem>>, vector<1x16xf32>,
        %get3A_412 = arith.index_cast %squeeze3A_115 : i32 to index
        %get3A_413 = arith.constant 48 : index
        %get3A_414 = tpu.vector_load %arg9[%get3A_412, %get3A_413] {strides = array<i32>} : memref<16x256xf32, #tpu.memory_space<vmem>>, vector<1x16xf32>,
        %get3A_415 = vector.shape_cast %get3A_414 : vector<1x16xf32> to vector<16xf32>
        %max3A_416 = arith.maximumf %get3A_415, %parallel_loop3A_382#3 : vector<16xf32>
        %swap3A_417 = arith.index_cast %squeeze3A_115 : i32 to index
        %swap3A_418 = arith.constant 48 : index
        %swap3A_419 = tpu.vector_load %arg9[%swap3A_417, %swap3A_418] {strides = array<i32>} : memref<16x256xf32, #tpu.memory_space<vmem>>, vector<1x16xf32>,
        %swap3A_420 = vector.shape_cast %swap3A_419 : vector<1x16xf32> to vector<16xf32>
        %swap3A_421 = vector.shape_cast %max3A_416 : vector<16xf32> to vector<1x16xf32>
        tpu.vector_store %arg9[%swap3A_417, %swap3A_418], %swap3A_421 {strides = array<i32>} : memref<16x256xf32, #tpu.memory_space<vmem>>, vector<1x16xf32>,
        %get3A_422 = arith.index_cast %squeeze3A_115 : i32 to index
        %get3A_423 = arith.constant 64 : index
        %get3A_424 = tpu.vector_load %arg9[%get3A_422, %get3A_423] {strides = array<i32>} : memref<16x256xf32, #tpu.memory_space<vmem>>, vector<1x16xf32>,
        %get3A_425 = vector.shape_cast %get3A_424 : vector<1x16xf32> to vector<16xf32>
        %max3A_426 = arith.maximumf %get3A_425, %parallel_loop3A_382#4 : vector<16xf32>
        %swap3A_427 = arith.index_cast %squeeze3A_115 : i32 to index
        %swap3A_428 = arith.constant 64 : index
        %swap3A_429 = tpu.vector_load %arg9[%swap3A_427, %swap3A_428] {strides = array<i32>} : memref<16x256xf32, #tpu.memory_space<vmem>>, vector<1x16xf32>,
        %swap3A_430 = vector.shape_cast %swap3A_429 : vector<1x16xf32> to vector<16xf32>
        %swap3A_431 = vector.shape_cast %max3A_426 : vector<16xf32> to vector<1x16xf32>
        tpu.vector_store %arg9[%swap3A_427, %swap3A_428], %swap3A_431 {strides = array<i32>} : memref<16x256xf32, #tpu.memory_space<vmem>>, vector<1x16xf32>,
        %get3A_432 = arith.index_cast %squeeze3A_115 : i32 to index
        %get3A_433 = arith.constant 80 : index
        %get3A_434 = tpu.vector_load %arg9[%get3A_432, %get3A_433] {strides = array<i32>} : memref<16x256xf32, #tpu.memory_space<vmem>>, vector<1x16xf32>,
        %get3A_435 = vector.shape_cast %get3A_434 : vector<1x16xf32> to vector<16xf32>
        %max3A_436 = arith.maximumf %get3A_435, %parallel_loop3A_382#5 : vector<16xf32>
        %swap3A_437 = arith.index_cast %squeeze3A_115 : i32 to index
        %swap3A_438 = arith.constant 80 : index
        %swap3A_439 = tpu.vector_load %arg9[%swap3A_437, %swap3A_438] {strides = array<i32>} : memref<16x256xf32, #tpu.memory_space<vmem>>, vector<1x16xf32>,
        %swap3A_440 = vector.shape_cast %swap3A_439 : vector<1x16xf32> to vector<16xf32>
        %swap3A_441 = vector.shape_cast %max3A_436 : vector<16xf32> to vector<1x16xf32>
        tpu.vector_store %arg9[%swap3A_437, %swap3A_438], %swap3A_441 {strides = array<i32>} : memref<16x256xf32, #tpu.memory_space<vmem>>, vector<1x16xf32>,
        %get3A_442 = arith.index_cast %squeeze3A_115 : i32 to index
        %get3A_443 = arith.constant 96 : index
        %get3A_444 = tpu.vector_load %arg9[%get3A_442, %get3A_443] {strides = array<i32>} : memref<16x256xf32, #tpu.memory_space<vmem>>, vector<1x16xf32>,
        %get3A_445 = vector.shape_cast %get3A_444 : vector<1x16xf32> to vector<16xf32>
        %max3A_446 = arith.maximumf %get3A_445, %parallel_loop3A_382#6 : vector<16xf32>
        %swap3A_447 = arith.index_cast %squeeze3A_115 : i32 to index
        %swap3A_448 = arith.constant 96 : index
        %swap3A_449 = tpu.vector_load %arg9[%swap3A_447, %swap3A_448] {strides = array<i32>} : memref<16x256xf32, #tpu.memory_space<vmem>>, vector<1x16xf32>,
        %swap3A_450 = vector.shape_cast %swap3A_449 : vector<1x16xf32> to vector<16xf32>
        %swap3A_451 = vector.shape_cast %max3A_446 : vector<16xf32> to vector<1x16xf32>
        tpu.vector_store %arg9[%swap3A_447, %swap3A_448], %swap3A_451 {strides = array<i32>} : memref<16x256xf32, #tpu.memory_space<vmem>>, vector<1x16xf32>,
        %get3A_452 = arith.index_cast %squeeze3A_115 : i32 to index
        %get3A_453 = arith.constant 112 : index
        %get3A_454 = tpu.vector_load %arg9[%get3A_452, %get3A_453] {strides = array<i32>} : memref<16x256xf32, #tpu.memory_space<vmem>>, vector<1x16xf32>,
        %get3A_455 = vector.shape_cast %get3A_454 : vector<1x16xf32> to vector<16xf32>
        %max3A_456 = arith.maximumf %get3A_455, %parallel_loop3A_382#7 : vector<16xf32>
        %swap3A_457 = arith.index_cast %squeeze3A_115 : i32 to index
        %swap3A_458 = arith.constant 112 : index
        %swap3A_459 = tpu.vector_load %arg9[%swap3A_457, %swap3A_458] {strides = array<i32>} : memref<16x256xf32, #tpu.memory_space<vmem>>, vector<1x16xf32>,
        %swap3A_460 = vector.shape_cast %swap3A_459 : vector<1x16xf32> to vector<16xf32>
        %swap3A_461 = vector.shape_cast %max3A_456 : vector<16xf32> to vector<1x16xf32>
        tpu.vector_store %arg9[%swap3A_457, %swap3A_458], %swap3A_461 {strides = array<i32>} : memref<16x256xf32, #tpu.memory_space<vmem>>, vector<1x16xf32>,
        %get3A_462 = arith.index_cast %squeeze3A_115 : i32 to index
        %get3A_463 = arith.constant 128 : index
        %get3A_464 = tpu.vector_load %arg9[%get3A_462, %get3A_463] {strides = array<i32>} : memref<16x256xf32, #tpu.memory_space<vmem>>, vector<1x16xf32>,
        %get3A_465 = vector.shape_cast %get3A_464 : vector<1x16xf32> to vector<16xf32>
        %max3A_466 = arith.maximumf %get3A_465, %parallel_loop3A_382#8 : vector<16xf32>
        %swap3A_467 = arith.index_cast %squeeze3A_115 : i32 to index
        %swap3A_468 = arith.constant 128 : index
        %swap3A_469 = tpu.vector_load %arg9[%swap3A_467, %swap3A_468] {strides = array<i32>} : memref<16x256xf32, #tpu.memory_space<vmem>>, vector<1x16xf32>,
        %swap3A_470 = vector.shape_cast %swap3A_469 : vector<1x16xf32> to vector<16xf32>
        %swap3A_471 = vector.shape_cast %max3A_466 : vector<16xf32> to vector<1x16xf32>
        tpu.vector_store %arg9[%swap3A_467, %swap3A_468], %swap3A_471 {strides = array<i32>} : memref<16x256xf32, #tpu.memory_space<vmem>>, vector<1x16xf32>,
        %get3A_472 = arith.index_cast %squeeze3A_115 : i32 to index
        %get3A_473 = arith.constant 144 : index
        %get3A_474 = tpu.vector_load %arg9[%get3A_472, %get3A_473] {strides = array<i32>} : memref<16x256xf32, #tpu.memory_space<vmem>>, vector<1x16xf32>,
        %get3A_475 = vector.shape_cast %get3A_474 : vector<1x16xf32> to vector<16xf32>
        %max3A_476 = arith.maximumf %get3A_475, %parallel_loop3A_382#9 : vector<16xf32>
        %swap3A_477 = arith.index_cast %squeeze3A_115 : i32 to index
        %swap3A_478 = arith.constant 144 : index
        %swap3A_479 = tpu.vector_load %arg9[%swap3A_477, %swap3A_478] {strides = array<i32>} : memref<16x256xf32, #tpu.memory_space<vmem>>, vector<1x16xf32>,
        %swap3A_480 = vector.shape_cast %swap3A_479 : vector<1x16xf32> to vector<16xf32>
        %swap3A_481 = vector.shape_cast %max3A_476 : vector<16xf32> to vector<1x16xf32>
        tpu.vector_store %arg9[%swap3A_477, %swap3A_478], %swap3A_481 {strides = array<i32>} : memref<16x256xf32, #tpu.memory_space<vmem>>, vector<1x16xf32>,
        %get3A_482 = arith.index_cast %squeeze3A_115 : i32 to index
        %get3A_483 = arith.constant 160 : index
        %get3A_484 = tpu.vector_load %arg9[%get3A_482, %get3A_483] {strides = array<i32>} : memref<16x256xf32, #tpu.memory_space<vmem>>, vector<1x16xf32>,
        %get3A_485 = vector.shape_cast %get3A_484 : vector<1x16xf32> to vector<16xf32>
        %max3A_486 = arith.maximumf %get3A_485, %parallel_loop3A_382#10 : vector<16xf32>
        %swap3A_487 = arith.index_cast %squeeze3A_115 : i32 to index
        %swap3A_488 = arith.constant 160 : index
        %swap3A_489 = tpu.vector_load %arg9[%swap3A_487, %swap3A_488] {strides = array<i32>} : memref<16x256xf32, #tpu.memory_space<vmem>>, vector<1x16xf32>,
        %swap3A_490 = vector.shape_cast %swap3A_489 : vector<1x16xf32> to vector<16xf32>
        %swap3A_491 = vector.shape_cast %max3A_486 : vector<16xf32> to vector<1x16xf32>
        tpu.vector_store %arg9[%swap3A_487, %swap3A_488], %swap3A_491 {strides = array<i32>} : memref<16x256xf32, #tpu.memory_space<vmem>>, vector<1x16xf32>,
        %get3A_492 = arith.index_cast %squeeze3A_115 : i32 to index
        %get3A_493 = arith.constant 176 : index
        %get3A_494 = tpu.vector_load %arg9[%get3A_492, %get3A_493] {strides = array<i32>} : memref<16x256xf32, #tpu.memory_space<vmem>>, vector<1x16xf32>,
        %get3A_495 = vector.shape_cast %get3A_494 : vector<1x16xf32> to vector<16xf32>
        %max3A_496 = arith.maximumf %get3A_495, %parallel_loop3A_382#11 : vector<16xf32>
        %swap3A_497 = arith.index_cast %squeeze3A_115 : i32 to index
        %swap3A_498 = arith.constant 176 : index
        %swap3A_499 = tpu.vector_load %arg9[%swap3A_497, %swap3A_498] {strides = array<i32>} : memref<16x256xf32, #tpu.memory_space<vmem>>, vector<1x16xf32>,
        %swap3A_500 = vector.shape_cast %swap3A_499 : vector<1x16xf32> to vector<16xf32>
        %swap3A_501 = vector.shape_cast %max3A_496 : vector<16xf32> to vector<1x16xf32>
        tpu.vector_store %arg9[%swap3A_497, %swap3A_498], %swap3A_501 {strides = array<i32>} : memref<16x256xf32, #tpu.memory_space<vmem>>, vector<1x16xf32>,
        %get3A_502 = arith.index_cast %squeeze3A_115 : i32 to index
        %get3A_503 = arith.constant 192 : index
        %get3A_504 = tpu.vector_load %arg9[%get3A_502, %get3A_503] {strides = array<i32>} : memref<16x256xf32, #tpu.memory_space<vmem>>, vector<1x16xf32>,
        %get3A_505 = vector.shape_cast %get3A_504 : vector<1x16xf32> to vector<16xf32>
        %max3A_506 = arith.maximumf %get3A_505, %parallel_loop3A_382#12 : vector<16xf32>
        %swap3A_507 = arith.index_cast %squeeze3A_115 : i32 to index
        %swap3A_508 = arith.constant 192 : index
        %swap3A_509 = tpu.vector_load %arg9[%swap3A_507, %swap3A_508] {strides = array<i32>} : memref<16x256xf32, #tpu.memory_space<vmem>>, vector<1x16xf32>,
        %swap3A_510 = vector.shape_cast %swap3A_509 : vector<1x16xf32> to vector<16xf32>
        %swap3A_511 = vector.shape_cast %max3A_506 : vector<16xf32> to vector<1x16xf32>
        tpu.vector_store %arg9[%swap3A_507, %swap3A_508], %swap3A_511 {strides = array<i32>} : memref<16x256xf32, #tpu.memory_space<vmem>>, vector<1x16xf32>,
        %get3A_512 = arith.index_cast %squeeze3A_115 : i32 to index
        %get3A_513 = arith.constant 208 : index
        %get3A_514 = tpu.vector_load %arg9[%get3A_512, %get3A_513] {strides = array<i32>} : memref<16x256xf32, #tpu.memory_space<vmem>>, vector<1x16xf32>,
        %get3A_515 = vector.shape_cast %get3A_514 : vector<1x16xf32> to vector<16xf32>
        %max3A_516 = arith.maximumf %get3A_515, %parallel_loop3A_382#13 : vector<16xf32>
        %swap3A_517 = arith.index_cast %squeeze3A_115 : i32 to index
        %swap3A_518 = arith.constant 208 : index
        %swap3A_519 = tpu.vector_load %arg9[%swap3A_517, %swap3A_518] {strides = array<i32>} : memref<16x256xf32, #tpu.memory_space<vmem>>, vector<1x16xf32>,
        %swap3A_520 = vector.shape_cast %swap3A_519 : vector<1x16xf32> to vector<16xf32>
        %swap3A_521 = vector.shape_cast %max3A_516 : vector<16xf32> to vector<1x16xf32>
        tpu.vector_store %arg9[%swap3A_517, %swap3A_518], %swap3A_521 {strides = array<i32>} : memref<16x256xf32, #tpu.memory_space<vmem>>, vector<1x16xf32>,
        %get3A_522 = arith.index_cast %squeeze3A_115 : i32 to index
        %get3A_523 = arith.constant 224 : index
        %get3A_524 = tpu.vector_load %arg9[%get3A_522, %get3A_523] {strides = array<i32>} : memref<16x256xf32, #tpu.memory_space<vmem>>, vector<1x16xf32>,
        %get3A_525 = vector.shape_cast %get3A_524 : vector<1x16xf32> to vector<16xf32>
        %max3A_526 = arith.maximumf %get3A_525, %parallel_loop3A_382#14 : vector<16xf32>
        %swap3A_527 = arith.index_cast %squeeze3A_115 : i32 to index
        %swap3A_528 = arith.constant 224 : index
        %swap3A_529 = tpu.vector_load %arg9[%swap3A_527, %swap3A_528] {strides = array<i32>} : memref<16x256xf32, #tpu.memory_space<vmem>>, vector<1x16xf32>,
        %swap3A_530 = vector.shape_cast %swap3A_529 : vector<1x16xf32> to vector<16xf32>
        %swap3A_531 = vector.shape_cast %max3A_526 : vector<16xf32> to vector<1x16xf32>
        tpu.vector_store %arg9[%swap3A_527, %swap3A_528], %swap3A_531 {strides = array<i32>} : memref<16x256xf32, #tpu.memory_space<vmem>>, vector<1x16xf32>,
        %get3A_532 = arith.index_cast %squeeze3A_115 : i32 to index
        %get3A_533 = arith.constant 240 : index
        %get3A_534 = tpu.vector_load %arg9[%get3A_532, %get3A_533] {strides = array<i32>} : memref<16x256xf32, #tpu.memory_space<vmem>>, vector<1x16xf32>,
        %get3A_535 = vector.shape_cast %get3A_534 : vector<1x16xf32> to vector<16xf32>
        %max3A_536 = arith.maximumf %get3A_535, %parallel_loop3A_382#15 : vector<16xf32>
        %swap3A_537 = arith.index_cast %squeeze3A_115 : i32 to index
        %swap3A_538 = arith.constant 240 : index
        %swap3A_539 = tpu.vector_load %arg9[%swap3A_537, %swap3A_538] {strides = array<i32>} : memref<16x256xf32, #tpu.memory_space<vmem>>, vector<1x16xf32>,
        %swap3A_540 = vector.shape_cast %swap3A_539 : vector<1x16xf32> to vector<16xf32>
        %swap3A_541 = vector.shape_cast %max3A_536 : vector<16xf32> to vector<1x16xf32>
        tpu.vector_store %arg9[%swap3A_537, %swap3A_538], %swap3A_541 {strides = array<i32>} : memref<16x256xf32, #tpu.memory_space<vmem>>, vector<1x16xf32>,
      } else {
      }
      %ne3A_129 = arith.cmpi ne, %squeeze3A_115, %squeeze3A_124 : i32
      %convert_element_type3A_130 = arith.extui %ne3A_129 : i1 to i32
      %cond3A_131 = arith.constant 0 : i32
      %cond3A_132 = arith.cmpi ne, %convert_element_type3A_130, %cond3A_131 : i32
      scf.if %cond3A_132 {
        %add3A_141 = arith.constant 1 : i32
        %add3A_142 = arith.addi %squeeze3A_124, %add3A_141 : i32
        %while3A = arith.constant 0 : i32
        %while3A_143 = arith.subi %add3A_142, %squeeze3A_115 : i32
        %while3A_144 = arith.addi %squeeze3A_115, %while3A_143 : i32
        %while3A_145 = arith.constant 1 : i32
        %while3A_146 = arith.divsi %while3A_143, %while3A_145 : i32
        %while3A_147 = arith.muli %while3A_146, %while3A_145 : i32
        %while3A_148 = arith.addi %squeeze3A_115, %while3A_147 : i32
        %while3A_149 = arith.constant 1 : i32
        %while3A_150 = scf.for %while3A_153 = %squeeze3A_115 to %while3A_148 step %while3A_149 iter_args(%while3A_154 = %while3A) -> (i32)  : i32 {
          %get3A_155 = arith.index_cast %while3A_153 : i32 to index
          %get3A_156 = tpu.vector_load %arg7[%get3A_155] {strides = array<i32>} : memref<48xi32, #tpu.memory_space<vmem>>, vector<16xi32>,
          %get3A_157 = vector.shape_cast %get3A_156 : vector<16xi32> to vector<16xi32>
          %slice3A_158 = vector.extract_strided_slice %get3A_157 {offsets = [0], sizes = [1], strides = [1]} : vector<16xi32> to vector<1xi32>
          %squeeze3A_159 = vector.extract %slice3A_158[0] : i32 from vector<1xi32>
          %add3A_160 = arith.constant 1 : i32
          %add3A_161 = arith.addi %while3A_153, %add3A_160 : i32
          %get3A_162 = arith.index_cast %add3A_161 : i32 to index
          %get3A_163 = tpu.vector_load %arg7[%get3A_162] {strides = array<i32>} : memref<48xi32, #tpu.memory_space<vmem>>, vector<16xi32>,
          %get3A_164 = vector.shape_cast %get3A_163 : vector<16xi32> to vector<16xi32>
          %slice3A_165 = vector.extract_strided_slice %get3A_164 {offsets = [0], sizes = [1], strides = [1]} : vector<16xi32> to vector<1xi32>
          %squeeze3A_166 = vector.extract %slice3A_165[0] : i32 from vector<1xi32>
          %max3A = arith.maxsi %squeeze3A_159, %add3A_110 : i32
          %sub3A_167 = arith.subi %max3A, %add3A_110 : i32
          %add3A_168 = arith.constant 128 : i32
          %add3A_169 = arith.addi %add3A_110, %add3A_168 : i32
          %min3A = arith.minsi %squeeze3A_166, %add3A_169 : i32
          %sub3A_170 = arith.subi %min3A, %add3A_110 : i32
          %gt3A = arith.cmpi sgt, %sub3A_170, %sub3A_167 : i32
          %convert_element_type3A_171 = arith.extui %gt3A : i1 to i32
          %cond3A_172 = arith.constant 0 : i32
          %cond3A_173 = arith.cmpi ne, %convert_element_type3A_171, %cond3A_172 : i32
          scf.if %cond3A_173 {
            %get3A_175 = arith.constant 1 : i32
            %get3A_176 = arith.index_cast %get3A_175 : i32 to index
            %get3A_177 = arith.index_cast %sub3A_167 : i32 to index
            %get3A_178 = arith.constant 0 : index
            %get3A_179 = tpu.vector_load %arg8[%get3A_176, %get3A_177, %get3A_178] {strides = array<i32>} : memref<2x128x256xf32, #tpu.memory_space<vmem>>, vector<1x1x16xf32>,
            %get3A_180 = vector.shape_cast %get3A_179 : vector<1x1x16xf32> to vector<16xf32>
            %get3A_181 = arith.constant 1 : i32
            %get3A_182 = arith.index_cast %get3A_181 : i32 to index
            %get3A_183 = arith.index_cast %sub3A_167 : i32 to index
            %get3A_184 = arith.constant 16 : index
            %get3A_185 = tpu.vector_load %arg8[%get3A_182, %get3A_183, %get3A_184] {strides = array<i32>} : memref<2x128x256xf32, #tpu.memory_space<vmem>>, vector<1x1x16xf32>,
            %get3A_186 = vector.shape_cast %get3A_185 : vector<1x1x16xf32> to vector<16xf32>
            %get3A_187 = arith.constant 1 : i32
            %get3A_188 = arith.index_cast %get3A_187 : i32 to index
            %get3A_189 = arith.index_cast %sub3A_167 : i32 to index
            %get3A_190 = arith.constant 32 : index
            %get3A_191 = tpu.vector_load %arg8[%get3A_188, %get3A_189, %get3A_190] {strides = array<i32>} : memref<2x128x256xf32, #tpu.memory_space<vmem>>, vector<1x1x16xf32>,
            %get3A_192 = vector.shape_cast %get3A_191 : vector<1x1x16xf32> to vector<16xf32>
            %get3A_193 = arith.constant 1 : i32
            %get3A_194 = arith.index_cast %get3A_193 : i32 to index
            %get3A_195 = arith.index_cast %sub3A_167 : i32 to index
            %get3A_196 = arith.constant 48 : index
            %get3A_197 = tpu.vector_load %arg8[%get3A_194, %get3A_195, %get3A_196] {strides = array<i32>} : memref<2x128x256xf32, #tpu.memory_space<vmem>>, vector<1x1x16xf32>,
            %get3A_198 = vector.shape_cast %get3A_197 : vector<1x1x16xf32> to vector<16xf32>
            %get3A_199 = arith.constant 1 : i32
            %get3A_200 = arith.index_cast %get3A_199 : i32 to index
            %get3A_201 = arith.index_cast %sub3A_167 : i32 to index
            %get3A_202 = arith.constant 64 : index
            %get3A_203 = tpu.vector_load %arg8[%get3A_200, %get3A_201, %get3A_202] {strides = array<i32>} : memref<2x128x256xf32, #tpu.memory_space<vmem>>, vector<1x1x16xf32>,
            %get3A_204 = vector.shape_cast %get3A_203 : vector<1x1x16xf32> to vector<16xf32>
            %get3A_205 = arith.constant 1 : i32
            %get3A_206 = arith.index_cast %get3A_205 : i32 to index
            %get3A_207 = arith.index_cast %sub3A_167 : i32 to index
            %get3A_208 = arith.constant 80 : index
            %get3A_209 = tpu.vector_load %arg8[%get3A_206, %get3A_207, %get3A_208] {strides = array<i32>} : memref<2x128x256xf32, #tpu.memory_space<vmem>>, vector<1x1x16xf32>,
            %get3A_210 = vector.shape_cast %get3A_209 : vector<1x1x16xf32> to vector<16xf32>
            %get3A_211 = arith.constant 1 : i32
            %get3A_212 = arith.index_cast %get3A_211 : i32 to index
            %get3A_213 = arith.index_cast %sub3A_167 : i32 to index
            %get3A_214 = arith.constant 96 : index
            %get3A_215 = tpu.vector_load %arg8[%get3A_212, %get3A_213, %get3A_214] {strides = array<i32>} : memref<2x128x256xf32, #tpu.memory_space<vmem>>, vector<1x1x16xf32>,
            %get3A_216 = vector.shape_cast %get3A_215 : vector<1x1x16xf32> to vector<16xf32>
            %get3A_217 = arith.constant 1 : i32
            %get3A_218 = arith.index_cast %get3A_217 : i32 to index
            %get3A_219 = arith.index_cast %sub3A_167 : i32 to index
            %get3A_220 = arith.constant 112 : index
            %get3A_221 = tpu.vector_load %arg8[%get3A_218, %get3A_219, %get3A_220] {strides = array<i32>} : memref<2x128x256xf32, #tpu.memory_space<vmem>>, vector<1x1x16xf32>,
            %get3A_222 = vector.shape_cast %get3A_221 : vector<1x1x16xf32> to vector<16xf32>
            %get3A_223 = arith.constant 1 : i32
            %get3A_224 = arith.index_cast %get3A_223 : i32 to index
            %get3A_225 = arith.index_cast %sub3A_167 : i32 to index
            %get3A_226 = arith.constant 128 : index
            %get3A_227 = tpu.vector_load %arg8[%get3A_224, %get3A_225, %get3A_226] {strides = array<i32>} : memref<2x128x256xf32, #tpu.memory_space<vmem>>, vector<1x1x16xf32>,
            %get3A_228 = vector.shape_cast %get3A_227 : vector<1x1x16xf32> to vector<16xf32>
            %get3A_229 = arith.constant 1 : i32
            %get3A_230 = arith.index_cast %get3A_229 : i32 to index
            %get3A_231 = arith.index_cast %sub3A_167 : i32 to index
            %get3A_232 = arith.constant 144 : index
            %get3A_233 = tpu.vector_load %arg8[%get3A_230, %get3A_231, %get3A_232] {strides = array<i32>} : memref<2x128x256xf32, #tpu.memory_space<vmem>>, vector<1x1x16xf32>,
            %get3A_234 = vector.shape_cast %get3A_233 : vector<1x1x16xf32> to vector<16xf32>
            %get3A_235 = arith.constant 1 : i32
            %get3A_236 = arith.index_cast %get3A_235 : i32 to index
            %get3A_237 = arith.index_cast %sub3A_167 : i32 to index
            %get3A_238 = arith.constant 160 : index
            %get3A_239 = tpu.vector_load %arg8[%get3A_236, %get3A_237, %get3A_238] {strides = array<i32>} : memref<2x128x256xf32, #tpu.memory_space<vmem>>, vector<1x1x16xf32>,
            %get3A_240 = vector.shape_cast %get3A_239 : vector<1x1x16xf32> to vector<16xf32>
            %get3A_241 = arith.constant 1 : i32
            %get3A_242 = arith.index_cast %get3A_241 : i32 to index
            %get3A_243 = arith.index_cast %sub3A_167 : i32 to index
            %get3A_244 = arith.constant 176 : index
            %get3A_245 = tpu.vector_load %arg8[%get3A_242, %get3A_243, %get3A_244] {strides = array<i32>} : memref<2x128x256xf32, #tpu.memory_space<vmem>>, vector<1x1x16xf32>,
            %get3A_246 = vector.shape_cast %get3A_245 : vector<1x1x16xf32> to vector<16xf32>
            %get3A_247 = arith.constant 1 : i32
            %get3A_248 = arith.index_cast %get3A_247 : i32 to index
            %get3A_249 = arith.index_cast %sub3A_167 : i32 to index
            %get3A_250 = arith.constant 192 : index
            %get3A_251 = tpu.vector_load %arg8[%get3A_248, %get3A_249, %get3A_250] {strides = array<i32>} : memref<2x128x256xf32, #tpu.memory_space<vmem>>, vector<1x1x16xf32>,
            %get3A_252 = vector.shape_cast %get3A_251 : vector<1x1x16xf32> to vector<16xf32>
            %get3A_253 = arith.constant 1 : i32
            %get3A_254 = arith.index_cast %get3A_253 : i32 to index
            %get3A_255 = arith.index_cast %sub3A_167 : i32 to index
            %get3A_256 = arith.constant 208 : index
            %get3A_257 = tpu.vector_load %arg8[%get3A_254, %get3A_255, %get3A_256] {strides = array<i32>} : memref<2x128x256xf32, #tpu.memory_space<vmem>>, vector<1x1x16xf32>,
            %get3A_258 = vector.shape_cast %get3A_257 : vector<1x1x16xf32> to vector<16xf32>
            %get3A_259 = arith.constant 1 : i32
            %get3A_260 = arith.index_cast %get3A_259 : i32 to index
            %get3A_261 = arith.index_cast %sub3A_167 : i32 to index
            %get3A_262 = arith.constant 224 : index
            %get3A_263 = tpu.vector_load %arg8[%get3A_260, %get3A_261, %get3A_262] {strides = array<i32>} : memref<2x128x256xf32, #tpu.memory_space<vmem>>, vector<1x1x16xf32>,
            %get3A_264 = vector.shape_cast %get3A_263 : vector<1x1x16xf32> to vector<16xf32>
            %get3A_265 = arith.constant 1 : i32
            %get3A_266 = arith.index_cast %get3A_265 : i32 to index
            %get3A_267 = arith.index_cast %sub3A_167 : i32 to index
            %get3A_268 = arith.constant 240 : index
            %get3A_269 = tpu.vector_load %arg8[%get3A_266, %get3A_267, %get3A_268] {strides = array<i32>} : memref<2x128x256xf32, #tpu.memory_space<vmem>>, vector<1x1x16xf32>,
            %get3A_270 = vector.shape_cast %get3A_269 : vector<1x1x16xf32> to vector<16xf32>
            %add3A_271 = arith.constant 1 : i32
            %add3A_272 = arith.addi %sub3A_167, %add3A_271 : i32
            %while3A_273 = arith.subi %sub3A_170, %add3A_272 : i32
            %while3A_274 = arith.addi %add3A_272, %while3A_273 : i32
            %while3A_275 = arith.constant 1 : i32
            %while3A_276 = arith.divsi %while3A_273, %while3A_275 : i32
            %while3A_277 = arith.muli %while3A_276, %while3A_275 : i32
            %while3A_278 = arith.addi %add3A_272, %while3A_277 : i32
            %while3A_279 = arith.constant 1 : i32
            %while3A_280:16 = scf.for %while3A_442 = %add3A_272 to %while3A_278 step %while3A_279 iter_args(%while3A_443 = %get3A_180, %while3A_444 = %get3A_186, %while3A_445 = %get3A_192, %while3A_446 = %get3A_198, %while3A_447 = %get3A_204, %while3A_448 = %get3A_210, %while3A_449 = %get3A_216, %while3A_450 = %get3A_222, %while3A_451 = %get3A_228, %while3A_452 = %get3A_234, %while3A_453 = %get3A_240, %while3A_454 = %get3A_246, %while3A_455 = %get3A_252, %while3A_456 = %get3A_258, %while3A_457 = %get3A_264, %while3A_458 = %get3A_270) -> (vector<16xf32>, vector<16xf32>, vector<16xf32>, vector<16xf32>, vector<16xf32>, vector<16xf32>, vector<16xf32>, vector<16xf32>, vector<16xf32>, vector<16xf32>, vector<16xf32>, vector<16xf32>, vector<16xf32>, vector<16xf32>, vector<16xf32>, vector<16xf32>)  : i32 {
              %get3A_459 = arith.constant 1 : i32
              %get3A_460 = arith.index_cast %get3A_459 : i32 to index
              %get3A_461 = arith.index_cast %while3A_442 : i32 to index
              %get3A_462 = arith.constant 0 : index
              %get3A_463 = tpu.vector_load %arg8[%get3A_460, %get3A_461, %get3A_462] {strides = array<i32>} : memref<2x128x256xf32, #tpu.memory_space<vmem>>, vector<1x1x16xf32>,
              %get3A_464 = vector.shape_cast %get3A_463 : vector<1x1x16xf32> to vector<16xf32>
              %max3A_465 = arith.maximumf %while3A_443, %get3A_464 : vector<16xf32>
              %get3A_466 = arith.constant 1 : i32
              %get3A_467 = arith.index_cast %get3A_466 : i32 to index
              %get3A_468 = arith.index_cast %while3A_442 : i32 to index
              %get3A_469 = arith.constant 16 : index
              %get3A_470 = tpu.vector_load %arg8[%get3A_467, %get3A_468, %get3A_469] {strides = array<i32>} : memref<2x128x256xf32, #tpu.memory_space<vmem>>, vector<1x1x16xf32>,
              %get3A_471 = vector.shape_cast %get3A_470 : vector<1x1x16xf32> to vector<16xf32>
              %max3A_472 = arith.maximumf %while3A_444, %get3A_471 : vector<16xf32>
              %get3A_473 = arith.constant 1 : i32
              %get3A_474 = arith.index_cast %get3A_473 : i32 to index
              %get3A_475 = arith.index_cast %while3A_442 : i32 to index
              %get3A_476 = arith.constant 32 : index
              %get3A_477 = tpu.vector_load %arg8[%get3A_474, %get3A_475, %get3A_476] {strides = array<i32>} : memref<2x128x256xf32, #tpu.memory_space<vmem>>, vector<1x1x16xf32>,
              %get3A_478 = vector.shape_cast %get3A_477 : vector<1x1x16xf32> to vector<16xf32>
              %max3A_479 = arith.maximumf %while3A_445, %get3A_478 : vector<16xf32>
              %get3A_480 = arith.constant 1 : i32
              %get3A_481 = arith.index_cast %get3A_480 : i32 to index
              %get3A_482 = arith.index_cast %while3A_442 : i32 to index
              %get3A_483 = arith.constant 48 : index
              %get3A_484 = tpu.vector_load %arg8[%get3A_481, %get3A_482, %get3A_483] {strides = array<i32>} : memref<2x128x256xf32, #tpu.memory_space<vmem>>, vector<1x1x16xf32>,
              %get3A_485 = vector.shape_cast %get3A_484 : vector<1x1x16xf32> to vector<16xf32>
              %max3A_486 = arith.maximumf %while3A_446, %get3A_485 : vector<16xf32>
              %get3A_487 = arith.constant 1 : i32
              %get3A_488 = arith.index_cast %get3A_487 : i32 to index
              %get3A_489 = arith.index_cast %while3A_442 : i32 to index
              %get3A_490 = arith.constant 64 : index
              %get3A_491 = tpu.vector_load %arg8[%get3A_488, %get3A_489, %get3A_490] {strides = array<i32>} : memref<2x128x256xf32, #tpu.memory_space<vmem>>, vector<1x1x16xf32>,
              %get3A_492 = vector.shape_cast %get3A_491 : vector<1x1x16xf32> to vector<16xf32>
              %max3A_493 = arith.maximumf %while3A_447, %get3A_492 : vector<16xf32>
              %get3A_494 = arith.constant 1 : i32
              %get3A_495 = arith.index_cast %get3A_494 : i32 to index
              %get3A_496 = arith.index_cast %while3A_442 : i32 to index
              %get3A_497 = arith.constant 80 : index
              %get3A_498 = tpu.vector_load %arg8[%get3A_495, %get3A_496, %get3A_497] {strides = array<i32>} : memref<2x128x256xf32, #tpu.memory_space<vmem>>, vector<1x1x16xf32>,
              %get3A_499 = vector.shape_cast %get3A_498 : vector<1x1x16xf32> to vector<16xf32>
              %max3A_500 = arith.maximumf %while3A_448, %get3A_499 : vector<16xf32>
              %get3A_501 = arith.constant 1 : i32
              %get3A_502 = arith.index_cast %get3A_501 : i32 to index
              %get3A_503 = arith.index_cast %while3A_442 : i32 to index
              %get3A_504 = arith.constant 96 : index
              %get3A_505 = tpu.vector_load %arg8[%get3A_502, %get3A_503, %get3A_504] {strides = array<i32>} : memref<2x128x256xf32, #tpu.memory_space<vmem>>, vector<1x1x16xf32>,
              %get3A_506 = vector.shape_cast %get3A_505 : vector<1x1x16xf32> to vector<16xf32>
              %max3A_507 = arith.maximumf %while3A_449, %get3A_506 : vector<16xf32>
              %get3A_508 = arith.constant 1 : i32
              %get3A_509 = arith.index_cast %get3A_508 : i32 to index
              %get3A_510 = arith.index_cast %while3A_442 : i32 to index
              %get3A_511 = arith.constant 112 : index
              %get3A_512 = tpu.vector_load %arg8[%get3A_509, %get3A_510, %get3A_511] {strides = array<i32>} : memref<2x128x256xf32, #tpu.memory_space<vmem>>, vector<1x1x16xf32>,
              %get3A_513 = vector.shape_cast %get3A_512 : vector<1x1x16xf32> to vector<16xf32>
              %max3A_514 = arith.maximumf %while3A_450, %get3A_513 : vector<16xf32>
              %get3A_515 = arith.constant 1 : i32
              %get3A_516 = arith.index_cast %get3A_515 : i32 to index
              %get3A_517 = arith.index_cast %while3A_442 : i32 to index
              %get3A_518 = arith.constant 128 : index
              %get3A_519 = tpu.vector_load %arg8[%get3A_516, %get3A_517, %get3A_518] {strides = array<i32>} : memref<2x128x256xf32, #tpu.memory_space<vmem>>, vector<1x1x16xf32>,
              %get3A_520 = vector.shape_cast %get3A_519 : vector<1x1x16xf32> to vector<16xf32>
              %max3A_521 = arith.maximumf %while3A_451, %get3A_520 : vector<16xf32>
              %get3A_522 = arith.constant 1 : i32
              %get3A_523 = arith.index_cast %get3A_522 : i32 to index
              %get3A_524 = arith.index_cast %while3A_442 : i32 to index
              %get3A_525 = arith.constant 144 : index
              %get3A_526 = tpu.vector_load %arg8[%get3A_523, %get3A_524, %get3A_525] {strides = array<i32>} : memref<2x128x256xf32, #tpu.memory_space<vmem>>, vector<1x1x16xf32>,
              %get3A_527 = vector.shape_cast %get3A_526 : vector<1x1x16xf32> to vector<16xf32>
              %max3A_528 = arith.maximumf %while3A_452, %get3A_527 : vector<16xf32>
              %get3A_529 = arith.constant 1 : i32
              %get3A_530 = arith.index_cast %get3A_529 : i32 to index
              %get3A_531 = arith.index_cast %while3A_442 : i32 to index
              %get3A_532 = arith.constant 160 : index
              %get3A_533 = tpu.vector_load %arg8[%get3A_530, %get3A_531, %get3A_532] {strides = array<i32>} : memref<2x128x256xf32, #tpu.memory_space<vmem>>, vector<1x1x16xf32>,
              %get3A_534 = vector.shape_cast %get3A_533 : vector<1x1x16xf32> to vector<16xf32>
              %max3A_535 = arith.maximumf %while3A_453, %get3A_534 : vector<16xf32>
              %get3A_536 = arith.constant 1 : i32
              %get3A_537 = arith.index_cast %get3A_536 : i32 to index
              %get3A_538 = arith.index_cast %while3A_442 : i32 to index
              %get3A_539 = arith.constant 176 : index
              %get3A_540 = tpu.vector_load %arg8[%get3A_537, %get3A_538, %get3A_539] {strides = array<i32>} : memref<2x128x256xf32, #tpu.memory_space<vmem>>, vector<1x1x16xf32>,
              %get3A_541 = vector.shape_cast %get3A_540 : vector<1x1x16xf32> to vector<16xf32>
              %max3A_542 = arith.maximumf %while3A_454, %get3A_541 : vector<16xf32>
              %get3A_543 = arith.constant 1 : i32
              %get3A_544 = arith.index_cast %get3A_543 : i32 to index
              %get3A_545 = arith.index_cast %while3A_442 : i32 to index
              %get3A_546 = arith.constant 192 : index
              %get3A_547 = tpu.vector_load %arg8[%get3A_544, %get3A_545, %get3A_546] {strides = array<i32>} : memref<2x128x256xf32, #tpu.memory_space<vmem>>, vector<1x1x16xf32>,
              %get3A_548 = vector.shape_cast %get3A_547 : vector<1x1x16xf32> to vector<16xf32>
              %max3A_549 = arith.maximumf %while3A_455, %get3A_548 : vector<16xf32>
              %get3A_550 = arith.constant 1 : i32
              %get3A_551 = arith.index_cast %get3A_550 : i32 to index
              %get3A_552 = arith.index_cast %while3A_442 : i32 to index
              %get3A_553 = arith.constant 208 : index
              %get3A_554 = tpu.vector_load %arg8[%get3A_551, %get3A_552, %get3A_553] {strides = array<i32>} : memref<2x128x256xf32, #tpu.memory_space<vmem>>, vector<1x1x16xf32>,
              %get3A_555 = vector.shape_cast %get3A_554 : vector<1x1x16xf32> to vector<16xf32>
              %max3A_556 = arith.maximumf %while3A_456, %get3A_555 : vector<16xf32>
              %get3A_557 = arith.constant 1 : i32
              %get3A_558 = arith.index_cast %get3A_557 : i32 to index
              %get3A_559 = arith.index_cast %while3A_442 : i32 to index
              %get3A_560 = arith.constant 224 : index
              %get3A_561 = tpu.vector_load %arg8[%get3A_558, %get3A_559, %get3A_560] {strides = array<i32>} : memref<2x128x256xf32, #tpu.memory_space<vmem>>, vector<1x1x16xf32>,
              %get3A_562 = vector.shape_cast %get3A_561 : vector<1x1x16xf32> to vector<16xf32>
              %max3A_563 = arith.maximumf %while3A_457, %get3A_562 : vector<16xf32>
              %get3A_564 = arith.constant 1 : i32
              %get3A_565 = arith.index_cast %get3A_564 : i32 to index
              %get3A_566 = arith.index_cast %while3A_442 : i32 to index
              %get3A_567 = arith.constant 240 : index
              %get3A_568 = tpu.vector_load %arg8[%get3A_565, %get3A_566, %get3A_567] {strides = array<i32>} : memref<2x128x256xf32, #tpu.memory_space<vmem>>, vector<1x1x16xf32>,
              %get3A_569 = vector.shape_cast %get3A_568 : vector<1x1x16xf32> to vector<16xf32>
              %max3A_570 = arith.maximumf %while3A_458, %get3A_569 : vector<16xf32>
              scf.yield %max3A_465, %max3A_472, %max3A_479, %max3A_486, %max3A_493, %max3A_500, %max3A_507, %max3A_514, %max3A_521, %max3A_528, %max3A_535, %max3A_542, %max3A_549, %max3A_556, %max3A_563, %max3A_570 : vector<16xf32>, vector<16xf32>, vector<16xf32>, vector<16xf32>, vector<16xf32>, vector<16xf32>, vector<16xf32>, vector<16xf32>, vector<16xf32>, vector<16xf32>, vector<16xf32>, vector<16xf32>, vector<16xf32>, vector<16xf32>, vector<16xf32>, vector<16xf32>
            }
            %while3A_281 = arith.constant 1 : i32
            %while3A_282:16 = scf.for %while3A_442 = %while3A_278 to %while3A_274 step %while3A_281 iter_args(%while3A_443 = %while3A_280#0, %while3A_444 = %while3A_280#1, %while3A_445 = %while3A_280#2, %while3A_446 = %while3A_280#3, %while3A_447 = %while3A_280#4, %while3A_448 = %while3A_280#5, %while3A_449 = %while3A_280#6, %while3A_450 = %while3A_280#7, %while3A_451 = %while3A_280#8, %while3A_452 = %while3A_280#9, %while3A_453 = %while3A_280#10, %while3A_454 = %while3A_280#11, %while3A_455 = %while3A_280#12, %while3A_456 = %while3A_280#13, %while3A_457 = %while3A_280#14, %while3A_458 = %while3A_280#15) -> (vector<16xf32>, vector<16xf32>, vector<16xf32>, vector<16xf32>, vector<16xf32>, vector<16xf32>, vector<16xf32>, vector<16xf32>, vector<16xf32>, vector<16xf32>, vector<16xf32>, vector<16xf32>, vector<16xf32>, vector<16xf32>, vector<16xf32>, vector<16xf32>)  : i32 {
              %get3A_459 = arith.constant 1 : i32
              %get3A_460 = arith.index_cast %get3A_459 : i32 to index
              %get3A_461 = arith.index_cast %while3A_442 : i32 to index
              %get3A_462 = arith.constant 0 : index
              %get3A_463 = tpu.vector_load %arg8[%get3A_460, %get3A_461, %get3A_462] {strides = array<i32>} : memref<2x128x256xf32, #tpu.memory_space<vmem>>, vector<1x1x16xf32>,
              %get3A_464 = vector.shape_cast %get3A_463 : vector<1x1x16xf32> to vector<16xf32>
              %max3A_465 = arith.maximumf %while3A_443, %get3A_464 : vector<16xf32>
              %get3A_466 = arith.constant 1 : i32
              %get3A_467 = arith.index_cast %get3A_466 : i32 to index
              %get3A_468 = arith.index_cast %while3A_442 : i32 to index
              %get3A_469 = arith.constant 16 : index
              %get3A_470 = tpu.vector_load %arg8[%get3A_467, %get3A_468, %get3A_469] {strides = array<i32>} : memref<2x128x256xf32, #tpu.memory_space<vmem>>, vector<1x1x16xf32>,
              %get3A_471 = vector.shape_cast %get3A_470 : vector<1x1x16xf32> to vector<16xf32>
              %max3A_472 = arith.maximumf %while3A_444, %get3A_471 : vector<16xf32>
              %get3A_473 = arith.constant 1 : i32
              %get3A_474 = arith.index_cast %get3A_473 : i32 to index
              %get3A_475 = arith.index_cast %while3A_442 : i32 to index
              %get3A_476 = arith.constant 32 : index
              %get3A_477 = tpu.vector_load %arg8[%get3A_474, %get3A_475, %get3A_476] {strides = array<i32>} : memref<2x128x256xf32, #tpu.memory_space<vmem>>, vector<1x1x16xf32>,
              %get3A_478 = vector.shape_cast %get3A_477 : vector<1x1x16xf32> to vector<16xf32>
              %max3A_479 = arith.maximumf %while3A_445, %get3A_478 : vector<16xf32>
              %get3A_480 = arith.constant 1 : i32
              %get3A_481 = arith.index_cast %get3A_480 : i32 to index
              %get3A_482 = arith.index_cast %while3A_442 : i32 to index
              %get3A_483 = arith.constant 48 : index
              %get3A_484 = tpu.vector_load %arg8[%get3A_481, %get3A_482, %get3A_483] {strides = array<i32>} : memref<2x128x256xf32, #tpu.memory_space<vmem>>, vector<1x1x16xf32>,
              %get3A_485 = vector.shape_cast %get3A_484 : vector<1x1x16xf32> to vector<16xf32>
              %max3A_486 = arith.maximumf %while3A_446, %get3A_485 : vector<16xf32>
              %get3A_487 = arith.constant 1 : i32
              %get3A_488 = arith.index_cast %get3A_487 : i32 to index
              %get3A_489 = arith.index_cast %while3A_442 : i32 to index
              %get3A_490 = arith.constant 64 : index
              %get3A_491 = tpu.vector_load %arg8[%get3A_488, %get3A_489, %get3A_490] {strides = array<i32>} : memref<2x128x256xf32, #tpu.memory_space<vmem>>, vector<1x1x16xf32>,
              %get3A_492 = vector.shape_cast %get3A_491 : vector<1x1x16xf32> to vector<16xf32>
              %max3A_493 = arith.maximumf %while3A_447, %get3A_492 : vector<16xf32>
              %get3A_494 = arith.constant 1 : i32
              %get3A_495 = arith.index_cast %get3A_494 : i32 to index
              %get3A_496 = arith.index_cast %while3A_442 : i32 to index
              %get3A_497 = arith.constant 80 : index
              %get3A_498 = tpu.vector_load %arg8[%get3A_495, %get3A_496, %get3A_497] {strides = array<i32>} : memref<2x128x256xf32, #tpu.memory_space<vmem>>, vector<1x1x16xf32>,
              %get3A_499 = vector.shape_cast %get3A_498 : vector<1x1x16xf32> to vector<16xf32>
              %max3A_500 = arith.maximumf %while3A_448, %get3A_499 : vector<16xf32>
              %get3A_501 = arith.constant 1 : i32
              %get3A_502 = arith.index_cast %get3A_501 : i32 to index
              %get3A_503 = arith.index_cast %while3A_442 : i32 to index
              %get3A_504 = arith.constant 96 : index
              %get3A_505 = tpu.vector_load %arg8[%get3A_502, %get3A_503, %get3A_504] {strides = array<i32>} : memref<2x128x256xf32, #tpu.memory_space<vmem>>, vector<1x1x16xf32>,
              %get3A_506 = vector.shape_cast %get3A_505 : vector<1x1x16xf32> to vector<16xf32>
              %max3A_507 = arith.maximumf %while3A_449, %get3A_506 : vector<16xf32>
              %get3A_508 = arith.constant 1 : i32
              %get3A_509 = arith.index_cast %get3A_508 : i32 to index
              %get3A_510 = arith.index_cast %while3A_442 : i32 to index
              %get3A_511 = arith.constant 112 : index
              %get3A_512 = tpu.vector_load %arg8[%get3A_509, %get3A_510, %get3A_511] {strides = array<i32>} : memref<2x128x256xf32, #tpu.memory_space<vmem>>, vector<1x1x16xf32>,
              %get3A_513 = vector.shape_cast %get3A_512 : vector<1x1x16xf32> to vector<16xf32>
              %max3A_514 = arith.maximumf %while3A_450, %get3A_513 : vector<16xf32>
              %get3A_515 = arith.constant 1 : i32
              %get3A_516 = arith.index_cast %get3A_515 : i32 to index
              %get3A_517 = arith.index_cast %while3A_442 : i32 to index
              %get3A_518 = arith.constant 128 : index
              %get3A_519 = tpu.vector_load %arg8[%get3A_516, %get3A_517, %get3A_518] {strides = array<i32>} : memref<2x128x256xf32, #tpu.memory_space<vmem>>, vector<1x1x16xf32>,
              %get3A_520 = vector.shape_cast %get3A_519 : vector<1x1x16xf32> to vector<16xf32>
              %max3A_521 = arith.maximumf %while3A_451, %get3A_520 : vector<16xf32>
              %get3A_522 = arith.constant 1 : i32
              %get3A_523 = arith.index_cast %get3A_522 : i32 to index
              %get3A_524 = arith.index_cast %while3A_442 : i32 to index
              %get3A_525 = arith.constant 144 : index
              %get3A_526 = tpu.vector_load %arg8[%get3A_523, %get3A_524, %get3A_525] {strides = array<i32>} : memref<2x128x256xf32, #tpu.memory_space<vmem>>, vector<1x1x16xf32>,
              %get3A_527 = vector.shape_cast %get3A_526 : vector<1x1x16xf32> to vector<16xf32>
              %max3A_528 = arith.maximumf %while3A_452, %get3A_527 : vector<16xf32>
              %get3A_529 = arith.constant 1 : i32
              %get3A_530 = arith.index_cast %get3A_529 : i32 to index
              %get3A_531 = arith.index_cast %while3A_442 : i32 to index
              %get3A_532 = arith.constant 160 : index
              %get3A_533 = tpu.vector_load %arg8[%get3A_530, %get3A_531, %get3A_532] {strides = array<i32>} : memref<2x128x256xf32, #tpu.memory_space<vmem>>, vector<1x1x16xf32>,
              %get3A_534 = vector.shape_cast %get3A_533 : vector<1x1x16xf32> to vector<16xf32>
              %max3A_535 = arith.maximumf %while3A_453, %get3A_534 : vector<16xf32>
              %get3A_536 = arith.constant 1 : i32
              %get3A_537 = arith.index_cast %get3A_536 : i32 to index
              %get3A_538 = arith.index_cast %while3A_442 : i32 to index
              %get3A_539 = arith.constant 176 : index
              %get3A_540 = tpu.vector_load %arg8[%get3A_537, %get3A_538, %get3A_539] {strides = array<i32>} : memref<2x128x256xf32, #tpu.memory_space<vmem>>, vector<1x1x16xf32>,
              %get3A_541 = vector.shape_cast %get3A_540 : vector<1x1x16xf32> to vector<16xf32>
              %max3A_542 = arith.maximumf %while3A_454, %get3A_541 : vector<16xf32>
              %get3A_543 = arith.constant 1 : i32
              %get3A_544 = arith.index_cast %get3A_543 : i32 to index
              %get3A_545 = arith.index_cast %while3A_442 : i32 to index
              %get3A_546 = arith.constant 192 : index
              %get3A_547 = tpu.vector_load %arg8[%get3A_544, %get3A_545, %get3A_546] {strides = array<i32>} : memref<2x128x256xf32, #tpu.memory_space<vmem>>, vector<1x1x16xf32>,
              %get3A_548 = vector.shape_cast %get3A_547 : vector<1x1x16xf32> to vector<16xf32>
              %max3A_549 = arith.maximumf %while3A_455, %get3A_548 : vector<16xf32>
              %get3A_550 = arith.constant 1 : i32
              %get3A_551 = arith.index_cast %get3A_550 : i32 to index
              %get3A_552 = arith.index_cast %while3A_442 : i32 to index
              %get3A_553 = arith.constant 208 : index
              %get3A_554 = tpu.vector_load %arg8[%get3A_551, %get3A_552, %get3A_553] {strides = array<i32>} : memref<2x128x256xf32, #tpu.memory_space<vmem>>, vector<1x1x16xf32>,
              %get3A_555 = vector.shape_cast %get3A_554 : vector<1x1x16xf32> to vector<16xf32>
              %max3A_556 = arith.maximumf %while3A_456, %get3A_555 : vector<16xf32>
              %get3A_557 = arith.constant 1 : i32
              %get3A_558 = arith.index_cast %get3A_557 : i32 to index
              %get3A_559 = arith.index_cast %while3A_442 : i32 to index
              %get3A_560 = arith.constant 224 : index
              %get3A_561 = tpu.vector_load %arg8[%get3A_558, %get3A_559, %get3A_560] {strides = array<i32>} : memref<2x128x256xf32, #tpu.memory_space<vmem>>, vector<1x1x16xf32>,
              %get3A_562 = vector.shape_cast %get3A_561 : vector<1x1x16xf32> to vector<16xf32>
              %max3A_563 = arith.maximumf %while3A_457, %get3A_562 : vector<16xf32>
              %get3A_564 = arith.constant 1 : i32
              %get3A_565 = arith.index_cast %get3A_564 : i32 to index
              %get3A_566 = arith.index_cast %while3A_442 : i32 to index
              %get3A_567 = arith.constant 240 : index
              %get3A_568 = tpu.vector_load %arg8[%get3A_565, %get3A_566, %get3A_567] {strides = array<i32>} : memref<2x128x256xf32, #tpu.memory_space<vmem>>, vector<1x1x16xf32>,
              %get3A_569 = vector.shape_cast %get3A_568 : vector<1x1x16xf32> to vector<16xf32>
              %max3A_570 = arith.maximumf %while3A_458, %get3A_569 : vector<16xf32>
              scf.yield %max3A_465, %max3A_472, %max3A_479, %max3A_486, %max3A_493, %max3A_500, %max3A_507, %max3A_514, %max3A_521, %max3A_528, %max3A_535, %max3A_542, %max3A_549, %max3A_556, %max3A_563, %max3A_570 : vector<16xf32>, vector<16xf32>, vector<16xf32>, vector<16xf32>, vector<16xf32>, vector<16xf32>, vector<16xf32>, vector<16xf32>, vector<16xf32>, vector<16xf32>, vector<16xf32>, vector<16xf32>, vector<16xf32>, vector<16xf32>, vector<16xf32>, vector<16xf32>
            }
            %get3A_283 = arith.index_cast %while3A_153 : i32 to index
            %get3A_284 = arith.constant 0 : index
            %get3A_285 = tpu.vector_load %arg9[%get3A_283, %get3A_284] {strides = array<i32>} : memref<16x256xf32, #tpu.memory_space<vmem>>, vector<1x16xf32>,
            %get3A_286 = vector.shape_cast %get3A_285 : vector<1x16xf32> to vector<16xf32>
            %max3A_287 = arith.maximumf %get3A_286, %while3A_282#0 : vector<16xf32>
            %swap3A = arith.index_cast %while3A_153 : i32 to index
            %swap3A_288 = arith.constant 0 : index
            %swap3A_289 = tpu.vector_load %arg9[%swap3A, %swap3A_288] {strides = array<i32>} : memref<16x256xf32, #tpu.memory_space<vmem>>, vector<1x16xf32>,
            %swap3A_290 = vector.shape_cast %swap3A_289 : vector<1x16xf32> to vector<16xf32>
            %swap3A_291 = vector.shape_cast %max3A_287 : vector<16xf32> to vector<1x16xf32>
            tpu.vector_store %arg9[%swap3A, %swap3A_288], %swap3A_291 {strides = array<i32>} : memref<16x256xf32, #tpu.memory_space<vmem>>, vector<1x16xf32>,
            %get3A_292 = arith.index_cast %while3A_153 : i32 to index
            %get3A_293 = arith.constant 16 : index
            %get3A_294 = tpu.vector_load %arg9[%get3A_292, %get3A_293] {strides = array<i32>} : memref<16x256xf32, #tpu.memory_space<vmem>>, vector<1x16xf32>,
            %get3A_295 = vector.shape_cast %get3A_294 : vector<1x16xf32> to vector<16xf32>
            %max3A_296 = arith.maximumf %get3A_295, %while3A_282#1 : vector<16xf32>
            %swap3A_297 = arith.index_cast %while3A_153 : i32 to index
            %swap3A_298 = arith.constant 16 : index
            %swap3A_299 = tpu.vector_load %arg9[%swap3A_297, %swap3A_298] {strides = array<i32>} : memref<16x256xf32, #tpu.memory_space<vmem>>, vector<1x16xf32>,
            %swap3A_300 = vector.shape_cast %swap3A_299 : vector<1x16xf32> to vector<16xf32>
            %swap3A_301 = vector.shape_cast %max3A_296 : vector<16xf32> to vector<1x16xf32>
            tpu.vector_store %arg9[%swap3A_297, %swap3A_298], %swap3A_301 {strides = array<i32>} : memref<16x256xf32, #tpu.memory_space<vmem>>, vector<1x16xf32>,
            %get3A_302 = arith.index_cast %while3A_153 : i32 to index
            %get3A_303 = arith.constant 32 : index
            %get3A_304 = tpu.vector_load %arg9[%get3A_302, %get3A_303] {strides = array<i32>} : memref<16x256xf32, #tpu.memory_space<vmem>>, vector<1x16xf32>,
            %get3A_305 = vector.shape_cast %get3A_304 : vector<1x16xf32> to vector<16xf32>
            %max3A_306 = arith.maximumf %get3A_305, %while3A_282#2 : vector<16xf32>
            %swap3A_307 = arith.index_cast %while3A_153 : i32 to index
            %swap3A_308 = arith.constant 32 : index
            %swap3A_309 = tpu.vector_load %arg9[%swap3A_307, %swap3A_308] {strides = array<i32>} : memref<16x256xf32, #tpu.memory_space<vmem>>, vector<1x16xf32>,
            %swap3A_310 = vector.shape_cast %swap3A_309 : vector<1x16xf32> to vector<16xf32>
            %swap3A_311 = vector.shape_cast %max3A_306 : vector<16xf32> to vector<1x16xf32>
            tpu.vector_store %arg9[%swap3A_307, %swap3A_308], %swap3A_311 {strides = array<i32>} : memref<16x256xf32, #tpu.memory_space<vmem>>, vector<1x16xf32>,
            %get3A_312 = arith.index_cast %while3A_153 : i32 to index
            %get3A_313 = arith.constant 48 : index
            %get3A_314 = tpu.vector_load %arg9[%get3A_312, %get3A_313] {strides = array<i32>} : memref<16x256xf32, #tpu.memory_space<vmem>>, vector<1x16xf32>,
            %get3A_315 = vector.shape_cast %get3A_314 : vector<1x16xf32> to vector<16xf32>
            %max3A_316 = arith.maximumf %get3A_315, %while3A_282#3 : vector<16xf32>
            %swap3A_317 = arith.index_cast %while3A_153 : i32 to index
            %swap3A_318 = arith.constant 48 : index
            %swap3A_319 = tpu.vector_load %arg9[%swap3A_317, %swap3A_318] {strides = array<i32>} : memref<16x256xf32, #tpu.memory_space<vmem>>, vector<1x16xf32>,
            %swap3A_320 = vector.shape_cast %swap3A_319 : vector<1x16xf32> to vector<16xf32>
            %swap3A_321 = vector.shape_cast %max3A_316 : vector<16xf32> to vector<1x16xf32>
            tpu.vector_store %arg9[%swap3A_317, %swap3A_318], %swap3A_321 {strides = array<i32>} : memref<16x256xf32, #tpu.memory_space<vmem>>, vector<1x16xf32>,
            %get3A_322 = arith.index_cast %while3A_153 : i32 to index
            %get3A_323 = arith.constant 64 : index
            %get3A_324 = tpu.vector_load %arg9[%get3A_322, %get3A_323] {strides = array<i32>} : memref<16x256xf32, #tpu.memory_space<vmem>>, vector<1x16xf32>,
            %get3A_325 = vector.shape_cast %get3A_324 : vector<1x16xf32> to vector<16xf32>
            %max3A_326 = arith.maximumf %get3A_325, %while3A_282#4 : vector<16xf32>
            %swap3A_327 = arith.index_cast %while3A_153 : i32 to index
            %swap3A_328 = arith.constant 64 : index
            %swap3A_329 = tpu.vector_load %arg9[%swap3A_327, %swap3A_328] {strides = array<i32>} : memref<16x256xf32, #tpu.memory_space<vmem>>, vector<1x16xf32>,
            %swap3A_330 = vector.shape_cast %swap3A_329 : vector<1x16xf32> to vector<16xf32>
            %swap3A_331 = vector.shape_cast %max3A_326 : vector<16xf32> to vector<1x16xf32>
            tpu.vector_store %arg9[%swap3A_327, %swap3A_328], %swap3A_331 {strides = array<i32>} : memref<16x256xf32, #tpu.memory_space<vmem>>, vector<1x16xf32>,
            %get3A_332 = arith.index_cast %while3A_153 : i32 to index
            %get3A_333 = arith.constant 80 : index
            %get3A_334 = tpu.vector_load %arg9[%get3A_332, %get3A_333] {strides = array<i32>} : memref<16x256xf32, #tpu.memory_space<vmem>>, vector<1x16xf32>,
            %get3A_335 = vector.shape_cast %get3A_334 : vector<1x16xf32> to vector<16xf32>
            %max3A_336 = arith.maximumf %get3A_335, %while3A_282#5 : vector<16xf32>
            %swap3A_337 = arith.index_cast %while3A_153 : i32 to index
            %swap3A_338 = arith.constant 80 : index
            %swap3A_339 = tpu.vector_load %arg9[%swap3A_337, %swap3A_338] {strides = array<i32>} : memref<16x256xf32, #tpu.memory_space<vmem>>, vector<1x16xf32>,
            %swap3A_340 = vector.shape_cast %swap3A_339 : vector<1x16xf32> to vector<16xf32>
            %swap3A_341 = vector.shape_cast %max3A_336 : vector<16xf32> to vector<1x16xf32>
            tpu.vector_store %arg9[%swap3A_337, %swap3A_338], %swap3A_341 {strides = array<i32>} : memref<16x256xf32, #tpu.memory_space<vmem>>, vector<1x16xf32>,
            %get3A_342 = arith.index_cast %while3A_153 : i32 to index
            %get3A_343 = arith.constant 96 : index
            %get3A_344 = tpu.vector_load %arg9[%get3A_342, %get3A_343] {strides = array<i32>} : memref<16x256xf32, #tpu.memory_space<vmem>>, vector<1x16xf32>,
            %get3A_345 = vector.shape_cast %get3A_344 : vector<1x16xf32> to vector<16xf32>
            %max3A_346 = arith.maximumf %get3A_345, %while3A_282#6 : vector<16xf32>
            %swap3A_347 = arith.index_cast %while3A_153 : i32 to index
            %swap3A_348 = arith.constant 96 : index
            %swap3A_349 = tpu.vector_load %arg9[%swap3A_347, %swap3A_348] {strides = array<i32>} : memref<16x256xf32, #tpu.memory_space<vmem>>, vector<1x16xf32>,
            %swap3A_350 = vector.shape_cast %swap3A_349 : vector<1x16xf32> to vector<16xf32>
            %swap3A_351 = vector.shape_cast %max3A_346 : vector<16xf32> to vector<1x16xf32>
            tpu.vector_store %arg9[%swap3A_347, %swap3A_348], %swap3A_351 {strides = array<i32>} : memref<16x256xf32, #tpu.memory_space<vmem>>, vector<1x16xf32>,
            %get3A_352 = arith.index_cast %while3A_153 : i32 to index
            %get3A_353 = arith.constant 112 : index
            %get3A_354 = tpu.vector_load %arg9[%get3A_352, %get3A_353] {strides = array<i32>} : memref<16x256xf32, #tpu.memory_space<vmem>>, vector<1x16xf32>,
            %get3A_355 = vector.shape_cast %get3A_354 : vector<1x16xf32> to vector<16xf32>
            %max3A_356 = arith.maximumf %get3A_355, %while3A_282#7 : vector<16xf32>
            %swap3A_357 = arith.index_cast %while3A_153 : i32 to index
            %swap3A_358 = arith.constant 112 : index
            %swap3A_359 = tpu.vector_load %arg9[%swap3A_357, %swap3A_358] {strides = array<i32>} : memref<16x256xf32, #tpu.memory_space<vmem>>, vector<1x16xf32>,
            %swap3A_360 = vector.shape_cast %swap3A_359 : vector<1x16xf32> to vector<16xf32>
            %swap3A_361 = vector.shape_cast %max3A_356 : vector<16xf32> to vector<1x16xf32>
            tpu.vector_store %arg9[%swap3A_357, %swap3A_358], %swap3A_361 {strides = array<i32>} : memref<16x256xf32, #tpu.memory_space<vmem>>, vector<1x16xf32>,
            %get3A_362 = arith.index_cast %while3A_153 : i32 to index
            %get3A_363 = arith.constant 128 : index
            %get3A_364 = tpu.vector_load %arg9[%get3A_362, %get3A_363] {strides = array<i32>} : memref<16x256xf32, #tpu.memory_space<vmem>>, vector<1x16xf32>,
            %get3A_365 = vector.shape_cast %get3A_364 : vector<1x16xf32> to vector<16xf32>
            %max3A_366 = arith.maximumf %get3A_365, %while3A_282#8 : vector<16xf32>
            %swap3A_367 = arith.index_cast %while3A_153 : i32 to index
            %swap3A_368 = arith.constant 128 : index
            %swap3A_369 = tpu.vector_load %arg9[%swap3A_367, %swap3A_368] {strides = array<i32>} : memref<16x256xf32, #tpu.memory_space<vmem>>, vector<1x16xf32>,
            %swap3A_370 = vector.shape_cast %swap3A_369 : vector<1x16xf32> to vector<16xf32>
            %swap3A_371 = vector.shape_cast %max3A_366 : vector<16xf32> to vector<1x16xf32>
            tpu.vector_store %arg9[%swap3A_367, %swap3A_368], %swap3A_371 {strides = array<i32>} : memref<16x256xf32, #tpu.memory_space<vmem>>, vector<1x16xf32>,
            %get3A_372 = arith.index_cast %while3A_153 : i32 to index
            %get3A_373 = arith.constant 144 : index
            %get3A_374 = tpu.vector_load %arg9[%get3A_372, %get3A_373] {strides = array<i32>} : memref<16x256xf32, #tpu.memory_space<vmem>>, vector<1x16xf32>,
            %get3A_375 = vector.shape_cast %get3A_374 : vector<1x16xf32> to vector<16xf32>
            %max3A_376 = arith.maximumf %get3A_375, %while3A_282#9 : vector<16xf32>
            %swap3A_377 = arith.index_cast %while3A_153 : i32 to index
            %swap3A_378 = arith.constant 144 : index
            %swap3A_379 = tpu.vector_load %arg9[%swap3A_377, %swap3A_378] {strides = array<i32>} : memref<16x256xf32, #tpu.memory_space<vmem>>, vector<1x16xf32>,
            %swap3A_380 = vector.shape_cast %swap3A_379 : vector<1x16xf32> to vector<16xf32>
            %swap3A_381 = vector.shape_cast %max3A_376 : vector<16xf32> to vector<1x16xf32>
            tpu.vector_store %arg9[%swap3A_377, %swap3A_378], %swap3A_381 {strides = array<i32>} : memref<16x256xf32, #tpu.memory_space<vmem>>, vector<1x16xf32>,
            %get3A_382 = arith.index_cast %while3A_153 : i32 to index
            %get3A_383 = arith.constant 160 : index
            %get3A_384 = tpu.vector_load %arg9[%get3A_382, %get3A_383] {strides = array<i32>} : memref<16x256xf32, #tpu.memory_space<vmem>>, vector<1x16xf32>,
            %get3A_385 = vector.shape_cast %get3A_384 : vector<1x16xf32> to vector<16xf32>
            %max3A_386 = arith.maximumf %get3A_385, %while3A_282#10 : vector<16xf32>
            %swap3A_387 = arith.index_cast %while3A_153 : i32 to index
            %swap3A_388 = arith.constant 160 : index
            %swap3A_389 = tpu.vector_load %arg9[%swap3A_387, %swap3A_388] {strides = array<i32>} : memref<16x256xf32, #tpu.memory_space<vmem>>, vector<1x16xf32>,
            %swap3A_390 = vector.shape_cast %swap3A_389 : vector<1x16xf32> to vector<16xf32>
            %swap3A_391 = vector.shape_cast %max3A_386 : vector<16xf32> to vector<1x16xf32>
            tpu.vector_store %arg9[%swap3A_387, %swap3A_388], %swap3A_391 {strides = array<i32>} : memref<16x256xf32, #tpu.memory_space<vmem>>, vector<1x16xf32>,
            %get3A_392 = arith.index_cast %while3A_153 : i32 to index
            %get3A_393 = arith.constant 176 : index
            %get3A_394 = tpu.vector_load %arg9[%get3A_392, %get3A_393] {strides = array<i32>} : memref<16x256xf32, #tpu.memory_space<vmem>>, vector<1x16xf32>,
            %get3A_395 = vector.shape_cast %get3A_394 : vector<1x16xf32> to vector<16xf32>
            %max3A_396 = arith.maximumf %get3A_395, %while3A_282#11 : vector<16xf32>
            %swap3A_397 = arith.index_cast %while3A_153 : i32 to index
            %swap3A_398 = arith.constant 176 : index
            %swap3A_399 = tpu.vector_load %arg9[%swap3A_397, %swap3A_398] {strides = array<i32>} : memref<16x256xf32, #tpu.memory_space<vmem>>, vector<1x16xf32>,
            %swap3A_400 = vector.shape_cast %swap3A_399 : vector<1x16xf32> to vector<16xf32>
            %swap3A_401 = vector.shape_cast %max3A_396 : vector<16xf32> to vector<1x16xf32>
            tpu.vector_store %arg9[%swap3A_397, %swap3A_398], %swap3A_401 {strides = array<i32>} : memref<16x256xf32, #tpu.memory_space<vmem>>, vector<1x16xf32>,
            %get3A_402 = arith.index_cast %while3A_153 : i32 to index
            %get3A_403 = arith.constant 192 : index
            %get3A_404 = tpu.vector_load %arg9[%get3A_402, %get3A_403] {strides = array<i32>} : memref<16x256xf32, #tpu.memory_space<vmem>>, vector<1x16xf32>,
            %get3A_405 = vector.shape_cast %get3A_404 : vector<1x16xf32> to vector<16xf32>
            %max3A_406 = arith.maximumf %get3A_405, %while3A_282#12 : vector<16xf32>
            %swap3A_407 = arith.index_cast %while3A_153 : i32 to index
            %swap3A_408 = arith.constant 192 : index
            %swap3A_409 = tpu.vector_load %arg9[%swap3A_407, %swap3A_408] {strides = array<i32>} : memref<16x256xf32, #tpu.memory_space<vmem>>, vector<1x16xf32>,
            %swap3A_410 = vector.shape_cast %swap3A_409 : vector<1x16xf32> to vector<16xf32>
            %swap3A_411 = vector.shape_cast %max3A_406 : vector<16xf32> to vector<1x16xf32>
            tpu.vector_store %arg9[%swap3A_407, %swap3A_408], %swap3A_411 {strides = array<i32>} : memref<16x256xf32, #tpu.memory_space<vmem>>, vector<1x16xf32>,
            %get3A_412 = arith.index_cast %while3A_153 : i32 to index
            %get3A_413 = arith.constant 208 : index
            %get3A_414 = tpu.vector_load %arg9[%get3A_412, %get3A_413] {strides = array<i32>} : memref<16x256xf32, #tpu.memory_space<vmem>>, vector<1x16xf32>,
            %get3A_415 = vector.shape_cast %get3A_414 : vector<1x16xf32> to vector<16xf32>
            %max3A_416 = arith.maximumf %get3A_415, %while3A_282#13 : vector<16xf32>
            %swap3A_417 = arith.index_cast %while3A_153 : i32 to index
            %swap3A_418 = arith.constant 208 : index
            %swap3A_419 = tpu.vector_load %arg9[%swap3A_417, %swap3A_418] {strides = array<i32>} : memref<16x256xf32, #tpu.memory_space<vmem>>, vector<1x16xf32>,
            %swap3A_420 = vector.shape_cast %swap3A_419 : vector<1x16xf32> to vector<16xf32>
            %swap3A_421 = vector.shape_cast %max3A_416 : vector<16xf32> to vector<1x16xf32>
            tpu.vector_store %arg9[%swap3A_417, %swap3A_418], %swap3A_421 {strides = array<i32>} : memref<16x256xf32, #tpu.memory_space<vmem>>, vector<1x16xf32>,
            %get3A_422 = arith.index_cast %while3A_153 : i32 to index
            %get3A_423 = arith.constant 224 : index
            %get3A_424 = tpu.vector_load %arg9[%get3A_422, %get3A_423] {strides = array<i32>} : memref<16x256xf32, #tpu.memory_space<vmem>>, vector<1x16xf32>,
            %get3A_425 = vector.shape_cast %get3A_424 : vector<1x16xf32> to vector<16xf32>
            %max3A_426 = arith.maximumf %get3A_425, %while3A_282#14 : vector<16xf32>
            %swap3A_427 = arith.index_cast %while3A_153 : i32 to index
            %swap3A_428 = arith.constant 224 : index
            %swap3A_429 = tpu.vector_load %arg9[%swap3A_427, %swap3A_428] {strides = array<i32>} : memref<16x256xf32, #tpu.memory_space<vmem>>, vector<1x16xf32>,
            %swap3A_430 = vector.shape_cast %swap3A_429 : vector<1x16xf32> to vector<16xf32>
            %swap3A_431 = vector.shape_cast %max3A_426 : vector<16xf32> to vector<1x16xf32>
            tpu.vector_store %arg9[%swap3A_427, %swap3A_428], %swap3A_431 {strides = array<i32>} : memref<16x256xf32, #tpu.memory_space<vmem>>, vector<1x16xf32>,
            %get3A_432 = arith.index_cast %while3A_153 : i32 to index
            %get3A_433 = arith.constant 240 : index
            %get3A_434 = tpu.vector_load %arg9[%get3A_432, %get3A_433] {strides = array<i32>} : memref<16x256xf32, #tpu.memory_space<vmem>>, vector<1x16xf32>,
            %get3A_435 = vector.shape_cast %get3A_434 : vector<1x16xf32> to vector<16xf32>
            %max3A_436 = arith.maximumf %get3A_435, %while3A_282#15 : vector<16xf32>
            %swap3A_437 = arith.index_cast %while3A_153 : i32 to index
            %swap3A_438 = arith.constant 240 : index
            %swap3A_439 = tpu.vector_load %arg9[%swap3A_437, %swap3A_438] {strides = array<i32>} : memref<16x256xf32, #tpu.memory_space<vmem>>, vector<1x16xf32>,
            %swap3A_440 = vector.shape_cast %swap3A_439 : vector<1x16xf32> to vector<16xf32>
            %swap3A_441 = vector.shape_cast %max3A_436 : vector<16xf32> to vector<1x16xf32>
            tpu.vector_store %arg9[%swap3A_437, %swap3A_438], %swap3A_441 {strides = array<i32>} : memref<16x256xf32, #tpu.memory_space<vmem>>, vector<1x16xf32>,
          } else {
          }
          %while3A_174 = arith.constant 0 : i32
          scf.yield %while3A_174 : i32
        }
        %while3A_151 = arith.constant 1 : i32
        %while3A_152 = scf.for %while3A_153 = %while3A_148 to %while3A_144 step %while3A_151 iter_args(%while3A_154 = %while3A_150) -> (i32)  : i32 {
          %get3A_155 = arith.index_cast %while3A_153 : i32 to index
          %get3A_156 = tpu.vector_load %arg7[%get3A_155] {strides = array<i32>} : memref<48xi32, #tpu.memory_space<vmem>>, vector<16xi32>,
          %get3A_157 = vector.shape_cast %get3A_156 : vector<16xi32> to vector<16xi32>
          %slice3A_158 = vector.extract_strided_slice %get3A_157 {offsets = [0], sizes = [1], strides = [1]} : vector<16xi32> to vector<1xi32>
          %squeeze3A_159 = vector.extract %slice3A_158[0] : i32 from vector<1xi32>
          %add3A_160 = arith.constant 1 : i32
          %add3A_161 = arith.addi %while3A_153, %add3A_160 : i32
          %get3A_162 = arith.index_cast %add3A_161 : i32 to index
          %get3A_163 = tpu.vector_load %arg7[%get3A_162] {strides = array<i32>} : memref<48xi32, #tpu.memory_space<vmem>>, vector<16xi32>,
          %get3A_164 = vector.shape_cast %get3A_163 : vector<16xi32> to vector<16xi32>
          %slice3A_165 = vector.extract_strided_slice %get3A_164 {offsets = [0], sizes = [1], strides = [1]} : vector<16xi32> to vector<1xi32>
          %squeeze3A_166 = vector.extract %slice3A_165[0] : i32 from vector<1xi32>
          %max3A = arith.maxsi %squeeze3A_159, %add3A_110 : i32
          %sub3A_167 = arith.subi %max3A, %add3A_110 : i32
          %add3A_168 = arith.constant 128 : i32
          %add3A_169 = arith.addi %add3A_110, %add3A_168 : i32
          %min3A = arith.minsi %squeeze3A_166, %add3A_169 : i32
          %sub3A_170 = arith.subi %min3A, %add3A_110 : i32
          %gt3A = arith.cmpi sgt, %sub3A_170, %sub3A_167 : i32
          %convert_element_type3A_171 = arith.extui %gt3A : i1 to i32
          %cond3A_172 = arith.constant 0 : i32
          %cond3A_173 = arith.cmpi ne, %convert_element_type3A_171, %cond3A_172 : i32
          scf.if %cond3A_173 {
            %get3A_175 = arith.constant 1 : i32
            %get3A_176 = arith.index_cast %get3A_175 : i32 to index
            %get3A_177 = arith.index_cast %sub3A_167 : i32 to index
            %get3A_178 = arith.constant 0 : index
            %get3A_179 = tpu.vector_load %arg8[%get3A_176, %get3A_177, %get3A_178] {strides = array<i32>} : memref<2x128x256xf32, #tpu.memory_space<vmem>>, vector<1x1x16xf32>,
            %get3A_180 = vector.shape_cast %get3A_179 : vector<1x1x16xf32> to vector<16xf32>
            %get3A_181 = arith.constant 1 : i32
            %get3A_182 = arith.index_cast %get3A_181 : i32 to index
            %get3A_183 = arith.index_cast %sub3A_167 : i32 to index
            %get3A_184 = arith.constant 16 : index
            %get3A_185 = tpu.vector_load %arg8[%get3A_182, %get3A_183, %get3A_184] {strides = array<i32>} : memref<2x128x256xf32, #tpu.memory_space<vmem>>, vector<1x1x16xf32>,
            %get3A_186 = vector.shape_cast %get3A_185 : vector<1x1x16xf32> to vector<16xf32>
            %get3A_187 = arith.constant 1 : i32
            %get3A_188 = arith.index_cast %get3A_187 : i32 to index
            %get3A_189 = arith.index_cast %sub3A_167 : i32 to index
            %get3A_190 = arith.constant 32 : index
            %get3A_191 = tpu.vector_load %arg8[%get3A_188, %get3A_189, %get3A_190] {strides = array<i32>} : memref<2x128x256xf32, #tpu.memory_space<vmem>>, vector<1x1x16xf32>,
            %get3A_192 = vector.shape_cast %get3A_191 : vector<1x1x16xf32> to vector<16xf32>
            %get3A_193 = arith.constant 1 : i32
            %get3A_194 = arith.index_cast %get3A_193 : i32 to index
            %get3A_195 = arith.index_cast %sub3A_167 : i32 to index
            %get3A_196 = arith.constant 48 : index
            %get3A_197 = tpu.vector_load %arg8[%get3A_194, %get3A_195, %get3A_196] {strides = array<i32>} : memref<2x128x256xf32, #tpu.memory_space<vmem>>, vector<1x1x16xf32>,
            %get3A_198 = vector.shape_cast %get3A_197 : vector<1x1x16xf32> to vector<16xf32>
            %get3A_199 = arith.constant 1 : i32
            %get3A_200 = arith.index_cast %get3A_199 : i32 to index
            %get3A_201 = arith.index_cast %sub3A_167 : i32 to index
            %get3A_202 = arith.constant 64 : index
            %get3A_203 = tpu.vector_load %arg8[%get3A_200, %get3A_201, %get3A_202] {strides = array<i32>} : memref<2x128x256xf32, #tpu.memory_space<vmem>>, vector<1x1x16xf32>,
            %get3A_204 = vector.shape_cast %get3A_203 : vector<1x1x16xf32> to vector<16xf32>
            %get3A_205 = arith.constant 1 : i32
            %get3A_206 = arith.index_cast %get3A_205 : i32 to index
            %get3A_207 = arith.index_cast %sub3A_167 : i32 to index
            %get3A_208 = arith.constant 80 : index
            %get3A_209 = tpu.vector_load %arg8[%get3A_206, %get3A_207, %get3A_208] {strides = array<i32>} : memref<2x128x256xf32, #tpu.memory_space<vmem>>, vector<1x1x16xf32>,
            %get3A_210 = vector.shape_cast %get3A_209 : vector<1x1x16xf32> to vector<16xf32>
            %get3A_211 = arith.constant 1 : i32
            %get3A_212 = arith.index_cast %get3A_211 : i32 to index
            %get3A_213 = arith.index_cast %sub3A_167 : i32 to index
            %get3A_214 = arith.constant 96 : index
            %get3A_215 = tpu.vector_load %arg8[%get3A_212, %get3A_213, %get3A_214] {strides = array<i32>} : memref<2x128x256xf32, #tpu.memory_space<vmem>>, vector<1x1x16xf32>,
            %get3A_216 = vector.shape_cast %get3A_215 : vector<1x1x16xf32> to vector<16xf32>
            %get3A_217 = arith.constant 1 : i32
            %get3A_218 = arith.index_cast %get3A_217 : i32 to index
            %get3A_219 = arith.index_cast %sub3A_167 : i32 to index
            %get3A_220 = arith.constant 112 : index
            %get3A_221 = tpu.vector_load %arg8[%get3A_218, %get3A_219, %get3A_220] {strides = array<i32>} : memref<2x128x256xf32, #tpu.memory_space<vmem>>, vector<1x1x16xf32>,
            %get3A_222 = vector.shape_cast %get3A_221 : vector<1x1x16xf32> to vector<16xf32>
            %get3A_223 = arith.constant 1 : i32
            %get3A_224 = arith.index_cast %get3A_223 : i32 to index
            %get3A_225 = arith.index_cast %sub3A_167 : i32 to index
            %get3A_226 = arith.constant 128 : index
            %get3A_227 = tpu.vector_load %arg8[%get3A_224, %get3A_225, %get3A_226] {strides = array<i32>} : memref<2x128x256xf32, #tpu.memory_space<vmem>>, vector<1x1x16xf32>,
            %get3A_228 = vector.shape_cast %get3A_227 : vector<1x1x16xf32> to vector<16xf32>
            %get3A_229 = arith.constant 1 : i32
            %get3A_230 = arith.index_cast %get3A_229 : i32 to index
            %get3A_231 = arith.index_cast %sub3A_167 : i32 to index
            %get3A_232 = arith.constant 144 : index
            %get3A_233 = tpu.vector_load %arg8[%get3A_230, %get3A_231, %get3A_232] {strides = array<i32>} : memref<2x128x256xf32, #tpu.memory_space<vmem>>, vector<1x1x16xf32>,
            %get3A_234 = vector.shape_cast %get3A_233 : vector<1x1x16xf32> to vector<16xf32>
            %get3A_235 = arith.constant 1 : i32
            %get3A_236 = arith.index_cast %get3A_235 : i32 to index
            %get3A_237 = arith.index_cast %sub3A_167 : i32 to index
            %get3A_238 = arith.constant 160 : index
            %get3A_239 = tpu.vector_load %arg8[%get3A_236, %get3A_237, %get3A_238] {strides = array<i32>} : memref<2x128x256xf32, #tpu.memory_space<vmem>>, vector<1x1x16xf32>,
            %get3A_240 = vector.shape_cast %get3A_239 : vector<1x1x16xf32> to vector<16xf32>
            %get3A_241 = arith.constant 1 : i32
            %get3A_242 = arith.index_cast %get3A_241 : i32 to index
            %get3A_243 = arith.index_cast %sub3A_167 : i32 to index
            %get3A_244 = arith.constant 176 : index
            %get3A_245 = tpu.vector_load %arg8[%get3A_242, %get3A_243, %get3A_244] {strides = array<i32>} : memref<2x128x256xf32, #tpu.memory_space<vmem>>, vector<1x1x16xf32>,
            %get3A_246 = vector.shape_cast %get3A_245 : vector<1x1x16xf32> to vector<16xf32>
            %get3A_247 = arith.constant 1 : i32
            %get3A_248 = arith.index_cast %get3A_247 : i32 to index
            %get3A_249 = arith.index_cast %sub3A_167 : i32 to index
            %get3A_250 = arith.constant 192 : index
            %get3A_251 = tpu.vector_load %arg8[%get3A_248, %get3A_249, %get3A_250] {strides = array<i32>} : memref<2x128x256xf32, #tpu.memory_space<vmem>>, vector<1x1x16xf32>,
            %get3A_252 = vector.shape_cast %get3A_251 : vector<1x1x16xf32> to vector<16xf32>
            %get3A_253 = arith.constant 1 : i32
            %get3A_254 = arith.index_cast %get3A_253 : i32 to index
            %get3A_255 = arith.index_cast %sub3A_167 : i32 to index
            %get3A_256 = arith.constant 208 : index
            %get3A_257 = tpu.vector_load %arg8[%get3A_254, %get3A_255, %get3A_256] {strides = array<i32>} : memref<2x128x256xf32, #tpu.memory_space<vmem>>, vector<1x1x16xf32>,
            %get3A_258 = vector.shape_cast %get3A_257 : vector<1x1x16xf32> to vector<16xf32>
            %get3A_259 = arith.constant 1 : i32
            %get3A_260 = arith.index_cast %get3A_259 : i32 to index
            %get3A_261 = arith.index_cast %sub3A_167 : i32 to index
            %get3A_262 = arith.constant 224 : index
            %get3A_263 = tpu.vector_load %arg8[%get3A_260, %get3A_261, %get3A_262] {strides = array<i32>} : memref<2x128x256xf32, #tpu.memory_space<vmem>>, vector<1x1x16xf32>,
            %get3A_264 = vector.shape_cast %get3A_263 : vector<1x1x16xf32> to vector<16xf32>
            %get3A_265 = arith.constant 1 : i32
            %get3A_266 = arith.index_cast %get3A_265 : i32 to index
            %get3A_267 = arith.index_cast %sub3A_167 : i32 to index
            %get3A_268 = arith.constant 240 : index
            %get3A_269 = tpu.vector_load %arg8[%get3A_266, %get3A_267, %get3A_268] {strides = array<i32>} : memref<2x128x256xf32, #tpu.memory_space<vmem>>, vector<1x1x16xf32>,
            %get3A_270 = vector.shape_cast %get3A_269 : vector<1x1x16xf32> to vector<16xf32>
            %add3A_271 = arith.constant 1 : i32
            %add3A_272 = arith.addi %sub3A_167, %add3A_271 : i32
            %while3A_273 = arith.subi %sub3A_170, %add3A_272 : i32
            %while3A_274 = arith.addi %add3A_272, %while3A_273 : i32
            %while3A_275 = arith.constant 1 : i32
            %while3A_276 = arith.divsi %while3A_273, %while3A_275 : i32
            %while3A_277 = arith.muli %while3A_276, %while3A_275 : i32
            %while3A_278 = arith.addi %add3A_272, %while3A_277 : i32
            %while3A_279 = arith.constant 1 : i32
            %while3A_280:16 = scf.for %while3A_442 = %add3A_272 to %while3A_278 step %while3A_279 iter_args(%while3A_443 = %get3A_180, %while3A_444 = %get3A_186, %while3A_445 = %get3A_192, %while3A_446 = %get3A_198, %while3A_447 = %get3A_204, %while3A_448 = %get3A_210, %while3A_449 = %get3A_216, %while3A_450 = %get3A_222, %while3A_451 = %get3A_228, %while3A_452 = %get3A_234, %while3A_453 = %get3A_240, %while3A_454 = %get3A_246, %while3A_455 = %get3A_252, %while3A_456 = %get3A_258, %while3A_457 = %get3A_264, %while3A_458 = %get3A_270) -> (vector<16xf32>, vector<16xf32>, vector<16xf32>, vector<16xf32>, vector<16xf32>, vector<16xf32>, vector<16xf32>, vector<16xf32>, vector<16xf32>, vector<16xf32>, vector<16xf32>, vector<16xf32>, vector<16xf32>, vector<16xf32>, vector<16xf32>, vector<16xf32>)  : i32 {
              %get3A_459 = arith.constant 1 : i32
              %get3A_460 = arith.index_cast %get3A_459 : i32 to index
              %get3A_461 = arith.index_cast %while3A_442 : i32 to index
              %get3A_462 = arith.constant 0 : index
              %get3A_463 = tpu.vector_load %arg8[%get3A_460, %get3A_461, %get3A_462] {strides = array<i32>} : memref<2x128x256xf32, #tpu.memory_space<vmem>>, vector<1x1x16xf32>,
              %get3A_464 = vector.shape_cast %get3A_463 : vector<1x1x16xf32> to vector<16xf32>
              %max3A_465 = arith.maximumf %while3A_443, %get3A_464 : vector<16xf32>
              %get3A_466 = arith.constant 1 : i32
              %get3A_467 = arith.index_cast %get3A_466 : i32 to index
              %get3A_468 = arith.index_cast %while3A_442 : i32 to index
              %get3A_469 = arith.constant 16 : index
              %get3A_470 = tpu.vector_load %arg8[%get3A_467, %get3A_468, %get3A_469] {strides = array<i32>} : memref<2x128x256xf32, #tpu.memory_space<vmem>>, vector<1x1x16xf32>,
              %get3A_471 = vector.shape_cast %get3A_470 : vector<1x1x16xf32> to vector<16xf32>
              %max3A_472 = arith.maximumf %while3A_444, %get3A_471 : vector<16xf32>
              %get3A_473 = arith.constant 1 : i32
              %get3A_474 = arith.index_cast %get3A_473 : i32 to index
              %get3A_475 = arith.index_cast %while3A_442 : i32 to index
              %get3A_476 = arith.constant 32 : index
              %get3A_477 = tpu.vector_load %arg8[%get3A_474, %get3A_475, %get3A_476] {strides = array<i32>} : memref<2x128x256xf32, #tpu.memory_space<vmem>>, vector<1x1x16xf32>,
              %get3A_478 = vector.shape_cast %get3A_477 : vector<1x1x16xf32> to vector<16xf32>
              %max3A_479 = arith.maximumf %while3A_445, %get3A_478 : vector<16xf32>
              %get3A_480 = arith.constant 1 : i32
              %get3A_481 = arith.index_cast %get3A_480 : i32 to index
              %get3A_482 = arith.index_cast %while3A_442 : i32 to index
              %get3A_483 = arith.constant 48 : index
              %get3A_484 = tpu.vector_load %arg8[%get3A_481, %get3A_482, %get3A_483] {strides = array<i32>} : memref<2x128x256xf32, #tpu.memory_space<vmem>>, vector<1x1x16xf32>,
              %get3A_485 = vector.shape_cast %get3A_484 : vector<1x1x16xf32> to vector<16xf32>
              %max3A_486 = arith.maximumf %while3A_446, %get3A_485 : vector<16xf32>
              %get3A_487 = arith.constant 1 : i32
              %get3A_488 = arith.index_cast %get3A_487 : i32 to index
              %get3A_489 = arith.index_cast %while3A_442 : i32 to index
              %get3A_490 = arith.constant 64 : index
              %get3A_491 = tpu.vector_load %arg8[%get3A_488, %get3A_489, %get3A_490] {strides = array<i32>} : memref<2x128x256xf32, #tpu.memory_space<vmem>>, vector<1x1x16xf32>,
              %get3A_492 = vector.shape_cast %get3A_491 : vector<1x1x16xf32> to vector<16xf32>
              %max3A_493 = arith.maximumf %while3A_447, %get3A_492 : vector<16xf32>
              %get3A_494 = arith.constant 1 : i32
              %get3A_495 = arith.index_cast %get3A_494 : i32 to index
              %get3A_496 = arith.index_cast %while3A_442 : i32 to index
              %get3A_497 = arith.constant 80 : index
              %get3A_498 = tpu.vector_load %arg8[%get3A_495, %get3A_496, %get3A_497] {strides = array<i32>} : memref<2x128x256xf32, #tpu.memory_space<vmem>>, vector<1x1x16xf32>,
              %get3A_499 = vector.shape_cast %get3A_498 : vector<1x1x16xf32> to vector<16xf32>
              %max3A_500 = arith.maximumf %while3A_448, %get3A_499 : vector<16xf32>
              %get3A_501 = arith.constant 1 : i32
              %get3A_502 = arith.index_cast %get3A_501 : i32 to index
              %get3A_503 = arith.index_cast %while3A_442 : i32 to index
              %get3A_504 = arith.constant 96 : index
              %get3A_505 = tpu.vector_load %arg8[%get3A_502, %get3A_503, %get3A_504] {strides = array<i32>} : memref<2x128x256xf32, #tpu.memory_space<vmem>>, vector<1x1x16xf32>,
              %get3A_506 = vector.shape_cast %get3A_505 : vector<1x1x16xf32> to vector<16xf32>
              %max3A_507 = arith.maximumf %while3A_449, %get3A_506 : vector<16xf32>
              %get3A_508 = arith.constant 1 : i32
              %get3A_509 = arith.index_cast %get3A_508 : i32 to index
              %get3A_510 = arith.index_cast %while3A_442 : i32 to index
              %get3A_511 = arith.constant 112 : index
              %get3A_512 = tpu.vector_load %arg8[%get3A_509, %get3A_510, %get3A_511] {strides = array<i32>} : memref<2x128x256xf32, #tpu.memory_space<vmem>>, vector<1x1x16xf32>,
              %get3A_513 = vector.shape_cast %get3A_512 : vector<1x1x16xf32> to vector<16xf32>
              %max3A_514 = arith.maximumf %while3A_450, %get3A_513 : vector<16xf32>
              %get3A_515 = arith.constant 1 : i32
              %get3A_516 = arith.index_cast %get3A_515 : i32 to index
              %get3A_517 = arith.index_cast %while3A_442 : i32 to index
              %get3A_518 = arith.constant 128 : index
              %get3A_519 = tpu.vector_load %arg8[%get3A_516, %get3A_517, %get3A_518] {strides = array<i32>} : memref<2x128x256xf32, #tpu.memory_space<vmem>>, vector<1x1x16xf32>,
              %get3A_520 = vector.shape_cast %get3A_519 : vector<1x1x16xf32> to vector<16xf32>
              %max3A_521 = arith.maximumf %while3A_451, %get3A_520 : vector<16xf32>
              %get3A_522 = arith.constant 1 : i32
              %get3A_523 = arith.index_cast %get3A_522 : i32 to index
              %get3A_524 = arith.index_cast %while3A_442 : i32 to index
              %get3A_525 = arith.constant 144 : index
              %get3A_526 = tpu.vector_load %arg8[%get3A_523, %get3A_524, %get3A_525] {strides = array<i32>} : memref<2x128x256xf32, #tpu.memory_space<vmem>>, vector<1x1x16xf32>,
              %get3A_527 = vector.shape_cast %get3A_526 : vector<1x1x16xf32> to vector<16xf32>
              %max3A_528 = arith.maximumf %while3A_452, %get3A_527 : vector<16xf32>
              %get3A_529 = arith.constant 1 : i32
              %get3A_530 = arith.index_cast %get3A_529 : i32 to index
              %get3A_531 = arith.index_cast %while3A_442 : i32 to index
              %get3A_532 = arith.constant 160 : index
              %get3A_533 = tpu.vector_load %arg8[%get3A_530, %get3A_531, %get3A_532] {strides = array<i32>} : memref<2x128x256xf32, #tpu.memory_space<vmem>>, vector<1x1x16xf32>,
              %get3A_534 = vector.shape_cast %get3A_533 : vector<1x1x16xf32> to vector<16xf32>
              %max3A_535 = arith.maximumf %while3A_453, %get3A_534 : vector<16xf32>
              %get3A_536 = arith.constant 1 : i32
              %get3A_537 = arith.index_cast %get3A_536 : i32 to index
              %get3A_538 = arith.index_cast %while3A_442 : i32 to index
              %get3A_539 = arith.constant 176 : index
              %get3A_540 = tpu.vector_load %arg8[%get3A_537, %get3A_538, %get3A_539] {strides = array<i32>} : memref<2x128x256xf32, #tpu.memory_space<vmem>>, vector<1x1x16xf32>,
              %get3A_541 = vector.shape_cast %get3A_540 : vector<1x1x16xf32> to vector<16xf32>
              %max3A_542 = arith.maximumf %while3A_454, %get3A_541 : vector<16xf32>
              %get3A_543 = arith.constant 1 : i32
              %get3A_544 = arith.index_cast %get3A_543 : i32 to index
              %get3A_545 = arith.index_cast %while3A_442 : i32 to index
              %get3A_546 = arith.constant 192 : index
              %get3A_547 = tpu.vector_load %arg8[%get3A_544, %get3A_545, %get3A_546] {strides = array<i32>} : memref<2x128x256xf32, #tpu.memory_space<vmem>>, vector<1x1x16xf32>,
              %get3A_548 = vector.shape_cast %get3A_547 : vector<1x1x16xf32> to vector<16xf32>
              %max3A_549 = arith.maximumf %while3A_455, %get3A_548 : vector<16xf32>
              %get3A_550 = arith.constant 1 : i32
              %get3A_551 = arith.index_cast %get3A_550 : i32 to index
              %get3A_552 = arith.index_cast %while3A_442 : i32 to index
              %get3A_553 = arith.constant 208 : index
              %get3A_554 = tpu.vector_load %arg8[%get3A_551, %get3A_552, %get3A_553] {strides = array<i32>} : memref<2x128x256xf32, #tpu.memory_space<vmem>>, vector<1x1x16xf32>,
              %get3A_555 = vector.shape_cast %get3A_554 : vector<1x1x16xf32> to vector<16xf32>
              %max3A_556 = arith.maximumf %while3A_456, %get3A_555 : vector<16xf32>
              %get3A_557 = arith.constant 1 : i32
              %get3A_558 = arith.index_cast %get3A_557 : i32 to index
              %get3A_559 = arith.index_cast %while3A_442 : i32 to index
              %get3A_560 = arith.constant 224 : index
              %get3A_561 = tpu.vector_load %arg8[%get3A_558, %get3A_559, %get3A_560] {strides = array<i32>} : memref<2x128x256xf32, #tpu.memory_space<vmem>>, vector<1x1x16xf32>,
              %get3A_562 = vector.shape_cast %get3A_561 : vector<1x1x16xf32> to vector<16xf32>
              %max3A_563 = arith.maximumf %while3A_457, %get3A_562 : vector<16xf32>
              %get3A_564 = arith.constant 1 : i32
              %get3A_565 = arith.index_cast %get3A_564 : i32 to index
              %get3A_566 = arith.index_cast %while3A_442 : i32 to index
              %get3A_567 = arith.constant 240 : index
              %get3A_568 = tpu.vector_load %arg8[%get3A_565, %get3A_566, %get3A_567] {strides = array<i32>} : memref<2x128x256xf32, #tpu.memory_space<vmem>>, vector<1x1x16xf32>,
              %get3A_569 = vector.shape_cast %get3A_568 : vector<1x1x16xf32> to vector<16xf32>
              %max3A_570 = arith.maximumf %while3A_458, %get3A_569 : vector<16xf32>
              scf.yield %max3A_465, %max3A_472, %max3A_479, %max3A_486, %max3A_493, %max3A_500, %max3A_507, %max3A_514, %max3A_521, %max3A_528, %max3A_535, %max3A_542, %max3A_549, %max3A_556, %max3A_563, %max3A_570 : vector<16xf32>, vector<16xf32>, vector<16xf32>, vector<16xf32>, vector<16xf32>, vector<16xf32>, vector<16xf32>, vector<16xf32>, vector<16xf32>, vector<16xf32>, vector<16xf32>, vector<16xf32>, vector<16xf32>, vector<16xf32>, vector<16xf32>, vector<16xf32>
            }
            %while3A_281 = arith.constant 1 : i32
            %while3A_282:16 = scf.for %while3A_442 = %while3A_278 to %while3A_274 step %while3A_281 iter_args(%while3A_443 = %while3A_280#0, %while3A_444 = %while3A_280#1, %while3A_445 = %while3A_280#2, %while3A_446 = %while3A_280#3, %while3A_447 = %while3A_280#4, %while3A_448 = %while3A_280#5, %while3A_449 = %while3A_280#6, %while3A_450 = %while3A_280#7, %while3A_451 = %while3A_280#8, %while3A_452 = %while3A_280#9, %while3A_453 = %while3A_280#10, %while3A_454 = %while3A_280#11, %while3A_455 = %while3A_280#12, %while3A_456 = %while3A_280#13, %while3A_457 = %while3A_280#14, %while3A_458 = %while3A_280#15) -> (vector<16xf32>, vector<16xf32>, vector<16xf32>, vector<16xf32>, vector<16xf32>, vector<16xf32>, vector<16xf32>, vector<16xf32>, vector<16xf32>, vector<16xf32>, vector<16xf32>, vector<16xf32>, vector<16xf32>, vector<16xf32>, vector<16xf32>, vector<16xf32>)  : i32 {
              %get3A_459 = arith.constant 1 : i32
              %get3A_460 = arith.index_cast %get3A_459 : i32 to index
              %get3A_461 = arith.index_cast %while3A_442 : i32 to index
              %get3A_462 = arith.constant 0 : index
              %get3A_463 = tpu.vector_load %arg8[%get3A_460, %get3A_461, %get3A_462] {strides = array<i32>} : memref<2x128x256xf32, #tpu.memory_space<vmem>>, vector<1x1x16xf32>,
              %get3A_464 = vector.shape_cast %get3A_463 : vector<1x1x16xf32> to vector<16xf32>
              %max3A_465 = arith.maximumf %while3A_443, %get3A_464 : vector<16xf32>
              %get3A_466 = arith.constant 1 : i32
              %get3A_467 = arith.index_cast %get3A_466 : i32 to index
              %get3A_468 = arith.index_cast %while3A_442 : i32 to index
              %get3A_469 = arith.constant 16 : index
              %get3A_470 = tpu.vector_load %arg8[%get3A_467, %get3A_468, %get3A_469] {strides = array<i32>} : memref<2x128x256xf32, #tpu.memory_space<vmem>>, vector<1x1x16xf32>,
              %get3A_471 = vector.shape_cast %get3A_470 : vector<1x1x16xf32> to vector<16xf32>
              %max3A_472 = arith.maximumf %while3A_444, %get3A_471 : vector<16xf32>
              %get3A_473 = arith.constant 1 : i32
              %get3A_474 = arith.index_cast %get3A_473 : i32 to index
              %get3A_475 = arith.index_cast %while3A_442 : i32 to index
              %get3A_476 = arith.constant 32 : index
              %get3A_477 = tpu.vector_load %arg8[%get3A_474, %get3A_475, %get3A_476] {strides = array<i32>} : memref<2x128x256xf32, #tpu.memory_space<vmem>>, vector<1x1x16xf32>,
              %get3A_478 = vector.shape_cast %get3A_477 : vector<1x1x16xf32> to vector<16xf32>
              %max3A_479 = arith.maximumf %while3A_445, %get3A_478 : vector<16xf32>
              %get3A_480 = arith.constant 1 : i32
              %get3A_481 = arith.index_cast %get3A_480 : i32 to index
              %get3A_482 = arith.index_cast %while3A_442 : i32 to index
              %get3A_483 = arith.constant 48 : index
              %get3A_484 = tpu.vector_load %arg8[%get3A_481, %get3A_482, %get3A_483] {strides = array<i32>} : memref<2x128x256xf32, #tpu.memory_space<vmem>>, vector<1x1x16xf32>,
              %get3A_485 = vector.shape_cast %get3A_484 : vector<1x1x16xf32> to vector<16xf32>
              %max3A_486 = arith.maximumf %while3A_446, %get3A_485 : vector<16xf32>
              %get3A_487 = arith.constant 1 : i32
              %get3A_488 = arith.index_cast %get3A_487 : i32 to index
              %get3A_489 = arith.index_cast %while3A_442 : i32 to index
              %get3A_490 = arith.constant 64 : index
              %get3A_491 = tpu.vector_load %arg8[%get3A_488, %get3A_489, %get3A_490] {strides = array<i32>} : memref<2x128x256xf32, #tpu.memory_space<vmem>>, vector<1x1x16xf32>,
              %get3A_492 = vector.shape_cast %get3A_491 : vector<1x1x16xf32> to vector<16xf32>
              %max3A_493 = arith.maximumf %while3A_447, %get3A_492 : vector<16xf32>
              %get3A_494 = arith.constant 1 : i32
              %get3A_495 = arith.index_cast %get3A_494 : i32 to index
              %get3A_496 = arith.index_cast %while3A_442 : i32 to index
              %get3A_497 = arith.constant 80 : index
              %get3A_498 = tpu.vector_load %arg8[%get3A_495, %get3A_496, %get3A_497] {strides = array<i32>} : memref<2x128x256xf32, #tpu.memory_space<vmem>>, vector<1x1x16xf32>,
              %get3A_499 = vector.shape_cast %get3A_498 : vector<1x1x16xf32> to vector<16xf32>
              %max3A_500 = arith.maximumf %while3A_448, %get3A_499 : vector<16xf32>
              %get3A_501 = arith.constant 1 : i32
              %get3A_502 = arith.index_cast %get3A_501 : i32 to index
              %get3A_503 = arith.index_cast %while3A_442 : i32 to index
              %get3A_504 = arith.constant 96 : index
              %get3A_505 = tpu.vector_load %arg8[%get3A_502, %get3A_503, %get3A_504] {strides = array<i32>} : memref<2x128x256xf32, #tpu.memory_space<vmem>>, vector<1x1x16xf32>,
              %get3A_506 = vector.shape_cast %get3A_505 : vector<1x1x16xf32> to vector<16xf32>
              %max3A_507 = arith.maximumf %while3A_449, %get3A_506 : vector<16xf32>
              %get3A_508 = arith.constant 1 : i32
              %get3A_509 = arith.index_cast %get3A_508 : i32 to index
              %get3A_510 = arith.index_cast %while3A_442 : i32 to index
              %get3A_511 = arith.constant 112 : index
              %get3A_512 = tpu.vector_load %arg8[%get3A_509, %get3A_510, %get3A_511] {strides = array<i32>} : memref<2x128x256xf32, #tpu.memory_space<vmem>>, vector<1x1x16xf32>,
              %get3A_513 = vector.shape_cast %get3A_512 : vector<1x1x16xf32> to vector<16xf32>
              %max3A_514 = arith.maximumf %while3A_450, %get3A_513 : vector<16xf32>
              %get3A_515 = arith.constant 1 : i32
              %get3A_516 = arith.index_cast %get3A_515 : i32 to index
              %get3A_517 = arith.index_cast %while3A_442 : i32 to index
              %get3A_518 = arith.constant 128 : index
              %get3A_519 = tpu.vector_load %arg8[%get3A_516, %get3A_517, %get3A_518] {strides = array<i32>} : memref<2x128x256xf32, #tpu.memory_space<vmem>>, vector<1x1x16xf32>,
              %get3A_520 = vector.shape_cast %get3A_519 : vector<1x1x16xf32> to vector<16xf32>
              %max3A_521 = arith.maximumf %while3A_451, %get3A_520 : vector<16xf32>
              %get3A_522 = arith.constant 1 : i32
              %get3A_523 = arith.index_cast %get3A_522 : i32 to index
              %get3A_524 = arith.index_cast %while3A_442 : i32 to index
              %get3A_525 = arith.constant 144 : index
              %get3A_526 = tpu.vector_load %arg8[%get3A_523, %get3A_524, %get3A_525] {strides = array<i32>} : memref<2x128x256xf32, #tpu.memory_space<vmem>>, vector<1x1x16xf32>,
              %get3A_527 = vector.shape_cast %get3A_526 : vector<1x1x16xf32> to vector<16xf32>
              %max3A_528 = arith.maximumf %while3A_452, %get3A_527 : vector<16xf32>
              %get3A_529 = arith.constant 1 : i32
              %get3A_530 = arith.index_cast %get3A_529 : i32 to index
              %get3A_531 = arith.index_cast %while3A_442 : i32 to index
              %get3A_532 = arith.constant 160 : index
              %get3A_533 = tpu.vector_load %arg8[%get3A_530, %get3A_531, %get3A_532] {strides = array<i32>} : memref<2x128x256xf32, #tpu.memory_space<vmem>>, vector<1x1x16xf32>,
              %get3A_534 = vector.shape_cast %get3A_533 : vector<1x1x16xf32> to vector<16xf32>
              %max3A_535 = arith.maximumf %while3A_453, %get3A_534 : vector<16xf32>
              %get3A_536 = arith.constant 1 : i32
              %get3A_537 = arith.index_cast %get3A_536 : i32 to index
              %get3A_538 = arith.index_cast %while3A_442 : i32 to index
              %get3A_539 = arith.constant 176 : index
              %get3A_540 = tpu.vector_load %arg8[%get3A_537, %get3A_538, %get3A_539] {strides = array<i32>} : memref<2x128x256xf32, #tpu.memory_space<vmem>>, vector<1x1x16xf32>,
              %get3A_541 = vector.shape_cast %get3A_540 : vector<1x1x16xf32> to vector<16xf32>
              %max3A_542 = arith.maximumf %while3A_454, %get3A_541 : vector<16xf32>
              %get3A_543 = arith.constant 1 : i32
              %get3A_544 = arith.index_cast %get3A_543 : i32 to index
              %get3A_545 = arith.index_cast %while3A_442 : i32 to index
              %get3A_546 = arith.constant 192 : index
              %get3A_547 = tpu.vector_load %arg8[%get3A_544, %get3A_545, %get3A_546] {strides = array<i32>} : memref<2x128x256xf32, #tpu.memory_space<vmem>>, vector<1x1x16xf32>,
              %get3A_548 = vector.shape_cast %get3A_547 : vector<1x1x16xf32> to vector<16xf32>
              %max3A_549 = arith.maximumf %while3A_455, %get3A_548 : vector<16xf32>
              %get3A_550 = arith.constant 1 : i32
              %get3A_551 = arith.index_cast %get3A_550 : i32 to index
              %get3A_552 = arith.index_cast %while3A_442 : i32 to index
              %get3A_553 = arith.constant 208 : index
              %get3A_554 = tpu.vector_load %arg8[%get3A_551, %get3A_552, %get3A_553] {strides = array<i32>} : memref<2x128x256xf32, #tpu.memory_space<vmem>>, vector<1x1x16xf32>,
              %get3A_555 = vector.shape_cast %get3A_554 : vector<1x1x16xf32> to vector<16xf32>
              %max3A_556 = arith.maximumf %while3A_456, %get3A_555 : vector<16xf32>
              %get3A_557 = arith.constant 1 : i32
              %get3A_558 = arith.index_cast %get3A_557 : i32 to index
              %get3A_559 = arith.index_cast %while3A_442 : i32 to index
              %get3A_560 = arith.constant 224 : index
              %get3A_561 = tpu.vector_load %arg8[%get3A_558, %get3A_559, %get3A_560] {strides = array<i32>} : memref<2x128x256xf32, #tpu.memory_space<vmem>>, vector<1x1x16xf32>,
              %get3A_562 = vector.shape_cast %get3A_561 : vector<1x1x16xf32> to vector<16xf32>
              %max3A_563 = arith.maximumf %while3A_457, %get3A_562 : vector<16xf32>
              %get3A_564 = arith.constant 1 : i32
              %get3A_565 = arith.index_cast %get3A_564 : i32 to index
              %get3A_566 = arith.index_cast %while3A_442 : i32 to index
              %get3A_567 = arith.constant 240 : index
              %get3A_568 = tpu.vector_load %arg8[%get3A_565, %get3A_566, %get3A_567] {strides = array<i32>} : memref<2x128x256xf32, #tpu.memory_space<vmem>>, vector<1x1x16xf32>,
              %get3A_569 = vector.shape_cast %get3A_568 : vector<1x1x16xf32> to vector<16xf32>
              %max3A_570 = arith.maximumf %while3A_458, %get3A_569 : vector<16xf32>
              scf.yield %max3A_465, %max3A_472, %max3A_479, %max3A_486, %max3A_493, %max3A_500, %max3A_507, %max3A_514, %max3A_521, %max3A_528, %max3A_535, %max3A_542, %max3A_549, %max3A_556, %max3A_563, %max3A_570 : vector<16xf32>, vector<16xf32>, vector<16xf32>, vector<16xf32>, vector<16xf32>, vector<16xf32>, vector<16xf32>, vector<16xf32>, vector<16xf32>, vector<16xf32>, vector<16xf32>, vector<16xf32>, vector<16xf32>, vector<16xf32>, vector<16xf32>, vector<16xf32>
            }
            %get3A_283 = arith.index_cast %while3A_153 : i32 to index
            %get3A_284 = arith.constant 0 : index
            %get3A_285 = tpu.vector_load %arg9[%get3A_283, %get3A_284] {strides = array<i32>} : memref<16x256xf32, #tpu.memory_space<vmem>>, vector<1x16xf32>,
            %get3A_286 = vector.shape_cast %get3A_285 : vector<1x16xf32> to vector<16xf32>
            %max3A_287 = arith.maximumf %get3A_286, %while3A_282#0 : vector<16xf32>
            %swap3A = arith.index_cast %while3A_153 : i32 to index
            %swap3A_288 = arith.constant 0 : index
            %swap3A_289 = tpu.vector_load %arg9[%swap3A, %swap3A_288] {strides = array<i32>} : memref<16x256xf32, #tpu.memory_space<vmem>>, vector<1x16xf32>,
            %swap3A_290 = vector.shape_cast %swap3A_289 : vector<1x16xf32> to vector<16xf32>
            %swap3A_291 = vector.shape_cast %max3A_287 : vector<16xf32> to vector<1x16xf32>
            tpu.vector_store %arg9[%swap3A, %swap3A_288], %swap3A_291 {strides = array<i32>} : memref<16x256xf32, #tpu.memory_space<vmem>>, vector<1x16xf32>,
            %get3A_292 = arith.index_cast %while3A_153 : i32 to index
            %get3A_293 = arith.constant 16 : index
            %get3A_294 = tpu.vector_load %arg9[%get3A_292, %get3A_293] {strides = array<i32>} : memref<16x256xf32, #tpu.memory_space<vmem>>, vector<1x16xf32>,
            %get3A_295 = vector.shape_cast %get3A_294 : vector<1x16xf32> to vector<16xf32>
            %max3A_296 = arith.maximumf %get3A_295, %while3A_282#1 : vector<16xf32>
            %swap3A_297 = arith.index_cast %while3A_153 : i32 to index
            %swap3A_298 = arith.constant 16 : index
            %swap3A_299 = tpu.vector_load %arg9[%swap3A_297, %swap3A_298] {strides = array<i32>} : memref<16x256xf32, #tpu.memory_space<vmem>>, vector<1x16xf32>,
            %swap3A_300 = vector.shape_cast %swap3A_299 : vector<1x16xf32> to vector<16xf32>
            %swap3A_301 = vector.shape_cast %max3A_296 : vector<16xf32> to vector<1x16xf32>
            tpu.vector_store %arg9[%swap3A_297, %swap3A_298], %swap3A_301 {strides = array<i32>} : memref<16x256xf32, #tpu.memory_space<vmem>>, vector<1x16xf32>,
            %get3A_302 = arith.index_cast %while3A_153 : i32 to index
            %get3A_303 = arith.constant 32 : index
            %get3A_304 = tpu.vector_load %arg9[%get3A_302, %get3A_303] {strides = array<i32>} : memref<16x256xf32, #tpu.memory_space<vmem>>, vector<1x16xf32>,
            %get3A_305 = vector.shape_cast %get3A_304 : vector<1x16xf32> to vector<16xf32>
            %max3A_306 = arith.maximumf %get3A_305, %while3A_282#2 : vector<16xf32>
            %swap3A_307 = arith.index_cast %while3A_153 : i32 to index
            %swap3A_308 = arith.constant 32 : index
            %swap3A_309 = tpu.vector_load %arg9[%swap3A_307, %swap3A_308] {strides = array<i32>} : memref<16x256xf32, #tpu.memory_space<vmem>>, vector<1x16xf32>,
            %swap3A_310 = vector.shape_cast %swap3A_309 : vector<1x16xf32> to vector<16xf32>
            %swap3A_311 = vector.shape_cast %max3A_306 : vector<16xf32> to vector<1x16xf32>
            tpu.vector_store %arg9[%swap3A_307, %swap3A_308], %swap3A_311 {strides = array<i32>} : memref<16x256xf32, #tpu.memory_space<vmem>>, vector<1x16xf32>,
            %get3A_312 = arith.index_cast %while3A_153 : i32 to index
            %get3A_313 = arith.constant 48 : index
            %get3A_314 = tpu.vector_load %arg9[%get3A_312, %get3A_313] {strides = array<i32>} : memref<16x256xf32, #tpu.memory_space<vmem>>, vector<1x16xf32>,
            %get3A_315 = vector.shape_cast %get3A_314 : vector<1x16xf32> to vector<16xf32>
            %max3A_316 = arith.maximumf %get3A_315, %while3A_282#3 : vector<16xf32>
            %swap3A_317 = arith.index_cast %while3A_153 : i32 to index
            %swap3A_318 = arith.constant 48 : index
            %swap3A_319 = tpu.vector_load %arg9[%swap3A_317, %swap3A_318] {strides = array<i32>} : memref<16x256xf32, #tpu.memory_space<vmem>>, vector<1x16xf32>,
            %swap3A_320 = vector.shape_cast %swap3A_319 : vector<1x16xf32> to vector<16xf32>
            %swap3A_321 = vector.shape_cast %max3A_316 : vector<16xf32> to vector<1x16xf32>
            tpu.vector_store %arg9[%swap3A_317, %swap3A_318], %swap3A_321 {strides = array<i32>} : memref<16x256xf32, #tpu.memory_space<vmem>>, vector<1x16xf32>,
            %get3A_322 = arith.index_cast %while3A_153 : i32 to index
            %get3A_323 = arith.constant 64 : index
            %get3A_324 = tpu.vector_load %arg9[%get3A_322, %get3A_323] {strides = array<i32>} : memref<16x256xf32, #tpu.memory_space<vmem>>, vector<1x16xf32>,
            %get3A_325 = vector.shape_cast %get3A_324 : vector<1x16xf32> to vector<16xf32>
            %max3A_326 = arith.maximumf %get3A_325, %while3A_282#4 : vector<16xf32>
            %swap3A_327 = arith.index_cast %while3A_153 : i32 to index
            %swap3A_328 = arith.constant 64 : index
            %swap3A_329 = tpu.vector_load %arg9[%swap3A_327, %swap3A_328] {strides = array<i32>} : memref<16x256xf32, #tpu.memory_space<vmem>>, vector<1x16xf32>,
            %swap3A_330 = vector.shape_cast %swap3A_329 : vector<1x16xf32> to vector<16xf32>
            %swap3A_331 = vector.shape_cast %max3A_326 : vector<16xf32> to vector<1x16xf32>
            tpu.vector_store %arg9[%swap3A_327, %swap3A_328], %swap3A_331 {strides = array<i32>} : memref<16x256xf32, #tpu.memory_space<vmem>>, vector<1x16xf32>,
            %get3A_332 = arith.index_cast %while3A_153 : i32 to index
            %get3A_333 = arith.constant 80 : index
            %get3A_334 = tpu.vector_load %arg9[%get3A_332, %get3A_333] {strides = array<i32>} : memref<16x256xf32, #tpu.memory_space<vmem>>, vector<1x16xf32>,
            %get3A_335 = vector.shape_cast %get3A_334 : vector<1x16xf32> to vector<16xf32>
            %max3A_336 = arith.maximumf %get3A_335, %while3A_282#5 : vector<16xf32>
            %swap3A_337 = arith.index_cast %while3A_153 : i32 to index
            %swap3A_338 = arith.constant 80 : index
            %swap3A_339 = tpu.vector_load %arg9[%swap3A_337, %swap3A_338] {strides = array<i32>} : memref<16x256xf32, #tpu.memory_space<vmem>>, vector<1x16xf32>,
            %swap3A_340 = vector.shape_cast %swap3A_339 : vector<1x16xf32> to vector<16xf32>
            %swap3A_341 = vector.shape_cast %max3A_336 : vector<16xf32> to vector<1x16xf32>
            tpu.vector_store %arg9[%swap3A_337, %swap3A_338], %swap3A_341 {strides = array<i32>} : memref<16x256xf32, #tpu.memory_space<vmem>>, vector<1x16xf32>,
            %get3A_342 = arith.index_cast %while3A_153 : i32 to index
            %get3A_343 = arith.constant 96 : index
            %get3A_344 = tpu.vector_load %arg9[%get3A_342, %get3A_343] {strides = array<i32>} : memref<16x256xf32, #tpu.memory_space<vmem>>, vector<1x16xf32>,
            %get3A_345 = vector.shape_cast %get3A_344 : vector<1x16xf32> to vector<16xf32>
            %max3A_346 = arith.maximumf %get3A_345, %while3A_282#6 : vector<16xf32>
            %swap3A_347 = arith.index_cast %while3A_153 : i32 to index
            %swap3A_348 = arith.constant 96 : index
            %swap3A_349 = tpu.vector_load %arg9[%swap3A_347, %swap3A_348] {strides = array<i32>} : memref<16x256xf32, #tpu.memory_space<vmem>>, vector<1x16xf32>,
            %swap3A_350 = vector.shape_cast %swap3A_349 : vector<1x16xf32> to vector<16xf32>
            %swap3A_351 = vector.shape_cast %max3A_346 : vector<16xf32> to vector<1x16xf32>
            tpu.vector_store %arg9[%swap3A_347, %swap3A_348], %swap3A_351 {strides = array<i32>} : memref<16x256xf32, #tpu.memory_space<vmem>>, vector<1x16xf32>,
            %get3A_352 = arith.index_cast %while3A_153 : i32 to index
            %get3A_353 = arith.constant 112 : index
            %get3A_354 = tpu.vector_load %arg9[%get3A_352, %get3A_353] {strides = array<i32>} : memref<16x256xf32, #tpu.memory_space<vmem>>, vector<1x16xf32>,
            %get3A_355 = vector.shape_cast %get3A_354 : vector<1x16xf32> to vector<16xf32>
            %max3A_356 = arith.maximumf %get3A_355, %while3A_282#7 : vector<16xf32>
            %swap3A_357 = arith.index_cast %while3A_153 : i32 to index
            %swap3A_358 = arith.constant 112 : index
            %swap3A_359 = tpu.vector_load %arg9[%swap3A_357, %swap3A_358] {strides = array<i32>} : memref<16x256xf32, #tpu.memory_space<vmem>>, vector<1x16xf32>,
            %swap3A_360 = vector.shape_cast %swap3A_359 : vector<1x16xf32> to vector<16xf32>
            %swap3A_361 = vector.shape_cast %max3A_356 : vector<16xf32> to vector<1x16xf32>
            tpu.vector_store %arg9[%swap3A_357, %swap3A_358], %swap3A_361 {strides = array<i32>} : memref<16x256xf32, #tpu.memory_space<vmem>>, vector<1x16xf32>,
            %get3A_362 = arith.index_cast %while3A_153 : i32 to index
            %get3A_363 = arith.constant 128 : index
            %get3A_364 = tpu.vector_load %arg9[%get3A_362, %get3A_363] {strides = array<i32>} : memref<16x256xf32, #tpu.memory_space<vmem>>, vector<1x16xf32>,
            %get3A_365 = vector.shape_cast %get3A_364 : vector<1x16xf32> to vector<16xf32>
            %max3A_366 = arith.maximumf %get3A_365, %while3A_282#8 : vector<16xf32>
            %swap3A_367 = arith.index_cast %while3A_153 : i32 to index
            %swap3A_368 = arith.constant 128 : index
            %swap3A_369 = tpu.vector_load %arg9[%swap3A_367, %swap3A_368] {strides = array<i32>} : memref<16x256xf32, #tpu.memory_space<vmem>>, vector<1x16xf32>,
            %swap3A_370 = vector.shape_cast %swap3A_369 : vector<1x16xf32> to vector<16xf32>
            %swap3A_371 = vector.shape_cast %max3A_366 : vector<16xf32> to vector<1x16xf32>
            tpu.vector_store %arg9[%swap3A_367, %swap3A_368], %swap3A_371 {strides = array<i32>} : memref<16x256xf32, #tpu.memory_space<vmem>>, vector<1x16xf32>,
            %get3A_372 = arith.index_cast %while3A_153 : i32 to index
            %get3A_373 = arith.constant 144 : index
            %get3A_374 = tpu.vector_load %arg9[%get3A_372, %get3A_373] {strides = array<i32>} : memref<16x256xf32, #tpu.memory_space<vmem>>, vector<1x16xf32>,
            %get3A_375 = vector.shape_cast %get3A_374 : vector<1x16xf32> to vector<16xf32>
            %max3A_376 = arith.maximumf %get3A_375, %while3A_282#9 : vector<16xf32>
            %swap3A_377 = arith.index_cast %while3A_153 : i32 to index
            %swap3A_378 = arith.constant 144 : index
            %swap3A_379 = tpu.vector_load %arg9[%swap3A_377, %swap3A_378] {strides = array<i32>} : memref<16x256xf32, #tpu.memory_space<vmem>>, vector<1x16xf32>,
            %swap3A_380 = vector.shape_cast %swap3A_379 : vector<1x16xf32> to vector<16xf32>
            %swap3A_381 = vector.shape_cast %max3A_376 : vector<16xf32> to vector<1x16xf32>
            tpu.vector_store %arg9[%swap3A_377, %swap3A_378], %swap3A_381 {strides = array<i32>} : memref<16x256xf32, #tpu.memory_space<vmem>>, vector<1x16xf32>,
            %get3A_382 = arith.index_cast %while3A_153 : i32 to index
            %get3A_383 = arith.constant 160 : index
            %get3A_384 = tpu.vector_load %arg9[%get3A_382, %get3A_383] {strides = array<i32>} : memref<16x256xf32, #tpu.memory_space<vmem>>, vector<1x16xf32>,
            %get3A_385 = vector.shape_cast %get3A_384 : vector<1x16xf32> to vector<16xf32>
            %max3A_386 = arith.maximumf %get3A_385, %while3A_282#10 : vector<16xf32>
            %swap3A_387 = arith.index_cast %while3A_153 : i32 to index
            %swap3A_388 = arith.constant 160 : index
            %swap3A_389 = tpu.vector_load %arg9[%swap3A_387, %swap3A_388] {strides = array<i32>} : memref<16x256xf32, #tpu.memory_space<vmem>>, vector<1x16xf32>,
            %swap3A_390 = vector.shape_cast %swap3A_389 : vector<1x16xf32> to vector<16xf32>
            %swap3A_391 = vector.shape_cast %max3A_386 : vector<16xf32> to vector<1x16xf32>
            tpu.vector_store %arg9[%swap3A_387, %swap3A_388], %swap3A_391 {strides = array<i32>} : memref<16x256xf32, #tpu.memory_space<vmem>>, vector<1x16xf32>,
            %get3A_392 = arith.index_cast %while3A_153 : i32 to index
            %get3A_393 = arith.constant 176 : index
            %get3A_394 = tpu.vector_load %arg9[%get3A_392, %get3A_393] {strides = array<i32>} : memref<16x256xf32, #tpu.memory_space<vmem>>, vector<1x16xf32>,
            %get3A_395 = vector.shape_cast %get3A_394 : vector<1x16xf32> to vector<16xf32>
            %max3A_396 = arith.maximumf %get3A_395, %while3A_282#11 : vector<16xf32>
            %swap3A_397 = arith.index_cast %while3A_153 : i32 to index
            %swap3A_398 = arith.constant 176 : index
            %swap3A_399 = tpu.vector_load %arg9[%swap3A_397, %swap3A_398] {strides = array<i32>} : memref<16x256xf32, #tpu.memory_space<vmem>>, vector<1x16xf32>,
            %swap3A_400 = vector.shape_cast %swap3A_399 : vector<1x16xf32> to vector<16xf32>
            %swap3A_401 = vector.shape_cast %max3A_396 : vector<16xf32> to vector<1x16xf32>
            tpu.vector_store %arg9[%swap3A_397, %swap3A_398], %swap3A_401 {strides = array<i32>} : memref<16x256xf32, #tpu.memory_space<vmem>>, vector<1x16xf32>,
            %get3A_402 = arith.index_cast %while3A_153 : i32 to index
            %get3A_403 = arith.constant 192 : index
            %get3A_404 = tpu.vector_load %arg9[%get3A_402, %get3A_403] {strides = array<i32>} : memref<16x256xf32, #tpu.memory_space<vmem>>, vector<1x16xf32>,
            %get3A_405 = vector.shape_cast %get3A_404 : vector<1x16xf32> to vector<16xf32>
            %max3A_406 = arith.maximumf %get3A_405, %while3A_282#12 : vector<16xf32>
            %swap3A_407 = arith.index_cast %while3A_153 : i32 to index
            %swap3A_408 = arith.constant 192 : index
            %swap3A_409 = tpu.vector_load %arg9[%swap3A_407, %swap3A_408] {strides = array<i32>} : memref<16x256xf32, #tpu.memory_space<vmem>>, vector<1x16xf32>,
            %swap3A_410 = vector.shape_cast %swap3A_409 : vector<1x16xf32> to vector<16xf32>
            %swap3A_411 = vector.shape_cast %max3A_406 : vector<16xf32> to vector<1x16xf32>
            tpu.vector_store %arg9[%swap3A_407, %swap3A_408], %swap3A_411 {strides = array<i32>} : memref<16x256xf32, #tpu.memory_space<vmem>>, vector<1x16xf32>,
            %get3A_412 = arith.index_cast %while3A_153 : i32 to index
            %get3A_413 = arith.constant 208 : index
            %get3A_414 = tpu.vector_load %arg9[%get3A_412, %get3A_413] {strides = array<i32>} : memref<16x256xf32, #tpu.memory_space<vmem>>, vector<1x16xf32>,
            %get3A_415 = vector.shape_cast %get3A_414 : vector<1x16xf32> to vector<16xf32>
            %max3A_416 = arith.maximumf %get3A_415, %while3A_282#13 : vector<16xf32>
            %swap3A_417 = arith.index_cast %while3A_153 : i32 to index
            %swap3A_418 = arith.constant 208 : index
            %swap3A_419 = tpu.vector_load %arg9[%swap3A_417, %swap3A_418] {strides = array<i32>} : memref<16x256xf32, #tpu.memory_space<vmem>>, vector<1x16xf32>,
            %swap3A_420 = vector.shape_cast %swap3A_419 : vector<1x16xf32> to vector<16xf32>
            %swap3A_421 = vector.shape_cast %max3A_416 : vector<16xf32> to vector<1x16xf32>
            tpu.vector_store %arg9[%swap3A_417, %swap3A_418], %swap3A_421 {strides = array<i32>} : memref<16x256xf32, #tpu.memory_space<vmem>>, vector<1x16xf32>,
            %get3A_422 = arith.index_cast %while3A_153 : i32 to index
            %get3A_423 = arith.constant 224 : index
            %get3A_424 = tpu.vector_load %arg9[%get3A_422, %get3A_423] {strides = array<i32>} : memref<16x256xf32, #tpu.memory_space<vmem>>, vector<1x16xf32>,
            %get3A_425 = vector.shape_cast %get3A_424 : vector<1x16xf32> to vector<16xf32>
            %max3A_426 = arith.maximumf %get3A_425, %while3A_282#14 : vector<16xf32>
            %swap3A_427 = arith.index_cast %while3A_153 : i32 to index
            %swap3A_428 = arith.constant 224 : index
            %swap3A_429 = tpu.vector_load %arg9[%swap3A_427, %swap3A_428] {strides = array<i32>} : memref<16x256xf32, #tpu.memory_space<vmem>>, vector<1x16xf32>,
            %swap3A_430 = vector.shape_cast %swap3A_429 : vector<1x16xf32> to vector<16xf32>
            %swap3A_431 = vector.shape_cast %max3A_426 : vector<16xf32> to vector<1x16xf32>
            tpu.vector_store %arg9[%swap3A_427, %swap3A_428], %swap3A_431 {strides = array<i32>} : memref<16x256xf32, #tpu.memory_space<vmem>>, vector<1x16xf32>,
            %get3A_432 = arith.index_cast %while3A_153 : i32 to index
            %get3A_433 = arith.constant 240 : index
            %get3A_434 = tpu.vector_load %arg9[%get3A_432, %get3A_433] {strides = array<i32>} : memref<16x256xf32, #tpu.memory_space<vmem>>, vector<1x16xf32>,
            %get3A_435 = vector.shape_cast %get3A_434 : vector<1x16xf32> to vector<16xf32>
            %max3A_436 = arith.maximumf %get3A_435, %while3A_282#15 : vector<16xf32>
            %swap3A_437 = arith.index_cast %while3A_153 : i32 to index
            %swap3A_438 = arith.constant 240 : index
            %swap3A_439 = tpu.vector_load %arg9[%swap3A_437, %swap3A_438] {strides = array<i32>} : memref<16x256xf32, #tpu.memory_space<vmem>>, vector<1x16xf32>,
            %swap3A_440 = vector.shape_cast %swap3A_439 : vector<1x16xf32> to vector<16xf32>
            %swap3A_441 = vector.shape_cast %max3A_436 : vector<16xf32> to vector<1x16xf32>
            tpu.vector_store %arg9[%swap3A_437, %swap3A_438], %swap3A_441 {strides = array<i32>} : memref<16x256xf32, #tpu.memory_space<vmem>>, vector<1x16xf32>,
          } else {
          }
          %while3A_174 = arith.constant 0 : i32
          scf.yield %while3A_174 : i32
        }
      } else {
      }
      %add3A_133 = arith.constant 3 : i32
      %add3A_134 = arith.addi %mul3A_49, %add3A_133 : i32
      %lt3A_135 = arith.constant 8 : i32
      %lt3A_136 = arith.cmpi slt, %add3A_134, %lt3A_135 : i32
      %convert_element_type3A_137 = arith.extui %lt3A_136 : i1 to i32
      %cond3A_138 = arith.constant 0 : i32
      %cond3A_139 = arith.cmpi ne, %convert_element_type3A_137, %cond3A_138 : i32
      scf.if %cond3A_139 {
        %add3A_141 = arith.constant 3 : i32
        %add3A_142 = arith.addi %mul3A_49, %add3A_141 : i32
        %mul3A_143 = arith.constant 128 : i32
        %mul3A_144 = arith.muli %add3A_142, %mul3A_143 : i32
        %add3A_145 = arith.addi %mul3A_2, %mul3A_144 : i32
        %dma_start3A_146 = arith.constant 1 : i32
        %dma_start3A_147 = arith.constant 0 : i32
        %dma_start3A_148 = arith.constant 0 : i32
        %dma_start3A_149 = tpu.memref_slice %arg8[%dma_start3A_146, %dma_start3A_147, %dma_start3A_148] : memref<2x128x256xf32, #tpu.memory_space<vmem>> -> memref<1x128x256xf32, #tpu.memory_space<vmem>>
        %dma_start3A_150 = tpu.memref_squeeze %dma_start3A_149 : memref<1x128x256xf32, #tpu.memory_space<vmem>> -> memref<128x256xf32, #tpu.memory_space<vmem>>
        %dma_start3A_151 = arith.constant 0 : i32
        %dma_start3A_152 = tpu.memref_slice %arg2[%add3A_145, %dma_start3A_151] : memref<32768x256xf32, #tpu.memory_space<hbm>> -> memref<128x256xf32, #tpu.memory_space<hbm>>
        %dma_start3A_153 = arith.constant 0 : i32
        %dma_start3A_154 = arith.constant 0 : i32
        %dma_start3A_155 = tpu.memref_slice %arg8[%dma_start3A_146, %dma_start3A_153, %dma_start3A_154] : memref<2x128x256xf32, #tpu.memory_space<vmem>> -> memref<1x128x256xf32, #tpu.memory_space<vmem>>
        %dma_start3A_156 = tpu.memref_squeeze %dma_start3A_155 : memref<1x128x256xf32, #tpu.memory_space<vmem>> -> memref<128x256xf32, #tpu.memory_space<vmem>>
        %dma_start3A_157 = arith.constant 0 : i32
        %dma_start3A_158 = tpu.memref_slice %arg2[%add3A_145, %dma_start3A_157] : memref<32768x256xf32, #tpu.memory_space<hbm>> -> memref<128x256xf32, #tpu.memory_space<hbm>>
        tpu.enqueue_dma source(%dma_start3A_158 : memref<128x256xf32, #tpu.memory_space<hbm>>) target(%dma_start3A_156 : memref<128x256xf32, #tpu.memory_space<vmem>>) target_semaphore(%arg11 : memref<!tpu.dma_semaphore, #tpu.memory_space<semaphore_mem>>)
      } else {
      }
      %scan3A_140 = arith.constant 0 : i32
      scf.yield %scan3A_140 : i32
    }
    %scan3A_45 = arith.constant 4 : i32
    "tpu.region"() ({
      %run_scoped3A = tpu.sem_alloc : memref<!tpu.dma_semaphore, #tpu.memory_space<semaphore_mem>>
      %dma_start3A_46 = arith.constant 0 : i32
      %dma_start3A_47 = arith.constant 0 : i32
      %dma_start3A_48 = tpu.memref_slice %arg5[%add3A, %dma_start3A_46, %dma_start3A_47] : memref<32x16x256xf32, #tpu.memory_space<hbm>> -> memref<1x16x256xf32, #tpu.memory_space<hbm>>
      %dma_start3A_49 = tpu.memref_squeeze %dma_start3A_48 : memref<1x16x256xf32, #tpu.memory_space<hbm>> -> memref<16x256xf32, #tpu.memory_space<hbm>>
      %dma_start3A_50 = arith.constant 0 : i32
      %dma_start3A_51 = arith.constant 0 : i32
      %dma_start3A_52 = tpu.memref_slice %arg5[%add3A, %dma_start3A_50, %dma_start3A_51] : memref<32x16x256xf32, #tpu.memory_space<hbm>> -> memref<1x16x256xf32, #tpu.memory_space<hbm>>
      %dma_start3A_53 = tpu.memref_squeeze %dma_start3A_52 : memref<1x16x256xf32, #tpu.memory_space<hbm>> -> memref<16x256xf32, #tpu.memory_space<hbm>>
      tpu.enqueue_dma source(%arg9 : memref<16x256xf32, #tpu.memory_space<vmem>>) target(%dma_start3A_53 : memref<16x256xf32, #tpu.memory_space<hbm>>) target_semaphore(%run_scoped3A : memref<!tpu.dma_semaphore, #tpu.memory_space<semaphore_mem>>)
      %dma_wait3A = arith.constant 0 : i32
      %dma_wait3A_54 = arith.constant 0 : i32
      %dma_wait3A_55 = tpu.memref_slice %arg5[%add3A, %dma_wait3A, %dma_wait3A_54] : memref<32x16x256xf32, #tpu.memory_space<hbm>> -> memref<1x16x256xf32, #tpu.memory_space<hbm>>
      %dma_wait3A_56 = tpu.memref_squeeze %dma_wait3A_55 : memref<1x16x256xf32, #tpu.memory_space<hbm>> -> memref<16x256xf32, #tpu.memory_space<hbm>>
      %dma_wait3A_57 = arith.constant 0 : i32
      %dma_wait3A_58 = arith.constant 0 : i32
      %dma_wait3A_59 = tpu.memref_slice %arg5[%add3A, %dma_wait3A_57, %dma_wait3A_58] : memref<32x16x256xf32, #tpu.memory_space<hbm>> -> memref<1x16x256xf32, #tpu.memory_space<hbm>>
      %dma_wait3A_60 = tpu.memref_squeeze %dma_wait3A_59 : memref<1x16x256xf32, #tpu.memory_space<hbm>> -> memref<16x256xf32, #tpu.memory_space<hbm>>
      tpu.wait_dma2 semaphore(%run_scoped3A : memref<!tpu.dma_semaphore, #tpu.memory_space<semaphore_mem>>) src(%arg9 : memref<16x256xf32, #tpu.memory_space<vmem>>) dst(%dma_wait3A_60 : memref<16x256xf32, #tpu.memory_space<hbm>>)
      tpu.yield
    }) : () -> ()
    return
  }
}

</mosaic_0001>

<sc_bundles>
// kernel: _segmax_sc.3.cloned.1.call-start
scs
__scs_entry_jumppad:
0x0: {  	(pc) =	sbr.rel $0x88, $3  }
0x1: {  	(tag) =	ssettag $0x0;
	lr =	simm.s32 $0x1  }
0x2: {  	[smem:$0x3F9E] =	sst lr;
	_ =	strace $0xD0000000  }
0x3: {  	_ = 	snop  }
0x4: {  	_ = 	snop  }
0x5: {  	_ = 	snop  }
0x6: {  	_ = 	snop  }
0x7: {  	_ = 	snop  }
__scs_overlays_trampoline_lowered:
0x8: {  	[smem:$0x3FAD] =	sst s0  }
0x9: {  	[smem:$0x3FAE] =	sst s1  }
0xa: {  	[smem:$0x3FAF] =	sst s2  }
0xb: {  	[smem:$0x3FB0] =	sst s3  }
0xc: {  	[smem:$0x3FB1] =	sst s4  }
0xd: {  	[smem:$0x3FB2] =	sst s5  }
0xe: {  	[smem:$0x3FB3] =	sst s6  }
0xf: {  	[smem:$0x3FB4] =	sst s7  }
0x10: {  	[smem:$0x3FB5] =	sst s8  }
0x11: {  	[smem:$0x3FB6] =	sst s9;
	s0 =	simm.s32 @!p0 $0x0  }
0x12: {  	s1 =	sld [smem:$0x3F9C];
	s0 =	simm.s32 @p0 $0x1  }
0x13: {  	[smem:$0x3FB7] =	sst s0;
	s0 =	simm.s32 @!p1 $0x0  }
0x14: {  	s2 =	sld [smem:$0x3F9B];
	s0 =	simm.s32 @p1 $0x1  }
0x15: {  	[smem:$0x3FB8] =	sst s0;
	s0 =	simm.s32 @!p2 $0x0  }
0x16: {  	s3 =	sld [smem:$0x3FDB];
	s0 =	simm.s32 @p2 $0x1  }
0x17: {  	s4 =	simm.s32 $0x1BF5;
	[smem:$0x3FBA] =	sst s0  }
0x18: {  	s0 =	sld [smem:$0x3F9D];
	_ =	swait.ge [sflag:s4], $0x0  }
0x19: {  	s7 =	sld [smem:$0x3F9E]  }
0x1a: {  	s8 =	sadd.s32 $0xFFFFE003, lr  }
0x1b: {  	s9 =	sadd.s32 $0xFFFFFEF7, lr;
	s5 =	simm.s32 $0xFFFFFFFF;
	p2 =	slt.u32 s8, $0xFFFFF086  }
0x1c: {  	p1 =	slt.u32 s9, $0xF7A;
	s5 =	simm.s32 @!p2 $0x0  }
0x1d: {  	s5 =	simm.s32 @p1 $0x1;
	p0 =	seq.s32 s7, s2  }
0x1e: {  	s7 =	smul.u32 @!p0 $0xF7A, s2;
	p2 =	seq.s32 @!p0 s5, $0x0  }
0x1f: {  	s9 =	smul.u32 $0xF7A, s1;
	s8 =	simm.s32 @!p0 $0x1BF5;
	p2 =	por !p2, p0  }
0x20: {  	[sflag:s8] =	ssyncset.s32 @!p0 $0xFFFFF086;
	s6 =	sadd.s32 @!p0 s3, s7;
	s7 =	simm.s32 @!p0 $0x108  }
0x21: {  	s3 =	sadd.s32 s3, s9;
	s6 =	sadd.s32 @!p0 $0x88, s6;
	s7 =	simm.s32 @p2 $0x1082  }
0x22: {  	[simem:s7], [sflag:s8] =	dma.local @!p0 [hbm:s6], $0xF7A  }
0x23: {  	s9 =	sor.u32 $0xD0000000, s2;
	s6 =	simm.s32 $0x108;
	_ =	swait.ge @!p0 [sflag:s8], $0x0  }
0x24: {  	s3 =	sadd.s32 $0x88, s3;
	s6 =	simm.s32 @!p1 $0x1082;
	[sflag:s4] =	ssyncset.s32 $0xFFFFF086  }
0x25: {  	[simem:s6], [sflag:s4] =	dma.local [hbm:s3], $0xF7A  }
0x26: {  	[smem:$0x3F9E] =	sst s1;
	(tag) =	ssettag s2;
	_ =	strace s9  }
0x27: {  	s1 =	sld [smem:$0x3FAE]  }
0x28: {  	s2 =	sld [smem:$0x3FAF]  }
0x29: {  	s4 =	sld [smem:$0x3FB1]  }
0x2a: {  	p0 =	seq.s32 s5, $0x0;
	s5 =	sld [smem:$0x3FB2]  }
0x2b: {  	s6 =	sld [smem:$0x3FB3]  }
0x2c: {  	s7 =	sld [smem:$0x3FB4]  }
0x2d: {  	s3 =	simm.s32 $0x108;
	s8 =	sld [smem:$0x3FB5]  }
0x2e: {  	s3 =	simm.s32 @!p0 $0x1082;
	s9 =	sld [smem:$0x3FB6]  }
0x2f: {  	lr =	sadd.s32 s0, s3;
	s0 =	sld [smem:$0x3FAD]  }
0x30: {  	s3 =	sld [smem:$0x3FB0]  }
0x31: {  	[smem:$0x3FB9] =	sst s10  }
0x32: {  	s10 =	sld [smem:$0x3FB7];
	_ =	sdelay $0x3  }
0x33: {  	p0 =	seq.s32 s10, $0x1;
	s10 =	sld [smem:$0x3FB9];
	_ =	sdelay $0x3  }
0x34: {  	[smem:$0x3FB9] =	sst s10  }
0x35: {  	s10 =	sld [smem:$0x3FB8];
	_ =	sdelay $0x3  }
0x36: {  	p1 =	seq.s32 s10, $0x1;
	s10 =	sld [smem:$0x3FB9];
	_ =	sdelay $0x3  }
0x37: {  	[smem:$0x3FB9] =	sst s10  }
0x38: {  	s10 =	sld [smem:$0x3FBA]  }
0x39: {  	_ = 	snop;
	(pc) =	sbr.ind lr, $3  }
0x3a: {  	_ = 	snop  }
0x3b: {  	_ = 	snop  }
0x3c: {  	p2 =	seq.s32 s10, $0x1;
	s10 =	sld [smem:$0x3FB9]  }
0x3d: {  	_ =	shalt  }
0x3e: {  	_ =	shalt  }
0x3f: {  	_ =	shalt  }
0x40: {  	_ =	shalt  }
0x41: {  	_ =	shalt  }
0x42: {  	_ =	shalt  }
0x43: {  	_ =	shalt  }
0x44: {  	_ =	shalt  }
0x45: {  	_ =	shalt  }
0x46: {  	_ =	shalt  }
0x47: {  	_ =	shalt  }
0x48: {  	_ =	shalt  }
0x49: {  	_ =	shalt  }
0x4a: {  	_ =	shalt  }
0x4b: {  	_ =	shalt  }
0x4c: {  	_ =	shalt  }
0x4d: {  	_ =	shalt  }
0x4e: {  	_ =	shalt  }
0x4f: {  	_ =	shalt  }
0x50: {  	_ =	shalt  }
0x51: {  	_ =	shalt  }
0x52: {  	_ =	shalt  }
0x53: {  	_ =	shalt  }
0x54: {  	_ =	shalt  }
0x55: {  	_ =	shalt  }
0x56: {  	_ =	shalt  }
0x57: {  	_ =	shalt  }
0x58: {  	_ =	shalt  }
0x59: {  	_ =	shalt  }
0x5a: {  	_ =	shalt  }
0x5b: {  	_ =	shalt  }
0x5c: {  	_ =	shalt  }
0x5d: {  	_ =	shalt  }
0x5e: {  	_ =	shalt  }
0x5f: {  	_ =	shalt  }
0x60: {  	_ =	shalt  }
0x61: {  	_ =	shalt  }
0x62: {  	_ =	shalt  }
0x63: {  	_ =	shalt  }
0x64: {  	_ =	shalt  }
0x65: {  	_ =	shalt  }
0x66: {  	_ =	shalt  }
0x67: {  	_ =	shalt  }
0x68: {  	_ =	shalt  }
0x69: {  	_ =	shalt  }
0x6a: {  	_ =	shalt  }
0x6b: {  	_ =	shalt  }
0x6c: {  	_ =	shalt  }
0x6d: {  	_ =	shalt  }
0x6e: {  	_ =	shalt  }
0x6f: {  	_ =	shalt  }
0x70: {  	_ =	shalt  }
0x71: {  	_ =	shalt  }
0x72: {  	_ =	shalt  }
0x73: {  	_ =	shalt  }
0x74: {  	_ =	shalt  }
0x75: {  	_ =	shalt  }
0x76: {  	_ =	shalt  }
0x77: {  	_ =	shalt  }
0x78: {  	_ =	shalt  }
0x79: {  	_ =	shalt  }
0x7a: {  	_ =	shalt  }
0x7b: {  	_ =	shalt  }
0x7c: {  	_ =	shalt  }
0x7d: {  	_ =	shalt  }
0x7e: {  	_ =	shalt  }
0x7f: {  	_ =	shalt  }
0x80: {  	_ =	shalt  }
0x81: {  	_ =	shalt  }
0x82: {  	_ =	shalt  }
0x83: {  	_ =	shalt  }
0x84: {  	_ =	shalt  }
0x85: {  	_ =	shalt  }
0x86: {  	_ =	shalt  }
0x87: {  	_ =	shalt  }
.Lfunc_end0:
.L_simem_size_0:
called_computation_lowered:
.L_overlay_start_0:
0x88: {  	s2 =	sld [smem:$0x3FD9]  }
0x89: {  	s3 =	sld [smem:$0x3FFE];
	_ =	sdelay $0x1  }
0x8a: {  	s1 =	srdreg.scid  }
0x8b: {  	s0 =	sand.u32 $0x1, s1  }
0x8c: {  	s18 =	sshll.u32 s0, $0xA;
	s2 =	sadd.s32 s3, s2  }
0x8d: {  	s2 =	sadd.s32 s2, s18  }
0x8e: {  	[smem:$0x3FC5] =	sst s2  }
0x8f: {  	_ = 	snop  }
0x90: {  	s2 =	sld [smem:$0x3FC9]  }
0x91: {  	s19 =	sld [smem:$0x3FC8]  }
0x92: {  	s4 =	sld [smem:$0x3FC7]  }
0x93: {  	s5 =	sld [smem:$0x3FD0];
	(tm) =	ssettm $0x1  }
0x94: {  	s6 =	sld [smem:$0x3FFB];
	_ =	sdelay $0x3  }
0x95: {  	_ =	strace s6  }
0x96: {  	s6 =	sld [smem:$0x3FFC];
	_ =	sdelay $0x3  }
0x97: {  	_ =	strace s6  }
0x98: {  	s6 =	sld [smem:$0x3FFD];
	_ =	sdelay $0x3  }
0x99: {  	_ =	strace s6  }
0x9a: {  	_ =	strace $0x8FFFFFFF  }
0x9b: {  	s20 =	sld [smem:$0x3FDB];
	_ =	sdelay $0x1  }
0x9c: {  	s7 =	simm.s32 $_scs_section_size  }
0x9d: {  	s8 =	simm.s32 $_size__tile_overlayer_lowered;
	s9 =	simm.s32 $_tile_overlayer_lowered  }
0x9e: {  	s23 =	simm.s32 $0x1BFF;
	s22 =	sshll.u32 s9, $0x1;
	s6 =	sadd.s32 s7, s20  }
0x9f: {  	s10 =	simm.s32 $0x0;
	s21 =	sshll.u32 s8, $0x1;
	s8 =	sadd.s32 s22, s6  }
0xa0: {  	[timem:s10], [sflag:s23] =	dma.local [hbm:s8], s21  }
0xa1: {  	_ =	swait.ge [sflag:s23], s21  }
0xa2: {  	s7 =	ssub.s32 $0x0, s21;
	[sflag:s23] =	ssyncset.done $0x0  }
0xa3: {  	[sflag:s23] =	ssyncadd.s32 s7;
	_ =	sdelay $0x1  }
0xa4: {  	s24 =	simm.s32 $0x1B8B  }
0xa5: {  	_ =	swait.ge [sflag:s24], $0x1  }
0xa6: {  	[sflag:s24] =	ssyncset.done $0x0  }
0xa7: {  	s25 =	simm.s32 $0x1B8E;
	[sflag:s24] =	ssyncadd.s32 $0xFFFFFFFF  }
0xa8: {  	s26 =	simm.s32 $execute0_lowered;
	[smem:$0x3FD2] =	sst s25  }
0xa9: {  	s7 =	sshll.u32 s26, $0x1;
	_ =	strace $0x80000046;
	[dreg:$0x1] =	wrdreg $0xFFFFFFFF  }
0xaa: {  	s28 =	simm.s32 $_size_execute0_lowered;
	s6 =	sadd.s32 s6, s7;
	[dreg:$0x0] =	wrdreg $0x0  }
0xab: {  	s7 =	sshll.u32 s28, $0x1;
	[dreg:$0x2] =	wrdreg s6  }
0xac: {  	[dreg:$0x3] =	wrdreg s7  }
0xad: {  	[dreg:$0x4] =	wrdreg $0xC0  }
0xae: {  	_ =	task [dreg:s10], $0x5FFFF  }
0xaf: {  	[dreg:$0x1] =	wrdreg $0xFFFFFFFF  }
0xb0: {  	[dreg:$0x0] =	wrdreg $0x60  }
0xb1: {  	[dreg:$0x2] =	wrdreg s2  }
0xb2: {  	[dreg:$0x3] =	wrdreg s19  }
0xb3: {  	[dreg:$0x4] =	wrdreg s4  }
0xb4: {  	[dreg:$0x5] =	wrdreg s5  }
0xb5: {  	[dreg:$0x6] =	wrdreg $0x9  }
0xb6: {  	_ =	task.clear_ibuf [dreg:s10], $0x7FFFF;
	_ =	strace $0x90000046  }
0xb7: {  	s29 =	simm.s32 $0x9;
	_ =	strace $0x80000048  }
0xb8: {  	_ =	swait.ge [sflag:s29], $0x1  }
0xb9: {  	[sflag:s29] =	ssyncadd.s32 $0xFFFFFFFF  }
0xba: {  	_ =	strace $0x90000048  }
0xbb: {  	_ =	sfence  }
0xbc: {  	s30 =	sld [smem:$0x0];
	_ =	sdelay $0x2  }
0xbd: {  	s31 =	sshll.u32 s1, $0xD;
	s1 =	sshrl.u32 s1, $0x2  }
0xbe: {  	s3 =	sand.u32 $0x4000, s31;
	s1 =	sadd.s32 s1, s30  }
0xbf: {  	s0 =	sor.u32 s3, s0;
	s1 =	sshll.u32 s1, $0x11  }
0xc0: {  	s0 =	sor.u32 s1, s0  }
0xc1: {  	s0 =	sadd.s32 $0x8F2B, s0  }
0xc2: {  	[sflag:s0] =	ssyncadd.remote.s32 $0x1  }
0xc3: {  	_ =	sfence.sel $0xFFFF  }
0xc4: {  	[dreg:$0x0] =	wrdreg $0xFFFFFFFF;
	(pc) =	sbr.abs _section_cstart, $3  }
0xc5: {  	[dreg:$0x1] =	wrdreg $0xFFFFFFFF  }
0xc6: {  	_ =	task.clear_ibuf [dreg:s10], $0x2FFFF;
	_ =	strace $0x9FFFFFFF  }
0xc7: {  	(tm) =	ssettm $0x7FFFFFFF  }
tec
execute0_lowered:
.L_overlay_start_1:
0x0: {  	(tag) =	ssettag $0x1  }
0x1: {  	s0 =	rddreg [dreg:$0x0]  }
0x2: {  	s1 =	rddreg [dreg:$0x1]  }
0x3: {  	s2 =	rddreg [dreg:$0x3]  }
0x4: {  	s3 =	srdreg.scid;
	s10 =	stileid.u32  }
0x5: {  	s17 =	simm.s32 $0x8480;
	s18 =	simm.s32 $0x3;
	s20 =	simm.s32 $0x1  }
0x6: {  	s21 =	simm.s32 $0x2;
	s23 =	simm.s32 $0x0;
	s6 =	sand.u32 $0x1, s3  }
0x7: {  	s3 =	simm.s32 $0x0;
	s5 =	sshll.u32 s10, $0x1;
	s30 =	sshll.u32 s10, $0xB  }
0x8: {  	s4 =	ssub.s32 $0x2, s6;
	[smem:$0x7FF] =	sst s3;
	s9 =	sor.u32 s6, s5  }
0x9: {  	s29 =	sshll.u32 s6, $0xA;
	s7 =	sshrl.u32 s4, $0x1;
	_ =	strace $0x80000047  }
0xa: {  	s5 =	sshll.u32 s9, $0xF;
	s26 =	sshll.u32 s9, $0x7;
	s28 =	sshll.u32 s9, $0x9  }
0xb: {  	s11 =	sor.u32 s30, s29;
	s7 =	ssub.s32 s4, s7;
	s4 =	sshll.u32 s9, $0xA  }
.Ltmp0:
0xc: {  	s5 =	sadd.s32 s0, s5;
	s0 =	sadd.s32 s1, s26;
	(pc) =	sbr.rel .LBB2_1-.Ltmp0, $4  }
0xd: {  	s13 =	ssub.s32 $0x1, s11;
	s8 =	sadd.s32 $0x1000, s5;
	[dreg:$0x6] =	wrdreg s0  }
0xe: {  	s14 =	sxor.u32 $0xFFFFFF81, s11;
	s0 =	sadd.s32 s2, s28;
	[dreg:$0x5] =	wrdreg s8  }
0xf: {  	s15 =	sor.u32 $0x80, s11;
	s31 =	smax.u32 s7, $0x1;
	[dreg:$0x7] =	wrdreg s0  }
0x10: {  	v0 =	vimm.f32 $-Inf;
	s9 =	sadd.s32 $0x3000, s5;
	s8 =	sadd.s32 $0x2000, s5;
	[dreg:$0x8] =	wrdreg s31  }
.LBB2_32:
0x11: {  	s0 =	rddreg [dreg:$0x7];
	s1 =	simm.s32 $0x10480  }
0x12: {  	[hbm4b:s0+s3] =	stream.linear.scatter [tilespmem:s1], [sflag:$0x3], $0x1000, $0x38;
	[tilespmem:$0x11480] =	vst v63  }
0x13: {  	_ =	swait.ge [sflag:s18], $0x1000  }
0x14: {  	s23 =	sadd.s32 $0x1, s23;
	s31 =	rddreg [dreg:$0x8]  }
0x15: {  	p0 =	sne.s32 s23, s31  }
.Ltmp1:
0x16: {  	_ = 	snop;
	(pc) =	sbr.rel @!p0 .LBB2_33-.Ltmp1, $3  }
0x17: {  	_ =	sdelay $0x1  }
0x18: {  	[sflag:s18] =	ssyncset.done $0x0  }
0x19: {  	[sflag:s18] =	ssyncadd.s32 $0xFFFFF000  }
.LBB2_1:
0x1a: {  	s0 =	simm.s32 $0x480  }
0x1b: {  	[tilespmem:s0], [sflag:$0x1] =	stream.linear.gather [hbm4b:s5+s3], $0x8000, $0x38;
	[tilespmem:$0x11480] =	vst v63  }
0x1c: {  	s26 =	rddreg [dreg:$0x5]  }
0x1d: {  	[tilespmem:s17], [sflag:$0x2] =	stream.linear.gather [hbm4b:s26+s3], $0x8000, $0x38;
	[tilespmem:$0x11480] =	vst v63  }
0x1e: {  	s28 =	rddreg [dreg:$0x6]  }
0x1f: {  	[tilespmem:s3], [sflag:$0x3] =	stream.linear.gather [hbm4b:s28+s3], $0x400, $0x38;
	[tilespmem:$0x11480] =	vst v63  }
0x20: {  	_ =	swait.ge [sflag:s18], $0x400  }
0x21: {  	[sflag:s18] =	ssyncset.done $0x0  }
0x22: {  	[sflag:s18] =	ssyncadd.s32 $0xFFFFFC00  }
0x23: {  	s1 =	simm.s32 $0x400;
	s29 =	rddreg [dreg:$0x2]  }
0x24: {  	[tilespmem:s1], [sflag:$0x3] =	stream.linear.gather [hbm4b:s29+s3], $0x80, $0x38;
	[tilespmem:$0x11480] =	vst v63  }
0x25: {  	_ =	swait.ge [sflag:s18], $0x80  }
0x26: {  	s30 =	sand.u32 $0x800, s3;
	s31 =	sand.u32 $0x380, s3;
	[sflag:s18] =	ssyncset.done $0x0  }
0x27: {  	s1 =	sor.u32 s31, s30;
	[sflag:s18] =	ssyncadd.s32 $0xFFFFFF80  }
0x28: {  	s0 =	sadd.s32 $0x10480, s1;
	[tilespmem:s1+$0x10480] =	vst v0  }
0x29: {  	[tilespmem:s0+$0x40] =	vst v0  }
0x2a: {  	[tilespmem:s0+$0x50] =	vst v0  }
0x2b: {  	[tilespmem:s0+$0x60] =	vst v0  }
0x2c: {  	[tilespmem:s0+$0x70] =	vst v0  }
0x2d: {  	[tilespmem:s0+$0x400] =	vst v0  }
0x2e: {  	[tilespmem:s0+$0x410] =	vst v0  }
0x2f: {  	[tilespmem:s0+$0x420] =	vst v0  }
0x30: {  	[tilespmem:s0+$0x430] =	vst v0  }
0x31: {  	[tilespmem:s0+$0x440] =	vst v0  }
0x32: {  	[tilespmem:s0+$0x450] =	vst v0  }
0x33: {  	[tilespmem:s0+$0x460] =	vst v0  }
0x34: {  	[tilespmem:s0+$0x10] =	vst v0  }
0x35: {  	s2 =	simm.s32 $0x100;
	s1 =	simm.s32 $0x80;
	[tilespmem:s0+$0x20] =	vst v0  }
0x36: {  	s6 =	sand.u32 $0x800, s2;
	s2 =	simm.s32 $0x200;
	[tilespmem:s0+$0x30] =	vst v0;
	s7 =	sand.u32 $0x380, s1  }
.LBB2_2:
0x37: {  	p0 =	sne.s32 s2, $0xF00;
	s6 =	sor.u32 s7, s6;
	[tilespmem:s0+$0x470] =	vst v0  }
0x38: {  	s0 =	sadd.s32 $0x10480, s6;
	[tilespmem:s6+$0x10480] =	vst v0  }
0x39: {  	[tilespmem:s0+$0x10] =	vst v0  }
0x3a: {  	[tilespmem:s0+$0x20] =	vst v0  }
0x3b: {  	[tilespmem:s0+$0x30] =	vst v0  }
0x3c: {  	[tilespmem:s0+$0x40] =	vst v0  }
0x3d: {  	[tilespmem:s0+$0x50] =	vst v0  }
0x3e: {  	[tilespmem:s0+$0x60] =	vst v0  }
0x3f: {  	[tilespmem:s0+$0x70] =	vst v0  }
0x40: {  	[tilespmem:s0+$0x400] =	vst v0  }
0x41: {  	[tilespmem:s0+$0x410] =	vst v0  }
.Ltmp2:
0x42: {  	[tilespmem:s0+$0x420] =	vst v0;
	(pc) =	sbr.rel @p0 .LBB2_2-.Ltmp2, $4  }
0x43: {  	[tilespmem:s0+$0x430] =	vst v0  }
0x44: {  	[tilespmem:s0+$0x440] =	vst v0  }
0x45: {  	s1 =	sadd.s32 $0x80, s1;
	[tilespmem:s0+$0x450] =	vst v0  }
0x46: {  	s6 =	sand.u32 $0x800, s2;
	s7 =	sand.u32 $0x380, s1;
	s2 =	sadd.s32 $0x100, s2;
	[tilespmem:s0+$0x460] =	vst v0  }
0x47: {  	s1 =	sor.u32 s7, s6;
	[tilespmem:s0+$0x470] =	vst v0  }
0x48: {  	s31 =	sadd.s32 $0x10480, s1;
	[tilespmem:s1+$0x10480] =	vst v0  }
0x49: {  	[tilespmem:s31+$0x10] =	vst v0  }
0x4a: {  	[tilespmem:s31+$0x20] =	vst v0  }
0x4b: {  	[tilespmem:s31+$0x30] =	vst v0  }
0x4c: {  	[tilespmem:s31+$0x40] =	vst v0  }
0x4d: {  	[tilespmem:s31+$0x50] =	vst v0  }
0x4e: {  	[tilespmem:s31+$0x60] =	vst v0  }
0x4f: {  	[tilespmem:s31+$0x70] =	vst v0  }
0x50: {  	[tilespmem:s31+$0x400] =	vst v0  }
0x51: {  	[tilespmem:s31+$0x410] =	vst v0  }
0x52: {  	[tilespmem:s31+$0x420] =	vst v0  }
0x53: {  	[tilespmem:s31+$0x430] =	vst v0  }
0x54: {  	[tilespmem:s31+$0x440] =	vst v0  }
0x55: {  	[tilespmem:s31+$0x450] =	vst v0  }
0x56: {  	s24 =	simm.s32 $0x0;
	s25 =	smov.u32 s15;
	[tilespmem:s31+$0x460] =	vst v0  }
0x57: {  	s26 =	smov.u32 s14;
	s28 =	smov.u32 s11;
	s29 =	smov.u32 s13;
	[tilespmem:s31+$0x470] =	vst v0  }
.LBB2_4:
0x58: {  	_ =	swait.ge [sflag:s20], $0x8000  }
0x59: {  	[sflag:s20] =	ssyncset.done $0x0  }
0x5a: {  	s31 =	sshll.u32 s24, $0x8;
	[sflag:s20] =	ssyncadd.s32 $0xFFFF8000  }
0x5b: {  	v1 =	vld [tilespmem:s31+$0x0]  }
0x5c: {  	v2 =	vld [tilespmem:s31+$0x70];
	_ =	sdelay $0x3  }
0x5d: {  	(v2sf) =	vpush v1, $0x0  }
0x5e: {  	(v2sf) =	vpush v2, $0xF;
	_ =	sdelay $0xd  }
0x5f: {  	s30 =	spop (v2sf)  }
0x60: {  	s0 =	spop (v2sf)  }
0x61: {  	p0 =	sne.s32 s30, s0  }
.Ltmp3:
0x62: {  	_ = 	snop;
	(pc) =	sbr.rel @p0 .LBB2_8-.Ltmp3, $1  }
0x63: {  	_ =	sdelay $0x3  }
0x64: {  	v1 =	vld [tilespmem:$0x480]  }
0x65: {  	v2 =	vld [tilespmem:$0x500]  }
0x66: {  	v3 =	vld [tilespmem:$0x490]  }
0x67: {  	v4 =	vld [tilespmem:$0x510]  }
0x68: {  	v5 =	vld [tilespmem:$0x4A0]  }
0x69: {  	v6 =	vld [tilespmem:$0x520]  }
0x6a: {  	v7 =	vld [tilespmem:$0x4B0]  }
0x6b: {  	v8 =	vld [tilespmem:$0x530]  }
0x6c: {  	v9 =	vld [tilespmem:$0x4C0]  }
0x6d: {  	v10 =	vld [tilespmem:$0x540]  }
0x6e: {  	v11 =	vld [tilespmem:$0x4D0]  }
0x6f: {  	v12 =	vld [tilespmem:$0x550]  }
0x70: {  	v13 =	vld [tilespmem:$0x4E0]  }
0x71: {  	v14 =	vld [tilespmem:$0x560]  }
0x72: {  	v15 =	vld [tilespmem:$0x4F0]  }
0x73: {  	v16 =	vld [tilespmem:$0x570]  }
0x74: {  	v17 =	vld [tilespmem:$0x880]  }
0x75: {  	v18 =	vld [tilespmem:$0x900]  }
0x76: {  	v19 =	vld [tilespmem:$0x890]  }
0x77: {  	v20 =	vld [tilespmem:$0x910]  }
0x78: {  	v21 =	vld [tilespmem:$0x8A0]  }
0x79: {  	v22 =	vld [tilespmem:$0x920]  }
0x7a: {  	v23 =	vld [tilespmem:$0x8B0]  }
0x7b: {  	v24 =	vld [tilespmem:$0x930]  }
0x7c: {  	v25 =	vld [tilespmem:$0x8C0]  }
0x7d: {  	v26 =	vld [tilespmem:$0x940]  }
0x7e: {  	v27 =	vld [tilespmem:$0x8D0]  }
0x7f: {  	v28 =	vld [tilespmem:$0x950]  }
0x80: {  	v29 =	vld [tilespmem:$0x8E0]  }
0x81: {  	v30 =	vld [tilespmem:$0x960];
	s0 =	simm.s32 $0x100;
	s1 =	simm.s32 $0x200  }
0x82: {  	v31 =	vld [tilespmem:$0x8F0];
	s1 =	sand.u32 $0x7800, s1;
	s0 =	sand.u32 $0x300, s0  }
0x83: {  	v32 =	vld [tilespmem:$0x970];
	s16 =	sor.u32 s0, s1  }
0x84: {  	v33 =	vld [tilespmem:s16+$0x8F0]  }
0x85: {  	v34 =	vld [tilespmem:s16+$0x970]  }
0x86: {  	v35 =	vld [tilespmem:s16+$0x480]  }
0x87: {  	v36 =	vld [tilespmem:s16+$0x500]  }
0x88: {  	v37 =	vld [tilespmem:s16+$0x490]  }
0x89: {  	v38 =	vld [tilespmem:s16+$0x510]  }
0x8a: {  	v39 =	vld [tilespmem:s16+$0x4A0]  }
0x8b: {  	v40 =	vld [tilespmem:s16+$0x520]  }
0x8c: {  	v41 =	vld [tilespmem:s16+$0x4B0]  }
0x8d: {  	v42 =	vld [tilespmem:s16+$0x530]  }
0x8e: {  	v43 =	vld [tilespmem:s16+$0x4C0]  }
0x8f: {  	v44 =	vld [tilespmem:s16+$0x540]  }
0x90: {  	v45 =	vld [tilespmem:s16+$0x4D0]  }
0x91: {  	v46 =	vld [tilespmem:s16+$0x550]  }
0x92: {  	v47 =	vld [tilespmem:s16+$0x4E0]  }
0x93: {  	v48 =	vld [tilespmem:s16+$0x560]  }
0x94: {  	v49 =	vld [tilespmem:s16+$0x4F0]  }
0x95: {  	v50 =	vld [tilespmem:s16+$0x570]  }
0x96: {  	v51 =	vld [tilespmem:s16+$0x900];
	v2 =	vmax.f32 v1, v2;
	v3 =	vmax.f32 v3, v4;
	v4 =	vmax.f32 v5, v6  }
0x97: {  	v55 =	vld [tilespmem:s16+$0x890];
	v6 =	vmax.f32 v7, v8;
	v7 =	vmax.f32 v9, v10;
	v9 =	vmax.f32 v11, v12  }
0x98: {  	v61 =	vld [tilespmem:s16+$0x8A0];
	v52 =	vmax.f32 v13, v14;
	v53 =	vmax.f32 v15, v16;
	v54 =	vmax.f32 v17, v18  }
0x99: {  	v62 =	vld [tilespmem:s16+$0x920];
	v56 =	vmax.f32 v19, v20;
	v22 =	vmax.f32 v21, v22;
	v23 =	vmax.f32 v23, v24  }
0x9a: {  	v63 =	vld [tilespmem:s16+$0x8B0];
	v10 =	vmax.f32 v25, v26;
	v1 =	vmax.f32 v31, v32;
	v11 =	vmax.f32 v27, v28  }
0x9b: {  	v5 =	vld [tilespmem:s16+$0x880];
	v8 =	vmax.f32 v29, v30;
	v12 =	vmax.f32 v33, v34;
	v13 =	vmax.f32 v37, v38  }
0x9c: {  	v21 =	vld [tilespmem:s16+$0x910];
	v15 =	vmax.f32 v39, v40;
	v1 =	vmax.f32 v1, v12;
	v12 =	vmax.f32 v35, v36  }
0x9d: {  	v18 =	vmax.f32 v45, v46;
	v14 =	vmax.f32 v3, v13;
	v16 =	vmax.f32 v2, v12;
	v2 =	vld [tilespmem:s16+$0x930]  }
0x9e: {  	v17 =	vld [tilespmem:s16+$0x8C0];
	v13 =	vmax.f32 v4, v15;
	v3 =	vmax.f32 v41, v42;
	v4 =	vmax.f32 v43, v44  }
0x9f: {  	v19 =	vld [tilespmem:s16+$0x940];
	v24 =	vmax.f32 v61, v62;
	v15 =	vmax.f32 v6, v3;
	v12 =	vmax.f32 v7, v4  }
0xa0: {  	v20 =	vld [tilespmem:s16+$0x950];
	v7 =	vmax.f32 v9, v18;
	v3 =	vmax.f32 v47, v48;
	v4 =	vmax.f32 v49, v50  }
0xa1: {  	s22 =	simm.s32 $0x200;
	s1 =	simm.s32 $0x400;
	v6 =	vmax.f32 v5, v51;
	v18 =	vld [tilespmem:s16+$0x8D0];
	v9 =	vmax.f32 v52, v3;
	v5 =	vmax.f32 v53, v4  }
0xa2: {  	s0 =	sand.u32 $0x300, s22;
	s2 =	sand.u32 $0x7800, s1;
	v3 =	vmax.f32 v54, v6;
	v4 =	vmax.f32 v55, v21;
	v21 =	vld [tilespmem:s16+$0x8E0];
	v2 =	vmax.f32 v63, v2  }
0xa3: {  	s0 =	sor.u32 s0, s2;
	s2 =	simm.s32 $0x300;
	v6 =	vmax.f32 v56, v4;
	v4 =	vmax.f32 v22, v24;
	v22 =	vld [tilespmem:s16+$0x960];
	v2 =	vmax.f32 v23, v2  }
.LBB2_6:
0xa4: {  	p0 =	sne.s32 s2, $0x3F00;
	v23 =	vld [tilespmem:s0+$0x8F0];
	v17 =	vmax.f32 v17, v19  }
0xa5: {  	v19 =	vld [tilespmem:s0+$0x970];
	v10 =	vmax.f32 v10, v17  }
0xa6: {  	v17 =	vld [tilespmem:s0+$0x480];
	v18 =	vmax.f32 v18, v20  }
0xa7: {  	v20 =	vld [tilespmem:s0+$0x500];
	v11 =	vmax.f32 v11, v18  }
0xa8: {  	v18 =	vld [tilespmem:s0+$0x490];
	v21 =	vmax.f32 v21, v22  }
0xa9: {  	v22 =	vld [tilespmem:s0+$0x510];
	v8 =	vmax.f32 v8, v21  }
0xaa: {  	v21 =	vld [tilespmem:s0+$0x4A0];
	v19 =	vmax.f32 v23, v19  }
0xab: {  	v23 =	vld [tilespmem:s0+$0x520];
	v1 =	vmax.f32 v1, v19  }
0xac: {  	v17 =	vmax.f32 v17, v20;
	v19 =	vld [tilespmem:s0+$0x4B0]  }
0xad: {  	v16 =	vmax.f32 v16, v17;
	v17 =	vld [tilespmem:s0+$0x530]  }
0xae: {  	v18 =	vmax.f32 v18, v22;
	v20 =	vld [tilespmem:s0+$0x4C0]  }
0xaf: {  	v14 =	vmax.f32 v14, v18;
	v18 =	vld [tilespmem:s0+$0x540]  }
0xb0: {  	v21 =	vmax.f32 v21, v23;
	v22 =	vld [tilespmem:s0+$0x4D0]  }
0xb1: {  	v13 =	vmax.f32 v13, v21;
	v21 =	vld [tilespmem:s0+$0x550]  }
0xb2: {  	v17 =	vmax.f32 v19, v17;
	v19 =	vld [tilespmem:s0+$0x4E0]  }
0xb3: {  	v15 =	vmax.f32 v15, v17;
	v17 =	vld [tilespmem:s0+$0x560]  }
0xb4: {  	v18 =	vmax.f32 v20, v18;
	v20 =	vld [tilespmem:s0+$0x4F0]  }
0xb5: {  	v12 =	vmax.f32 v12, v18;
	v18 =	vld [tilespmem:s0+$0x570]  }
0xb6: {  	v21 =	vmax.f32 v22, v21;
	v22 =	vld [tilespmem:s0+$0x880]  }
0xb7: {  	v7 =	vmax.f32 v7, v21;
	v21 =	vld [tilespmem:s0+$0x900]  }
0xb8: {  	v17 =	vmax.f32 v19, v17;
	v19 =	vld [tilespmem:s0+$0x890]  }
0xb9: {  	v9 =	vmax.f32 v9, v17;
	v17 =	vld [tilespmem:s0+$0x910]  }
0xba: {  	v18 =	vmax.f32 v20, v18;
	v20 =	vld [tilespmem:s0+$0x8A0]  }
0xbb: {  	v5 =	vmax.f32 v5, v18;
	v18 =	vld [tilespmem:s0+$0x920]  }
0xbc: {  	v21 =	vmax.f32 v22, v21;
	v22 =	vld [tilespmem:s0+$0x8B0]  }
0xbd: {  	v3 =	vmax.f32 v3, v21;
	v21 =	vld [tilespmem:s0+$0x930]  }
0xbe: {  	v19 =	vmax.f32 v19, v17;
	v17 =	vld [tilespmem:s0+$0x8C0]  }
.Ltmp4:
0xbf: {  	v6 =	vmax.f32 v6, v19;
	v19 =	vld [tilespmem:s0+$0x940];
	(pc) =	sbr.rel @p0 .LBB2_6-.Ltmp4, $4  }
0xc0: {  	v20 =	vmax.f32 v20, v18;
	v18 =	vld [tilespmem:s0+$0x8D0]  }
0xc1: {  	s1 =	sadd.s32 $0x200, s1;
	v4 =	vmax.f32 v4, v20;
	v20 =	vld [tilespmem:s0+$0x950]  }
0xc2: {  	s7 =	sand.u32 $0x300, s2;
	s6 =	sand.u32 $0x7800, s1;
	v22 =	vmax.f32 v22, v21;
	v21 =	vld [tilespmem:s0+$0x8E0]  }
0xc3: {  	s2 =	sadd.s32 $0x100, s2;
	v2 =	vmax.f32 v2, v22;
	v22 =	vld [tilespmem:s0+$0x960];
	s0 =	sor.u32 s7, s6  }
0xc4: {  	v23 =	vld [tilespmem:s0+$0x8F0]  }
0xc5: {  	v24 =	vld [tilespmem:s0+$0x970]  }
0xc6: {  	v25 =	vld [tilespmem:s0+$0x480]  }
0xc7: {  	v26 =	vld [tilespmem:s0+$0x500]  }
0xc8: {  	v27 =	vld [tilespmem:s0+$0x490]  }
0xc9: {  	v28 =	vld [tilespmem:s0+$0x510]  }
0xca: {  	v29 =	vld [tilespmem:s0+$0x4A0]  }
0xcb: {  	v30 =	vld [tilespmem:s0+$0x520]  }
0xcc: {  	v31 =	vld [tilespmem:s0+$0x4B0]  }
0xcd: {  	v32 =	vld [tilespmem:s0+$0x530]  }
0xce: {  	v33 =	vld [tilespmem:s0+$0x4C0]  }
0xcf: {  	v34 =	vld [tilespmem:s0+$0x540]  }
0xd0: {  	v35 =	vld [tilespmem:s0+$0x4D0]  }
0xd1: {  	v36 =	vld [tilespmem:s0+$0x550]  }
0xd2: {  	v37 =	vld [tilespmem:s0+$0x4E0]  }
0xd3: {  	v38 =	vld [tilespmem:s0+$0x560]  }
0xd4: {  	v39 =	vld [tilespmem:s0+$0x4F0]  }
0xd5: {  	v40 =	vld [tilespmem:s0+$0x570]  }
0xd6: {  	v41 =	vld [tilespmem:s0+$0x880]  }
0xd7: {  	v42 =	vld [tilespmem:s0+$0x900]  }
0xd8: {  	v43 =	vld [tilespmem:s0+$0x890]  }
0xd9: {  	v44 =	vld [tilespmem:s0+$0x910]  }
0xda: {  	v45 =	vld [tilespmem:s0+$0x8A0]  }
0xdb: {  	v46 =	vld [tilespmem:s0+$0x920]  }
0xdc: {  	v47 =	vld [tilespmem:s0+$0x8B0]  }
0xdd: {  	v48 =	vld [tilespmem:s0+$0x930]  }
0xde: {  	s1 =	sshll.u32 s30, $0x8;
	s2 =	sshll.u32 s30, $0x7;
	v49 =	vld [tilespmem:s0+$0x8C0]  }
0xdf: {  	v51 =	vld [tilespmem:s0+$0x940];
	s1 =	sand.u32 $0xFFFFF800, s1;
	s2 =	sand.u32 $0x380, s2  }
0xe0: {  	v52 =	vld [tilespmem:s0+$0x8D0];
	s1 =	sor.u32 s2, s1  }
0xe1: {  	v50 =	vld [tilespmem:s1+$0x10480];
	s30 =	sadd.s32 $0x10480, s1  }
0xe2: {  	v63 =	vld [tilespmem:s30+$0x40]  }
0xe3: {  	v54 =	vld [tilespmem:s30+$0x440]  }
0xe4: {  	v56 =	vld [tilespmem:s30+$0x450]  }
0xe5: {  	v25 =	vmax.f32 v25, v26;
	v26 =	vld [tilespmem:s0+$0x950]  }
0xe6: {  	v62 =	vmax.f32 v27, v28;
	v28 =	vld [tilespmem:s30+$0x50]  }
0xe7: {  	v17 =	vmax.f32 v17, v19;
	v59 =	vmax.f32 v18, v20;
	v27 =	vmax.f32 v29, v30;
	v30 =	vld [tilespmem:s30+$0x60]  }
0xe8: {  	v10 =	vmax.f32 v10, v17;
	v11 =	vmax.f32 v11, v59;
	v29 =	vmax.f32 v31, v32;
	v32 =	vld [tilespmem:s30+$0x70]  }
0xe9: {  	v31 =	vmax.f32 v33, v34;
	v33 =	vmax.f32 v35, v36;
	v35 =	vld [tilespmem:s30+$0x400];
	v36 =	vmax.f32 v37, v38  }
0xea: {  	v38 =	vmax.f32 v39, v40;
	v40 =	vmax.f32 v41, v42;
	v42 =	vld [tilespmem:s30+$0x430];
	v16 =	vmax.f32 v16, v25  }
0xeb: {  	v61 =	vmax.f32 v21, v22;
	v25 =	vld [tilespmem:s0+$0x8E0];
	v12 =	vmax.f32 v12, v31;
	v16 =	vmax.f32 v50, v16  }
0xec: {  	v8 =	vmax.f32 v8, v61;
	v7 =	vmax.f32 v7, v33;
	v50 =	vld [tilespmem:s0+$0x960];
	[tilespmem:s1+$0x10480] =	vst v16;
	v12 =	vmax.f32 v63, v12  }
0xed: {  	v37 =	vld [tilespmem:s30+$0x410];
	v53 =	vmax.f32 v43, v44;
	v9 =	vmax.f32 v9, v36;
	[tilespmem:s30+$0x40] =	vst v12;
	v7 =	vmax.f32 v28, v7  }
0xee: {  	v39 =	vld [tilespmem:s30+$0x420];
	v55 =	vmax.f32 v45, v46;
	v5 =	vmax.f32 v5, v38;
	v41 =	vmax.f32 v30, v9;
	[tilespmem:s30+$0x50] =	vst v7  }
0xef: {  	v57 =	vmax.f32 v47, v48;
	v3 =	vmax.f32 v3, v40;
	v58 =	vld [tilespmem:s30+$0x20];
	v5 =	vmax.f32 v32, v5;
	[tilespmem:s30+$0x60] =	vst v41  }
0xf0: {  	v59 =	vmax.f32 v49, v51;
	v2 =	vmax.f32 v2, v57;
	v60 =	vld [tilespmem:s30+$0x30];
	v3 =	vmax.f32 v35, v3;
	[tilespmem:s30+$0x70] =	vst v5  }
0xf1: {  	v13 =	vmax.f32 v13, v27;
	v6 =	vmax.f32 v6, v53;
	v16 =	vld [tilespmem:s30+$0x10];
	v2 =	vmax.f32 v42, v2;
	[tilespmem:s30+$0x400] =	vst v3  }
0xf2: {  	v15 =	vmax.f32 v15, v29;
	v4 =	vmax.f32 v4, v55;
	v3 =	vmax.f32 v37, v6;
	[tilespmem:s30+$0x430] =	vst v2  }
0xf3: {  	v10 =	vmax.f32 v10, v59;
	v61 =	vmax.f32 v52, v26;
	[tilespmem:s30+$0x410] =	vst v3;
	v3 =	vmax.f32 v39, v4  }
0xf4: {  	v2 =	vmax.f32 v54, v10;
	[tilespmem:s30+$0x420] =	vst v3;
	v3 =	vmax.f32 v11, v61;
	v13 =	vmax.f32 v58, v13;
	v58 =	vld [tilespmem:s30+$0x460]  }
0xf5: {  	v14 =	vmax.f32 v14, v62;
	[tilespmem:s30+$0x440] =	vst v2;
	v2 =	vmax.f32 v56, v3;
	v34 =	vmax.f32 v60, v15;
	v60 =	vld [tilespmem:s30+$0x470]  }
0xf6: {  	v14 =	vmax.f32 v16, v14;
	[tilespmem:s30+$0x450] =	vst v2  }
.Ltmp5:
0xf7: {  	v62 =	vmax.f32 v25, v50;
	[tilespmem:s30+$0x10] =	vst v14;
	(pc) =	sbr.rel .LBB2_17-.Ltmp5, $4  }
0xf8: {  	v63 =	vmax.f32 v23, v24;
	v8 =	vmax.f32 v8, v62;
	[tilespmem:s30+$0x20] =	vst v13  }
0xf9: {  	v1 =	vmax.f32 v1, v63;
	[tilespmem:s30+$0x30] =	vst v34;
	v2 =	vmax.f32 v58, v8  }
0xfa: {  	v1 =	vmax.f32 v60, v1;
	[tilespmem:s30+$0x460] =	vst v2  }
0xfb: {  	[tilespmem:s30+$0x470] =	vst v1  }
.LBB2_8:
0xfc: {  	s1 =	sadd.s32 $0x1, s0  }
0xfd: {  	p0 =	sge.s32 s30, s1  }
.Ltmp6:
0xfe: {  	_ = 	snop;
	(pc) =	sbr.rel @p0 .LBB2_17-.Ltmp6, $1  }
0xff: {  	_ =	sdelay $0x3  }
.Ltmp7:
0x100: {  	(pc) =	sbr.rel .LBB2_10-.Ltmp7, $3  }
0x101: {  	_ =	sdelay $0x1  }
0x102: {  	s1 =	sor.u32 s4, s31  }
0x103: {  	s2 =	sor.u32 $0x80, s1  }
.LBB2_14:
0x104: {  	v22 =	vld [tilespmem:s19+$0x8D0]  }
0x105: {  	v23 =	vld [tilespmem:s19+$0x8E0];
	_ =	sdelay $0x2  }
0x106: {  	v8 =	vmax.f32 v8, v18  }
0x107: {  	v7 =	vmax.f32 v7, v17;
	v6 =	vmax.f32 v6, v19;
	v5 =	vmax.f32 v5, v20  }
0x108: {  	v4 =	vmax.f32 v4, v21;
	v1 =	vmax.f32 v1, v22;
	v2 =	vmax.f32 v2, v23  }
.LBB2_15:
0x109: {  	s6 =	sshll.u32 s30, $0x8;
	s7 =	sshll.u32 s30, $0x7  }
0x10a: {  	s6 =	sand.u32 $0xFFFFF800, s6;
	s7 =	sand.u32 $0x380, s7  }
0x10b: {  	s6 =	sor.u32 s7, s6  }
0x10c: {  	v17 =	vld [tilespmem:s6+$0x10480];
	s7 =	sadd.s32 $0x10480, s6  }
0x10d: {  	v19 =	vld [tilespmem:s7+$0x40]  }
0x10e: {  	v20 =	vld [tilespmem:s7+$0x50]  }
0x10f: {  	v54 =	vld [tilespmem:s7+$0x60]  }
0x110: {  	v55 =	vld [tilespmem:s7+$0x70]  }
0x111: {  	v56 =	vld [tilespmem:s7+$0x400];
	v16 =	vmax.f32 v17, v16  }
0x112: {  	v57 =	vld [tilespmem:s7+$0x410];
	[tilespmem:s6+$0x10480] =	vst v16;
	v12 =	vmax.f32 v19, v12  }
0x113: {  	v58 =	vld [tilespmem:s7+$0x420];
	v11 =	vmax.f32 v20, v11;
	[tilespmem:s7+$0x40] =	vst v12  }
0x114: {  	v59 =	vld [tilespmem:s7+$0x430];
	v10 =	vmax.f32 v54, v10;
	[tilespmem:s7+$0x50] =	vst v11  }
0x115: {  	v60 =	vld [tilespmem:s7+$0x440];
	v9 =	vmax.f32 v55, v9;
	[tilespmem:s7+$0x60] =	vst v10  }
0x116: {  	v61 =	vld [tilespmem:s7+$0x450];
	v8 =	vmax.f32 v56, v8;
	[tilespmem:s7+$0x70] =	vst v9  }
0x117: {  	v62 =	vld [tilespmem:s7+$0x460];
	v7 =	vmax.f32 v57, v7;
	[tilespmem:s7+$0x400] =	vst v8  }
0x118: {  	v63 =	vld [tilespmem:s7+$0x470];
	v6 =	vmax.f32 v58, v6;
	[tilespmem:s7+$0x410] =	vst v7  }
0x119: {  	v5 =	vmax.f32 v59, v5;
	v16 =	vld [tilespmem:s7+$0x10];
	[tilespmem:s7+$0x420] =	vst v6  }
0x11a: {  	v4 =	vmax.f32 v60, v4;
	v53 =	vld [tilespmem:s7+$0x20];
	[tilespmem:s7+$0x430] =	vst v5  }
0x11b: {  	v1 =	vmax.f32 v61, v1;
	v18 =	vld [tilespmem:s7+$0x30];
	[tilespmem:s7+$0x440] =	vst v4  }
0x11c: {  	[tilespmem:s7+$0x450] =	vst v1;
	v1 =	vmax.f32 v62, v2  }
0x11d: {  	[tilespmem:s7+$0x460] =	vst v1;
	v1 =	vmax.f32 v63, v3  }
0x11e: {  	[tilespmem:s7+$0x470] =	vst v1;
	v15 =	vmax.f32 v16, v15  }
0x11f: {  	v14 =	vmax.f32 v53, v14;
	[tilespmem:s7+$0x10] =	vst v15  }
0x120: {  	v13 =	vmax.f32 v18, v13;
	[tilespmem:s7+$0x20] =	vst v14  }
0x121: {  	[tilespmem:s7+$0x30] =	vst v13  }
.LBB2_16:
0x122: {  	p0 =	sne.s32 s30, s0  }
.Ltmp8:
0x123: {  	_ = 	snop;
	(pc) =	sbr.rel @!p0 .LBB2_17-.Ltmp8, $3  }
0x124: {  	_ =	sdelay $0x1  }
0x125: {  	s6 =	sadd.s32 $0x1, s30  }
0x126: {  	s30 =	smov.u32 s6  }
.LBB2_10:
0x127: {  	v1 =	vld [tilespmem:s30+$0x400]  }
0x128: {  	v2 =	vld [tilespmem:s30+$0x401];
	_ =	sdelay $0x3  }
0x129: {  	(v2sf) =	vpush v1, $0x0  }
0x12a: {  	(v2sf) =	vpush v2, $0x0;
	_ =	sdelay $0xd  }
0x12b: {  	s6 =	spop (v2sf)  }
0x12c: {  	s19 =	smov.u32 s1;
	s7 =	spop (v2sf)  }
0x12d: {  	s16 =	smov.u32 s2;
	p0 =	sgt.s32 s6, s1;
	p1 =	slt.s32 s7, s2  }
0x12e: {  	s19 =	smov.u32 @p0 s6;
	s16 =	smov.u32 @p1 s7  }
0x12f: {  	s7 =	ssub.s32 s19, s1;
	s16 =	ssub.s32 s16, s1  }
0x130: {  	p0 =	sle.s32 s16, s7  }
.Ltmp9:
0x131: {  	_ = 	snop;
	(pc) =	sbr.rel @p0 .LBB2_16-.Ltmp9, $1  }
0x132: {  	_ =	sdelay $0x3  }
0x133: {  	s22 =	sshll.u32 s7, $0x8;
	s19 =	sshll.u32 s19, $0x7  }
0x134: {  	s22 =	sand.u32 $0xFFFFF800, s22;
	s19 =	sand.u32 $0x380, s19  }
0x135: {  	s19 =	sor.u32 s19, s22  }
0x136: {  	v16 =	vld [tilespmem:s19+$0x480]  }
0x137: {  	v15 =	vld [tilespmem:s19+$0x490]  }
0x138: {  	v14 =	vld [tilespmem:s19+$0x4A0]  }
0x139: {  	v13 =	vld [tilespmem:s19+$0x4B0]  }
0x13a: {  	v12 =	vld [tilespmem:s19+$0x4C0]  }
0x13b: {  	v11 =	vld [tilespmem:s19+$0x4D0]  }
0x13c: {  	v10 =	vld [tilespmem:s19+$0x4E0]  }
0x13d: {  	v9 =	vld [tilespmem:s19+$0x4F0]  }
0x13e: {  	v8 =	vld [tilespmem:s19+$0x880]  }
0x13f: {  	s7 =	sadd.s32 $0x1, s7;
	v7 =	vld [tilespmem:s19+$0x890]  }
0x140: {  	p0 =	sge.s32 s7, s16;
	v6 =	vld [tilespmem:s19+$0x8A0]  }
.Ltmp10:
0x141: {  	v5 =	vld [tilespmem:s19+$0x8B0];
	(pc) =	sbr.rel @p0 .LBB2_15-.Ltmp10, $4  }
0x142: {  	v4 =	vld [tilespmem:s19+$0x8C0]  }
0x143: {  	v1 =	vld [tilespmem:s19+$0x8D0]  }
0x144: {  	v2 =	vld [tilespmem:s19+$0x8E0]  }
0x145: {  	v3 =	vld [tilespmem:s19+$0x8F0]  }
0x146: {  	p0 =	sgt.s32 s6, s28;
	s19 =	smov.u32 s28  }
0x147: {  	s19 =	smov.u32 @p0 s6  }
0x148: {  	s6 =	sadd.s32 s19, s29  }
0x149: {  	s10 =	sshll.u32 s6, $0x7;
	s12 =	sshll.u32 s6, $0x8  }
0x14a: {  	s6 =	sand.u32 $0xFFFFF800, s12;
	s22 =	sand.u32 $0x380, s10  }
0x14b: {  	s19 =	sor.u32 s22, s6  }
0x14c: {  	v19 =	vld [tilespmem:s19+$0x8F0]  }
0x14d: {  	v20 =	vld [tilespmem:s19+$0x480]  }
0x14e: {  	v21 =	vld [tilespmem:s19+$0x490]  }
0x14f: {  	v22 =	vld [tilespmem:s19+$0x4A0]  }
0x150: {  	v23 =	vld [tilespmem:s19+$0x4B0]  }
0x151: {  	v24 =	vld [tilespmem:s19+$0x4C0]  }
0x152: {  	v25 =	vld [tilespmem:s19+$0x4D0]  }
0x153: {  	s22 =	sadd.s32 $0x1, s7;
	v26 =	vld [tilespmem:s19+$0x4E0]  }
0x154: {  	v27 =	vld [tilespmem:s19+$0x4F0];
	p0 =	slt.s32 s22, s16  }
.Ltmp11:
0x155: {  	v18 =	vld [tilespmem:s19+$0x880];
	(pc) =	sbr.rel @!p0 .LBB2_14-.Ltmp11, $4  }
0x156: {  	v17 =	vld [tilespmem:s19+$0x890]  }
0x157: {  	v3 =	vmax.f32 v3, v19;
	v16 =	vmax.f32 v16, v20;
	v15 =	vmax.f32 v15, v21;
	v19 =	vld [tilespmem:s19+$0x8A0]  }
0x158: {  	v14 =	vmax.f32 v14, v22;
	v13 =	vmax.f32 v13, v23;
	v12 =	vmax.f32 v12, v24;
	v20 =	vld [tilespmem:s19+$0x8B0]  }
0x159: {  	s6 =	sadd.s32 $0x80, s10;
	s7 =	sadd.s32 $0x100, s12;
	v11 =	vmax.f32 v11, v25;
	v10 =	vmax.f32 v10, v26;
	v9 =	vmax.f32 v9, v27;
	v21 =	vld [tilespmem:s19+$0x8C0]  }
.LBB2_13:
0x15a: {  	s10 =	sand.u32 $0xFFFFF800, s7;
	s12 =	sand.u32 $0x380, s6;
	s22 =	sadd.s32 $0x1, s22;
	v8 =	vmax.f32 v8, v18;
	v18 =	vld [tilespmem:s19+$0x8D0]  }
0x15b: {  	v7 =	vmax.f32 v7, v17;
	p0 =	slt.s32 s22, s16;
	v17 =	vld [tilespmem:s19+$0x8E0];
	s19 =	sor.u32 s12, s10  }
0x15c: {  	v6 =	vmax.f32 v6, v19;
	v22 =	vld [tilespmem:s19+$0x8F0]  }
0x15d: {  	v5 =	vmax.f32 v5, v20;
	v19 =	vld [tilespmem:s19+$0x480]  }
0x15e: {  	v4 =	vmax.f32 v4, v21;
	v20 =	vld [tilespmem:s19+$0x490]  }
0x15f: {  	v21 =	vld [tilespmem:s19+$0x4A0];
	v1 =	vmax.f32 v1, v18  }
0x160: {  	v18 =	vld [tilespmem:s19+$0x4B0];
	v2 =	vmax.f32 v2, v17  }
0x161: {  	v17 =	vld [tilespmem:s19+$0x4C0];
	v3 =	vmax.f32 v3, v22  }
0x162: {  	v16 =	vmax.f32 v16, v19;
	v19 =	vld [tilespmem:s19+$0x4D0]  }
0x163: {  	v15 =	vmax.f32 v15, v20;
	v20 =	vld [tilespmem:s19+$0x4E0]  }
0x164: {  	v14 =	vmax.f32 v14, v21;
	v21 =	vld [tilespmem:s19+$0x4F0]  }
.Ltmp12:
0x165: {  	v13 =	vmax.f32 v13, v18;
	v18 =	vld [tilespmem:s19+$0x880];
	(pc) =	sbr.rel @p0 .LBB2_13-.Ltmp12, $4  }
0x166: {  	v12 =	vmax.f32 v12, v17;
	v17 =	vld [tilespmem:s19+$0x890]  }
0x167: {  	v11 =	vmax.f32 v11, v19;
	v19 =	vld [tilespmem:s19+$0x8A0]  }
0x168: {  	v10 =	vmax.f32 v10, v20;
	v20 =	vld [tilespmem:s19+$0x8B0]  }
0x169: {  	s6 =	sadd.s32 $0x80, s6;
	s7 =	sadd.s32 $0x100, s7;
	v9 =	vmax.f32 v9, v21;
	v21 =	vld [tilespmem:s19+$0x8C0]  }
.Ltmp13:
0x16a: {  	_ = 	snop;
	(pc) =	sbr.rel .LBB2_14-.Ltmp13, $1  }
0x16b: {  	_ =	sdelay $0x3  }
.LBB2_17:
0x16c: {  	s30 =	sshll.u32 s24, $0xD;
	p0 =	seq.s32 s24, $0x3  }
0x16d: {  	s0 =	sadd.s32 @!p0 s30, s8;
	s1 =	simm.s32 @!p0 $0x0;
	s2 =	simm.s32 @!p0 $0x480  }
0x16e: {  	[tilespmem:s2], [sflag:$0x1] =	stream.linear.gather @!p0 [hbm4b:s0+s1], $0x8000, $0x38;
	[tilespmem:$0x11480] =	vst v63  }
0x16f: {  	_ =	swait.ge [sflag:s21], $0x8000  }
0x170: {  	[sflag:s21] =	ssyncset.done $0x0  }
0x171: {  	s1 =	sor.u32 $0x80, s31;
	[sflag:s21] =	ssyncadd.s32 $0xFFFF8000  }
0x172: {  	v1 =	vld [tilespmem:s1+$0x0]  }
0x173: {  	v2 =	vld [tilespmem:s31+$0xF0];
	_ =	sdelay $0x3  }
0x174: {  	(v2sf) =	vpush v1, $0x0  }
0x175: {  	(v2sf) =	vpush v2, $0xF;
	_ =	sdelay $0xd  }
0x176: {  	s31 =	spop (v2sf)  }
0x177: {  	s0 =	spop (v2sf)  }
0x178: {  	p1 =	sne.s32 s31, s0  }
.Ltmp14:
0x179: {  	_ = 	snop;
	(pc) =	sbr.rel @p1 .LBB2_21-.Ltmp14, $1  }
0x17a: {  	_ =	sdelay $0x3  }
0x17b: {  	v1 =	vld [tilespmem:$0x8480]  }
0x17c: {  	v2 =	vld [tilespmem:$0x8500]  }
0x17d: {  	v3 =	vld [tilespmem:$0x8490]  }
0x17e: {  	v4 =	vld [tilespmem:$0x8510]  }
0x17f: {  	v5 =	vld [tilespmem:$0x84A0]  }
0x180: {  	v6 =	vld [tilespmem:$0x8520]  }
0x181: {  	v7 =	vld [tilespmem:$0x84B0]  }
0x182: {  	v8 =	vld [tilespmem:$0x8530]  }
0x183: {  	v9 =	vld [tilespmem:$0x84C0]  }
0x184: {  	v10 =	vld [tilespmem:$0x8540]  }
0x185: {  	v11 =	vld [tilespmem:$0x84D0]  }
0x186: {  	v12 =	vld [tilespmem:$0x8550]  }
0x187: {  	v13 =	vld [tilespmem:$0x84E0]  }
0x188: {  	v14 =	vld [tilespmem:$0x8560]  }
0x189: {  	v15 =	vld [tilespmem:$0x84F0]  }
0x18a: {  	v16 =	vld [tilespmem:$0x8570]  }
0x18b: {  	v17 =	vld [tilespmem:$0x8880]  }
0x18c: {  	v18 =	vld [tilespmem:$0x8900]  }
0x18d: {  	v19 =	vld [tilespmem:$0x8890]  }
0x18e: {  	v20 =	vld [tilespmem:$0x8910]  }
0x18f: {  	v21 =	vld [tilespmem:$0x88A0]  }
0x190: {  	v22 =	vld [tilespmem:$0x8920]  }
0x191: {  	v23 =	vld [tilespmem:$0x88B0]  }
0x192: {  	v24 =	vld [tilespmem:$0x8930]  }
0x193: {  	v25 =	vld [tilespmem:$0x88C0]  }
0x194: {  	v26 =	vld [tilespmem:$0x8940]  }
0x195: {  	v27 =	vld [tilespmem:$0x88D0]  }
0x196: {  	v28 =	vld [tilespmem:$0x8950]  }
0x197: {  	v29 =	vld [tilespmem:$0x88E0]  }
0x198: {  	v30 =	vld [tilespmem:$0x8960];
	s0 =	simm.s32 $0x100;
	s1 =	simm.s32 $0x200  }
0x199: {  	v31 =	vld [tilespmem:$0x88F0];
	s1 =	sand.u32 $0x7800, s1;
	s0 =	sand.u32 $0x300, s0  }
0x19a: {  	v32 =	vld [tilespmem:$0x8970];
	s16 =	sor.u32 s0, s1  }
0x19b: {  	v33 =	vld [tilespmem:s16+$0x88F0]  }
0x19c: {  	v34 =	vld [tilespmem:s16+$0x8970]  }
0x19d: {  	v35 =	vld [tilespmem:s16+$0x8480]  }
0x19e: {  	v36 =	vld [tilespmem:s16+$0x8500]  }
0x19f: {  	v37 =	vld [tilespmem:s16+$0x8490]  }
0x1a0: {  	v38 =	vld [tilespmem:s16+$0x8510]  }
0x1a1: {  	v39 =	vld [tilespmem:s16+$0x84A0]  }
0x1a2: {  	v40 =	vld [tilespmem:s16+$0x8520]  }
0x1a3: {  	v41 =	vld [tilespmem:s16+$0x84B0]  }
0x1a4: {  	v42 =	vld [tilespmem:s16+$0x8530]  }
0x1a5: {  	v43 =	vld [tilespmem:s16+$0x84C0]  }
0x1a6: {  	v44 =	vld [tilespmem:s16+$0x8540]  }
0x1a7: {  	v45 =	vld [tilespmem:s16+$0x84D0]  }
0x1a8: {  	v46 =	vld [tilespmem:s16+$0x8550]  }
0x1a9: {  	v47 =	vld [tilespmem:s16+$0x84E0]  }
0x1aa: {  	v48 =	vld [tilespmem:s16+$0x8560]  }
0x1ab: {  	v49 =	vld [tilespmem:s16+$0x84F0]  }
0x1ac: {  	v50 =	vld [tilespmem:s16+$0x8570]  }
0x1ad: {  	v51 =	vld [tilespmem:s16+$0x8900];
	v2 =	vmax.f32 v1, v2;
	v3 =	vmax.f32 v3, v4;
	v4 =	vmax.f32 v5, v6  }
0x1ae: {  	v55 =	vld [tilespmem:s16+$0x8890];
	v6 =	vmax.f32 v7, v8;
	v7 =	vmax.f32 v9, v10;
	v9 =	vmax.f32 v11, v12  }
0x1af: {  	v61 =	vld [tilespmem:s16+$0x88A0];
	v52 =	vmax.f32 v13, v14;
	v53 =	vmax.f32 v15, v16;
	v54 =	vmax.f32 v17, v18  }
0x1b0: {  	v62 =	vld [tilespmem:s16+$0x8920];
	v56 =	vmax.f32 v19, v20;
	v22 =	vmax.f32 v21, v22;
	v23 =	vmax.f32 v23, v24  }
0x1b1: {  	v63 =	vld [tilespmem:s16+$0x88B0];
	v10 =	vmax.f32 v25, v26;
	v1 =	vmax.f32 v31, v32;
	v11 =	vmax.f32 v27, v28  }
0x1b2: {  	v5 =	vld [tilespmem:s16+$0x8880];
	v8 =	vmax.f32 v29, v30;
	v12 =	vmax.f32 v33, v34;
	v13 =	vmax.f32 v37, v38  }
0x1b3: {  	v21 =	vld [tilespmem:s16+$0x8910];
	v15 =	vmax.f32 v39, v40;
	v1 =	vmax.f32 v1, v12;
	v12 =	vmax.f32 v35, v36  }
0x1b4: {  	v18 =	vmax.f32 v45, v46;
	v14 =	vmax.f32 v3, v13;
	v16 =	vmax.f32 v2, v12;
	v2 =	vld [tilespmem:s16+$0x8930]  }
0x1b5: {  	v17 =	vld [tilespmem:s16+$0x88C0];
	v13 =	vmax.f32 v4, v15;
	v3 =	vmax.f32 v41, v42;
	v4 =	vmax.f32 v43, v44  }
0x1b6: {  	v19 =	vld [tilespmem:s16+$0x8940];
	v24 =	vmax.f32 v61, v62;
	v15 =	vmax.f32 v6, v3;
	v12 =	vmax.f32 v7, v4  }
0x1b7: {  	v20 =	vld [tilespmem:s16+$0x8950];
	v7 =	vmax.f32 v9, v18;
	v3 =	vmax.f32 v47, v48;
	v4 =	vmax.f32 v49, v50  }
0x1b8: {  	s22 =	simm.s32 $0x200;
	s1 =	simm.s32 $0x400;
	v6 =	vmax.f32 v5, v51;
	v18 =	vld [tilespmem:s16+$0x88D0];
	v9 =	vmax.f32 v52, v3;
	v5 =	vmax.f32 v53, v4  }
0x1b9: {  	s0 =	sand.u32 $0x300, s22;
	s2 =	sand.u32 $0x7800, s1;
	v3 =	vmax.f32 v54, v6;
	v4 =	vmax.f32 v55, v21;
	v21 =	vld [tilespmem:s16+$0x88E0];
	v2 =	vmax.f32 v63, v2  }
0x1ba: {  	s0 =	sor.u32 s0, s2;
	s2 =	simm.s32 $0x300;
	v6 =	vmax.f32 v56, v4;
	v4 =	vmax.f32 v22, v24;
	v22 =	vld [tilespmem:s16+$0x8960];
	v2 =	vmax.f32 v23, v2  }
.LBB2_19:
0x1bb: {  	p1 =	sne.s32 s2, $0x3F00;
	v23 =	vld [tilespmem:s0+$0x88F0];
	v17 =	vmax.f32 v17, v19  }
0x1bc: {  	v19 =	vld [tilespmem:s0+$0x8970];
	v10 =	vmax.f32 v10, v17  }
0x1bd: {  	v17 =	vld [tilespmem:s0+$0x8480];
	v18 =	vmax.f32 v18, v20  }
0x1be: {  	v20 =	vld [tilespmem:s0+$0x8500];
	v11 =	vmax.f32 v11, v18  }
0x1bf: {  	v18 =	vld [tilespmem:s0+$0x8490];
	v21 =	vmax.f32 v21, v22  }
0x1c0: {  	v22 =	vld [tilespmem:s0+$0x8510];
	v8 =	vmax.f32 v8, v21  }
0x1c1: {  	v21 =	vld [tilespmem:s0+$0x84A0];
	v19 =	vmax.f32 v23, v19  }
0x1c2: {  	v23 =	vld [tilespmem:s0+$0x8520];
	v1 =	vmax.f32 v1, v19  }
0x1c3: {  	v17 =	vmax.f32 v17, v20;
	v19 =	vld [tilespmem:s0+$0x84B0]  }
0x1c4: {  	v16 =	vmax.f32 v16, v17;
	v17 =	vld [tilespmem:s0+$0x8530]  }
0x1c5: {  	v18 =	vmax.f32 v18, v22;
	v20 =	vld [tilespmem:s0+$0x84C0]  }
0x1c6: {  	v14 =	vmax.f32 v14, v18;
	v18 =	vld [tilespmem:s0+$0x8540]  }
0x1c7: {  	v21 =	vmax.f32 v21, v23;
	v22 =	vld [tilespmem:s0+$0x84D0]  }
0x1c8: {  	v13 =	vmax.f32 v13, v21;
	v21 =	vld [tilespmem:s0+$0x8550]  }
0x1c9: {  	v17 =	vmax.f32 v19, v17;
	v19 =	vld [tilespmem:s0+$0x84E0]  }
0x1ca: {  	v15 =	vmax.f32 v15, v17;
	v17 =	vld [tilespmem:s0+$0x8560]  }
0x1cb: {  	v18 =	vmax.f32 v20, v18;
	v20 =	vld [tilespmem:s0+$0x84F0]  }
0x1cc: {  	v12 =	vmax.f32 v12, v18;
	v18 =	vld [tilespmem:s0+$0x8570]  }
0x1cd: {  	v21 =	vmax.f32 v22, v21;
	v22 =	vld [tilespmem:s0+$0x8880]  }
0x1ce: {  	v7 =	vmax.f32 v7, v21;
	v21 =	vld [tilespmem:s0+$0x8900]  }
0x1cf: {  	v17 =	vmax.f32 v19, v17;
	v19 =	vld [tilespmem:s0+$0x8890]  }
0x1d0: {  	v9 =	vmax.f32 v9, v17;
	v17 =	vld [tilespmem:s0+$0x8910]  }
0x1d1: {  	v18 =	vmax.f32 v20, v18;
	v20 =	vld [tilespmem:s0+$0x88A0]  }
0x1d2: {  	v5 =	vmax.f32 v5, v18;
	v18 =	vld [tilespmem:s0+$0x8920]  }
0x1d3: {  	v21 =	vmax.f32 v22, v21;
	v22 =	vld [tilespmem:s0+$0x88B0]  }
0x1d4: {  	v3 =	vmax.f32 v3, v21;
	v21 =	vld [tilespmem:s0+$0x8930]  }
0x1d5: {  	v19 =	vmax.f32 v19, v17;
	v17 =	vld [tilespmem:s0+$0x88C0]  }
.Ltmp15:
0x1d6: {  	v6 =	vmax.f32 v6, v19;
	v19 =	vld [tilespmem:s0+$0x8940];
	(pc) =	sbr.rel @p1 .LBB2_19-.Ltmp15, $4  }
0x1d7: {  	v20 =	vmax.f32 v20, v18;
	v18 =	vld [tilespmem:s0+$0x88D0]  }
0x1d8: {  	s1 =	sadd.s32 $0x200, s1;
	v4 =	vmax.f32 v4, v20;
	v20 =	vld [tilespmem:s0+$0x8950]  }
0x1d9: {  	s7 =	sand.u32 $0x300, s2;
	s6 =	sand.u32 $0x7800, s1;
	v22 =	vmax.f32 v22, v21;
	v21 =	vld [tilespmem:s0+$0x88E0]  }
0x1da: {  	s2 =	sadd.s32 $0x100, s2;
	v2 =	vmax.f32 v2, v22;
	v22 =	vld [tilespmem:s0+$0x8960];
	s0 =	sor.u32 s7, s6  }
0x1db: {  	v23 =	vld [tilespmem:s0+$0x88F0]  }
0x1dc: {  	v24 =	vld [tilespmem:s0+$0x8970]  }
0x1dd: {  	v25 =	vld [tilespmem:s0+$0x8480]  }
0x1de: {  	v26 =	vld [tilespmem:s0+$0x8500]  }
0x1df: {  	v27 =	vld [tilespmem:s0+$0x8490]  }
0x1e0: {  	v28 =	vld [tilespmem:s0+$0x8510]  }
0x1e1: {  	v29 =	vld [tilespmem:s0+$0x84A0]  }
0x1e2: {  	v30 =	vld [tilespmem:s0+$0x8520]  }
0x1e3: {  	v31 =	vld [tilespmem:s0+$0x84B0]  }
0x1e4: {  	v32 =	vld [tilespmem:s0+$0x8530]  }
0x1e5: {  	v33 =	vld [tilespmem:s0+$0x84C0]  }
0x1e6: {  	v34 =	vld [tilespmem:s0+$0x8540]  }
0x1e7: {  	v35 =	vld [tilespmem:s0+$0x84D0]  }
0x1e8: {  	v36 =	vld [tilespmem:s0+$0x8550]  }
0x1e9: {  	v37 =	vld [tilespmem:s0+$0x84E0]  }
0x1ea: {  	v38 =	vld [tilespmem:s0+$0x8560]  }
0x1eb: {  	v39 =	vld [tilespmem:s0+$0x84F0]  }
0x1ec: {  	v40 =	vld [tilespmem:s0+$0x8570]  }
0x1ed: {  	v41 =	vld [tilespmem:s0+$0x8880]  }
0x1ee: {  	v42 =	vld [tilespmem:s0+$0x8900]  }
0x1ef: {  	v43 =	vld [tilespmem:s0+$0x8890]  }
0x1f0: {  	v44 =	vld [tilespmem:s0+$0x8910]  }
0x1f1: {  	v45 =	vld [tilespmem:s0+$0x88A0]  }
0x1f2: {  	v46 =	vld [tilespmem:s0+$0x8920]  }
0x1f3: {  	v47 =	vld [tilespmem:s0+$0x88B0]  }
0x1f4: {  	v48 =	vld [tilespmem:s0+$0x8930]  }
0x1f5: {  	s1 =	sshll.u32 s31, $0x8;
	s2 =	sshll.u32 s31, $0x7;
	v49 =	vld [tilespmem:s0+$0x88C0]  }
0x1f6: {  	v51 =	vld [tilespmem:s0+$0x8940];
	s1 =	sand.u32 $0xFFFFF800, s1;
	s2 =	sand.u32 $0x380, s2  }
0x1f7: {  	v52 =	vld [tilespmem:s0+$0x88D0];
	s1 =	sor.u32 s2, s1  }
0x1f8: {  	v50 =	vld [tilespmem:s1+$0x10480];
	s31 =	sadd.s32 $0x10480, s1  }
0x1f9: {  	v63 =	vld [tilespmem:s31+$0x40]  }
0x1fa: {  	v54 =	vld [tilespmem:s31+$0x440]  }
0x1fb: {  	v56 =	vld [tilespmem:s31+$0x450]  }
0x1fc: {  	v25 =	vmax.f32 v25, v26;
	v26 =	vld [tilespmem:s0+$0x8950]  }
0x1fd: {  	v62 =	vmax.f32 v27, v28;
	v28 =	vld [tilespmem:s31+$0x50]  }
0x1fe: {  	v17 =	vmax.f32 v17, v19;
	v59 =	vmax.f32 v18, v20;
	v27 =	vmax.f32 v29, v30;
	v30 =	vld [tilespmem:s31+$0x60]  }
0x1ff: {  	v10 =	vmax.f32 v10, v17;
	v11 =	vmax.f32 v11, v59;
	v29 =	vmax.f32 v31, v32;
	v32 =	vld [tilespmem:s31+$0x70]  }
0x200: {  	v31 =	vmax.f32 v33, v34;
	v33 =	vmax.f32 v35, v36;
	v35 =	vld [tilespmem:s31+$0x400];
	v36 =	vmax.f32 v37, v38  }
0x201: {  	v38 =	vmax.f32 v39, v40;
	v40 =	vmax.f32 v41, v42;
	v42 =	vld [tilespmem:s31+$0x430];
	v16 =	vmax.f32 v16, v25  }
0x202: {  	v61 =	vmax.f32 v21, v22;
	v25 =	vld [tilespmem:s0+$0x88E0];
	v12 =	vmax.f32 v12, v31;
	v16 =	vmax.f32 v50, v16  }
0x203: {  	v8 =	vmax.f32 v8, v61;
	v7 =	vmax.f32 v7, v33;
	v50 =	vld [tilespmem:s0+$0x8960];
	[tilespmem:s1+$0x10480] =	vst v16;
	v12 =	vmax.f32 v63, v12  }
0x204: {  	v37 =	vld [tilespmem:s31+$0x410];
	v53 =	vmax.f32 v43, v44;
	v9 =	vmax.f32 v9, v36;
	[tilespmem:s31+$0x40] =	vst v12;
	v7 =	vmax.f32 v28, v7  }
0x205: {  	v39 =	vld [tilespmem:s31+$0x420];
	v55 =	vmax.f32 v45, v46;
	v5 =	vmax.f32 v5, v38;
	v41 =	vmax.f32 v30, v9;
	[tilespmem:s31+$0x50] =	vst v7  }
0x206: {  	v57 =	vmax.f32 v47, v48;
	v3 =	vmax.f32 v3, v40;
	v58 =	vld [tilespmem:s31+$0x20];
	v5 =	vmax.f32 v32, v5;
	[tilespmem:s31+$0x60] =	vst v41  }
0x207: {  	v59 =	vmax.f32 v49, v51;
	v2 =	vmax.f32 v2, v57;
	v60 =	vld [tilespmem:s31+$0x30];
	v3 =	vmax.f32 v35, v3;
	[tilespmem:s31+$0x70] =	vst v5  }
0x208: {  	v13 =	vmax.f32 v13, v27;
	v6 =	vmax.f32 v6, v53;
	v16 =	vld [tilespmem:s31+$0x10];
	v2 =	vmax.f32 v42, v2;
	[tilespmem:s31+$0x400] =	vst v3  }
0x209: {  	v15 =	vmax.f32 v15, v29;
	v4 =	vmax.f32 v4, v55;
	v3 =	vmax.f32 v37, v6;
	[tilespmem:s31+$0x430] =	vst v2  }
0x20a: {  	v10 =	vmax.f32 v10, v59;
	v61 =	vmax.f32 v52, v26;
	[tilespmem:s31+$0x410] =	vst v3;
	v3 =	vmax.f32 v39, v4  }
0x20b: {  	v2 =	vmax.f32 v54, v10;
	[tilespmem:s31+$0x420] =	vst v3;
	v3 =	vmax.f32 v11, v61;
	v13 =	vmax.f32 v58, v13;
	v58 =	vld [tilespmem:s31+$0x460]  }
0x20c: {  	v14 =	vmax.f32 v14, v62;
	[tilespmem:s31+$0x440] =	vst v2;
	v2 =	vmax.f32 v56, v3;
	v34 =	vmax.f32 v60, v15;
	v60 =	vld [tilespmem:s31+$0x470]  }
0x20d: {  	v14 =	vmax.f32 v16, v14;
	[tilespmem:s31+$0x450] =	vst v2  }
.Ltmp16:
0x20e: {  	v62 =	vmax.f32 v25, v50;
	[tilespmem:s31+$0x10] =	vst v14;
	(pc) =	sbr.rel .LBB2_30-.Ltmp16, $4  }
0x20f: {  	v63 =	vmax.f32 v23, v24;
	v8 =	vmax.f32 v8, v62;
	[tilespmem:s31+$0x20] =	vst v13  }
0x210: {  	v1 =	vmax.f32 v1, v63;
	[tilespmem:s31+$0x30] =	vst v34;
	v2 =	vmax.f32 v58, v8  }
0x211: {  	v1 =	vmax.f32 v60, v1;
	[tilespmem:s31+$0x460] =	vst v2  }
0x212: {  	[tilespmem:s31+$0x470] =	vst v1  }
.LBB2_21:
0x213: {  	s2 =	sadd.s32 $0x1, s0  }
0x214: {  	p1 =	sge.s32 s31, s2  }
.Ltmp17:
0x215: {  	_ = 	snop;
	(pc) =	sbr.rel @p1 .LBB2_30-.Ltmp17, $1  }
0x216: {  	_ =	sdelay $0x3  }
.Ltmp18:
0x217: {  	(pc) =	sbr.rel .LBB2_23-.Ltmp18, $3  }
0x218: {  	_ =	sdelay $0x1  }
0x219: {  	s1 =	sor.u32 s4, s1  }
0x21a: {  	s2 =	sadd.s32 $0x80, s1  }
.LBB2_27:
0x21b: {  	v22 =	vld [tilespmem:s19+$0x88D0]  }
0x21c: {  	v23 =	vld [tilespmem:s19+$0x88E0];
	_ =	sdelay $0x2  }
0x21d: {  	v8 =	vmax.f32 v8, v18  }
0x21e: {  	v7 =	vmax.f32 v7, v17;
	v6 =	vmax.f32 v6, v19;
	v5 =	vmax.f32 v5, v20  }
0x21f: {  	v4 =	vmax.f32 v4, v21;
	v1 =	vmax.f32 v1, v22;
	v2 =	vmax.f32 v2, v23  }
.LBB2_28:
0x220: {  	s6 =	sshll.u32 s31, $0x8;
	s7 =	sshll.u32 s31, $0x7  }
0x221: {  	s6 =	sand.u32 $0xFFFFF800, s6;
	s7 =	sand.u32 $0x380, s7  }
0x222: {  	s6 =	sor.u32 s7, s6  }
0x223: {  	v17 =	vld [tilespmem:s6+$0x10480];
	s7 =	sadd.s32 $0x10480, s6  }
0x224: {  	v19 =	vld [tilespmem:s7+$0x40]  }
0x225: {  	v20 =	vld [tilespmem:s7+$0x50]  }
0x226: {  	v54 =	vld [tilespmem:s7+$0x60]  }
0x227: {  	v55 =	vld [tilespmem:s7+$0x70]  }
0x228: {  	v56 =	vld [tilespmem:s7+$0x400];
	v16 =	vmax.f32 v17, v16  }
0x229: {  	v57 =	vld [tilespmem:s7+$0x410];
	[tilespmem:s6+$0x10480] =	vst v16;
	v12 =	vmax.f32 v19, v12  }
0x22a: {  	v58 =	vld [tilespmem:s7+$0x420];
	v11 =	vmax.f32 v20, v11;
	[tilespmem:s7+$0x40] =	vst v12  }
0x22b: {  	v59 =	vld [tilespmem:s7+$0x430];
	v10 =	vmax.f32 v54, v10;
	[tilespmem:s7+$0x50] =	vst v11  }
0x22c: {  	v60 =	vld [tilespmem:s7+$0x440];
	v9 =	vmax.f32 v55, v9;
	[tilespmem:s7+$0x60] =	vst v10  }
0x22d: {  	v61 =	vld [tilespmem:s7+$0x450];
	v8 =	vmax.f32 v56, v8;
	[tilespmem:s7+$0x70] =	vst v9  }
0x22e: {  	v62 =	vld [tilespmem:s7+$0x460];
	v7 =	vmax.f32 v57, v7;
	[tilespmem:s7+$0x400] =	vst v8  }
0x22f: {  	v63 =	vld [tilespmem:s7+$0x470];
	v6 =	vmax.f32 v58, v6;
	[tilespmem:s7+$0x410] =	vst v7  }
0x230: {  	v5 =	vmax.f32 v59, v5;
	v16 =	vld [tilespmem:s7+$0x10];
	[tilespmem:s7+$0x420] =	vst v6  }
0x231: {  	v4 =	vmax.f32 v60, v4;
	v53 =	vld [tilespmem:s7+$0x20];
	[tilespmem:s7+$0x430] =	vst v5  }
0x232: {  	v1 =	vmax.f32 v61, v1;
	v18 =	vld [tilespmem:s7+$0x30];
	[tilespmem:s7+$0x440] =	vst v4  }
0x233: {  	[tilespmem:s7+$0x450] =	vst v1;
	v1 =	vmax.f32 v62, v2  }
0x234: {  	[tilespmem:s7+$0x460] =	vst v1;
	v1 =	vmax.f32 v63, v3  }
0x235: {  	[tilespmem:s7+$0x470] =	vst v1;
	v15 =	vmax.f32 v16, v15  }
0x236: {  	v14 =	vmax.f32 v53, v14;
	[tilespmem:s7+$0x10] =	vst v15  }
0x237: {  	v13 =	vmax.f32 v18, v13;
	[tilespmem:s7+$0x20] =	vst v14  }
0x238: {  	[tilespmem:s7+$0x30] =	vst v13  }
.LBB2_29:
0x239: {  	p1 =	sne.s32 s31, s0  }
.Ltmp19:
0x23a: {  	_ = 	snop;
	(pc) =	sbr.rel @!p1 .LBB2_30-.Ltmp19, $3  }
0x23b: {  	_ =	sdelay $0x1  }
0x23c: {  	s6 =	sadd.s32 $0x1, s31  }
0x23d: {  	s31 =	smov.u32 s6  }
.LBB2_23:
0x23e: {  	v1 =	vld [tilespmem:s31+$0x400]  }
0x23f: {  	v2 =	vld [tilespmem:s31+$0x401];
	_ =	sdelay $0x3  }
0x240: {  	(v2sf) =	vpush v1, $0x0  }
0x241: {  	(v2sf) =	vpush v2, $0x0;
	_ =	sdelay $0xd  }
0x242: {  	s6 =	spop (v2sf)  }
0x243: {  	s19 =	smov.u32 s1;
	s7 =	spop (v2sf)  }
0x244: {  	s10 =	smov.u32 s2;
	p1 =	sgt.s32 s6, s1;
	p2 =	slt.s32 s7, s2  }
0x245: {  	s19 =	smov.u32 @p1 s6;
	s10 =	smov.u32 @p2 s7  }
0x246: {  	s7 =	ssub.s32 s19, s1;
	s16 =	ssub.s32 s10, s1  }
0x247: {  	p1 =	sle.s32 s16, s7  }
.Ltmp20:
0x248: {  	_ = 	snop;
	(pc) =	sbr.rel @p1 .LBB2_29-.Ltmp20, $1  }
0x249: {  	_ =	sdelay $0x3  }
0x24a: {  	s10 =	sshll.u32 s7, $0x8;
	s12 =	sshll.u32 s19, $0x7  }
0x24b: {  	s10 =	sand.u32 $0xFFFFF800, s10;
	s12 =	sand.u32 $0x380, s12  }
0x24c: {  	s10 =	sor.u32 s12, s10  }
0x24d: {  	v16 =	vld [tilespmem:s10+$0x8480]  }
0x24e: {  	v15 =	vld [tilespmem:s10+$0x8490]  }
0x24f: {  	v14 =	vld [tilespmem:s10+$0x84A0]  }
0x250: {  	v13 =	vld [tilespmem:s10+$0x84B0]  }
0x251: {  	v12 =	vld [tilespmem:s10+$0x84C0]  }
0x252: {  	v11 =	vld [tilespmem:s10+$0x84D0]  }
0x253: {  	v10 =	vld [tilespmem:s10+$0x84E0]  }
0x254: {  	v9 =	vld [tilespmem:s10+$0x84F0]  }
0x255: {  	v8 =	vld [tilespmem:s10+$0x8880]  }
0x256: {  	s7 =	sadd.s32 $0x1, s7;
	v7 =	vld [tilespmem:s10+$0x8890]  }
0x257: {  	p1 =	sge.s32 s7, s16;
	v6 =	vld [tilespmem:s10+$0x88A0]  }
.Ltmp21:
0x258: {  	v5 =	vld [tilespmem:s10+$0x88B0];
	(pc) =	sbr.rel @p1 .LBB2_28-.Ltmp21, $4  }
0x259: {  	v4 =	vld [tilespmem:s10+$0x88C0]  }
0x25a: {  	v1 =	vld [tilespmem:s10+$0x88D0]  }
0x25b: {  	v2 =	vld [tilespmem:s10+$0x88E0]  }
0x25c: {  	v3 =	vld [tilespmem:s10+$0x88F0]  }
0x25d: {  	p1 =	sgt.s32 s6, s25;
	s10 =	smov.u32 s25  }
0x25e: {  	s10 =	smov.u32 @p1 s6  }
0x25f: {  	s6 =	sadd.s32 s10, s26  }
0x260: {  	s10 =	sshll.u32 s6, $0x7;
	s12 =	sshll.u32 s6, $0x8  }
0x261: {  	s6 =	sand.u32 $0xFFFFF800, s12;
	s19 =	sand.u32 $0x380, s10  }
0x262: {  	s19 =	sor.u32 s19, s6  }
0x263: {  	v19 =	vld [tilespmem:s19+$0x88F0]  }
0x264: {  	v20 =	vld [tilespmem:s19+$0x8480]  }
0x265: {  	v21 =	vld [tilespmem:s19+$0x8490]  }
0x266: {  	v22 =	vld [tilespmem:s19+$0x84A0]  }
0x267: {  	v23 =	vld [tilespmem:s19+$0x84B0]  }
0x268: {  	v24 =	vld [tilespmem:s19+$0x84C0]  }
0x269: {  	v25 =	vld [tilespmem:s19+$0x84D0]  }
0x26a: {  	s22 =	sadd.s32 $0x1, s7;
	v26 =	vld [tilespmem:s19+$0x84E0]  }
0x26b: {  	p1 =	slt.s32 s22, s16;
	v27 =	vld [tilespmem:s19+$0x84F0]  }
.Ltmp22:
0x26c: {  	v18 =	vld [tilespmem:s19+$0x8880];
	(pc) =	sbr.rel @!p1 .LBB2_27-.Ltmp22, $4  }
0x26d: {  	v17 =	vld [tilespmem:s19+$0x8890]  }
0x26e: {  	v3 =	vmax.f32 v3, v19;
	v16 =	vmax.f32 v16, v20;
	v15 =	vmax.f32 v15, v21;
	v19 =	vld [tilespmem:s19+$0x88A0]  }
0x26f: {  	v14 =	vmax.f32 v14, v22;
	v13 =	vmax.f32 v13, v23;
	v12 =	vmax.f32 v12, v24;
	v20 =	vld [tilespmem:s19+$0x88B0]  }
0x270: {  	s7 =	sadd.s32 $0x100, s12;
	s6 =	sadd.s32 $0x80, s10;
	v11 =	vmax.f32 v11, v25;
	v10 =	vmax.f32 v10, v26;
	v9 =	vmax.f32 v9, v27;
	v21 =	vld [tilespmem:s19+$0x88C0]  }
.LBB2_26:
0x271: {  	s10 =	sand.u32 $0xFFFFF800, s7;
	s12 =	sand.u32 $0x380, s6;
	s22 =	sadd.s32 $0x1, s22;
	v8 =	vmax.f32 v8, v18;
	v18 =	vld [tilespmem:s19+$0x88D0]  }
0x272: {  	v7 =	vmax.f32 v7, v17;
	p1 =	slt.s32 s22, s16;
	v17 =	vld [tilespmem:s19+$0x88E0];
	s19 =	sor.u32 s12, s10  }
0x273: {  	v6 =	vmax.f32 v6, v19;
	v22 =	vld [tilespmem:s19+$0x88F0]  }
0x274: {  	v5 =	vmax.f32 v5, v20;
	v19 =	vld [tilespmem:s19+$0x8480]  }
0x275: {  	v4 =	vmax.f32 v4, v21;
	v20 =	vld [tilespmem:s19+$0x8490]  }
0x276: {  	v21 =	vld [tilespmem:s19+$0x84A0];
	v1 =	vmax.f32 v1, v18  }
0x277: {  	v18 =	vld [tilespmem:s19+$0x84B0];
	v2 =	vmax.f32 v2, v17  }
0x278: {  	v17 =	vld [tilespmem:s19+$0x84C0];
	v3 =	vmax.f32 v3, v22  }
0x279: {  	v16 =	vmax.f32 v16, v19;
	v19 =	vld [tilespmem:s19+$0x84D0]  }
0x27a: {  	v15 =	vmax.f32 v15, v20;
	v20 =	vld [tilespmem:s19+$0x84E0]  }
0x27b: {  	v14 =	vmax.f32 v14, v21;
	v21 =	vld [tilespmem:s19+$0x84F0]  }
.Ltmp23:
0x27c: {  	v13 =	vmax.f32 v13, v18;
	v18 =	vld [tilespmem:s19+$0x8880];
	(pc) =	sbr.rel @p1 .LBB2_26-.Ltmp23, $4  }
0x27d: {  	v12 =	vmax.f32 v12, v17;
	v17 =	vld [tilespmem:s19+$0x8890]  }
0x27e: {  	v11 =	vmax.f32 v11, v19;
	v19 =	vld [tilespmem:s19+$0x88A0]  }
0x27f: {  	v10 =	vmax.f32 v10, v20;
	v20 =	vld [tilespmem:s19+$0x88B0]  }
0x280: {  	s6 =	sadd.s32 $0x80, s6;
	s7 =	sadd.s32 $0x100, s7;
	v9 =	vmax.f32 v9, v21;
	v21 =	vld [tilespmem:s19+$0x88C0]  }
.Ltmp24:
0x281: {  	_ = 	snop;
	(pc) =	sbr.rel .LBB2_27-.Ltmp24, $1  }
0x282: {  	_ =	sdelay $0x3  }
.LBB2_30:
.Ltmp25:
0x283: {  	(pc) =	sbr.rel @p0 .LBB2_32-.Ltmp25, $1  }
0x284: {  	_ =	sdelay $0x3  }
.Ltmp26:
0x285: {  	(pc) =	sbr.rel .LBB2_4-.Ltmp26, $4  }
0x286: {  	_ = 	snop  }
0x287: {  	s0 =	sadd.s32 s30, s9;
	s24 =	sadd.s32 $0x1, s24;
	s29 =	sadd.s32 $0xFFFFFF00, s29  }
0x288: {  	s28 =	sadd.s32 $0x100, s28;
	s26 =	sadd.s32 $0xFFFFFF00, s26;
	s25 =	sadd.s32 $0x100, s25  }
0x289: {  	[tilespmem:s17], [sflag:$0x2] =	stream.linear.gather [hbm4b:s0+s3], $0x8000, $0x38;
	[tilespmem:$0x11480] =	vst v63  }
.LBB2_33:
0x28a: {  	_ =	sfence.sel $0x180000  }
0x28b: {  	[bflag:$0x0] =	sbarrier.arrive $0xFFFF  }
0x28c: {  	_ =	strace $0x90000047  }
0x28d: {  	s0 =	stileid.u32;
	[bflag:$0x2] =	sbarrier.arrive $0xFFFF  }
0x28e: {  	p0 =	sne.s32 s0, $0x0;
	s0 =	rddreg [dreg:$0x4]  }
0x28f: {  	s0 =	sadd.s32 @!p0 $0x100000, s0  }
0x290: {  	[sflag:s0] =	ssyncadd.tile.s32 @!p0 $0x1;
	_ =	shalt  }
.Lfunc_end2:
_tile_overlayer_lowered:
.L_overlay_start_2:
0x291: {  	(tag) =	ssettag $0x2  }
0x292: {  	s0 =	rddreg [dreg:$0x0];
	s2 =	stileid.u32  }
0x293: {  	s1 =	rddreg [dreg:$0x1];
	p0 =	sne.s32 s2, $0x0  }
0x294: {  	s3 =	rddreg [dreg:$0x2];
	[bflag:$0x3] =	sbarrier.arrive $0xFFFF;
	s2 =	simm.s32 @!p0 $0x1C03  }
0x295: {  	[timem:s3], [sflag:s2] =	dma.local @!p0 [hbm:s0], s1  }
0x296: {  	s0 =	simm.s32 @!p0 $0x3  }
0x297: {  	_ =	swait.ge @!p0 [sflag:s0], s1  }
0x298: {  	s1 =	ssub.s32 @!p0 $0x0, s1;
	[sflag:s0] =	ssyncset.done @!p0 $0x0  }
0x299: {  	[sflag:s0] =	ssyncadd.s32 @!p0 s1  }
0x29a: {  	[bflag:$0x3] =	sbarrier.arrive $0xFFFF  }
0x29b: {  	_ =	shalt  }

</sc_bundles>
